<compile_context>
chip_gen: v7x
topology: tpu7x:2x2x1
jax: 0.10.2.dev20260603
libtpu: 0.0.44.dev20260713+nightly
codegen_flags: <defaults>
</compile_context>

<pallas_src>
import functools
import math

import jax
import jax.numpy as jnp
from jax import lax
from jax.experimental import pallas as pl
from jax.experimental.pallas import tpu as pltpu
from jax.experimental.pallas import tpu_sc as plsc

N = 10000
E = 160000
D = 256
H = 8
DK = D // H
L = 16
NS = 16
NC = 2
HALF = N // NC
NP = 2
QTR = N // (NC * NP)
STRIPE = 160
PAD = NS * STRIPE
EPT = E // NS
CHUNK = 2000
NCHUNK = EPT // CHUNK
NB_CHUNK = CHUNK // L
_INV_SQRT_DK = 1.0 / math.sqrt(DK)
_TAIL = QTR - (NS - 1) * STRIPE


_BR = 1000


def _qkv_body(h_ref, wqt_ref, wkt_ref, wvt_ref, r_ref, q_ref, k_ref, v_ref):
    hb = h_ref[...]
    q_ref[...] = jnp.dot(hb, wqt_ref[...], preferred_element_type=jnp.float32)
    k_ref[...] = (
        jnp.dot(hb, wkt_ref[...], preferred_element_type=jnp.float32)
        + r_ref[...]
    )
    v_ref[...] = jnp.dot(hb, wvt_ref[...], preferred_element_type=jnp.float32)


_qkv_call = pl.pallas_call(
    _qkv_body,
    grid=(N // _BR,),
    in_specs=[
        pl.BlockSpec((_BR, D), lambda i: (i, 0)),
        pl.BlockSpec((D, D), lambda i: (0, 0)),
        pl.BlockSpec((D, D), lambda i: (0, 0)),
        pl.BlockSpec((D, D), lambda i: (0, 0)),
        pl.BlockSpec((1, D), lambda i: (0, 0)),
    ],
    out_specs=[pl.BlockSpec((_BR, D), lambda i: (i, 0))] * 3,
    out_shape=[jax.ShapeDtypeStruct((N, D), jnp.float32)] * 3,
)


BATCH = 32
SUBS = BATCH // L


def _edge_body(q_hbm, k_hbm, v_hbm, t_hbm, s_hbm, z_hbm, msg_hbm,
               tch, sch, tc, sc, qb0, kb0, vb0, qb1, kb1, vb1, lbuf,
               msg_sh, sem_g0, sem_g1, sem_s, sem_e):
    c = lax.axis_index("c")
    sid = lax.axis_index("s")
    base_e = sid * EPT

    iota = lax.broadcasted_iota(jnp.int32, (L,), 0)
    zero16 = jnp.zeros((L,), jnp.int32)

    bufs = ((qb0, kb0, vb0, sem_g0), (qb1, kb1, vb1, sem_g1))

    def fire(idx, par):
        qb, kb, vb, sem = bufs[par]
        base = idx * BATCH
        pltpu.async_copy(q_hbm.at[tc.at[pl.ds(base, BATCH)]], qb, sem)
        pltpu.async_copy(k_hbm.at[sc.at[pl.ds(base, BATCH)]], kb, sem)
        pltpu.async_copy(v_hbm.at[sc.at[pl.ds(base, BATCH)]], vb, sem)

    def wait_gathers(par):
        qb, kb, vb, sem = bufs[par]
        src = q_hbm.at[pl.ds(0, BATCH)]
        pltpu.make_async_copy(src, qb, sem).wait()
        pltpu.make_async_copy(src, kb, sem).wait()
        pltpu.make_async_copy(src, vb, sem).wait()

    def pass_body(npass, pcarry):
        qlo = (NP * c + npass) * QTR

        pltpu.sync_copy(z_hbm, msg_sh.at[pl.ds(sid * STRIPE, STRIPE)])
        plsc.subcore_barrier()

        cnt = jnp.int32(0)
        for ci in range(NCHUNK):
            cbase = base_e + ci * CHUNK
            dt = pltpu.async_copy(t_hbm.at[pl.ds(cbase, CHUNK)], tch, sem_e)
            ds_ = pltpu.async_copy(s_hbm.at[pl.ds(cbase, CHUNK)], sch, sem_e)
            dt.wait()
            ds_.wait()

            def scan_body(b, cnt):
                off = b * L
                t16 = tch[pl.ds(off, L)]
                s16 = sch[pl.ds(off, L)]
                keep = (t16 >= qlo) & (t16 < qlo + QTR)
                plsc.store_compressed(tc.at[pl.ds(cnt, L)], t16, mask=keep)
                plsc.store_compressed(sc.at[pl.ds(cnt, L)], s16, mask=keep)
                return cnt + plsc.all_reduce_population_count(keep)[0]

            cnt = lax.fori_loop(0, NB_CHUNK, scan_body, cnt)

        for k in range(SUBS):
            plsc.store_scatter(tc, [cnt + k * L + iota], zero16)
            plsc.store_scatter(sc, [cnt + k * L + iota], zero16)

        nb = (cnt + (BATCH - 1)) // BATCH

        def compute(idx, par):
            qb, kb, vb, _ = bufs[par]

            def sub_body(j, carry):
                row = j * L
                lane = idx * BATCH + row
                t16 = tc[pl.ds(lane, L)]
                rows = row + iota
                one = jnp.ones((L,), jnp.int32)

                m31 = jnp.full((L,), DK - 1, jnp.int32)

                def head_dot(hh, carry):
                    hbase = zero16 + hh * DK
                    rel = iota
                    acc = jnp.zeros((L,), jnp.float32)
                    for _ in range(DK):
                        col = hbase + rel
                        qd = plsc.load_gather(qb, [rows, col])
                        kd = plsc.load_gather(kb, [rows, col])
                        acc = acc + qd * kd
                        rel = (rel + one) & m31
                    hv = zero16 + hh
                    plsc.store_scatter(lbuf, [hv, iota], acc)
                    return carry

                lax.fori_loop(0, H, head_dot, 0)

                logits = [
                    plsc.load_gather(
                        lbuf, [jnp.full((L,), hh, jnp.int32), iota]
                    )
                    * _INV_SQRT_DK
                    for hh in range(H)
                ]
                mx = logits[0]
                for hh in range(1, H):
                    mx = jnp.maximum(mx, logits[hh])
                exps = [jnp.exp(x - mx) for x in logits]
                ssum = exps[0]
                for hh in range(1, H):
                    ssum = ssum + exps[hh]
                inv = 1.0 / ssum
                for hh in range(H):
                    plsc.store_scatter(
                        lbuf,
                        [jnp.full((L,), hh, jnp.int32), iota],
                        exps[hh] * inv,
                    )

                def head_msg(hh, carry):
                    hbase = zero16 + hh * DK
                    hv = zero16 + hh
                    ph = plsc.load_gather(lbuf, [hv, iota])
                    rel = iota
                    for _ in range(DK):
                        col = hbase + rel
                        vd = plsc.load_gather(vb, [rows, col])
                        plsc.store_scatter(kb, [rows, col], ph * vd)
                        rel = (rel + one) & m31
                    return carry

                lax.fori_loop(0, H, head_msg, 0)

                lanemask = (lane + iota) < cnt
                route = jnp.where(lanemask, t16 - qlo, -1)
                pltpu.make_async_copy(
                    kb.at[pl.ds(row, L)],
                    msg_sh.at[plsc.Indices(route, ignored_value=-1)],
                    sem_s,
                ).start(add=True)
                return carry

            lax.fori_loop(0, SUBS, sub_body, 0)
            for j in range(SUBS):
                pltpu.make_async_copy(
                    q_hbm.at[pl.ds(0, L)], kb.at[pl.ds(j * L, L)], sem_s
                ).wait()

        @pl.when(nb > 0)
        def _():
            fire(jnp.int32(0), 0)

        def pair_body(i2, carry):
            for par in (0, 1):
                idx = i2 * 2 + par

                @pl.when(idx < nb)
                def _():
                    @pl.when(idx + 1 < nb)
                    def _():
                        fire(idx + 1, 1 - par)

                    wait_gathers(par)
                    compute(idx, par)
            return carry

        lax.fori_loop(0, (nb + 1) // 2, pair_body, 0)
        plsc.subcore_barrier()

        @pl.when(sid < NS - 1)
        def _():
            off = sid * STRIPE
            pltpu.sync_copy(
                msg_sh.at[pl.ds(off, STRIPE)],
                msg_hbm.at[pl.ds(qlo + off, STRIPE)],
            )

        @pl.when(sid == NS - 1)
        def _():
            off = (NS - 1) * STRIPE
            pltpu.sync_copy(
                msg_sh.at[pl.ds(off, _TAIL)],
                msg_hbm.at[pl.ds(qlo + off, _TAIL)],
            )

        plsc.subcore_barrier()
        return pcarry

    lax.fori_loop(0, NP, pass_body, 0)


_edge_call = functools.partial(
    pl.kernel,
    out_type=jax.ShapeDtypeStruct((N, D), jnp.float32),
    mesh=plsc.VectorSubcoreMesh(core_axis_name="c", subcore_axis_name="s"),
    compiler_params=pltpu.CompilerParams(
        use_tc_tiling_on_sc=False, needs_layout_passes=False
    ),
    scratch_types=[
        pltpu.VMEM((CHUNK,), jnp.int32),
        pltpu.VMEM((CHUNK,), jnp.int32),
        pltpu.VMEM((EPT + BATCH,), jnp.int32),
        pltpu.VMEM((EPT + BATCH,), jnp.int32),
        pltpu.VMEM((BATCH, D), jnp.float32),
        pltpu.VMEM((BATCH, D), jnp.float32),
        pltpu.VMEM((BATCH, D), jnp.float32),
        pltpu.VMEM((BATCH, D), jnp.float32),
        pltpu.VMEM((BATCH, D), jnp.float32),
        pltpu.VMEM((BATCH, D), jnp.float32),
        pltpu.VMEM((H, L), jnp.float32),
        pltpu.VMEM_SHARED((PAD, D), jnp.float32),
        pltpu.SemaphoreType.DMA,
        pltpu.SemaphoreType.DMA,
        pltpu.SemaphoreType.DMA,
        pltpu.SemaphoreType.DMA,
    ],
)(_edge_body)


def _ffn_body(h_ref, msg_ref, g_ref, b_ref, w1t_ref, w2t_ref, o_ref):
    hr = h_ref[...] + msg_ref[...]
    mu = jnp.mean(hr, axis=-1, keepdims=True)
    var = jnp.mean(jnp.square(hr - mu), axis=-1, keepdims=True)
    x = (hr - mu) * lax.rsqrt(var + 1e-5) * g_ref[...] + b_ref[...]
    x = jnp.dot(x, w1t_ref[...], preferred_element_type=jnp.float32)
    x = x * 0.5 * (1.0 + lax.erf(x * (1.0 / math.sqrt(2.0))))
    x = jnp.dot(x, w2t_ref[...], preferred_element_type=jnp.float32)
    o_ref[...] = hr + x


_ffn_call = pl.pallas_call(
    _ffn_body,
    grid=(N // _BR,),
    in_specs=[
        pl.BlockSpec((_BR, D), lambda i: (i, 0)),
        pl.BlockSpec((_BR, D), lambda i: (i, 0)),
        pl.BlockSpec((1, D), lambda i: (0, 0)),
        pl.BlockSpec((1, D), lambda i: (0, 0)),
        pl.BlockSpec((D, 4 * D), lambda i: (0, 0)),
        pl.BlockSpec((4 * D, D), lambda i: (0, 0)),
    ],
    out_specs=pl.BlockSpec((_BR, D), lambda i: (i, 0)),
    out_shape=jax.ShapeDtypeStruct((N, D), jnp.float32),
)


def kernel(h, ei, ew, ts, Wq, Wk, Wv, R, ln_g, ln_b, W1, W2):
    del ew, ts
    q, kr, v = _qkv_call(h, Wq.T, Wk.T, Wv.T, R.reshape(1, D))
    t = ei[1].astype(jnp.int32)
    s = ei[0].astype(jnp.int32)
    zeros = jnp.zeros((STRIPE, D), jnp.float32)
    msg = _edge_call(q, kr, v, t, s, zeros)
    return _ffn_call(h, msg, ln_g.reshape(1, D), ln_b.reshape(1, D),
                     W1.T, W2.T)

# --- scband reference (transcript-rebuilt; emitter-appended) ---
"""Pipeline reference for scband-rgtlayer-44994077392968 (READ-ONLY COPY).

The authoritative reference and input builder live on the scoring server;
editing this copy changes nothing except your own understanding.
"""

import jax, jax.numpy as jnp
import numpy as np

N = 10000
E = 160000
D = 256
H = 8
DK = D // H


def setup_inputs(seed: int = 0) -> dict:
    key = jax.random.key(seed)
    ks = jax.random.split(key, 12)
    h = jax.random.normal(ks[0], (N, D), dtype=jnp.float32)
    ei = jax.random.randint(ks[1], (2, E), 0, N, dtype=jnp.int64)
    ew = jax.random.normal(ks[2], (E,), dtype=jnp.float32)
    ts = jax.random.uniform(ks[3], (N,), dtype=jnp.float32)
    Wq = jax.random.normal(ks[4], (D, D), dtype=jnp.float32) * 0.05
    Wk = jax.random.normal(ks[5], (D, D), dtype=jnp.float32) * 0.05
    Wv = jax.random.normal(ks[6], (D, D), dtype=jnp.float32) * 0.05
    R = jax.random.normal(ks[7], (H, DK), dtype=jnp.float32)
    ln_g = jnp.ones((D,), dtype=jnp.float32)
    ln_b = jnp.zeros((D,), dtype=jnp.float32)
    W1 = jax.random.normal(ks[8], (4 * D, D), dtype=jnp.float32) * 0.02
    W2 = jax.random.normal(ks[9], (D, 4 * D), dtype=jnp.float32) * 0.02
    return {"h": h, "ei": ei, "ew": ew, "ts": ts, "Wq": Wq, "Wk": Wk, "Wv": Wv,
            "R": R, "ln_g": ln_g, "ln_b": ln_b, "W1": W1, "W2": W2}


def reference(h, ei, ew, ts, Wq, Wk, Wv, R, ln_g, ln_b, W1, W2):
    # single node-type / single relation instance of RGTLayer.forward
    s, t = ei[0], ei[1]
    q = (h @ Wq.T)[t].reshape(-1, H, DK)
    k = (h @ Wk.T)[s].reshape(-1, H, DK)
    v = (h @ Wv.T)[s].reshape(-1, H, DK)
    l = jnp.sum(q * (k + R[None, :, :]), axis=-1) / np.sqrt(DK)
    # time decay
    dt = 1.0 - ts[s]
    l = l - dt[:, None]
    # edge weight branch (ew provided, so message passing happens)
    l = l + ew[:, None]
    p = jax.nn.softmax(l, axis=-1)  # softmax over heads, faithful to dim=-1
    m = (p[:, :, None] * v).reshape(-1, D)
    msg = jnp.zeros_like(h).at[t].add(m)
    h_res = h + msg
    # FFN: LayerNorm -> Linear(d,4d) -> GELU -> Linear(4d,d) (dropout is eval no-op)
    mu = jnp.mean(h_res, axis=-1, keepdims=True)
    var = jnp.mean((h_res - mu) ** 2, axis=-1, keepdims=True)
    x = (h_res - mu) / jnp.sqrt(var + 1e-5) * ln_g + ln_b
    x = x @ W1.T
    x = jax.nn.gelu(x, approximate=False)
    x = x @ W2.T
    return h_res + x

if __name__ == "__main__":
    import jax
    _d = setup_inputs()
    print(jax.jit(kernel)(*tuple(_d.values())))

</pallas_src>

<mosaic_0001>
#map = affine_map<(d0, d1) -> (0, 0)>
#map1 = affine_map<(d0, d1) -> (0)>
module attributes {stable_mosaic.version = 14 : i64} {
  func.func @_edge_body(%arg0: i32, %arg1: i32, %arg2: memref<10000x256xf32, #tpu.memory_space<hbm>>, %arg3: memref<10000x256xf32, #tpu.memory_space<hbm>>, %arg4: memref<10000x256xf32, #tpu.memory_space<hbm>>, %arg5: memref<160000xi32, #tpu.memory_space<hbm>>, %arg6: memref<160000xi32, #tpu.memory_space<hbm>>, %arg7: memref<160x256xf32, #tpu.memory_space<hbm>>, %arg8: memref<10000x256xf32, #tpu.memory_space<hbm>>, %arg9: memref<2000xi32, #tpu.memory_space<vmem>>, %arg10: memref<2000xi32, #tpu.memory_space<vmem>>, %arg11: memref<10032xi32, #tpu.memory_space<vmem>>, %arg12: memref<10032xi32, #tpu.memory_space<vmem>>, %arg13: memref<32x256xf32, #tpu.memory_space<vmem>>, %arg14: memref<32x256xf32, #tpu.memory_space<vmem>>, %arg15: memref<32x256xf32, #tpu.memory_space<vmem>>, %arg16: memref<32x256xf32, #tpu.memory_space<vmem>>, %arg17: memref<32x256xf32, #tpu.memory_space<vmem>>, %arg18: memref<32x256xf32, #tpu.memory_space<vmem>>, %arg19: memref<8x16xf32, #tpu.memory_space<vmem>>, %arg20: memref<2560x256xf32, #tpu.memory_space<vmem_shared>>, %arg21: memref<!tpu.dma_semaphore, #tpu.memory_space<semaphore_mem>>, %arg22: memref<!tpu.dma_semaphore, #tpu.memory_space<semaphore_mem>>, %arg23: memref<!tpu.dma_semaphore, #tpu.memory_space<semaphore_mem>>, %arg24: memref<!tpu.dma_semaphore, #tpu.memory_space<semaphore_mem>>) attributes {dimension_semantics = [#tpu.dimension_semantics<core_parallel>, #tpu.dimension_semantics<subcore_parallel>], iteration_bounds = array<i64: 2, 16>, scalar_prefetch = 0 : i64, scratch_operands = 16 : i64, tpu.core_type = #tpu.core_type<sc_vector_subcore>, window_params = [{transform_indices = #map}, {transform_indices = #map}, {transform_indices = #map}, {transform_indices = #map1}, {transform_indices = #map1}, {transform_indices = #map}, {transform_indices = #map}]} {
    %mul3A = arith.constant 10000 : i32
    %mul3A_0 = arith.muli %arg1, %mul3A : i32
    %iota3A = tpu.iota {dimensions = array<i32: 0>} : vector<16xi32>
    %broadcast_in_dim3A = arith.constant 0 : i32
    %broadcast_in_dim3A_1 = vector.broadcast %broadcast_in_dim3A : i32 to vector<16xi32>
    %scan3A = arith.constant 0 : i32
    %scan3A_2 = arith.constant 0 : i32
    %scan3A_3 = arith.constant 2 : i32
    %scan3A_4 = arith.addi %scan3A_2, %scan3A_3 : i32
    %scan3A_5 = arith.constant 1 : i32
    scf.for %scan3A_7 = %scan3A_2 to %scan3A_4 step %scan3A_5  : i32 {
      %mul3A_8 = arith.constant 2 : i32
      %mul3A_9 = arith.muli %mul3A_8, %arg0 : i32
      %add3A = arith.addi %mul3A_9, %scan3A_7 : i32
      %mul3A_10 = arith.constant 2500 : i32
      %mul3A_11 = arith.muli %add3A, %mul3A_10 : i32
      %mul3A_12 = arith.constant 160 : i32
      %mul3A_13 = arith.muli %arg1, %mul3A_12 : i32
      "tpu.region"() ({
        %run_scoped3A = tpu.sem_alloc : memref<!tpu.dma_semaphore, #tpu.memory_space<semaphore_mem>>
        %dma_start3A_174 = arith.constant 0 : i32
        %dma_start3A_175 = tpu.memref_slice %arg20[%mul3A_13, %dma_start3A_174] : memref<2560x256xf32, #tpu.memory_space<vmem_shared>> -> memref<160x256xf32, #tpu.memory_space<vmem_shared>>
        tpu.enqueue_dma source(%arg7 : memref<160x256xf32, #tpu.memory_space<hbm>>) target(%dma_start3A_175 : memref<160x256xf32, #tpu.memory_space<vmem_shared>>) target_semaphore(%run_scoped3A : memref<!tpu.dma_semaphore, #tpu.memory_space<semaphore_mem>>)
        %dma_wait3A_176 = arith.constant 0 : i32
        %dma_wait3A_177 = tpu.memref_slice %arg20[%mul3A_13, %dma_wait3A_176] : memref<2560x256xf32, #tpu.memory_space<vmem_shared>> -> memref<160x256xf32, #tpu.memory_space<vmem_shared>>
        tpu.wait_dma2 semaphore(%run_scoped3A : memref<!tpu.dma_semaphore, #tpu.memory_space<semaphore_mem>>) src(%arg7 : memref<160x256xf32, #tpu.memory_space<hbm>>) dst(%dma_wait3A_177 : memref<160x256xf32, #tpu.memory_space<vmem_shared>>)
        tpu.yield
      }) : () -> ()
      %barrier3A = arith.constant 0 : index
      tpu.barrier barrier_id(%barrier3A)
      %add3A_14 = arith.constant 0 : i32
      %add3A_15 = arith.addi %mul3A_0, %add3A_14 : i32
      %dma_start3A = tpu.memref_slice %arg5[%add3A_15] : memref<160000xi32, #tpu.memory_space<hbm>> -> memref<2000xi32, #tpu.memory_space<hbm>>
      %dma_start3A_16 = tpu.memref_slice %arg5[%add3A_15] : memref<160000xi32, #tpu.memory_space<hbm>> -> memref<2000xi32, #tpu.memory_space<hbm>>
      tpu.enqueue_dma source(%dma_start3A_16 : memref<2000xi32, #tpu.memory_space<hbm>>) target(%arg9 : memref<2000xi32, #tpu.memory_space<vmem>>) target_semaphore(%arg24 : memref<!tpu.dma_semaphore, #tpu.memory_space<semaphore_mem>>)
      %dma_start3A_17 = tpu.memref_slice %arg6[%add3A_15] : memref<160000xi32, #tpu.memory_space<hbm>> -> memref<2000xi32, #tpu.memory_space<hbm>>
      %dma_start3A_18 = tpu.memref_slice %arg6[%add3A_15] : memref<160000xi32, #tpu.memory_space<hbm>> -> memref<2000xi32, #tpu.memory_space<hbm>>
      tpu.enqueue_dma source(%dma_start3A_18 : memref<2000xi32, #tpu.memory_space<hbm>>) target(%arg10 : memref<2000xi32, #tpu.memory_space<vmem>>) target_semaphore(%arg24 : memref<!tpu.dma_semaphore, #tpu.memory_space<semaphore_mem>>)
      %dma_wait3A = tpu.memref_slice %arg5[%add3A_15] : memref<160000xi32, #tpu.memory_space<hbm>> -> memref<2000xi32, #tpu.memory_space<hbm>>
      %dma_wait3A_19 = tpu.memref_slice %arg5[%add3A_15] : memref<160000xi32, #tpu.memory_space<hbm>> -> memref<2000xi32, #tpu.memory_space<hbm>>
      tpu.wait_dma2 semaphore(%arg24 : memref<!tpu.dma_semaphore, #tpu.memory_space<semaphore_mem>>) src(%dma_wait3A_19 : memref<2000xi32, #tpu.memory_space<hbm>>) dst(%arg9 : memref<2000xi32, #tpu.memory_space<vmem>>)
      %dma_wait3A_20 = tpu.memref_slice %arg6[%add3A_15] : memref<160000xi32, #tpu.memory_space<hbm>> -> memref<2000xi32, #tpu.memory_space<hbm>>
      %dma_wait3A_21 = tpu.memref_slice %arg6[%add3A_15] : memref<160000xi32, #tpu.memory_space<hbm>> -> memref<2000xi32, #tpu.memory_space<hbm>>
      tpu.wait_dma2 semaphore(%arg24 : memref<!tpu.dma_semaphore, #tpu.memory_space<semaphore_mem>>) src(%dma_wait3A_21 : memref<2000xi32, #tpu.memory_space<hbm>>) dst(%arg10 : memref<2000xi32, #tpu.memory_space<vmem>>)
      %scan3A_22 = arith.constant 0 : i32
      %scan3A_23 = arith.constant 0 : i32
      %scan3A_24 = arith.constant 125 : i32
      %scan3A_25 = arith.addi %scan3A_23, %scan3A_24 : i32
      %scan3A_26 = arith.constant 1 : i32
      %scan3A_27 = scf.for %scan3A_174 = %scan3A_23 to %scan3A_25 step %scan3A_26 iter_args(%scan3A_175 = %scan3A_22) -> (i32)  : i32 {
        %mul3A_176 = arith.constant 16 : i32
        %mul3A_177 = arith.muli %scan3A_174, %mul3A_176 : i32
        %get3A = arith.index_cast %mul3A_177 : i32 to index
        %get3A_178 = tpu.vector_load %arg9[%get3A] {strides = array<i32>} : memref<2000xi32, #tpu.memory_space<vmem>>, vector<16xi32>,
        %get3A_179 = arith.index_cast %mul3A_177 : i32 to index
        %get3A_180 = tpu.vector_load %arg10[%get3A_179] {strides = array<i32>} : memref<2000xi32, #tpu.memory_space<vmem>>, vector<16xi32>,
        %ge3A = vector.broadcast %mul3A_11 : i32 to vector<16xi32>
        %ge3A_181 = arith.cmpi sge, %get3A_178, %ge3A : vector<16xi32>
        %add3A_182 = arith.constant 2500 : i32
        %add3A_183 = arith.addi %mul3A_11, %add3A_182 : i32
        %lt3A_184 = vector.broadcast %add3A_183 : i32 to vector<16xi32>
        %lt3A_185 = arith.cmpi slt, %get3A_178, %lt3A_184 : vector<16xi32>
        %and3A_186 = arith.andi %ge3A_181, %lt3A_185 : vector<16xi1>
        %swap3A = arith.index_cast %scan3A_175 : i32 to index
        %swap3A_187 = tpu.vector_load %arg11[%swap3A] masked %and3A_186 {strides = array<i32>} : memref<10032xi32, #tpu.memory_space<vmem>>, vector<16xi32>, vector<16xi1>
        tpu.vector_store %arg11[%swap3A], %get3A_178 masked %and3A_186 {strides = array<i32>} : memref<10032xi32, #tpu.memory_space<vmem>>, vector<16xi32>, vector<16xi1>
        %swap3A_188 = arith.index_cast %scan3A_175 : i32 to index
        %swap3A_189 = tpu.vector_load %arg12[%swap3A_188] masked %and3A_186 {strides = array<i32>} : memref<10032xi32, #tpu.memory_space<vmem>>, vector<16xi32>, vector<16xi1>
        tpu.vector_store %arg12[%swap3A_188], %get3A_180 masked %and3A_186 {strides = array<i32>} : memref<10032xi32, #tpu.memory_space<vmem>>, vector<16xi32>, vector<16xi1>
        %all_reduce_population_count3A = tpu.all_reduce %and3A_186 {dim = 0 : i64, kind = #tpu.reduction_kind<sum>} : vector<16xi1> -> vector<16xi32>
        %slice3A = vector.extract_strided_slice %all_reduce_population_count3A {offsets = [0], sizes = [1], strides = [1]} : vector<16xi32> to vector<1xi32>
        %squeeze3A = vector.extract %slice3A[0] : i32 from vector<1xi32>
        %add3A_190 = arith.addi %scan3A_175, %squeeze3A : i32
        scf.yield %add3A_190 : i32
      }
      %scan3A_28 = arith.constant 125 : i32
      %add3A_29 = arith.constant 2000 : i32
      %add3A_30 = arith.addi %mul3A_0, %add3A_29 : i32
      %dma_start3A_31 = tpu.memref_slice %arg5[%add3A_30] : memref<160000xi32, #tpu.memory_space<hbm>> -> memref<2000xi32, #tpu.memory_space<hbm>>
      %dma_start3A_32 = tpu.memref_slice %arg5[%add3A_30] : memref<160000xi32, #tpu.memory_space<hbm>> -> memref<2000xi32, #tpu.memory_space<hbm>>
      tpu.enqueue_dma source(%dma_start3A_32 : memref<2000xi32, #tpu.memory_space<hbm>>) target(%arg9 : memref<2000xi32, #tpu.memory_space<vmem>>) target_semaphore(%arg24 : memref<!tpu.dma_semaphore, #tpu.memory_space<semaphore_mem>>)
      %dma_start3A_33 = tpu.memref_slice %arg6[%add3A_30] : memref<160000xi32, #tpu.memory_space<hbm>> -> memref<2000xi32, #tpu.memory_space<hbm>>
      %dma_start3A_34 = tpu.memref_slice %arg6[%add3A_30] : memref<160000xi32, #tpu.memory_space<hbm>> -> memref<2000xi32, #tpu.memory_space<hbm>>
      tpu.enqueue_dma source(%dma_start3A_34 : memref<2000xi32, #tpu.memory_space<hbm>>) target(%arg10 : memref<2000xi32, #tpu.memory_space<vmem>>) target_semaphore(%arg24 : memref<!tpu.dma_semaphore, #tpu.memory_space<semaphore_mem>>)
      %dma_wait3A_35 = tpu.memref_slice %arg5[%add3A_30] : memref<160000xi32, #tpu.memory_space<hbm>> -> memref<2000xi32, #tpu.memory_space<hbm>>
      %dma_wait3A_36 = tpu.memref_slice %arg5[%add3A_30] : memref<160000xi32, #tpu.memory_space<hbm>> -> memref<2000xi32, #tpu.memory_space<hbm>>
      tpu.wait_dma2 semaphore(%arg24 : memref<!tpu.dma_semaphore, #tpu.memory_space<semaphore_mem>>) src(%dma_wait3A_36 : memref<2000xi32, #tpu.memory_space<hbm>>) dst(%arg9 : memref<2000xi32, #tpu.memory_space<vmem>>)
      %dma_wait3A_37 = tpu.memref_slice %arg6[%add3A_30] : memref<160000xi32, #tpu.memory_space<hbm>> -> memref<2000xi32, #tpu.memory_space<hbm>>
      %dma_wait3A_38 = tpu.memref_slice %arg6[%add3A_30] : memref<160000xi32, #tpu.memory_space<hbm>> -> memref<2000xi32, #tpu.memory_space<hbm>>
      tpu.wait_dma2 semaphore(%arg24 : memref<!tpu.dma_semaphore, #tpu.memory_space<semaphore_mem>>) src(%dma_wait3A_38 : memref<2000xi32, #tpu.memory_space<hbm>>) dst(%arg10 : memref<2000xi32, #tpu.memory_space<vmem>>)
      %scan3A_39 = arith.constant 0 : i32
      %scan3A_40 = arith.constant 125 : i32
      %scan3A_41 = arith.addi %scan3A_39, %scan3A_40 : i32
      %scan3A_42 = arith.constant 1 : i32
      %scan3A_43 = scf.for %scan3A_174 = %scan3A_39 to %scan3A_41 step %scan3A_42 iter_args(%scan3A_175 = %scan3A_27) -> (i32)  : i32 {
        %mul3A_176 = arith.constant 16 : i32
        %mul3A_177 = arith.muli %scan3A_174, %mul3A_176 : i32
        %get3A = arith.index_cast %mul3A_177 : i32 to index
        %get3A_178 = tpu.vector_load %arg9[%get3A] {strides = array<i32>} : memref<2000xi32, #tpu.memory_space<vmem>>, vector<16xi32>,
        %get3A_179 = arith.index_cast %mul3A_177 : i32 to index
        %get3A_180 = tpu.vector_load %arg10[%get3A_179] {strides = array<i32>} : memref<2000xi32, #tpu.memory_space<vmem>>, vector<16xi32>,
        %ge3A = vector.broadcast %mul3A_11 : i32 to vector<16xi32>
        %ge3A_181 = arith.cmpi sge, %get3A_178, %ge3A : vector<16xi32>
        %add3A_182 = arith.constant 2500 : i32
        %add3A_183 = arith.addi %mul3A_11, %add3A_182 : i32
        %lt3A_184 = vector.broadcast %add3A_183 : i32 to vector<16xi32>
        %lt3A_185 = arith.cmpi slt, %get3A_178, %lt3A_184 : vector<16xi32>
        %and3A_186 = arith.andi %ge3A_181, %lt3A_185 : vector<16xi1>
        %swap3A = arith.index_cast %scan3A_175 : i32 to index
        %swap3A_187 = tpu.vector_load %arg11[%swap3A] masked %and3A_186 {strides = array<i32>} : memref<10032xi32, #tpu.memory_space<vmem>>, vector<16xi32>, vector<16xi1>
        tpu.vector_store %arg11[%swap3A], %get3A_178 masked %and3A_186 {strides = array<i32>} : memref<10032xi32, #tpu.memory_space<vmem>>, vector<16xi32>, vector<16xi1>
        %swap3A_188 = arith.index_cast %scan3A_175 : i32 to index
        %swap3A_189 = tpu.vector_load %arg12[%swap3A_188] masked %and3A_186 {strides = array<i32>} : memref<10032xi32, #tpu.memory_space<vmem>>, vector<16xi32>, vector<16xi1>
        tpu.vector_store %arg12[%swap3A_188], %get3A_180 masked %and3A_186 {strides = array<i32>} : memref<10032xi32, #tpu.memory_space<vmem>>, vector<16xi32>, vector<16xi1>
        %all_reduce_population_count3A = tpu.all_reduce %and3A_186 {dim = 0 : i64, kind = #tpu.reduction_kind<sum>} : vector<16xi1> -> vector<16xi32>
        %slice3A = vector.extract_strided_slice %all_reduce_population_count3A {offsets = [0], sizes = [1], strides = [1]} : vector<16xi32> to vector<1xi32>
        %squeeze3A = vector.extract %slice3A[0] : i32 from vector<1xi32>
        %add3A_190 = arith.addi %scan3A_175, %squeeze3A : i32
        scf.yield %add3A_190 : i32
      }
      %scan3A_44 = arith.constant 125 : i32
      %add3A_45 = arith.constant 4000 : i32
      %add3A_46 = arith.addi %mul3A_0, %add3A_45 : i32
      %dma_start3A_47 = tpu.memref_slice %arg5[%add3A_46] : memref<160000xi32, #tpu.memory_space<hbm>> -> memref<2000xi32, #tpu.memory_space<hbm>>
      %dma_start3A_48 = tpu.memref_slice %arg5[%add3A_46] : memref<160000xi32, #tpu.memory_space<hbm>> -> memref<2000xi32, #tpu.memory_space<hbm>>
      tpu.enqueue_dma source(%dma_start3A_48 : memref<2000xi32, #tpu.memory_space<hbm>>) target(%arg9 : memref<2000xi32, #tpu.memory_space<vmem>>) target_semaphore(%arg24 : memref<!tpu.dma_semaphore, #tpu.memory_space<semaphore_mem>>)
      %dma_start3A_49 = tpu.memref_slice %arg6[%add3A_46] : memref<160000xi32, #tpu.memory_space<hbm>> -> memref<2000xi32, #tpu.memory_space<hbm>>
      %dma_start3A_50 = tpu.memref_slice %arg6[%add3A_46] : memref<160000xi32, #tpu.memory_space<hbm>> -> memref<2000xi32, #tpu.memory_space<hbm>>
      tpu.enqueue_dma source(%dma_start3A_50 : memref<2000xi32, #tpu.memory_space<hbm>>) target(%arg10 : memref<2000xi32, #tpu.memory_space<vmem>>) target_semaphore(%arg24 : memref<!tpu.dma_semaphore, #tpu.memory_space<semaphore_mem>>)
      %dma_wait3A_51 = tpu.memref_slice %arg5[%add3A_46] : memref<160000xi32, #tpu.memory_space<hbm>> -> memref<2000xi32, #tpu.memory_space<hbm>>
      %dma_wait3A_52 = tpu.memref_slice %arg5[%add3A_46] : memref<160000xi32, #tpu.memory_space<hbm>> -> memref<2000xi32, #tpu.memory_space<hbm>>
      tpu.wait_dma2 semaphore(%arg24 : memref<!tpu.dma_semaphore, #tpu.memory_space<semaphore_mem>>) src(%dma_wait3A_52 : memref<2000xi32, #tpu.memory_space<hbm>>) dst(%arg9 : memref<2000xi32, #tpu.memory_space<vmem>>)
      %dma_wait3A_53 = tpu.memref_slice %arg6[%add3A_46] : memref<160000xi32, #tpu.memory_space<hbm>> -> memref<2000xi32, #tpu.memory_space<hbm>>
      %dma_wait3A_54 = tpu.memref_slice %arg6[%add3A_46] : memref<160000xi32, #tpu.memory_space<hbm>> -> memref<2000xi32, #tpu.memory_space<hbm>>
      tpu.wait_dma2 semaphore(%arg24 : memref<!tpu.dma_semaphore, #tpu.memory_space<semaphore_mem>>) src(%dma_wait3A_54 : memref<2000xi32, #tpu.memory_space<hbm>>) dst(%arg10 : memref<2000xi32, #tpu.memory_space<vmem>>)
      %scan3A_55 = arith.constant 0 : i32
      %scan3A_56 = arith.constant 125 : i32
      %scan3A_57 = arith.addi %scan3A_55, %scan3A_56 : i32
      %scan3A_58 = arith.constant 1 : i32
      %scan3A_59 = scf.for %scan3A_174 = %scan3A_55 to %scan3A_57 step %scan3A_58 iter_args(%scan3A_175 = %scan3A_43) -> (i32)  : i32 {
        %mul3A_176 = arith.constant 16 : i32
        %mul3A_177 = arith.muli %scan3A_174, %mul3A_176 : i32
        %get3A = arith.index_cast %mul3A_177 : i32 to index
        %get3A_178 = tpu.vector_load %arg9[%get3A] {strides = array<i32>} : memref<2000xi32, #tpu.memory_space<vmem>>, vector<16xi32>,
        %get3A_179 = arith.index_cast %mul3A_177 : i32 to index
        %get3A_180 = tpu.vector_load %arg10[%get3A_179] {strides = array<i32>} : memref<2000xi32, #tpu.memory_space<vmem>>, vector<16xi32>,
        %ge3A = vector.broadcast %mul3A_11 : i32 to vector<16xi32>
        %ge3A_181 = arith.cmpi sge, %get3A_178, %ge3A : vector<16xi32>
        %add3A_182 = arith.constant 2500 : i32
        %add3A_183 = arith.addi %mul3A_11, %add3A_182 : i32
        %lt3A_184 = vector.broadcast %add3A_183 : i32 to vector<16xi32>
        %lt3A_185 = arith.cmpi slt, %get3A_178, %lt3A_184 : vector<16xi32>
        %and3A_186 = arith.andi %ge3A_181, %lt3A_185 : vector<16xi1>
        %swap3A = arith.index_cast %scan3A_175 : i32 to index
        %swap3A_187 = tpu.vector_load %arg11[%swap3A] masked %and3A_186 {strides = array<i32>} : memref<10032xi32, #tpu.memory_space<vmem>>, vector<16xi32>, vector<16xi1>
        tpu.vector_store %arg11[%swap3A], %get3A_178 masked %and3A_186 {strides = array<i32>} : memref<10032xi32, #tpu.memory_space<vmem>>, vector<16xi32>, vector<16xi1>
        %swap3A_188 = arith.index_cast %scan3A_175 : i32 to index
        %swap3A_189 = tpu.vector_load %arg12[%swap3A_188] masked %and3A_186 {strides = array<i32>} : memref<10032xi32, #tpu.memory_space<vmem>>, vector<16xi32>, vector<16xi1>
        tpu.vector_store %arg12[%swap3A_188], %get3A_180 masked %and3A_186 {strides = array<i32>} : memref<10032xi32, #tpu.memory_space<vmem>>, vector<16xi32>, vector<16xi1>
        %all_reduce_population_count3A = tpu.all_reduce %and3A_186 {dim = 0 : i64, kind = #tpu.reduction_kind<sum>} : vector<16xi1> -> vector<16xi32>
        %slice3A = vector.extract_strided_slice %all_reduce_population_count3A {offsets = [0], sizes = [1], strides = [1]} : vector<16xi32> to vector<1xi32>
        %squeeze3A = vector.extract %slice3A[0] : i32 from vector<1xi32>
        %add3A_190 = arith.addi %scan3A_175, %squeeze3A : i32
        scf.yield %add3A_190 : i32
      }
      %scan3A_60 = arith.constant 125 : i32
      %add3A_61 = arith.constant 6000 : i32
      %add3A_62 = arith.addi %mul3A_0, %add3A_61 : i32
      %dma_start3A_63 = tpu.memref_slice %arg5[%add3A_62] : memref<160000xi32, #tpu.memory_space<hbm>> -> memref<2000xi32, #tpu.memory_space<hbm>>
      %dma_start3A_64 = tpu.memref_slice %arg5[%add3A_62] : memref<160000xi32, #tpu.memory_space<hbm>> -> memref<2000xi32, #tpu.memory_space<hbm>>
      tpu.enqueue_dma source(%dma_start3A_64 : memref<2000xi32, #tpu.memory_space<hbm>>) target(%arg9 : memref<2000xi32, #tpu.memory_space<vmem>>) target_semaphore(%arg24 : memref<!tpu.dma_semaphore, #tpu.memory_space<semaphore_mem>>)
      %dma_start3A_65 = tpu.memref_slice %arg6[%add3A_62] : memref<160000xi32, #tpu.memory_space<hbm>> -> memref<2000xi32, #tpu.memory_space<hbm>>
      %dma_start3A_66 = tpu.memref_slice %arg6[%add3A_62] : memref<160000xi32, #tpu.memory_space<hbm>> -> memref<2000xi32, #tpu.memory_space<hbm>>
      tpu.enqueue_dma source(%dma_start3A_66 : memref<2000xi32, #tpu.memory_space<hbm>>) target(%arg10 : memref<2000xi32, #tpu.memory_space<vmem>>) target_semaphore(%arg24 : memref<!tpu.dma_semaphore, #tpu.memory_space<semaphore_mem>>)
      %dma_wait3A_67 = tpu.memref_slice %arg5[%add3A_62] : memref<160000xi32, #tpu.memory_space<hbm>> -> memref<2000xi32, #tpu.memory_space<hbm>>
      %dma_wait3A_68 = tpu.memref_slice %arg5[%add3A_62] : memref<160000xi32, #tpu.memory_space<hbm>> -> memref<2000xi32, #tpu.memory_space<hbm>>
      tpu.wait_dma2 semaphore(%arg24 : memref<!tpu.dma_semaphore, #tpu.memory_space<semaphore_mem>>) src(%dma_wait3A_68 : memref<2000xi32, #tpu.memory_space<hbm>>) dst(%arg9 : memref<2000xi32, #tpu.memory_space<vmem>>)
      %dma_wait3A_69 = tpu.memref_slice %arg6[%add3A_62] : memref<160000xi32, #tpu.memory_space<hbm>> -> memref<2000xi32, #tpu.memory_space<hbm>>
      %dma_wait3A_70 = tpu.memref_slice %arg6[%add3A_62] : memref<160000xi32, #tpu.memory_space<hbm>> -> memref<2000xi32, #tpu.memory_space<hbm>>
      tpu.wait_dma2 semaphore(%arg24 : memref<!tpu.dma_semaphore, #tpu.memory_space<semaphore_mem>>) src(%dma_wait3A_70 : memref<2000xi32, #tpu.memory_space<hbm>>) dst(%arg10 : memref<2000xi32, #tpu.memory_space<vmem>>)
      %scan3A_71 = arith.constant 0 : i32
      %scan3A_72 = arith.constant 125 : i32
      %scan3A_73 = arith.addi %scan3A_71, %scan3A_72 : i32
      %scan3A_74 = arith.constant 1 : i32
      %scan3A_75 = scf.for %scan3A_174 = %scan3A_71 to %scan3A_73 step %scan3A_74 iter_args(%scan3A_175 = %scan3A_59) -> (i32)  : i32 {
        %mul3A_176 = arith.constant 16 : i32
        %mul3A_177 = arith.muli %scan3A_174, %mul3A_176 : i32
        %get3A = arith.index_cast %mul3A_177 : i32 to index
        %get3A_178 = tpu.vector_load %arg9[%get3A] {strides = array<i32>} : memref<2000xi32, #tpu.memory_space<vmem>>, vector<16xi32>,
        %get3A_179 = arith.index_cast %mul3A_177 : i32 to index
        %get3A_180 = tpu.vector_load %arg10[%get3A_179] {strides = array<i32>} : memref<2000xi32, #tpu.memory_space<vmem>>, vector<16xi32>,
        %ge3A = vector.broadcast %mul3A_11 : i32 to vector<16xi32>
        %ge3A_181 = arith.cmpi sge, %get3A_178, %ge3A : vector<16xi32>
        %add3A_182 = arith.constant 2500 : i32
        %add3A_183 = arith.addi %mul3A_11, %add3A_182 : i32
        %lt3A_184 = vector.broadcast %add3A_183 : i32 to vector<16xi32>
        %lt3A_185 = arith.cmpi slt, %get3A_178, %lt3A_184 : vector<16xi32>
        %and3A_186 = arith.andi %ge3A_181, %lt3A_185 : vector<16xi1>
        %swap3A = arith.index_cast %scan3A_175 : i32 to index
        %swap3A_187 = tpu.vector_load %arg11[%swap3A] masked %and3A_186 {strides = array<i32>} : memref<10032xi32, #tpu.memory_space<vmem>>, vector<16xi32>, vector<16xi1>
        tpu.vector_store %arg11[%swap3A], %get3A_178 masked %and3A_186 {strides = array<i32>} : memref<10032xi32, #tpu.memory_space<vmem>>, vector<16xi32>, vector<16xi1>
        %swap3A_188 = arith.index_cast %scan3A_175 : i32 to index
        %swap3A_189 = tpu.vector_load %arg12[%swap3A_188] masked %and3A_186 {strides = array<i32>} : memref<10032xi32, #tpu.memory_space<vmem>>, vector<16xi32>, vector<16xi1>
        tpu.vector_store %arg12[%swap3A_188], %get3A_180 masked %and3A_186 {strides = array<i32>} : memref<10032xi32, #tpu.memory_space<vmem>>, vector<16xi32>, vector<16xi1>
        %all_reduce_population_count3A = tpu.all_reduce %and3A_186 {dim = 0 : i64, kind = #tpu.reduction_kind<sum>} : vector<16xi1> -> vector<16xi32>
        %slice3A = vector.extract_strided_slice %all_reduce_population_count3A {offsets = [0], sizes = [1], strides = [1]} : vector<16xi32> to vector<1xi32>
        %squeeze3A = vector.extract %slice3A[0] : i32 from vector<1xi32>
        %add3A_190 = arith.addi %scan3A_175, %squeeze3A : i32
        scf.yield %add3A_190 : i32
      }
      %scan3A_76 = arith.constant 125 : i32
      %add3A_77 = arith.constant 8000 : i32
      %add3A_78 = arith.addi %mul3A_0, %add3A_77 : i32
      %dma_start3A_79 = tpu.memref_slice %arg5[%add3A_78] : memref<160000xi32, #tpu.memory_space<hbm>> -> memref<2000xi32, #tpu.memory_space<hbm>>
      %dma_start3A_80 = tpu.memref_slice %arg5[%add3A_78] : memref<160000xi32, #tpu.memory_space<hbm>> -> memref<2000xi32, #tpu.memory_space<hbm>>
      tpu.enqueue_dma source(%dma_start3A_80 : memref<2000xi32, #tpu.memory_space<hbm>>) target(%arg9 : memref<2000xi32, #tpu.memory_space<vmem>>) target_semaphore(%arg24 : memref<!tpu.dma_semaphore, #tpu.memory_space<semaphore_mem>>)
      %dma_start3A_81 = tpu.memref_slice %arg6[%add3A_78] : memref<160000xi32, #tpu.memory_space<hbm>> -> memref<2000xi32, #tpu.memory_space<hbm>>
      %dma_start3A_82 = tpu.memref_slice %arg6[%add3A_78] : memref<160000xi32, #tpu.memory_space<hbm>> -> memref<2000xi32, #tpu.memory_space<hbm>>
      tpu.enqueue_dma source(%dma_start3A_82 : memref<2000xi32, #tpu.memory_space<hbm>>) target(%arg10 : memref<2000xi32, #tpu.memory_space<vmem>>) target_semaphore(%arg24 : memref<!tpu.dma_semaphore, #tpu.memory_space<semaphore_mem>>)
      %dma_wait3A_83 = tpu.memref_slice %arg5[%add3A_78] : memref<160000xi32, #tpu.memory_space<hbm>> -> memref<2000xi32, #tpu.memory_space<hbm>>
      %dma_wait3A_84 = tpu.memref_slice %arg5[%add3A_78] : memref<160000xi32, #tpu.memory_space<hbm>> -> memref<2000xi32, #tpu.memory_space<hbm>>
      tpu.wait_dma2 semaphore(%arg24 : memref<!tpu.dma_semaphore, #tpu.memory_space<semaphore_mem>>) src(%dma_wait3A_84 : memref<2000xi32, #tpu.memory_space<hbm>>) dst(%arg9 : memref<2000xi32, #tpu.memory_space<vmem>>)
      %dma_wait3A_85 = tpu.memref_slice %arg6[%add3A_78] : memref<160000xi32, #tpu.memory_space<hbm>> -> memref<2000xi32, #tpu.memory_space<hbm>>
      %dma_wait3A_86 = tpu.memref_slice %arg6[%add3A_78] : memref<160000xi32, #tpu.memory_space<hbm>> -> memref<2000xi32, #tpu.memory_space<hbm>>
      tpu.wait_dma2 semaphore(%arg24 : memref<!tpu.dma_semaphore, #tpu.memory_space<semaphore_mem>>) src(%dma_wait3A_86 : memref<2000xi32, #tpu.memory_space<hbm>>) dst(%arg10 : memref<2000xi32, #tpu.memory_space<vmem>>)
      %scan3A_87 = arith.constant 0 : i32
      %scan3A_88 = arith.constant 125 : i32
      %scan3A_89 = arith.addi %scan3A_87, %scan3A_88 : i32
      %scan3A_90 = arith.constant 1 : i32
      %scan3A_91 = scf.for %scan3A_174 = %scan3A_87 to %scan3A_89 step %scan3A_90 iter_args(%scan3A_175 = %scan3A_75) -> (i32)  : i32 {
        %mul3A_176 = arith.constant 16 : i32
        %mul3A_177 = arith.muli %scan3A_174, %mul3A_176 : i32
        %get3A = arith.index_cast %mul3A_177 : i32 to index
        %get3A_178 = tpu.vector_load %arg9[%get3A] {strides = array<i32>} : memref<2000xi32, #tpu.memory_space<vmem>>, vector<16xi32>,
        %get3A_179 = arith.index_cast %mul3A_177 : i32 to index
        %get3A_180 = tpu.vector_load %arg10[%get3A_179] {strides = array<i32>} : memref<2000xi32, #tpu.memory_space<vmem>>, vector<16xi32>,
        %ge3A = vector.broadcast %mul3A_11 : i32 to vector<16xi32>
        %ge3A_181 = arith.cmpi sge, %get3A_178, %ge3A : vector<16xi32>
        %add3A_182 = arith.constant 2500 : i32
        %add3A_183 = arith.addi %mul3A_11, %add3A_182 : i32
        %lt3A_184 = vector.broadcast %add3A_183 : i32 to vector<16xi32>
        %lt3A_185 = arith.cmpi slt, %get3A_178, %lt3A_184 : vector<16xi32>
        %and3A_186 = arith.andi %ge3A_181, %lt3A_185 : vector<16xi1>
        %swap3A = arith.index_cast %scan3A_175 : i32 to index
        %swap3A_187 = tpu.vector_load %arg11[%swap3A] masked %and3A_186 {strides = array<i32>} : memref<10032xi32, #tpu.memory_space<vmem>>, vector<16xi32>, vector<16xi1>
        tpu.vector_store %arg11[%swap3A], %get3A_178 masked %and3A_186 {strides = array<i32>} : memref<10032xi32, #tpu.memory_space<vmem>>, vector<16xi32>, vector<16xi1>
        %swap3A_188 = arith.index_cast %scan3A_175 : i32 to index
        %swap3A_189 = tpu.vector_load %arg12[%swap3A_188] masked %and3A_186 {strides = array<i32>} : memref<10032xi32, #tpu.memory_space<vmem>>, vector<16xi32>, vector<16xi1>
        tpu.vector_store %arg12[%swap3A_188], %get3A_180 masked %and3A_186 {strides = array<i32>} : memref<10032xi32, #tpu.memory_space<vmem>>, vector<16xi32>, vector<16xi1>
        %all_reduce_population_count3A = tpu.all_reduce %and3A_186 {dim = 0 : i64, kind = #tpu.reduction_kind<sum>} : vector<16xi1> -> vector<16xi32>
        %slice3A = vector.extract_strided_slice %all_reduce_population_count3A {offsets = [0], sizes = [1], strides = [1]} : vector<16xi32> to vector<1xi32>
        %squeeze3A = vector.extract %slice3A[0] : i32 from vector<1xi32>
        %add3A_190 = arith.addi %scan3A_175, %squeeze3A : i32
        scf.yield %add3A_190 : i32
      }
      %scan3A_92 = arith.constant 125 : i32
      %add3A_93 = arith.constant 0 : i32
      %add3A_94 = arith.addi %scan3A_91, %add3A_93 : i32
      %add3A_95 = vector.broadcast %add3A_94 : i32 to vector<16xi32>
      %add3A_96 = arith.addi %add3A_95, %iota3A : vector<16xi32>
      tpu.vector_store_idx %arg11[%add3A_96], %broadcast_in_dim3A_1 : memref<10032xi32, #tpu.memory_space<vmem>>[vector<16xi32>], vector<16xi32>,
      %add3A_97 = arith.constant 0 : i32
      %add3A_98 = arith.addi %scan3A_91, %add3A_97 : i32
      %add3A_99 = vector.broadcast %add3A_98 : i32 to vector<16xi32>
      %add3A_100 = arith.addi %add3A_99, %iota3A : vector<16xi32>
      tpu.vector_store_idx %arg12[%add3A_100], %broadcast_in_dim3A_1 : memref<10032xi32, #tpu.memory_space<vmem>>[vector<16xi32>], vector<16xi32>,
      %add3A_101 = arith.constant 16 : i32
      %add3A_102 = arith.addi %scan3A_91, %add3A_101 : i32
      %add3A_103 = vector.broadcast %add3A_102 : i32 to vector<16xi32>
      %add3A_104 = arith.addi %add3A_103, %iota3A : vector<16xi32>
      tpu.vector_store_idx %arg11[%add3A_104], %broadcast_in_dim3A_1 : memref<10032xi32, #tpu.memory_space<vmem>>[vector<16xi32>], vector<16xi32>,
      %add3A_105 = arith.constant 16 : i32
      %add3A_106 = arith.addi %scan3A_91, %add3A_105 : i32
      %add3A_107 = vector.broadcast %add3A_106 : i32 to vector<16xi32>
      %add3A_108 = arith.addi %add3A_107, %iota3A : vector<16xi32>
      tpu.vector_store_idx %arg12[%add3A_108], %broadcast_in_dim3A_1 : memref<10032xi32, #tpu.memory_space<vmem>>[vector<16xi32>], vector<16xi32>,
      %add3A_109 = arith.constant 31 : i32
      %add3A_110 = arith.addi %scan3A_91, %add3A_109 : i32
      %jit3A = arith.constant 32 : i32
      %div3A = arith.divsi %add3A_110, %jit3A : i32
      %sign3A = arith.constant 0 : i32
      %sign3A_111 = arith.cmpi sgt, %add3A_110, %sign3A : i32
      %sign3A_112 = arith.extui %sign3A_111 : i1 to i32
      %sign3A_113 = arith.constant 0 : i32
      %sign3A_114 = arith.cmpi slt, %add3A_110, %sign3A_113 : i32
      %sign3A_115 = arith.extui %sign3A_114 : i1 to i32
      %sign3A_116 = arith.subi %sign3A_112, %sign3A_115 : i32
      %sign3A_117 = arith.constant 0 : i32
      %sign3A_118 = arith.cmpi sgt, %jit3A, %sign3A_117 : i32
      %sign3A_119 = arith.extui %sign3A_118 : i1 to i32
      %sign3A_120 = arith.constant 0 : i32
      %sign3A_121 = arith.cmpi slt, %jit3A, %sign3A_120 : i32
      %sign3A_122 = arith.extui %sign3A_121 : i1 to i32
      %sign3A_123 = arith.subi %sign3A_119, %sign3A_122 : i32
      %ne3A = arith.cmpi ne, %sign3A_116, %sign3A_123 : i32
      %rem3A = arith.remsi %add3A_110, %jit3A : i32
      %ne3A_124 = arith.constant 0 : i32
      %ne3A_125 = arith.cmpi ne, %rem3A, %ne3A_124 : i32
      %and3A = arith.andi %ne3A, %ne3A_125 : i1
      %sub3A = arith.constant 1 : i32
      %sub3A_126 = arith.subi %div3A, %sub3A : i32
      %select_n3A = arith.select %and3A, %sub3A_126, %div3A : i32
      %gt3A = arith.constant 0 : i32
      %gt3A_127 = arith.cmpi sgt, %select_n3A, %gt3A : i32
      %convert_element_type3A = arith.extui %gt3A_127 : i1 to i32
      %cond3A = arith.constant 0 : i32
      %cond3A_128 = arith.cmpi ne, %convert_element_type3A, %cond3A : i32
      scf.if %cond3A_128 {
        %mul3A_174 = arith.constant 0 : i32
        %mul3A_175 = arith.constant 32 : i32
        %mul3A_176 = arith.muli %mul3A_174, %mul3A_175 : i32
        %dma_start3A_177 = tpu.memref_slice %arg11[%mul3A_176] : memref<10032xi32, #tpu.memory_space<vmem>> -> memref<32xi32, #tpu.memory_space<vmem>>
        %dma_start3A_178 = arith.constant 0 : i32
        %dma_start3A_179 = arith.constant 0 : i32
        %dma_start3A_180 = tpu.memref_slice %arg2[%dma_start3A_178, %dma_start3A_179] : memref<10000x256xf32, #tpu.memory_space<hbm>> -> memref<10000x256xf32, #tpu.memory_space<hbm>>
        tpu.enqueue_indirect_dma source(%dma_start3A_180 : memref<10000x256xf32, #tpu.memory_space<hbm>>) target(%arg13 : memref<32x256xf32, #tpu.memory_space<vmem>>) offsets(%dma_start3A_177 : memref<32xi32, #tpu.memory_space<vmem>>) semaphore(%arg21 : memref<!tpu.dma_semaphore, #tpu.memory_space<semaphore_mem>>)
        %dma_start3A_181 = tpu.memref_slice %arg12[%mul3A_176] : memref<10032xi32, #tpu.memory_space<vmem>> -> memref<32xi32, #tpu.memory_space<vmem>>
        %dma_start3A_182 = arith.constant 0 : i32
        %dma_start3A_183 = arith.constant 0 : i32
        %dma_start3A_184 = tpu.memref_slice %arg3[%dma_start3A_182, %dma_start3A_183] : memref<10000x256xf32, #tpu.memory_space<hbm>> -> memref<10000x256xf32, #tpu.memory_space<hbm>>
        tpu.enqueue_indirect_dma source(%dma_start3A_184 : memref<10000x256xf32, #tpu.memory_space<hbm>>) target(%arg14 : memref<32x256xf32, #tpu.memory_space<vmem>>) offsets(%dma_start3A_181 : memref<32xi32, #tpu.memory_space<vmem>>) semaphore(%arg21 : memref<!tpu.dma_semaphore, #tpu.memory_space<semaphore_mem>>)
        %dma_start3A_185 = tpu.memref_slice %arg12[%mul3A_176] : memref<10032xi32, #tpu.memory_space<vmem>> -> memref<32xi32, #tpu.memory_space<vmem>>
        %dma_start3A_186 = arith.constant 0 : i32
        %dma_start3A_187 = arith.constant 0 : i32
        %dma_start3A_188 = tpu.memref_slice %arg4[%dma_start3A_186, %dma_start3A_187] : memref<10000x256xf32, #tpu.memory_space<hbm>> -> memref<10000x256xf32, #tpu.memory_space<hbm>>
        tpu.enqueue_indirect_dma source(%dma_start3A_188 : memref<10000x256xf32, #tpu.memory_space<hbm>>) target(%arg15 : memref<32x256xf32, #tpu.memory_space<vmem>>) offsets(%dma_start3A_185 : memref<32xi32, #tpu.memory_space<vmem>>) semaphore(%arg21 : memref<!tpu.dma_semaphore, #tpu.memory_space<semaphore_mem>>)
      } else {
      }
      %add3A_129 = arith.constant 1 : i32
      %add3A_130 = arith.addi %select_n3A, %add3A_129 : i32
      %jit3A_131 = arith.constant 2 : i32
      %div3A_132 = arith.divsi %add3A_130, %jit3A_131 : i32
      %sign3A_133 = arith.constant 0 : i32
      %sign3A_134 = arith.cmpi sgt, %add3A_130, %sign3A_133 : i32
      %sign3A_135 = arith.extui %sign3A_134 : i1 to i32
      %sign3A_136 = arith.constant 0 : i32
      %sign3A_137 = arith.cmpi slt, %add3A_130, %sign3A_136 : i32
      %sign3A_138 = arith.extui %sign3A_137 : i1 to i32
      %sign3A_139 = arith.subi %sign3A_135, %sign3A_138 : i32
      %sign3A_140 = arith.constant 0 : i32
      %sign3A_141 = arith.cmpi sgt, %jit3A_131, %sign3A_140 : i32
      %sign3A_142 = arith.extui %sign3A_141 : i1 to i32
      %sign3A_143 = arith.constant 0 : i32
      %sign3A_144 = arith.cmpi slt, %jit3A_131, %sign3A_143 : i32
      %sign3A_145 = arith.extui %sign3A_144 : i1 to i32
      %sign3A_146 = arith.subi %sign3A_142, %sign3A_145 : i32
      %ne3A_147 = arith.cmpi ne, %sign3A_139, %sign3A_146 : i32
      %rem3A_148 = arith.remsi %add3A_130, %jit3A_131 : i32
      %ne3A_149 = arith.constant 0 : i32
      %ne3A_150 = arith.cmpi ne, %rem3A_148, %ne3A_149 : i32
      %and3A_151 = arith.andi %ne3A_147, %ne3A_150 : i1
      %sub3A_152 = arith.constant 1 : i32
      %sub3A_153 = arith.subi %div3A_132, %sub3A_152 : i32
      %select_n3A_154 = arith.select %and3A_151, %sub3A_153, %div3A_132 : i32
      %while3A = arith.constant 0 : i32
      %while3A_155 = arith.constant 0 : i32
      %while3A_156 = arith.subi %select_n3A_154, %while3A_155 : i32
      %while3A_157 = arith.addi %while3A_155, %while3A_156 : i32
      %while3A_158 = arith.constant 1 : i32
      %while3A_159 = arith.divsi %while3A_156, %while3A_158 : i32
      %while3A_160 = arith.muli %while3A_159, %while3A_158 : i32
      %while3A_161 = arith.addi %while3A_155, %while3A_160 : i32
      %while3A_162 = arith.constant 1 : i32
      scf.for %while3A_174 = %while3A_155 to %while3A_161 step %while3A_162  : i32 {
        %mul3A_175 = arith.constant 2 : i32
        %mul3A_176 = arith.muli %while3A_174, %mul3A_175 : i32
        %add3A_177 = arith.constant 0 : i32
        %add3A_178 = arith.addi %mul3A_176, %add3A_177 : i32
        %lt3A_179 = arith.cmpi slt, %add3A_178, %select_n3A : i32
        %convert_element_type3A_180 = arith.extui %lt3A_179 : i1 to i32
        %cond3A_181 = arith.constant 0 : i32
        %cond3A_182 = arith.cmpi ne, %convert_element_type3A_180, %cond3A_181 : i32
        scf.if %cond3A_182 {
          %add3A_191 = arith.constant 1 : i32
          %add3A_192 = arith.addi %add3A_178, %add3A_191 : i32
          %lt3A_193 = arith.cmpi slt, %add3A_192, %select_n3A : i32
          %convert_element_type3A_194 = arith.extui %lt3A_193 : i1 to i32
          %cond3A_195 = arith.constant 0 : i32
          %cond3A_196 = arith.cmpi ne, %convert_element_type3A_194, %cond3A_195 : i32
          scf.if %cond3A_196 {
            %add3A_245 = arith.constant 1 : i32
            %add3A_246 = arith.addi %add3A_178, %add3A_245 : i32
            %mul3A_247 = arith.constant 32 : i32
            %mul3A_248 = arith.muli %add3A_246, %mul3A_247 : i32
            %dma_start3A_249 = tpu.memref_slice %arg11[%mul3A_248] : memref<10032xi32, #tpu.memory_space<vmem>> -> memref<32xi32, #tpu.memory_space<vmem>>
            %dma_start3A_250 = arith.constant 0 : i32
            %dma_start3A_251 = arith.constant 0 : i32
            %dma_start3A_252 = tpu.memref_slice %arg2[%dma_start3A_250, %dma_start3A_251] : memref<10000x256xf32, #tpu.memory_space<hbm>> -> memref<10000x256xf32, #tpu.memory_space<hbm>>
            tpu.enqueue_indirect_dma source(%dma_start3A_252 : memref<10000x256xf32, #tpu.memory_space<hbm>>) target(%arg16 : memref<32x256xf32, #tpu.memory_space<vmem>>) offsets(%dma_start3A_249 : memref<32xi32, #tpu.memory_space<vmem>>) semaphore(%arg22 : memref<!tpu.dma_semaphore, #tpu.memory_space<semaphore_mem>>)
            %dma_start3A_253 = tpu.memref_slice %arg12[%mul3A_248] : memref<10032xi32, #tpu.memory_space<vmem>> -> memref<32xi32, #tpu.memory_space<vmem>>
            %dma_start3A_254 = arith.constant 0 : i32
            %dma_start3A_255 = arith.constant 0 : i32
            %dma_start3A_256 = tpu.memref_slice %arg3[%dma_start3A_254, %dma_start3A_255] : memref<10000x256xf32, #tpu.memory_space<hbm>> -> memref<10000x256xf32, #tpu.memory_space<hbm>>
            tpu.enqueue_indirect_dma source(%dma_start3A_256 : memref<10000x256xf32, #tpu.memory_space<hbm>>) target(%arg17 : memref<32x256xf32, #tpu.memory_space<vmem>>) offsets(%dma_start3A_253 : memref<32xi32, #tpu.memory_space<vmem>>) semaphore(%arg22 : memref<!tpu.dma_semaphore, #tpu.memory_space<semaphore_mem>>)
            %dma_start3A_257 = tpu.memref_slice %arg12[%mul3A_248] : memref<10032xi32, #tpu.memory_space<vmem>> -> memref<32xi32, #tpu.memory_space<vmem>>
            %dma_start3A_258 = arith.constant 0 : i32
            %dma_start3A_259 = arith.constant 0 : i32
            %dma_start3A_260 = tpu.memref_slice %arg4[%dma_start3A_258, %dma_start3A_259] : memref<10000x256xf32, #tpu.memory_space<hbm>> -> memref<10000x256xf32, #tpu.memory_space<hbm>>
            tpu.enqueue_indirect_dma source(%dma_start3A_260 : memref<10000x256xf32, #tpu.memory_space<hbm>>) target(%arg18 : memref<32x256xf32, #tpu.memory_space<vmem>>) offsets(%dma_start3A_257 : memref<32xi32, #tpu.memory_space<vmem>>) semaphore(%arg22 : memref<!tpu.dma_semaphore, #tpu.memory_space<semaphore_mem>>)
          } else {
          }
          %dma_wait3A_197 = arith.constant 0 : i32
          %dma_wait3A_198 = arith.constant 0 : i32
          %dma_wait3A_199 = tpu.memref_slice %arg2[%dma_wait3A_197, %dma_wait3A_198] : memref<10000x256xf32, #tpu.memory_space<hbm>> -> memref<32x256xf32, #tpu.memory_space<hbm>>
          %dma_wait3A_200 = arith.constant 0 : i32
          %dma_wait3A_201 = arith.constant 0 : i32
          %dma_wait3A_202 = tpu.memref_slice %arg2[%dma_wait3A_200, %dma_wait3A_201] : memref<10000x256xf32, #tpu.memory_space<hbm>> -> memref<32x256xf32, #tpu.memory_space<hbm>>
          tpu.wait_dma2 semaphore(%arg21 : memref<!tpu.dma_semaphore, #tpu.memory_space<semaphore_mem>>) src(%dma_wait3A_202 : memref<32x256xf32, #tpu.memory_space<hbm>>) dst(%arg13 : memref<32x256xf32, #tpu.memory_space<vmem>>)
          %dma_wait3A_203 = arith.constant 0 : i32
          %dma_wait3A_204 = arith.constant 0 : i32
          %dma_wait3A_205 = tpu.memref_slice %arg2[%dma_wait3A_203, %dma_wait3A_204] : memref<10000x256xf32, #tpu.memory_space<hbm>> -> memref<32x256xf32, #tpu.memory_space<hbm>>
          %dma_wait3A_206 = arith.constant 0 : i32
          %dma_wait3A_207 = arith.constant 0 : i32
          %dma_wait3A_208 = tpu.memref_slice %arg2[%dma_wait3A_206, %dma_wait3A_207] : memref<10000x256xf32, #tpu.memory_space<hbm>> -> memref<32x256xf32, #tpu.memory_space<hbm>>
          tpu.wait_dma2 semaphore(%arg21 : memref<!tpu.dma_semaphore, #tpu.memory_space<semaphore_mem>>) src(%dma_wait3A_208 : memref<32x256xf32, #tpu.memory_space<hbm>>) dst(%arg14 : memref<32x256xf32, #tpu.memory_space<vmem>>)
          %dma_wait3A_209 = arith.constant 0 : i32
          %dma_wait3A_210 = arith.constant 0 : i32
          %dma_wait3A_211 = tpu.memref_slice %arg2[%dma_wait3A_209, %dma_wait3A_210] : memref<10000x256xf32, #tpu.memory_space<hbm>> -> memref<32x256xf32, #tpu.memory_space<hbm>>
          %dma_wait3A_212 = arith.constant 0 : i32
          %dma_wait3A_213 = arith.constant 0 : i32
          %dma_wait3A_214 = tpu.memref_slice %arg2[%dma_wait3A_212, %dma_wait3A_213] : memref<10000x256xf32, #tpu.memory_space<hbm>> -> memref<32x256xf32, #tpu.memory_space<hbm>>
          tpu.wait_dma2 semaphore(%arg21 : memref<!tpu.dma_semaphore, #tpu.memory_space<semaphore_mem>>) src(%dma_wait3A_214 : memref<32x256xf32, #tpu.memory_space<hbm>>) dst(%arg15 : memref<32x256xf32, #tpu.memory_space<vmem>>)
          %scan3A_215 = arith.constant 0 : i32
          %scan3A_216 = arith.constant 0 : i32
          %scan3A_217 = arith.constant 2 : i32
          %scan3A_218 = arith.addi %scan3A_216, %scan3A_217 : i32
          %scan3A_219 = arith.constant 1 : i32
          scf.for %scan3A_245 = %scan3A_216 to %scan3A_218 step %scan3A_219  : i32 {
            %mul3A_246 = arith.constant 16 : i32
            %mul3A_247 = arith.muli %scan3A_245, %mul3A_246 : i32
            %mul3A_248 = arith.constant 32 : i32
            %mul3A_249 = arith.muli %add3A_178, %mul3A_248 : i32
            %add3A_250 = arith.addi %mul3A_249, %mul3A_247 : i32
            %get3A = arith.index_cast %add3A_250 : i32 to index
            %get3A_251 = tpu.vector_load %arg11[%get3A] {strides = array<i32>} : memref<10032xi32, #tpu.memory_space<vmem>>, vector<16xi32>,
            %add3A_252 = vector.broadcast %mul3A_247 : i32 to vector<16xi32>
            %add3A_253 = arith.addi %add3A_252, %iota3A : vector<16xi32>
            %broadcast_in_dim3A_254 = arith.constant 1 : i32
            %broadcast_in_dim3A_255 = vector.broadcast %broadcast_in_dim3A_254 : i32 to vector<16xi32>
            %broadcast_in_dim3A_256 = arith.constant 31 : i32
            %broadcast_in_dim3A_257 = vector.broadcast %broadcast_in_dim3A_256 : i32 to vector<16xi32>
            %scan3A_258 = arith.constant 0 : i32
            %scan3A_259 = arith.constant 0 : i32
            %scan3A_260 = arith.constant 8 : i32
            %scan3A_261 = arith.addi %scan3A_259, %scan3A_260 : i32
            %scan3A_262 = arith.constant 1 : i32
            scf.for %scan3A_387 = %scan3A_259 to %scan3A_261 step %scan3A_262  : i32 {
              %mul3A_388 = arith.constant 32 : i32
              %mul3A_389 = arith.muli %scan3A_387, %mul3A_388 : i32
              %add3A_390 = vector.broadcast %mul3A_389 : i32 to vector<16xi32>
              %add3A_391 = arith.addi %broadcast_in_dim3A_1, %add3A_390 : vector<16xi32>
              %broadcast_in_dim3A_392 = arith.constant 0.000000e+00 : f32
              %broadcast_in_dim3A_393 = vector.broadcast %broadcast_in_dim3A_392 : f32 to vector<16xf32>
              %add3A_394 = arith.addi %add3A_391, %iota3A : vector<16xi32>
              %gather3A_395 = tpu.vector_load_idx %arg13[%add3A_253, %add3A_394] : memref<32x256xf32, #tpu.memory_space<vmem>>[vector<16xi32>, vector<16xi32>], vector<16xf32>,
              %gather3A_396 = tpu.vector_load_idx %arg14[%add3A_253, %add3A_394] : memref<32x256xf32, #tpu.memory_space<vmem>>[vector<16xi32>, vector<16xi32>], vector<16xf32>,
              %mul3A_397 = arith.mulf %gather3A_395, %gather3A_396 : vector<16xf32>
              %add3A_398 = arith.addf %broadcast_in_dim3A_393, %mul3A_397 : vector<16xf32>
              %add3A_399 = arith.addi %iota3A, %broadcast_in_dim3A_255 : vector<16xi32>
              %and3A_400 = arith.andi %add3A_399, %broadcast_in_dim3A_257 : vector<16xi32>
              %add3A_401 = arith.addi %add3A_391, %and3A_400 : vector<16xi32>
              %gather3A_402 = tpu.vector_load_idx %arg13[%add3A_253, %add3A_401] : memref<32x256xf32, #tpu.memory_space<vmem>>[vector<16xi32>, vector<16xi32>], vector<16xf32>,
              %gather3A_403 = tpu.vector_load_idx %arg14[%add3A_253, %add3A_401] : memref<32x256xf32, #tpu.memory_space<vmem>>[vector<16xi32>, vector<16xi32>], vector<16xf32>,
              %mul3A_404 = arith.mulf %gather3A_402, %gather3A_403 : vector<16xf32>
              %add3A_405 = arith.addf %add3A_398, %mul3A_404 : vector<16xf32>
              %add3A_406 = arith.addi %and3A_400, %broadcast_in_dim3A_255 : vector<16xi32>
              %and3A_407 = arith.andi %add3A_406, %broadcast_in_dim3A_257 : vector<16xi32>
              %add3A_408 = arith.addi %add3A_391, %and3A_407 : vector<16xi32>
              %gather3A_409 = tpu.vector_load_idx %arg13[%add3A_253, %add3A_408] : memref<32x256xf32, #tpu.memory_space<vmem>>[vector<16xi32>, vector<16xi32>], vector<16xf32>,
              %gather3A_410 = tpu.vector_load_idx %arg14[%add3A_253, %add3A_408] : memref<32x256xf32, #tpu.memory_space<vmem>>[vector<16xi32>, vector<16xi32>], vector<16xf32>,
              %mul3A_411 = arith.mulf %gather3A_409, %gather3A_410 : vector<16xf32>
              %add3A_412 = arith.addf %add3A_405, %mul3A_411 : vector<16xf32>
              %add3A_413 = arith.addi %and3A_407, %broadcast_in_dim3A_255 : vector<16xi32>
              %and3A_414 = arith.andi %add3A_413, %broadcast_in_dim3A_257 : vector<16xi32>
              %add3A_415 = arith.addi %add3A_391, %and3A_414 : vector<16xi32>
              %gather3A_416 = tpu.vector_load_idx %arg13[%add3A_253, %add3A_415] : memref<32x256xf32, #tpu.memory_space<vmem>>[vector<16xi32>, vector<16xi32>], vector<16xf32>,
              %gather3A_417 = tpu.vector_load_idx %arg14[%add3A_253, %add3A_415] : memref<32x256xf32, #tpu.memory_space<vmem>>[vector<16xi32>, vector<16xi32>], vector<16xf32>,
              %mul3A_418 = arith.mulf %gather3A_416, %gather3A_417 : vector<16xf32>
              %add3A_419 = arith.addf %add3A_412, %mul3A_418 : vector<16xf32>
              %add3A_420 = arith.addi %and3A_414, %broadcast_in_dim3A_255 : vector<16xi32>
              %and3A_421 = arith.andi %add3A_420, %broadcast_in_dim3A_257 : vector<16xi32>
              %add3A_422 = arith.addi %add3A_391, %and3A_421 : vector<16xi32>
              %gather3A_423 = tpu.vector_load_idx %arg13[%add3A_253, %add3A_422] : memref<32x256xf32, #tpu.memory_space<vmem>>[vector<16xi32>, vector<16xi32>], vector<16xf32>,
              %gather3A_424 = tpu.vector_load_idx %arg14[%add3A_253, %add3A_422] : memref<32x256xf32, #tpu.memory_space<vmem>>[vector<16xi32>, vector<16xi32>], vector<16xf32>,
              %mul3A_425 = arith.mulf %gather3A_423, %gather3A_424 : vector<16xf32>
              %add3A_426 = arith.addf %add3A_419, %mul3A_425 : vector<16xf32>
              %add3A_427 = arith.addi %and3A_421, %broadcast_in_dim3A_255 : vector<16xi32>
              %and3A_428 = arith.andi %add3A_427, %broadcast_in_dim3A_257 : vector<16xi32>
              %add3A_429 = arith.addi %add3A_391, %and3A_428 : vector<16xi32>
              %gather3A_430 = tpu.vector_load_idx %arg13[%add3A_253, %add3A_429] : memref<32x256xf32, #tpu.memory_space<vmem>>[vector<16xi32>, vector<16xi32>], vector<16xf32>,
              %gather3A_431 = tpu.vector_load_idx %arg14[%add3A_253, %add3A_429] : memref<32x256xf32, #tpu.memory_space<vmem>>[vector<16xi32>, vector<16xi32>], vector<16xf32>,
              %mul3A_432 = arith.mulf %gather3A_430, %gather3A_431 : vector<16xf32>
              %add3A_433 = arith.addf %add3A_426, %mul3A_432 : vector<16xf32>
              %add3A_434 = arith.addi %and3A_428, %broadcast_in_dim3A_255 : vector<16xi32>
              %and3A_435 = arith.andi %add3A_434, %broadcast_in_dim3A_257 : vector<16xi32>
              %add3A_436 = arith.addi %add3A_391, %and3A_435 : vector<16xi32>
              %gather3A_437 = tpu.vector_load_idx %arg13[%add3A_253, %add3A_436] : memref<32x256xf32, #tpu.memory_space<vmem>>[vector<16xi32>, vector<16xi32>], vector<16xf32>,
              %gather3A_438 = tpu.vector_load_idx %arg14[%add3A_253, %add3A_436] : memref<32x256xf32, #tpu.memory_space<vmem>>[vector<16xi32>, vector<16xi32>], vector<16xf32>,
              %mul3A_439 = arith.mulf %gather3A_437, %gather3A_438 : vector<16xf32>
              %add3A_440 = arith.addf %add3A_433, %mul3A_439 : vector<16xf32>
              %add3A_441 = arith.addi %and3A_435, %broadcast_in_dim3A_255 : vector<16xi32>
              %and3A_442 = arith.andi %add3A_441, %broadcast_in_dim3A_257 : vector<16xi32>
              %add3A_443 = arith.addi %add3A_391, %and3A_442 : vector<16xi32>
              %gather3A_444 = tpu.vector_load_idx %arg13[%add3A_253, %add3A_443] : memref<32x256xf32, #tpu.memory_space<vmem>>[vector<16xi32>, vector<16xi32>], vector<16xf32>,
              %gather3A_445 = tpu.vector_load_idx %arg14[%add3A_253, %add3A_443] : memref<32x256xf32, #tpu.memory_space<vmem>>[vector<16xi32>, vector<16xi32>], vector<16xf32>,
              %mul3A_446 = arith.mulf %gather3A_444, %gather3A_445 : vector<16xf32>
              %add3A_447 = arith.addf %add3A_440, %mul3A_446 : vector<16xf32>
              %add3A_448 = arith.addi %and3A_442, %broadcast_in_dim3A_255 : vector<16xi32>
              %and3A_449 = arith.andi %add3A_448, %broadcast_in_dim3A_257 : vector<16xi32>
              %add3A_450 = arith.addi %add3A_391, %and3A_449 : vector<16xi32>
              %gather3A_451 = tpu.vector_load_idx %arg13[%add3A_253, %add3A_450] : memref<32x256xf32, #tpu.memory_space<vmem>>[vector<16xi32>, vector<16xi32>], vector<16xf32>,
              %gather3A_452 = tpu.vector_load_idx %arg14[%add3A_253, %add3A_450] : memref<32x256xf32, #tpu.memory_space<vmem>>[vector<16xi32>, vector<16xi32>], vector<16xf32>,
              %mul3A_453 = arith.mulf %gather3A_451, %gather3A_452 : vector<16xf32>
              %add3A_454 = arith.addf %add3A_447, %mul3A_453 : vector<16xf32>
              %add3A_455 = arith.addi %and3A_449, %broadcast_in_dim3A_255 : vector<16xi32>
              %and3A_456 = arith.andi %add3A_455, %broadcast_in_dim3A_257 : vector<16xi32>
              %add3A_457 = arith.addi %add3A_391, %and3A_456 : vector<16xi32>
              %gather3A_458 = tpu.vector_load_idx %arg13[%add3A_253, %add3A_457] : memref<32x256xf32, #tpu.memory_space<vmem>>[vector<16xi32>, vector<16xi32>], vector<16xf32>,
              %gather3A_459 = tpu.vector_load_idx %arg14[%add3A_253, %add3A_457] : memref<32x256xf32, #tpu.memory_space<vmem>>[vector<16xi32>, vector<16xi32>], vector<16xf32>,
              %mul3A_460 = arith.mulf %gather3A_458, %gather3A_459 : vector<16xf32>
              %add3A_461 = arith.addf %add3A_454, %mul3A_460 : vector<16xf32>
              %add3A_462 = arith.addi %and3A_456, %broadcast_in_dim3A_255 : vector<16xi32>
              %and3A_463 = arith.andi %add3A_462, %broadcast_in_dim3A_257 : vector<16xi32>
              %add3A_464 = arith.addi %add3A_391, %and3A_463 : vector<16xi32>
              %gather3A_465 = tpu.vector_load_idx %arg13[%add3A_253, %add3A_464] : memref<32x256xf32, #tpu.memory_space<vmem>>[vector<16xi32>, vector<16xi32>], vector<16xf32>,
              %gather3A_466 = tpu.vector_load_idx %arg14[%add3A_253, %add3A_464] : memref<32x256xf32, #tpu.memory_space<vmem>>[vector<16xi32>, vector<16xi32>], vector<16xf32>,
              %mul3A_467 = arith.mulf %gather3A_465, %gather3A_466 : vector<16xf32>
              %add3A_468 = arith.addf %add3A_461, %mul3A_467 : vector<16xf32>
              %add3A_469 = arith.addi %and3A_463, %broadcast_in_dim3A_255 : vector<16xi32>
              %and3A_470 = arith.andi %add3A_469, %broadcast_in_dim3A_257 : vector<16xi32>
              %add3A_471 = arith.addi %add3A_391, %and3A_470 : vector<16xi32>
              %gather3A_472 = tpu.vector_load_idx %arg13[%add3A_253, %add3A_471] : memref<32x256xf32, #tpu.memory_space<vmem>>[vector<16xi32>, vector<16xi32>], vector<16xf32>,
              %gather3A_473 = tpu.vector_load_idx %arg14[%add3A_253, %add3A_471] : memref<32x256xf32, #tpu.memory_space<vmem>>[vector<16xi32>, vector<16xi32>], vector<16xf32>,
              %mul3A_474 = arith.mulf %gather3A_472, %gather3A_473 : vector<16xf32>
              %add3A_475 = arith.addf %add3A_468, %mul3A_474 : vector<16xf32>
              %add3A_476 = arith.addi %and3A_470, %broadcast_in_dim3A_255 : vector<16xi32>
              %and3A_477 = arith.andi %add3A_476, %broadcast_in_dim3A_257 : vector<16xi32>
              %add3A_478 = arith.addi %add3A_391, %and3A_477 : vector<16xi32>
              %gather3A_479 = tpu.vector_load_idx %arg13[%add3A_253, %add3A_478] : memref<32x256xf32, #tpu.memory_space<vmem>>[vector<16xi32>, vector<16xi32>], vector<16xf32>,
              %gather3A_480 = tpu.vector_load_idx %arg14[%add3A_253, %add3A_478] : memref<32x256xf32, #tpu.memory_space<vmem>>[vector<16xi32>, vector<16xi32>], vector<16xf32>,
              %mul3A_481 = arith.mulf %gather3A_479, %gather3A_480 : vector<16xf32>
              %add3A_482 = arith.addf %add3A_475, %mul3A_481 : vector<16xf32>
              %add3A_483 = arith.addi %and3A_477, %broadcast_in_dim3A_255 : vector<16xi32>
              %and3A_484 = arith.andi %add3A_483, %broadcast_in_dim3A_257 : vector<16xi32>
              %add3A_485 = arith.addi %add3A_391, %and3A_484 : vector<16xi32>
              %gather3A_486 = tpu.vector_load_idx %arg13[%add3A_253, %add3A_485] : memref<32x256xf32, #tpu.memory_space<vmem>>[vector<16xi32>, vector<16xi32>], vector<16xf32>,
              %gather3A_487 = tpu.vector_load_idx %arg14[%add3A_253, %add3A_485] : memref<32x256xf32, #tpu.memory_space<vmem>>[vector<16xi32>, vector<16xi32>], vector<16xf32>,
              %mul3A_488 = arith.mulf %gather3A_486, %gather3A_487 : vector<16xf32>
              %add3A_489 = arith.addf %add3A_482, %mul3A_488 : vector<16xf32>
              %add3A_490 = arith.addi %and3A_484, %broadcast_in_dim3A_255 : vector<16xi32>
              %and3A_491 = arith.andi %add3A_490, %broadcast_in_dim3A_257 : vector<16xi32>
              %add3A_492 = arith.addi %add3A_391, %and3A_491 : vector<16xi32>
              %gather3A_493 = tpu.vector_load_idx %arg13[%add3A_253, %add3A_492] : memref<32x256xf32, #tpu.memory_space<vmem>>[vector<16xi32>, vector<16xi32>], vector<16xf32>,
              %gather3A_494 = tpu.vector_load_idx %arg14[%add3A_253, %add3A_492] : memref<32x256xf32, #tpu.memory_space<vmem>>[vector<16xi32>, vector<16xi32>], vector<16xf32>,
              %mul3A_495 = arith.mulf %gather3A_493, %gather3A_494 : vector<16xf32>
              %add3A_496 = arith.addf %add3A_489, %mul3A_495 : vector<16xf32>
              %add3A_497 = arith.addi %and3A_491, %broadcast_in_dim3A_255 : vector<16xi32>
              %and3A_498 = arith.andi %add3A_497, %broadcast_in_dim3A_257 : vector<16xi32>
              %add3A_499 = arith.addi %add3A_391, %and3A_498 : vector<16xi32>
              %gather3A_500 = tpu.vector_load_idx %arg13[%add3A_253, %add3A_499] : memref<32x256xf32, #tpu.memory_space<vmem>>[vector<16xi32>, vector<16xi32>], vector<16xf32>,
              %gather3A_501 = tpu.vector_load_idx %arg14[%add3A_253, %add3A_499] : memref<32x256xf32, #tpu.memory_space<vmem>>[vector<16xi32>, vector<16xi32>], vector<16xf32>,
              %mul3A_502 = arith.mulf %gather3A_500, %gather3A_501 : vector<16xf32>
              %add3A_503 = arith.addf %add3A_496, %mul3A_502 : vector<16xf32>
              %add3A_504 = arith.addi %and3A_498, %broadcast_in_dim3A_255 : vector<16xi32>
              %and3A_505 = arith.andi %add3A_504, %broadcast_in_dim3A_257 : vector<16xi32>
              %add3A_506 = arith.addi %add3A_391, %and3A_505 : vector<16xi32>
              %gather3A_507 = tpu.vector_load_idx %arg13[%add3A_253, %add3A_506] : memref<32x256xf32, #tpu.memory_space<vmem>>[vector<16xi32>, vector<16xi32>], vector<16xf32>,
              %gather3A_508 = tpu.vector_load_idx %arg14[%add3A_253, %add3A_506] : memref<32x256xf32, #tpu.memory_space<vmem>>[vector<16xi32>, vector<16xi32>], vector<16xf32>,
              %mul3A_509 = arith.mulf %gather3A_507, %gather3A_508 : vector<16xf32>
              %add3A_510 = arith.addf %add3A_503, %mul3A_509 : vector<16xf32>
              %add3A_511 = arith.addi %and3A_505, %broadcast_in_dim3A_255 : vector<16xi32>
              %and3A_512 = arith.andi %add3A_511, %broadcast_in_dim3A_257 : vector<16xi32>
              %add3A_513 = arith.addi %add3A_391, %and3A_512 : vector<16xi32>
              %gather3A_514 = tpu.vector_load_idx %arg13[%add3A_253, %add3A_513] : memref<32x256xf32, #tpu.memory_space<vmem>>[vector<16xi32>, vector<16xi32>], vector<16xf32>,
              %gather3A_515 = tpu.vector_load_idx %arg14[%add3A_253, %add3A_513] : memref<32x256xf32, #tpu.memory_space<vmem>>[vector<16xi32>, vector<16xi32>], vector<16xf32>,
              %mul3A_516 = arith.mulf %gather3A_514, %gather3A_515 : vector<16xf32>
              %add3A_517 = arith.addf %add3A_510, %mul3A_516 : vector<16xf32>
              %add3A_518 = arith.addi %and3A_512, %broadcast_in_dim3A_255 : vector<16xi32>
              %and3A_519 = arith.andi %add3A_518, %broadcast_in_dim3A_257 : vector<16xi32>
              %add3A_520 = arith.addi %add3A_391, %and3A_519 : vector<16xi32>
              %gather3A_521 = tpu.vector_load_idx %arg13[%add3A_253, %add3A_520] : memref<32x256xf32, #tpu.memory_space<vmem>>[vector<16xi32>, vector<16xi32>], vector<16xf32>,
              %gather3A_522 = tpu.vector_load_idx %arg14[%add3A_253, %add3A_520] : memref<32x256xf32, #tpu.memory_space<vmem>>[vector<16xi32>, vector<16xi32>], vector<16xf32>,
              %mul3A_523 = arith.mulf %gather3A_521, %gather3A_522 : vector<16xf32>
              %add3A_524 = arith.addf %add3A_517, %mul3A_523 : vector<16xf32>
              %add3A_525 = arith.addi %and3A_519, %broadcast_in_dim3A_255 : vector<16xi32>
              %and3A_526 = arith.andi %add3A_525, %broadcast_in_dim3A_257 : vector<16xi32>
              %add3A_527 = arith.addi %add3A_391, %and3A_526 : vector<16xi32>
              %gather3A_528 = tpu.vector_load_idx %arg13[%add3A_253, %add3A_527] : memref<32x256xf32, #tpu.memory_space<vmem>>[vector<16xi32>, vector<16xi32>], vector<16xf32>,
              %gather3A_529 = tpu.vector_load_idx %arg14[%add3A_253, %add3A_527] : memref<32x256xf32, #tpu.memory_space<vmem>>[vector<16xi32>, vector<16xi32>], vector<16xf32>,
              %mul3A_530 = arith.mulf %gather3A_528, %gather3A_529 : vector<16xf32>
              %add3A_531 = arith.addf %add3A_524, %mul3A_530 : vector<16xf32>
              %add3A_532 = arith.addi %and3A_526, %broadcast_in_dim3A_255 : vector<16xi32>
              %and3A_533 = arith.andi %add3A_532, %broadcast_in_dim3A_257 : vector<16xi32>
              %add3A_534 = arith.addi %add3A_391, %and3A_533 : vector<16xi32>
              %gather3A_535 = tpu.vector_load_idx %arg13[%add3A_253, %add3A_534] : memref<32x256xf32, #tpu.memory_space<vmem>>[vector<16xi32>, vector<16xi32>], vector<16xf32>,
              %gather3A_536 = tpu.vector_load_idx %arg14[%add3A_253, %add3A_534] : memref<32x256xf32, #tpu.memory_space<vmem>>[vector<16xi32>, vector<16xi32>], vector<16xf32>,
              %mul3A_537 = arith.mulf %gather3A_535, %gather3A_536 : vector<16xf32>
              %add3A_538 = arith.addf %add3A_531, %mul3A_537 : vector<16xf32>
              %add3A_539 = arith.addi %and3A_533, %broadcast_in_dim3A_255 : vector<16xi32>
              %and3A_540 = arith.andi %add3A_539, %broadcast_in_dim3A_257 : vector<16xi32>
              %add3A_541 = arith.addi %add3A_391, %and3A_540 : vector<16xi32>
              %gather3A_542 = tpu.vector_load_idx %arg13[%add3A_253, %add3A_541] : memref<32x256xf32, #tpu.memory_space<vmem>>[vector<16xi32>, vector<16xi32>], vector<16xf32>,
              %gather3A_543 = tpu.vector_load_idx %arg14[%add3A_253, %add3A_541] : memref<32x256xf32, #tpu.memory_space<vmem>>[vector<16xi32>, vector<16xi32>], vector<16xf32>,
              %mul3A_544 = arith.mulf %gather3A_542, %gather3A_543 : vector<16xf32>
              %add3A_545 = arith.addf %add3A_538, %mul3A_544 : vector<16xf32>
              %add3A_546 = arith.addi %and3A_540, %broadcast_in_dim3A_255 : vector<16xi32>
              %and3A_547 = arith.andi %add3A_546, %broadcast_in_dim3A_257 : vector<16xi32>
              %add3A_548 = arith.addi %add3A_391, %and3A_547 : vector<16xi32>
              %gather3A_549 = tpu.vector_load_idx %arg13[%add3A_253, %add3A_548] : memref<32x256xf32, #tpu.memory_space<vmem>>[vector<16xi32>, vector<16xi32>], vector<16xf32>,
              %gather3A_550 = tpu.vector_load_idx %arg14[%add3A_253, %add3A_548] : memref<32x256xf32, #tpu.memory_space<vmem>>[vector<16xi32>, vector<16xi32>], vector<16xf32>,
              %mul3A_551 = arith.mulf %gather3A_549, %gather3A_550 : vector<16xf32>
              %add3A_552 = arith.addf %add3A_545, %mul3A_551 : vector<16xf32>
              %add3A_553 = arith.addi %and3A_547, %broadcast_in_dim3A_255 : vector<16xi32>
              %and3A_554 = arith.andi %add3A_553, %broadcast_in_dim3A_257 : vector<16xi32>
              %add3A_555 = arith.addi %add3A_391, %and3A_554 : vector<16xi32>
              %gather3A_556 = tpu.vector_load_idx %arg13[%add3A_253, %add3A_555] : memref<32x256xf32, #tpu.memory_space<vmem>>[vector<16xi32>, vector<16xi32>], vector<16xf32>,
              %gather3A_557 = tpu.vector_load_idx %arg14[%add3A_253, %add3A_555] : memref<32x256xf32, #tpu.memory_space<vmem>>[vector<16xi32>, vector<16xi32>], vector<16xf32>,
              %mul3A_558 = arith.mulf %gather3A_556, %gather3A_557 : vector<16xf32>
              %add3A_559 = arith.addf %add3A_552, %mul3A_558 : vector<16xf32>
              %add3A_560 = arith.addi %and3A_554, %broadcast_in_dim3A_255 : vector<16xi32>
              %and3A_561 = arith.andi %add3A_560, %broadcast_in_dim3A_257 : vector<16xi32>
              %add3A_562 = arith.addi %add3A_391, %and3A_561 : vector<16xi32>
              %gather3A_563 = tpu.vector_load_idx %arg13[%add3A_253, %add3A_562] : memref<32x256xf32, #tpu.memory_space<vmem>>[vector<16xi32>, vector<16xi32>], vector<16xf32>,
              %gather3A_564 = tpu.vector_load_idx %arg14[%add3A_253, %add3A_562] : memref<32x256xf32, #tpu.memory_space<vmem>>[vector<16xi32>, vector<16xi32>], vector<16xf32>,
              %mul3A_565 = arith.mulf %gather3A_563, %gather3A_564 : vector<16xf32>
              %add3A_566 = arith.addf %add3A_559, %mul3A_565 : vector<16xf32>
              %add3A_567 = arith.addi %and3A_561, %broadcast_in_dim3A_255 : vector<16xi32>
              %and3A_568 = arith.andi %add3A_567, %broadcast_in_dim3A_257 : vector<16xi32>
              %add3A_569 = arith.addi %add3A_391, %and3A_568 : vector<16xi32>
              %gather3A_570 = tpu.vector_load_idx %arg13[%add3A_253, %add3A_569] : memref<32x256xf32, #tpu.memory_space<vmem>>[vector<16xi32>, vector<16xi32>], vector<16xf32>,
              %gather3A_571 = tpu.vector_load_idx %arg14[%add3A_253, %add3A_569] : memref<32x256xf32, #tpu.memory_space<vmem>>[vector<16xi32>, vector<16xi32>], vector<16xf32>,
              %mul3A_572 = arith.mulf %gather3A_570, %gather3A_571 : vector<16xf32>
              %add3A_573 = arith.addf %add3A_566, %mul3A_572 : vector<16xf32>
              %add3A_574 = arith.addi %and3A_568, %broadcast_in_dim3A_255 : vector<16xi32>
              %and3A_575 = arith.andi %add3A_574, %broadcast_in_dim3A_257 : vector<16xi32>
              %add3A_576 = arith.addi %add3A_391, %and3A_575 : vector<16xi32>
              %gather3A_577 = tpu.vector_load_idx %arg13[%add3A_253, %add3A_576] : memref<32x256xf32, #tpu.memory_space<vmem>>[vector<16xi32>, vector<16xi32>], vector<16xf32>,
              %gather3A_578 = tpu.vector_load_idx %arg14[%add3A_253, %add3A_576] : memref<32x256xf32, #tpu.memory_space<vmem>>[vector<16xi32>, vector<16xi32>], vector<16xf32>,
              %mul3A_579 = arith.mulf %gather3A_577, %gather3A_578 : vector<16xf32>
              %add3A_580 = arith.addf %add3A_573, %mul3A_579 : vector<16xf32>
              %add3A_581 = arith.addi %and3A_575, %broadcast_in_dim3A_255 : vector<16xi32>
              %and3A_582 = arith.andi %add3A_581, %broadcast_in_dim3A_257 : vector<16xi32>
              %add3A_583 = arith.addi %add3A_391, %and3A_582 : vector<16xi32>
              %gather3A_584 = tpu.vector_load_idx %arg13[%add3A_253, %add3A_583] : memref<32x256xf32, #tpu.memory_space<vmem>>[vector<16xi32>, vector<16xi32>], vector<16xf32>,
              %gather3A_585 = tpu.vector_load_idx %arg14[%add3A_253, %add3A_583] : memref<32x256xf32, #tpu.memory_space<vmem>>[vector<16xi32>, vector<16xi32>], vector<16xf32>,
              %mul3A_586 = arith.mulf %gather3A_584, %gather3A_585 : vector<16xf32>
              %add3A_587 = arith.addf %add3A_580, %mul3A_586 : vector<16xf32>
              %add3A_588 = arith.addi %and3A_582, %broadcast_in_dim3A_255 : vector<16xi32>
              %and3A_589 = arith.andi %add3A_588, %broadcast_in_dim3A_257 : vector<16xi32>
              %add3A_590 = arith.addi %add3A_391, %and3A_589 : vector<16xi32>
              %gather3A_591 = tpu.vector_load_idx %arg13[%add3A_253, %add3A_590] : memref<32x256xf32, #tpu.memory_space<vmem>>[vector<16xi32>, vector<16xi32>], vector<16xf32>,
              %gather3A_592 = tpu.vector_load_idx %arg14[%add3A_253, %add3A_590] : memref<32x256xf32, #tpu.memory_space<vmem>>[vector<16xi32>, vector<16xi32>], vector<16xf32>,
              %mul3A_593 = arith.mulf %gather3A_591, %gather3A_592 : vector<16xf32>
              %add3A_594 = arith.addf %add3A_587, %mul3A_593 : vector<16xf32>
              %add3A_595 = arith.addi %and3A_589, %broadcast_in_dim3A_255 : vector<16xi32>
              %and3A_596 = arith.andi %add3A_595, %broadcast_in_dim3A_257 : vector<16xi32>
              %add3A_597 = arith.addi %add3A_391, %and3A_596 : vector<16xi32>
              %gather3A_598 = tpu.vector_load_idx %arg13[%add3A_253, %add3A_597] : memref<32x256xf32, #tpu.memory_space<vmem>>[vector<16xi32>, vector<16xi32>], vector<16xf32>,
              %gather3A_599 = tpu.vector_load_idx %arg14[%add3A_253, %add3A_597] : memref<32x256xf32, #tpu.memory_space<vmem>>[vector<16xi32>, vector<16xi32>], vector<16xf32>,
              %mul3A_600 = arith.mulf %gather3A_598, %gather3A_599 : vector<16xf32>
              %add3A_601 = arith.addf %add3A_594, %mul3A_600 : vector<16xf32>
              %add3A_602 = arith.addi %and3A_596, %broadcast_in_dim3A_255 : vector<16xi32>
              %and3A_603 = arith.andi %add3A_602, %broadcast_in_dim3A_257 : vector<16xi32>
              %add3A_604 = arith.addi %add3A_391, %and3A_603 : vector<16xi32>
              %gather3A_605 = tpu.vector_load_idx %arg13[%add3A_253, %add3A_604] : memref<32x256xf32, #tpu.memory_space<vmem>>[vector<16xi32>, vector<16xi32>], vector<16xf32>,
              %gather3A_606 = tpu.vector_load_idx %arg14[%add3A_253, %add3A_604] : memref<32x256xf32, #tpu.memory_space<vmem>>[vector<16xi32>, vector<16xi32>], vector<16xf32>,
              %mul3A_607 = arith.mulf %gather3A_605, %gather3A_606 : vector<16xf32>
              %add3A_608 = arith.addf %add3A_601, %mul3A_607 : vector<16xf32>
              %add3A_609 = arith.addi %and3A_603, %broadcast_in_dim3A_255 : vector<16xi32>
              %and3A_610 = arith.andi %add3A_609, %broadcast_in_dim3A_257 : vector<16xi32>
              %add3A_611 = arith.addi %add3A_391, %and3A_610 : vector<16xi32>
              %gather3A_612 = tpu.vector_load_idx %arg13[%add3A_253, %add3A_611] : memref<32x256xf32, #tpu.memory_space<vmem>>[vector<16xi32>, vector<16xi32>], vector<16xf32>,
              %gather3A_613 = tpu.vector_load_idx %arg14[%add3A_253, %add3A_611] : memref<32x256xf32, #tpu.memory_space<vmem>>[vector<16xi32>, vector<16xi32>], vector<16xf32>,
              %mul3A_614 = arith.mulf %gather3A_612, %gather3A_613 : vector<16xf32>
              %add3A_615 = arith.addf %add3A_608, %mul3A_614 : vector<16xf32>
              %add3A_616 = arith.addi %and3A_610, %broadcast_in_dim3A_255 : vector<16xi32>
              %and3A_617 = arith.andi %add3A_616, %broadcast_in_dim3A_257 : vector<16xi32>
              %add3A_618 = vector.broadcast %scan3A_387 : i32 to vector<16xi32>
              %add3A_619 = arith.addi %broadcast_in_dim3A_1, %add3A_618 : vector<16xi32>
              tpu.vector_store_idx %arg19[%add3A_619, %iota3A], %add3A_615 : memref<8x16xf32, #tpu.memory_space<vmem>>[vector<16xi32>, vector<16xi32>], vector<16xf32>,
            }
            %scan3A_263 = arith.constant 8 : i32
            %broadcast_in_dim3A_264 = arith.constant 0 : i32
            %broadcast_in_dim3A_265 = vector.broadcast %broadcast_in_dim3A_264 : i32 to vector<16xi32>
            %gather3A = tpu.vector_load_idx %arg19[%broadcast_in_dim3A_265, %iota3A] : memref<8x16xf32, #tpu.memory_space<vmem>>[vector<16xi32>, vector<16xi32>], vector<16xf32>,
            %mul3A_266 = arith.constant 0.176776692 : f32
            %mul3A_267 = vector.broadcast %mul3A_266 : f32 to vector<16xf32>
            %mul3A_268 = arith.mulf %gather3A, %mul3A_267 : vector<16xf32>
            %broadcast_in_dim3A_269 = arith.constant 1 : i32
            %broadcast_in_dim3A_270 = vector.broadcast %broadcast_in_dim3A_269 : i32 to vector<16xi32>
            %gather3A_271 = tpu.vector_load_idx %arg19[%broadcast_in_dim3A_270, %iota3A] : memref<8x16xf32, #tpu.memory_space<vmem>>[vector<16xi32>, vector<16xi32>], vector<16xf32>,
            %mul3A_272 = arith.constant 0.176776692 : f32
            %mul3A_273 = vector.broadcast %mul3A_272 : f32 to vector<16xf32>
            %mul3A_274 = arith.mulf %gather3A_271, %mul3A_273 : vector<16xf32>
            %broadcast_in_dim3A_275 = arith.constant 2 : i32
            %broadcast_in_dim3A_276 = vector.broadcast %broadcast_in_dim3A_275 : i32 to vector<16xi32>
            %gather3A_277 = tpu.vector_load_idx %arg19[%broadcast_in_dim3A_276, %iota3A] : memref<8x16xf32, #tpu.memory_space<vmem>>[vector<16xi32>, vector<16xi32>], vector<16xf32>,
            %mul3A_278 = arith.constant 0.176776692 : f32
            %mul3A_279 = vector.broadcast %mul3A_278 : f32 to vector<16xf32>
            %mul3A_280 = arith.mulf %gather3A_277, %mul3A_279 : vector<16xf32>
            %broadcast_in_dim3A_281 = arith.constant 3 : i32
            %broadcast_in_dim3A_282 = vector.broadcast %broadcast_in_dim3A_281 : i32 to vector<16xi32>
            %gather3A_283 = tpu.vector_load_idx %arg19[%broadcast_in_dim3A_282, %iota3A] : memref<8x16xf32, #tpu.memory_space<vmem>>[vector<16xi32>, vector<16xi32>], vector<16xf32>,
            %mul3A_284 = arith.constant 0.176776692 : f32
            %mul3A_285 = vector.broadcast %mul3A_284 : f32 to vector<16xf32>
            %mul3A_286 = arith.mulf %gather3A_283, %mul3A_285 : vector<16xf32>
            %broadcast_in_dim3A_287 = arith.constant 4 : i32
            %broadcast_in_dim3A_288 = vector.broadcast %broadcast_in_dim3A_287 : i32 to vector<16xi32>
            %gather3A_289 = tpu.vector_load_idx %arg19[%broadcast_in_dim3A_288, %iota3A] : memref<8x16xf32, #tpu.memory_space<vmem>>[vector<16xi32>, vector<16xi32>], vector<16xf32>,
            %mul3A_290 = arith.constant 0.176776692 : f32
            %mul3A_291 = vector.broadcast %mul3A_290 : f32 to vector<16xf32>
            %mul3A_292 = arith.mulf %gather3A_289, %mul3A_291 : vector<16xf32>
            %broadcast_in_dim3A_293 = arith.constant 5 : i32
            %broadcast_in_dim3A_294 = vector.broadcast %broadcast_in_dim3A_293 : i32 to vector<16xi32>
            %gather3A_295 = tpu.vector_load_idx %arg19[%broadcast_in_dim3A_294, %iota3A] : memref<8x16xf32, #tpu.memory_space<vmem>>[vector<16xi32>, vector<16xi32>], vector<16xf32>,
            %mul3A_296 = arith.constant 0.176776692 : f32
            %mul3A_297 = vector.broadcast %mul3A_296 : f32 to vector<16xf32>
            %mul3A_298 = arith.mulf %gather3A_295, %mul3A_297 : vector<16xf32>
            %broadcast_in_dim3A_299 = arith.constant 6 : i32
            %broadcast_in_dim3A_300 = vector.broadcast %broadcast_in_dim3A_299 : i32 to vector<16xi32>
            %gather3A_301 = tpu.vector_load_idx %arg19[%broadcast_in_dim3A_300, %iota3A] : memref<8x16xf32, #tpu.memory_space<vmem>>[vector<16xi32>, vector<16xi32>], vector<16xf32>,
            %mul3A_302 = arith.constant 0.176776692 : f32
            %mul3A_303 = vector.broadcast %mul3A_302 : f32 to vector<16xf32>
            %mul3A_304 = arith.mulf %gather3A_301, %mul3A_303 : vector<16xf32>
            %broadcast_in_dim3A_305 = arith.constant 7 : i32
            %broadcast_in_dim3A_306 = vector.broadcast %broadcast_in_dim3A_305 : i32 to vector<16xi32>
            %gather3A_307 = tpu.vector_load_idx %arg19[%broadcast_in_dim3A_306, %iota3A] : memref<8x16xf32, #tpu.memory_space<vmem>>[vector<16xi32>, vector<16xi32>], vector<16xf32>,
            %mul3A_308 = arith.constant 0.176776692 : f32
            %mul3A_309 = vector.broadcast %mul3A_308 : f32 to vector<16xf32>
            %mul3A_310 = arith.mulf %gather3A_307, %mul3A_309 : vector<16xf32>
            %max3A = arith.maximumf %mul3A_268, %mul3A_274 : vector<16xf32>
            %max3A_311 = arith.maximumf %max3A, %mul3A_280 : vector<16xf32>
            %max3A_312 = arith.maximumf %max3A_311, %mul3A_286 : vector<16xf32>
            %max3A_313 = arith.maximumf %max3A_312, %mul3A_292 : vector<16xf32>
            %max3A_314 = arith.maximumf %max3A_313, %mul3A_298 : vector<16xf32>
            %max3A_315 = arith.maximumf %max3A_314, %mul3A_304 : vector<16xf32>
            %max3A_316 = arith.maximumf %max3A_315, %mul3A_310 : vector<16xf32>
            %sub3A_317 = arith.subf %mul3A_268, %max3A_316 : vector<16xf32>
            %exp3A = math.exp %sub3A_317 : vector<16xf32>
            %sub3A_318 = arith.subf %mul3A_274, %max3A_316 : vector<16xf32>
            %exp3A_319 = math.exp %sub3A_318 : vector<16xf32>
            %sub3A_320 = arith.subf %mul3A_280, %max3A_316 : vector<16xf32>
            %exp3A_321 = math.exp %sub3A_320 : vector<16xf32>
            %sub3A_322 = arith.subf %mul3A_286, %max3A_316 : vector<16xf32>
            %exp3A_323 = math.exp %sub3A_322 : vector<16xf32>
            %sub3A_324 = arith.subf %mul3A_292, %max3A_316 : vector<16xf32>
            %exp3A_325 = math.exp %sub3A_324 : vector<16xf32>
            %sub3A_326 = arith.subf %mul3A_298, %max3A_316 : vector<16xf32>
            %exp3A_327 = math.exp %sub3A_326 : vector<16xf32>
            %sub3A_328 = arith.subf %mul3A_304, %max3A_316 : vector<16xf32>
            %exp3A_329 = math.exp %sub3A_328 : vector<16xf32>
            %sub3A_330 = arith.subf %mul3A_310, %max3A_316 : vector<16xf32>
            %exp3A_331 = math.exp %sub3A_330 : vector<16xf32>
            %add3A_332 = arith.addf %exp3A, %exp3A_319 : vector<16xf32>
            %add3A_333 = arith.addf %add3A_332, %exp3A_321 : vector<16xf32>
            %add3A_334 = arith.addf %add3A_333, %exp3A_323 : vector<16xf32>
            %add3A_335 = arith.addf %add3A_334, %exp3A_325 : vector<16xf32>
            %add3A_336 = arith.addf %add3A_335, %exp3A_327 : vector<16xf32>
            %add3A_337 = arith.addf %add3A_336, %exp3A_329 : vector<16xf32>
            %add3A_338 = arith.addf %add3A_337, %exp3A_331 : vector<16xf32>
            %div3A_339 = arith.constant 1.000000e+00 : f32
            %div3A_340 = vector.broadcast %div3A_339 : f32 to vector<16xf32>
            %div3A_341 = arith.divf %div3A_340, %add3A_338 : vector<16xf32>
            %broadcast_in_dim3A_342 = arith.constant 0 : i32
            %broadcast_in_dim3A_343 = vector.broadcast %broadcast_in_dim3A_342 : i32 to vector<16xi32>
            %mul3A_344 = arith.mulf %exp3A, %div3A_341 : vector<16xf32>
            tpu.vector_store_idx %arg19[%broadcast_in_dim3A_343, %iota3A], %mul3A_344 : memref<8x16xf32, #tpu.memory_space<vmem>>[vector<16xi32>, vector<16xi32>], vector<16xf32>,
            %broadcast_in_dim3A_345 = arith.constant 1 : i32
            %broadcast_in_dim3A_346 = vector.broadcast %broadcast_in_dim3A_345 : i32 to vector<16xi32>
            %mul3A_347 = arith.mulf %exp3A_319, %div3A_341 : vector<16xf32>
            tpu.vector_store_idx %arg19[%broadcast_in_dim3A_346, %iota3A], %mul3A_347 : memref<8x16xf32, #tpu.memory_space<vmem>>[vector<16xi32>, vector<16xi32>], vector<16xf32>,
            %broadcast_in_dim3A_348 = arith.constant 2 : i32
            %broadcast_in_dim3A_349 = vector.broadcast %broadcast_in_dim3A_348 : i32 to vector<16xi32>
            %mul3A_350 = arith.mulf %exp3A_321, %div3A_341 : vector<16xf32>
            tpu.vector_store_idx %arg19[%broadcast_in_dim3A_349, %iota3A], %mul3A_350 : memref<8x16xf32, #tpu.memory_space<vmem>>[vector<16xi32>, vector<16xi32>], vector<16xf32>,
            %broadcast_in_dim3A_351 = arith.constant 3 : i32
            %broadcast_in_dim3A_352 = vector.broadcast %broadcast_in_dim3A_351 : i32 to vector<16xi32>
            %mul3A_353 = arith.mulf %exp3A_323, %div3A_341 : vector<16xf32>
            tpu.vector_store_idx %arg19[%broadcast_in_dim3A_352, %iota3A], %mul3A_353 : memref<8x16xf32, #tpu.memory_space<vmem>>[vector<16xi32>, vector<16xi32>], vector<16xf32>,
            %broadcast_in_dim3A_354 = arith.constant 4 : i32
            %broadcast_in_dim3A_355 = vector.broadcast %broadcast_in_dim3A_354 : i32 to vector<16xi32>
            %mul3A_356 = arith.mulf %exp3A_325, %div3A_341 : vector<16xf32>
            tpu.vector_store_idx %arg19[%broadcast_in_dim3A_355, %iota3A], %mul3A_356 : memref<8x16xf32, #tpu.memory_space<vmem>>[vector<16xi32>, vector<16xi32>], vector<16xf32>,
            %broadcast_in_dim3A_357 = arith.constant 5 : i32
            %broadcast_in_dim3A_358 = vector.broadcast %broadcast_in_dim3A_357 : i32 to vector<16xi32>
            %mul3A_359 = arith.mulf %exp3A_327, %div3A_341 : vector<16xf32>
            tpu.vector_store_idx %arg19[%broadcast_in_dim3A_358, %iota3A], %mul3A_359 : memref<8x16xf32, #tpu.memory_space<vmem>>[vector<16xi32>, vector<16xi32>], vector<16xf32>,
            %broadcast_in_dim3A_360 = arith.constant 6 : i32
            %broadcast_in_dim3A_361 = vector.broadcast %broadcast_in_dim3A_360 : i32 to vector<16xi32>
            %mul3A_362 = arith.mulf %exp3A_329, %div3A_341 : vector<16xf32>
            tpu.vector_store_idx %arg19[%broadcast_in_dim3A_361, %iota3A], %mul3A_362 : memref<8x16xf32, #tpu.memory_space<vmem>>[vector<16xi32>, vector<16xi32>], vector<16xf32>,
            %broadcast_in_dim3A_363 = arith.constant 7 : i32
            %broadcast_in_dim3A_364 = vector.broadcast %broadcast_in_dim3A_363 : i32 to vector<16xi32>
            %mul3A_365 = arith.mulf %exp3A_331, %div3A_341 : vector<16xf32>
            tpu.vector_store_idx %arg19[%broadcast_in_dim3A_364, %iota3A], %mul3A_365 : memref<8x16xf32, #tpu.memory_space<vmem>>[vector<16xi32>, vector<16xi32>], vector<16xf32>,
            %scan3A_366 = arith.constant 0 : i32
            %scan3A_367 = arith.constant 0 : i32
            %scan3A_368 = arith.constant 8 : i32
            %scan3A_369 = arith.addi %scan3A_367, %scan3A_368 : i32
            %scan3A_370 = arith.constant 1 : i32
            scf.for %scan3A_387 = %scan3A_367 to %scan3A_369 step %scan3A_370  : i32 {
              %mul3A_388 = arith.constant 32 : i32
              %mul3A_389 = arith.muli %scan3A_387, %mul3A_388 : i32
              %add3A_390 = vector.broadcast %mul3A_389 : i32 to vector<16xi32>
              %add3A_391 = arith.addi %broadcast_in_dim3A_1, %add3A_390 : vector<16xi32>
              %add3A_392 = vector.broadcast %scan3A_387 : i32 to vector<16xi32>
              %add3A_393 = arith.addi %broadcast_in_dim3A_1, %add3A_392 : vector<16xi32>
              %gather3A_394 = tpu.vector_load_idx %arg19[%add3A_393, %iota3A] : memref<8x16xf32, #tpu.memory_space<vmem>>[vector<16xi32>, vector<16xi32>], vector<16xf32>,
              %add3A_395 = arith.addi %add3A_391, %iota3A : vector<16xi32>
              %gather3A_396 = tpu.vector_load_idx %arg15[%add3A_253, %add3A_395] : memref<32x256xf32, #tpu.memory_space<vmem>>[vector<16xi32>, vector<16xi32>], vector<16xf32>,
              %mul3A_397 = arith.mulf %gather3A_394, %gather3A_396 : vector<16xf32>
              tpu.vector_store_idx %arg14[%add3A_253, %add3A_395], %mul3A_397 : memref<32x256xf32, #tpu.memory_space<vmem>>[vector<16xi32>, vector<16xi32>], vector<16xf32>,
              %add3A_398 = arith.addi %iota3A, %broadcast_in_dim3A_255 : vector<16xi32>
              %and3A_399 = arith.andi %add3A_398, %broadcast_in_dim3A_257 : vector<16xi32>
              %add3A_400 = arith.addi %add3A_391, %and3A_399 : vector<16xi32>
              %gather3A_401 = tpu.vector_load_idx %arg15[%add3A_253, %add3A_400] : memref<32x256xf32, #tpu.memory_space<vmem>>[vector<16xi32>, vector<16xi32>], vector<16xf32>,
              %mul3A_402 = arith.mulf %gather3A_394, %gather3A_401 : vector<16xf32>
              tpu.vector_store_idx %arg14[%add3A_253, %add3A_400], %mul3A_402 : memref<32x256xf32, #tpu.memory_space<vmem>>[vector<16xi32>, vector<16xi32>], vector<16xf32>,
              %add3A_403 = arith.addi %and3A_399, %broadcast_in_dim3A_255 : vector<16xi32>
              %and3A_404 = arith.andi %add3A_403, %broadcast_in_dim3A_257 : vector<16xi32>
              %add3A_405 = arith.addi %add3A_391, %and3A_404 : vector<16xi32>
              %gather3A_406 = tpu.vector_load_idx %arg15[%add3A_253, %add3A_405] : memref<32x256xf32, #tpu.memory_space<vmem>>[vector<16xi32>, vector<16xi32>], vector<16xf32>,
              %mul3A_407 = arith.mulf %gather3A_394, %gather3A_406 : vector<16xf32>
              tpu.vector_store_idx %arg14[%add3A_253, %add3A_405], %mul3A_407 : memref<32x256xf32, #tpu.memory_space<vmem>>[vector<16xi32>, vector<16xi32>], vector<16xf32>,
              %add3A_408 = arith.addi %and3A_404, %broadcast_in_dim3A_255 : vector<16xi32>
              %and3A_409 = arith.andi %add3A_408, %broadcast_in_dim3A_257 : vector<16xi32>
              %add3A_410 = arith.addi %add3A_391, %and3A_409 : vector<16xi32>
              %gather3A_411 = tpu.vector_load_idx %arg15[%add3A_253, %add3A_410] : memref<32x256xf32, #tpu.memory_space<vmem>>[vector<16xi32>, vector<16xi32>], vector<16xf32>,
              %mul3A_412 = arith.mulf %gather3A_394, %gather3A_411 : vector<16xf32>
              tpu.vector_store_idx %arg14[%add3A_253, %add3A_410], %mul3A_412 : memref<32x256xf32, #tpu.memory_space<vmem>>[vector<16xi32>, vector<16xi32>], vector<16xf32>,
              %add3A_413 = arith.addi %and3A_409, %broadcast_in_dim3A_255 : vector<16xi32>
              %and3A_414 = arith.andi %add3A_413, %broadcast_in_dim3A_257 : vector<16xi32>
              %add3A_415 = arith.addi %add3A_391, %and3A_414 : vector<16xi32>
              %gather3A_416 = tpu.vector_load_idx %arg15[%add3A_253, %add3A_415] : memref<32x256xf32, #tpu.memory_space<vmem>>[vector<16xi32>, vector<16xi32>], vector<16xf32>,
              %mul3A_417 = arith.mulf %gather3A_394, %gather3A_416 : vector<16xf32>
              tpu.vector_store_idx %arg14[%add3A_253, %add3A_415], %mul3A_417 : memref<32x256xf32, #tpu.memory_space<vmem>>[vector<16xi32>, vector<16xi32>], vector<16xf32>,
              %add3A_418 = arith.addi %and3A_414, %broadcast_in_dim3A_255 : vector<16xi32>
              %and3A_419 = arith.andi %add3A_418, %broadcast_in_dim3A_257 : vector<16xi32>
              %add3A_420 = arith.addi %add3A_391, %and3A_419 : vector<16xi32>
              %gather3A_421 = tpu.vector_load_idx %arg15[%add3A_253, %add3A_420] : memref<32x256xf32, #tpu.memory_space<vmem>>[vector<16xi32>, vector<16xi32>], vector<16xf32>,
              %mul3A_422 = arith.mulf %gather3A_394, %gather3A_421 : vector<16xf32>
              tpu.vector_store_idx %arg14[%add3A_253, %add3A_420], %mul3A_422 : memref<32x256xf32, #tpu.memory_space<vmem>>[vector<16xi32>, vector<16xi32>], vector<16xf32>,
              %add3A_423 = arith.addi %and3A_419, %broadcast_in_dim3A_255 : vector<16xi32>
              %and3A_424 = arith.andi %add3A_423, %broadcast_in_dim3A_257 : vector<16xi32>
              %add3A_425 = arith.addi %add3A_391, %and3A_424 : vector<16xi32>
              %gather3A_426 = tpu.vector_load_idx %arg15[%add3A_253, %add3A_425] : memref<32x256xf32, #tpu.memory_space<vmem>>[vector<16xi32>, vector<16xi32>], vector<16xf32>,
              %mul3A_427 = arith.mulf %gather3A_394, %gather3A_426 : vector<16xf32>
              tpu.vector_store_idx %arg14[%add3A_253, %add3A_425], %mul3A_427 : memref<32x256xf32, #tpu.memory_space<vmem>>[vector<16xi32>, vector<16xi32>], vector<16xf32>,
              %add3A_428 = arith.addi %and3A_424, %broadcast_in_dim3A_255 : vector<16xi32>
              %and3A_429 = arith.andi %add3A_428, %broadcast_in_dim3A_257 : vector<16xi32>
              %add3A_430 = arith.addi %add3A_391, %and3A_429 : vector<16xi32>
              %gather3A_431 = tpu.vector_load_idx %arg15[%add3A_253, %add3A_430] : memref<32x256xf32, #tpu.memory_space<vmem>>[vector<16xi32>, vector<16xi32>], vector<16xf32>,
              %mul3A_432 = arith.mulf %gather3A_394, %gather3A_431 : vector<16xf32>
              tpu.vector_store_idx %arg14[%add3A_253, %add3A_430], %mul3A_432 : memref<32x256xf32, #tpu.memory_space<vmem>>[vector<16xi32>, vector<16xi32>], vector<16xf32>,
              %add3A_433 = arith.addi %and3A_429, %broadcast_in_dim3A_255 : vector<16xi32>
              %and3A_434 = arith.andi %add3A_433, %broadcast_in_dim3A_257 : vector<16xi32>
              %add3A_435 = arith.addi %add3A_391, %and3A_434 : vector<16xi32>
              %gather3A_436 = tpu.vector_load_idx %arg15[%add3A_253, %add3A_435] : memref<32x256xf32, #tpu.memory_space<vmem>>[vector<16xi32>, vector<16xi32>], vector<16xf32>,
              %mul3A_437 = arith.mulf %gather3A_394, %gather3A_436 : vector<16xf32>
              tpu.vector_store_idx %arg14[%add3A_253, %add3A_435], %mul3A_437 : memref<32x256xf32, #tpu.memory_space<vmem>>[vector<16xi32>, vector<16xi32>], vector<16xf32>,
              %add3A_438 = arith.addi %and3A_434, %broadcast_in_dim3A_255 : vector<16xi32>
              %and3A_439 = arith.andi %add3A_438, %broadcast_in_dim3A_257 : vector<16xi32>
              %add3A_440 = arith.addi %add3A_391, %and3A_439 : vector<16xi32>
              %gather3A_441 = tpu.vector_load_idx %arg15[%add3A_253, %add3A_440] : memref<32x256xf32, #tpu.memory_space<vmem>>[vector<16xi32>, vector<16xi32>], vector<16xf32>,
              %mul3A_442 = arith.mulf %gather3A_394, %gather3A_441 : vector<16xf32>
              tpu.vector_store_idx %arg14[%add3A_253, %add3A_440], %mul3A_442 : memref<32x256xf32, #tpu.memory_space<vmem>>[vector<16xi32>, vector<16xi32>], vector<16xf32>,
              %add3A_443 = arith.addi %and3A_439, %broadcast_in_dim3A_255 : vector<16xi32>
              %and3A_444 = arith.andi %add3A_443, %broadcast_in_dim3A_257 : vector<16xi32>
              %add3A_445 = arith.addi %add3A_391, %and3A_444 : vector<16xi32>
              %gather3A_446 = tpu.vector_load_idx %arg15[%add3A_253, %add3A_445] : memref<32x256xf32, #tpu.memory_space<vmem>>[vector<16xi32>, vector<16xi32>], vector<16xf32>,
              %mul3A_447 = arith.mulf %gather3A_394, %gather3A_446 : vector<16xf32>
              tpu.vector_store_idx %arg14[%add3A_253, %add3A_445], %mul3A_447 : memref<32x256xf32, #tpu.memory_space<vmem>>[vector<16xi32>, vector<16xi32>], vector<16xf32>,
              %add3A_448 = arith.addi %and3A_444, %broadcast_in_dim3A_255 : vector<16xi32>
              %and3A_449 = arith.andi %add3A_448, %broadcast_in_dim3A_257 : vector<16xi32>
              %add3A_450 = arith.addi %add3A_391, %and3A_449 : vector<16xi32>
              %gather3A_451 = tpu.vector_load_idx %arg15[%add3A_253, %add3A_450] : memref<32x256xf32, #tpu.memory_space<vmem>>[vector<16xi32>, vector<16xi32>], vector<16xf32>,
              %mul3A_452 = arith.mulf %gather3A_394, %gather3A_451 : vector<16xf32>
              tpu.vector_store_idx %arg14[%add3A_253, %add3A_450], %mul3A_452 : memref<32x256xf32, #tpu.memory_space<vmem>>[vector<16xi32>, vector<16xi32>], vector<16xf32>,
              %add3A_453 = arith.addi %and3A_449, %broadcast_in_dim3A_255 : vector<16xi32>
              %and3A_454 = arith.andi %add3A_453, %broadcast_in_dim3A_257 : vector<16xi32>
              %add3A_455 = arith.addi %add3A_391, %and3A_454 : vector<16xi32>
              %gather3A_456 = tpu.vector_load_idx %arg15[%add3A_253, %add3A_455] : memref<32x256xf32, #tpu.memory_space<vmem>>[vector<16xi32>, vector<16xi32>], vector<16xf32>,
              %mul3A_457 = arith.mulf %gather3A_394, %gather3A_456 : vector<16xf32>
              tpu.vector_store_idx %arg14[%add3A_253, %add3A_455], %mul3A_457 : memref<32x256xf32, #tpu.memory_space<vmem>>[vector<16xi32>, vector<16xi32>], vector<16xf32>,
              %add3A_458 = arith.addi %and3A_454, %broadcast_in_dim3A_255 : vector<16xi32>
              %and3A_459 = arith.andi %add3A_458, %broadcast_in_dim3A_257 : vector<16xi32>
              %add3A_460 = arith.addi %add3A_391, %and3A_459 : vector<16xi32>
              %gather3A_461 = tpu.vector_load_idx %arg15[%add3A_253, %add3A_460] : memref<32x256xf32, #tpu.memory_space<vmem>>[vector<16xi32>, vector<16xi32>], vector<16xf32>,
              %mul3A_462 = arith.mulf %gather3A_394, %gather3A_461 : vector<16xf32>
              tpu.vector_store_idx %arg14[%add3A_253, %add3A_460], %mul3A_462 : memref<32x256xf32, #tpu.memory_space<vmem>>[vector<16xi32>, vector<16xi32>], vector<16xf32>,
              %add3A_463 = arith.addi %and3A_459, %broadcast_in_dim3A_255 : vector<16xi32>
              %and3A_464 = arith.andi %add3A_463, %broadcast_in_dim3A_257 : vector<16xi32>
              %add3A_465 = arith.addi %add3A_391, %and3A_464 : vector<16xi32>
              %gather3A_466 = tpu.vector_load_idx %arg15[%add3A_253, %add3A_465] : memref<32x256xf32, #tpu.memory_space<vmem>>[vector<16xi32>, vector<16xi32>], vector<16xf32>,
              %mul3A_467 = arith.mulf %gather3A_394, %gather3A_466 : vector<16xf32>
              tpu.vector_store_idx %arg14[%add3A_253, %add3A_465], %mul3A_467 : memref<32x256xf32, #tpu.memory_space<vmem>>[vector<16xi32>, vector<16xi32>], vector<16xf32>,
              %add3A_468 = arith.addi %and3A_464, %broadcast_in_dim3A_255 : vector<16xi32>
              %and3A_469 = arith.andi %add3A_468, %broadcast_in_dim3A_257 : vector<16xi32>
              %add3A_470 = arith.addi %add3A_391, %and3A_469 : vector<16xi32>
              %gather3A_471 = tpu.vector_load_idx %arg15[%add3A_253, %add3A_470] : memref<32x256xf32, #tpu.memory_space<vmem>>[vector<16xi32>, vector<16xi32>], vector<16xf32>,
              %mul3A_472 = arith.mulf %gather3A_394, %gather3A_471 : vector<16xf32>
              tpu.vector_store_idx %arg14[%add3A_253, %add3A_470], %mul3A_472 : memref<32x256xf32, #tpu.memory_space<vmem>>[vector<16xi32>, vector<16xi32>], vector<16xf32>,
              %add3A_473 = arith.addi %and3A_469, %broadcast_in_dim3A_255 : vector<16xi32>
              %and3A_474 = arith.andi %add3A_473, %broadcast_in_dim3A_257 : vector<16xi32>
              %add3A_475 = arith.addi %add3A_391, %and3A_474 : vector<16xi32>
              %gather3A_476 = tpu.vector_load_idx %arg15[%add3A_253, %add3A_475] : memref<32x256xf32, #tpu.memory_space<vmem>>[vector<16xi32>, vector<16xi32>], vector<16xf32>,
              %mul3A_477 = arith.mulf %gather3A_394, %gather3A_476 : vector<16xf32>
              tpu.vector_store_idx %arg14[%add3A_253, %add3A_475], %mul3A_477 : memref<32x256xf32, #tpu.memory_space<vmem>>[vector<16xi32>, vector<16xi32>], vector<16xf32>,
              %add3A_478 = arith.addi %and3A_474, %broadcast_in_dim3A_255 : vector<16xi32>
              %and3A_479 = arith.andi %add3A_478, %broadcast_in_dim3A_257 : vector<16xi32>
              %add3A_480 = arith.addi %add3A_391, %and3A_479 : vector<16xi32>
              %gather3A_481 = tpu.vector_load_idx %arg15[%add3A_253, %add3A_480] : memref<32x256xf32, #tpu.memory_space<vmem>>[vector<16xi32>, vector<16xi32>], vector<16xf32>,
              %mul3A_482 = arith.mulf %gather3A_394, %gather3A_481 : vector<16xf32>
              tpu.vector_store_idx %arg14[%add3A_253, %add3A_480], %mul3A_482 : memref<32x256xf32, #tpu.memory_space<vmem>>[vector<16xi32>, vector<16xi32>], vector<16xf32>,
              %add3A_483 = arith.addi %and3A_479, %broadcast_in_dim3A_255 : vector<16xi32>
              %and3A_484 = arith.andi %add3A_483, %broadcast_in_dim3A_257 : vector<16xi32>
              %add3A_485 = arith.addi %add3A_391, %and3A_484 : vector<16xi32>
              %gather3A_486 = tpu.vector_load_idx %arg15[%add3A_253, %add3A_485] : memref<32x256xf32, #tpu.memory_space<vmem>>[vector<16xi32>, vector<16xi32>], vector<16xf32>,
              %mul3A_487 = arith.mulf %gather3A_394, %gather3A_486 : vector<16xf32>
              tpu.vector_store_idx %arg14[%add3A_253, %add3A_485], %mul3A_487 : memref<32x256xf32, #tpu.memory_space<vmem>>[vector<16xi32>, vector<16xi32>], vector<16xf32>,
              %add3A_488 = arith.addi %and3A_484, %broadcast_in_dim3A_255 : vector<16xi32>
              %and3A_489 = arith.andi %add3A_488, %broadcast_in_dim3A_257 : vector<16xi32>
              %add3A_490 = arith.addi %add3A_391, %and3A_489 : vector<16xi32>
              %gather3A_491 = tpu.vector_load_idx %arg15[%add3A_253, %add3A_490] : memref<32x256xf32, #tpu.memory_space<vmem>>[vector<16xi32>, vector<16xi32>], vector<16xf32>,
              %mul3A_492 = arith.mulf %gather3A_394, %gather3A_491 : vector<16xf32>
              tpu.vector_store_idx %arg14[%add3A_253, %add3A_490], %mul3A_492 : memref<32x256xf32, #tpu.memory_space<vmem>>[vector<16xi32>, vector<16xi32>], vector<16xf32>,
              %add3A_493 = arith.addi %and3A_489, %broadcast_in_dim3A_255 : vector<16xi32>
              %and3A_494 = arith.andi %add3A_493, %broadcast_in_dim3A_257 : vector<16xi32>
              %add3A_495 = arith.addi %add3A_391, %and3A_494 : vector<16xi32>
              %gather3A_496 = tpu.vector_load_idx %arg15[%add3A_253, %add3A_495] : memref<32x256xf32, #tpu.memory_space<vmem>>[vector<16xi32>, vector<16xi32>], vector<16xf32>,
              %mul3A_497 = arith.mulf %gather3A_394, %gather3A_496 : vector<16xf32>
              tpu.vector_store_idx %arg14[%add3A_253, %add3A_495], %mul3A_497 : memref<32x256xf32, #tpu.memory_space<vmem>>[vector<16xi32>, vector<16xi32>], vector<16xf32>,
              %add3A_498 = arith.addi %and3A_494, %broadcast_in_dim3A_255 : vector<16xi32>
              %and3A_499 = arith.andi %add3A_498, %broadcast_in_dim3A_257 : vector<16xi32>
              %add3A_500 = arith.addi %add3A_391, %and3A_499 : vector<16xi32>
              %gather3A_501 = tpu.vector_load_idx %arg15[%add3A_253, %add3A_500] : memref<32x256xf32, #tpu.memory_space<vmem>>[vector<16xi32>, vector<16xi32>], vector<16xf32>,
              %mul3A_502 = arith.mulf %gather3A_394, %gather3A_501 : vector<16xf32>
              tpu.vector_store_idx %arg14[%add3A_253, %add3A_500], %mul3A_502 : memref<32x256xf32, #tpu.memory_space<vmem>>[vector<16xi32>, vector<16xi32>], vector<16xf32>,
              %add3A_503 = arith.addi %and3A_499, %broadcast_in_dim3A_255 : vector<16xi32>
              %and3A_504 = arith.andi %add3A_503, %broadcast_in_dim3A_257 : vector<16xi32>
              %add3A_505 = arith.addi %add3A_391, %and3A_504 : vector<16xi32>
              %gather3A_506 = tpu.vector_load_idx %arg15[%add3A_253, %add3A_505] : memref<32x256xf32, #tpu.memory_space<vmem>>[vector<16xi32>, vector<16xi32>], vector<16xf32>,
              %mul3A_507 = arith.mulf %gather3A_394, %gather3A_506 : vector<16xf32>
              tpu.vector_store_idx %arg14[%add3A_253, %add3A_505], %mul3A_507 : memref<32x256xf32, #tpu.memory_space<vmem>>[vector<16xi32>, vector<16xi32>], vector<16xf32>,
              %add3A_508 = arith.addi %and3A_504, %broadcast_in_dim3A_255 : vector<16xi32>
              %and3A_509 = arith.andi %add3A_508, %broadcast_in_dim3A_257 : vector<16xi32>
              %add3A_510 = arith.addi %add3A_391, %and3A_509 : vector<16xi32>
              %gather3A_511 = tpu.vector_load_idx %arg15[%add3A_253, %add3A_510] : memref<32x256xf32, #tpu.memory_space<vmem>>[vector<16xi32>, vector<16xi32>], vector<16xf32>,
              %mul3A_512 = arith.mulf %gather3A_394, %gather3A_511 : vector<16xf32>
              tpu.vector_store_idx %arg14[%add3A_253, %add3A_510], %mul3A_512 : memref<32x256xf32, #tpu.memory_space<vmem>>[vector<16xi32>, vector<16xi32>], vector<16xf32>,
              %add3A_513 = arith.addi %and3A_509, %broadcast_in_dim3A_255 : vector<16xi32>
              %and3A_514 = arith.andi %add3A_513, %broadcast_in_dim3A_257 : vector<16xi32>
              %add3A_515 = arith.addi %add3A_391, %and3A_514 : vector<16xi32>
              %gather3A_516 = tpu.vector_load_idx %arg15[%add3A_253, %add3A_515] : memref<32x256xf32, #tpu.memory_space<vmem>>[vector<16xi32>, vector<16xi32>], vector<16xf32>,
              %mul3A_517 = arith.mulf %gather3A_394, %gather3A_516 : vector<16xf32>
              tpu.vector_store_idx %arg14[%add3A_253, %add3A_515], %mul3A_517 : memref<32x256xf32, #tpu.memory_space<vmem>>[vector<16xi32>, vector<16xi32>], vector<16xf32>,
              %add3A_518 = arith.addi %and3A_514, %broadcast_in_dim3A_255 : vector<16xi32>
              %and3A_519 = arith.andi %add3A_518, %broadcast_in_dim3A_257 : vector<16xi32>
              %add3A_520 = arith.addi %add3A_391, %and3A_519 : vector<16xi32>
              %gather3A_521 = tpu.vector_load_idx %arg15[%add3A_253, %add3A_520] : memref<32x256xf32, #tpu.memory_space<vmem>>[vector<16xi32>, vector<16xi32>], vector<16xf32>,
              %mul3A_522 = arith.mulf %gather3A_394, %gather3A_521 : vector<16xf32>
              tpu.vector_store_idx %arg14[%add3A_253, %add3A_520], %mul3A_522 : memref<32x256xf32, #tpu.memory_space<vmem>>[vector<16xi32>, vector<16xi32>], vector<16xf32>,
              %add3A_523 = arith.addi %and3A_519, %broadcast_in_dim3A_255 : vector<16xi32>
              %and3A_524 = arith.andi %add3A_523, %broadcast_in_dim3A_257 : vector<16xi32>
              %add3A_525 = arith.addi %add3A_391, %and3A_524 : vector<16xi32>
              %gather3A_526 = tpu.vector_load_idx %arg15[%add3A_253, %add3A_525] : memref<32x256xf32, #tpu.memory_space<vmem>>[vector<16xi32>, vector<16xi32>], vector<16xf32>,
              %mul3A_527 = arith.mulf %gather3A_394, %gather3A_526 : vector<16xf32>
              tpu.vector_store_idx %arg14[%add3A_253, %add3A_525], %mul3A_527 : memref<32x256xf32, #tpu.memory_space<vmem>>[vector<16xi32>, vector<16xi32>], vector<16xf32>,
              %add3A_528 = arith.addi %and3A_524, %broadcast_in_dim3A_255 : vector<16xi32>
              %and3A_529 = arith.andi %add3A_528, %broadcast_in_dim3A_257 : vector<16xi32>
              %add3A_530 = arith.addi %add3A_391, %and3A_529 : vector<16xi32>
              %gather3A_531 = tpu.vector_load_idx %arg15[%add3A_253, %add3A_530] : memref<32x256xf32, #tpu.memory_space<vmem>>[vector<16xi32>, vector<16xi32>], vector<16xf32>,
              %mul3A_532 = arith.mulf %gather3A_394, %gather3A_531 : vector<16xf32>
              tpu.vector_store_idx %arg14[%add3A_253, %add3A_530], %mul3A_532 : memref<32x256xf32, #tpu.memory_space<vmem>>[vector<16xi32>, vector<16xi32>], vector<16xf32>,
              %add3A_533 = arith.addi %and3A_529, %broadcast_in_dim3A_255 : vector<16xi32>
              %and3A_534 = arith.andi %add3A_533, %broadcast_in_dim3A_257 : vector<16xi32>
              %add3A_535 = arith.addi %add3A_391, %and3A_534 : vector<16xi32>
              %gather3A_536 = tpu.vector_load_idx %arg15[%add3A_253, %add3A_535] : memref<32x256xf32, #tpu.memory_space<vmem>>[vector<16xi32>, vector<16xi32>], vector<16xf32>,
              %mul3A_537 = arith.mulf %gather3A_394, %gather3A_536 : vector<16xf32>
              tpu.vector_store_idx %arg14[%add3A_253, %add3A_535], %mul3A_537 : memref<32x256xf32, #tpu.memory_space<vmem>>[vector<16xi32>, vector<16xi32>], vector<16xf32>,
              %add3A_538 = arith.addi %and3A_534, %broadcast_in_dim3A_255 : vector<16xi32>
              %and3A_539 = arith.andi %add3A_538, %broadcast_in_dim3A_257 : vector<16xi32>
              %add3A_540 = arith.addi %add3A_391, %and3A_539 : vector<16xi32>
              %gather3A_541 = tpu.vector_load_idx %arg15[%add3A_253, %add3A_540] : memref<32x256xf32, #tpu.memory_space<vmem>>[vector<16xi32>, vector<16xi32>], vector<16xf32>,
              %mul3A_542 = arith.mulf %gather3A_394, %gather3A_541 : vector<16xf32>
              tpu.vector_store_idx %arg14[%add3A_253, %add3A_540], %mul3A_542 : memref<32x256xf32, #tpu.memory_space<vmem>>[vector<16xi32>, vector<16xi32>], vector<16xf32>,
              %add3A_543 = arith.addi %and3A_539, %broadcast_in_dim3A_255 : vector<16xi32>
              %and3A_544 = arith.andi %add3A_543, %broadcast_in_dim3A_257 : vector<16xi32>
              %add3A_545 = arith.addi %add3A_391, %and3A_544 : vector<16xi32>
              %gather3A_546 = tpu.vector_load_idx %arg15[%add3A_253, %add3A_545] : memref<32x256xf32, #tpu.memory_space<vmem>>[vector<16xi32>, vector<16xi32>], vector<16xf32>,
              %mul3A_547 = arith.mulf %gather3A_394, %gather3A_546 : vector<16xf32>
              tpu.vector_store_idx %arg14[%add3A_253, %add3A_545], %mul3A_547 : memref<32x256xf32, #tpu.memory_space<vmem>>[vector<16xi32>, vector<16xi32>], vector<16xf32>,
              %add3A_548 = arith.addi %and3A_544, %broadcast_in_dim3A_255 : vector<16xi32>
              %and3A_549 = arith.andi %add3A_548, %broadcast_in_dim3A_257 : vector<16xi32>
              %add3A_550 = arith.addi %add3A_391, %and3A_549 : vector<16xi32>
              %gather3A_551 = tpu.vector_load_idx %arg15[%add3A_253, %add3A_550] : memref<32x256xf32, #tpu.memory_space<vmem>>[vector<16xi32>, vector<16xi32>], vector<16xf32>,
              %mul3A_552 = arith.mulf %gather3A_394, %gather3A_551 : vector<16xf32>
              tpu.vector_store_idx %arg14[%add3A_253, %add3A_550], %mul3A_552 : memref<32x256xf32, #tpu.memory_space<vmem>>[vector<16xi32>, vector<16xi32>], vector<16xf32>,
              %add3A_553 = arith.addi %and3A_549, %broadcast_in_dim3A_255 : vector<16xi32>
              %and3A_554 = arith.andi %add3A_553, %broadcast_in_dim3A_257 : vector<16xi32>
            }
            %scan3A_371 = arith.constant 8 : i32
            %add3A_372 = vector.broadcast %add3A_250 : i32 to vector<16xi32>
            %add3A_373 = arith.addi %add3A_372, %iota3A : vector<16xi32>
            %lt3A_374 = vector.broadcast %scan3A_91 : i32 to vector<16xi32>
            %lt3A_375 = arith.cmpi slt, %add3A_373, %lt3A_374 : vector<16xi32>
            %sub3A_376 = vector.broadcast %mul3A_11 : i32 to vector<16xi32>
            %sub3A_377 = arith.subi %get3A_251, %sub3A_376 : vector<16xi32>
            %jit3A_378 = arith.constant -1 : i32
            %broadcast_in_dim3A_379 = vector.broadcast %jit3A_378 : i32 to vector<16xi32>
            %select_n3A_380 = arith.select %lt3A_375, %sub3A_377, %broadcast_in_dim3A_379 : vector<16xi1>, vector<16xi32>
            %dma_start3A_381 = arith.constant 0 : i32
            %dma_start3A_382 = tpu.memref_slice %arg14[%mul3A_247, %dma_start3A_381] : memref<32x256xf32, #tpu.memory_space<vmem>> -> memref<16x256xf32, #tpu.memory_space<vmem>>
            %dma_start3A_383 = arith.constant 0 : i32
            %dma_start3A_384 = arith.constant 0 : i32
            %dma_start3A_385 = tpu.memref_slice %arg20[%dma_start3A_383, %dma_start3A_384] : memref<2560x256xf32, #tpu.memory_space<vmem_shared>> -> memref<2560x256xf32, #tpu.memory_space<vmem_shared>>
            %dma_start3A_386 = arith.constant -1 : i32
            tpu.enqueue_indirect_dma source(%dma_start3A_382 : memref<16x256xf32, #tpu.memory_space<vmem>>) target(%dma_start3A_385 : memref<2560x256xf32, #tpu.memory_space<vmem_shared>>) offsets(%select_n3A_380 : vector<16xi32>) offset_filter(%dma_start3A_386) semaphore(%arg23 : memref<!tpu.dma_semaphore, #tpu.memory_space<semaphore_mem>>) {add = true}
          }
          %scan3A_220 = arith.constant 2 : i32
          %dma_wait3A_221 = arith.constant 0 : i32
          %dma_wait3A_222 = arith.constant 0 : i32
          %dma_wait3A_223 = tpu.memref_slice %arg14[%dma_wait3A_221, %dma_wait3A_222] : memref<32x256xf32, #tpu.memory_space<vmem>> -> memref<16x256xf32, #tpu.memory_space<vmem>>
          %dma_wait3A_224 = arith.constant 0 : i32
          %dma_wait3A_225 = arith.constant 0 : i32
          %dma_wait3A_226 = tpu.memref_slice %arg2[%dma_wait3A_224, %dma_wait3A_225] : memref<10000x256xf32, #tpu.memory_space<hbm>> -> memref<16x256xf32, #tpu.memory_space<hbm>>
          %dma_wait3A_227 = arith.constant 0 : i32
          %dma_wait3A_228 = arith.constant 0 : i32
          %dma_wait3A_229 = tpu.memref_slice %arg14[%dma_wait3A_227, %dma_wait3A_228] : memref<32x256xf32, #tpu.memory_space<vmem>> -> memref<16x256xf32, #tpu.memory_space<vmem>>
          %dma_wait3A_230 = arith.constant 0 : i32
          %dma_wait3A_231 = arith.constant 0 : i32
          %dma_wait3A_232 = tpu.memref_slice %arg2[%dma_wait3A_230, %dma_wait3A_231] : memref<10000x256xf32, #tpu.memory_space<hbm>> -> memref<16x256xf32, #tpu.memory_space<hbm>>
          tpu.wait_dma2 semaphore(%arg23 : memref<!tpu.dma_semaphore, #tpu.memory_space<semaphore_mem>>) src(%dma_wait3A_232 : memref<16x256xf32, #tpu.memory_space<hbm>>) dst(%dma_wait3A_229 : memref<16x256xf32, #tpu.memory_space<vmem>>)
          %dma_wait3A_233 = arith.constant 16 : i32
          %dma_wait3A_234 = arith.constant 0 : i32
          %dma_wait3A_235 = tpu.memref_slice %arg14[%dma_wait3A_233, %dma_wait3A_234] : memref<32x256xf32, #tpu.memory_space<vmem>> -> memref<16x256xf32, #tpu.memory_space<vmem>>
          %dma_wait3A_236 = arith.constant 0 : i32
          %dma_wait3A_237 = arith.constant 0 : i32
          %dma_wait3A_238 = tpu.memref_slice %arg2[%dma_wait3A_236, %dma_wait3A_237] : memref<10000x256xf32, #tpu.memory_space<hbm>> -> memref<16x256xf32, #tpu.memory_space<hbm>>
          %dma_wait3A_239 = arith.constant 16 : i32
          %dma_wait3A_240 = arith.constant 0 : i32
          %dma_wait3A_241 = tpu.memref_slice %arg14[%dma_wait3A_239, %dma_wait3A_240] : memref<32x256xf32, #tpu.memory_space<vmem>> -> memref<16x256xf32, #tpu.memory_space<vmem>>
          %dma_wait3A_242 = arith.constant 0 : i32
          %dma_wait3A_243 = arith.constant 0 : i32
          %dma_wait3A_244 = tpu.memref_slice %arg2[%dma_wait3A_242, %dma_wait3A_243] : memref<10000x256xf32, #tpu.memory_space<hbm>> -> memref<16x256xf32, #tpu.memory_space<hbm>>
          tpu.wait_dma2 semaphore(%arg23 : memref<!tpu.dma_semaphore, #tpu.memory_space<semaphore_mem>>) src(%dma_wait3A_244 : memref<16x256xf32, #tpu.memory_space<hbm>>) dst(%dma_wait3A_241 : memref<16x256xf32, #tpu.memory_space<vmem>>)
        } else {
        }
        %mul3A_183 = arith.constant 2 : i32
        %mul3A_184 = arith.muli %while3A_174, %mul3A_183 : i32
        %add3A_185 = arith.constant 1 : i32
        %add3A_186 = arith.addi %mul3A_184, %add3A_185 : i32
        %lt3A_187 = arith.cmpi slt, %add3A_186, %select_n3A : i32
        %convert_element_type3A_188 = arith.extui %lt3A_187 : i1 to i32
        %cond3A_189 = arith.constant 0 : i32
        %cond3A_190 = arith.cmpi ne, %convert_element_type3A_188, %cond3A_189 : i32
        scf.if %cond3A_190 {
          %add3A_191 = arith.constant 1 : i32
          %add3A_192 = arith.addi %add3A_186, %add3A_191 : i32
          %lt3A_193 = arith.cmpi slt, %add3A_192, %select_n3A : i32
          %convert_element_type3A_194 = arith.extui %lt3A_193 : i1 to i32
          %cond3A_195 = arith.constant 0 : i32
          %cond3A_196 = arith.cmpi ne, %convert_element_type3A_194, %cond3A_195 : i32
          scf.if %cond3A_196 {
            %add3A_245 = arith.constant 1 : i32
            %add3A_246 = arith.addi %add3A_186, %add3A_245 : i32
            %mul3A_247 = arith.constant 32 : i32
            %mul3A_248 = arith.muli %add3A_246, %mul3A_247 : i32
            %dma_start3A_249 = tpu.memref_slice %arg11[%mul3A_248] : memref<10032xi32, #tpu.memory_space<vmem>> -> memref<32xi32, #tpu.memory_space<vmem>>
            %dma_start3A_250 = arith.constant 0 : i32
            %dma_start3A_251 = arith.constant 0 : i32
            %dma_start3A_252 = tpu.memref_slice %arg2[%dma_start3A_250, %dma_start3A_251] : memref<10000x256xf32, #tpu.memory_space<hbm>> -> memref<10000x256xf32, #tpu.memory_space<hbm>>
            tpu.enqueue_indirect_dma source(%dma_start3A_252 : memref<10000x256xf32, #tpu.memory_space<hbm>>) target(%arg13 : memref<32x256xf32, #tpu.memory_space<vmem>>) offsets(%dma_start3A_249 : memref<32xi32, #tpu.memory_space<vmem>>) semaphore(%arg21 : memref<!tpu.dma_semaphore, #tpu.memory_space<semaphore_mem>>)
            %dma_start3A_253 = tpu.memref_slice %arg12[%mul3A_248] : memref<10032xi32, #tpu.memory_space<vmem>> -> memref<32xi32, #tpu.memory_space<vmem>>
            %dma_start3A_254 = arith.constant 0 : i32
            %dma_start3A_255 = arith.constant 0 : i32
            %dma_start3A_256 = tpu.memref_slice %arg3[%dma_start3A_254, %dma_start3A_255] : memref<10000x256xf32, #tpu.memory_space<hbm>> -> memref<10000x256xf32, #tpu.memory_space<hbm>>
            tpu.enqueue_indirect_dma source(%dma_start3A_256 : memref<10000x256xf32, #tpu.memory_space<hbm>>) target(%arg14 : memref<32x256xf32, #tpu.memory_space<vmem>>) offsets(%dma_start3A_253 : memref<32xi32, #tpu.memory_space<vmem>>) semaphore(%arg21 : memref<!tpu.dma_semaphore, #tpu.memory_space<semaphore_mem>>)
            %dma_start3A_257 = tpu.memref_slice %arg12[%mul3A_248] : memref<10032xi32, #tpu.memory_space<vmem>> -> memref<32xi32, #tpu.memory_space<vmem>>
            %dma_start3A_258 = arith.constant 0 : i32
            %dma_start3A_259 = arith.constant 0 : i32
            %dma_start3A_260 = tpu.memref_slice %arg4[%dma_start3A_258, %dma_start3A_259] : memref<10000x256xf32, #tpu.memory_space<hbm>> -> memref<10000x256xf32, #tpu.memory_space<hbm>>
            tpu.enqueue_indirect_dma source(%dma_start3A_260 : memref<10000x256xf32, #tpu.memory_space<hbm>>) target(%arg15 : memref<32x256xf32, #tpu.memory_space<vmem>>) offsets(%dma_start3A_257 : memref<32xi32, #tpu.memory_space<vmem>>) semaphore(%arg21 : memref<!tpu.dma_semaphore, #tpu.memory_space<semaphore_mem>>)
          } else {
          }
          %dma_wait3A_197 = arith.constant 0 : i32
          %dma_wait3A_198 = arith.constant 0 : i32
          %dma_wait3A_199 = tpu.memref_slice %arg2[%dma_wait3A_197, %dma_wait3A_198] : memref<10000x256xf32, #tpu.memory_space<hbm>> -> memref<32x256xf32, #tpu.memory_space<hbm>>
          %dma_wait3A_200 = arith.constant 0 : i32
          %dma_wait3A_201 = arith.constant 0 : i32
          %dma_wait3A_202 = tpu.memref_slice %arg2[%dma_wait3A_200, %dma_wait3A_201] : memref<10000x256xf32, #tpu.memory_space<hbm>> -> memref<32x256xf32, #tpu.memory_space<hbm>>
          tpu.wait_dma2 semaphore(%arg22 : memref<!tpu.dma_semaphore, #tpu.memory_space<semaphore_mem>>) src(%dma_wait3A_202 : memref<32x256xf32, #tpu.memory_space<hbm>>) dst(%arg16 : memref<32x256xf32, #tpu.memory_space<vmem>>)
          %dma_wait3A_203 = arith.constant 0 : i32
          %dma_wait3A_204 = arith.constant 0 : i32
          %dma_wait3A_205 = tpu.memref_slice %arg2[%dma_wait3A_203, %dma_wait3A_204] : memref<10000x256xf32, #tpu.memory_space<hbm>> -> memref<32x256xf32, #tpu.memory_space<hbm>>
          %dma_wait3A_206 = arith.constant 0 : i32
          %dma_wait3A_207 = arith.constant 0 : i32
          %dma_wait3A_208 = tpu.memref_slice %arg2[%dma_wait3A_206, %dma_wait3A_207] : memref<10000x256xf32, #tpu.memory_space<hbm>> -> memref<32x256xf32, #tpu.memory_space<hbm>>
          tpu.wait_dma2 semaphore(%arg22 : memref<!tpu.dma_semaphore, #tpu.memory_space<semaphore_mem>>) src(%dma_wait3A_208 : memref<32x256xf32, #tpu.memory_space<hbm>>) dst(%arg17 : memref<32x256xf32, #tpu.memory_space<vmem>>)
          %dma_wait3A_209 = arith.constant 0 : i32
          %dma_wait3A_210 = arith.constant 0 : i32
          %dma_wait3A_211 = tpu.memref_slice %arg2[%dma_wait3A_209, %dma_wait3A_210] : memref<10000x256xf32, #tpu.memory_space<hbm>> -> memref<32x256xf32, #tpu.memory_space<hbm>>
          %dma_wait3A_212 = arith.constant 0 : i32
          %dma_wait3A_213 = arith.constant 0 : i32
          %dma_wait3A_214 = tpu.memref_slice %arg2[%dma_wait3A_212, %dma_wait3A_213] : memref<10000x256xf32, #tpu.memory_space<hbm>> -> memref<32x256xf32, #tpu.memory_space<hbm>>
          tpu.wait_dma2 semaphore(%arg22 : memref<!tpu.dma_semaphore, #tpu.memory_space<semaphore_mem>>) src(%dma_wait3A_214 : memref<32x256xf32, #tpu.memory_space<hbm>>) dst(%arg18 : memref<32x256xf32, #tpu.memory_space<vmem>>)
          %scan3A_215 = arith.constant 0 : i32
          %scan3A_216 = arith.constant 0 : i32
          %scan3A_217 = arith.constant 2 : i32
          %scan3A_218 = arith.addi %scan3A_216, %scan3A_217 : i32
          %scan3A_219 = arith.constant 1 : i32
          scf.for %scan3A_245 = %scan3A_216 to %scan3A_218 step %scan3A_219  : i32 {
            %mul3A_246 = arith.constant 16 : i32
            %mul3A_247 = arith.muli %scan3A_245, %mul3A_246 : i32
            %mul3A_248 = arith.constant 32 : i32
            %mul3A_249 = arith.muli %add3A_186, %mul3A_248 : i32
            %add3A_250 = arith.addi %mul3A_249, %mul3A_247 : i32
            %get3A = arith.index_cast %add3A_250 : i32 to index
            %get3A_251 = tpu.vector_load %arg11[%get3A] {strides = array<i32>} : memref<10032xi32, #tpu.memory_space<vmem>>, vector<16xi32>,
            %add3A_252 = vector.broadcast %mul3A_247 : i32 to vector<16xi32>
            %add3A_253 = arith.addi %add3A_252, %iota3A : vector<16xi32>
            %broadcast_in_dim3A_254 = arith.constant 1 : i32
            %broadcast_in_dim3A_255 = vector.broadcast %broadcast_in_dim3A_254 : i32 to vector<16xi32>
            %broadcast_in_dim3A_256 = arith.constant 31 : i32
            %broadcast_in_dim3A_257 = vector.broadcast %broadcast_in_dim3A_256 : i32 to vector<16xi32>
            %scan3A_258 = arith.constant 0 : i32
            %scan3A_259 = arith.constant 0 : i32
            %scan3A_260 = arith.constant 8 : i32
            %scan3A_261 = arith.addi %scan3A_259, %scan3A_260 : i32
            %scan3A_262 = arith.constant 1 : i32
            scf.for %scan3A_387 = %scan3A_259 to %scan3A_261 step %scan3A_262  : i32 {
              %mul3A_388 = arith.constant 32 : i32
              %mul3A_389 = arith.muli %scan3A_387, %mul3A_388 : i32
              %add3A_390 = vector.broadcast %mul3A_389 : i32 to vector<16xi32>
              %add3A_391 = arith.addi %broadcast_in_dim3A_1, %add3A_390 : vector<16xi32>
              %broadcast_in_dim3A_392 = arith.constant 0.000000e+00 : f32
              %broadcast_in_dim3A_393 = vector.broadcast %broadcast_in_dim3A_392 : f32 to vector<16xf32>
              %add3A_394 = arith.addi %add3A_391, %iota3A : vector<16xi32>
              %gather3A_395 = tpu.vector_load_idx %arg16[%add3A_253, %add3A_394] : memref<32x256xf32, #tpu.memory_space<vmem>>[vector<16xi32>, vector<16xi32>], vector<16xf32>,
              %gather3A_396 = tpu.vector_load_idx %arg17[%add3A_253, %add3A_394] : memref<32x256xf32, #tpu.memory_space<vmem>>[vector<16xi32>, vector<16xi32>], vector<16xf32>,
              %mul3A_397 = arith.mulf %gather3A_395, %gather3A_396 : vector<16xf32>
              %add3A_398 = arith.addf %broadcast_in_dim3A_393, %mul3A_397 : vector<16xf32>
              %add3A_399 = arith.addi %iota3A, %broadcast_in_dim3A_255 : vector<16xi32>
              %and3A_400 = arith.andi %add3A_399, %broadcast_in_dim3A_257 : vector<16xi32>
              %add3A_401 = arith.addi %add3A_391, %and3A_400 : vector<16xi32>
              %gather3A_402 = tpu.vector_load_idx %arg16[%add3A_253, %add3A_401] : memref<32x256xf32, #tpu.memory_space<vmem>>[vector<16xi32>, vector<16xi32>], vector<16xf32>,
              %gather3A_403 = tpu.vector_load_idx %arg17[%add3A_253, %add3A_401] : memref<32x256xf32, #tpu.memory_space<vmem>>[vector<16xi32>, vector<16xi32>], vector<16xf32>,
              %mul3A_404 = arith.mulf %gather3A_402, %gather3A_403 : vector<16xf32>
              %add3A_405 = arith.addf %add3A_398, %mul3A_404 : vector<16xf32>
              %add3A_406 = arith.addi %and3A_400, %broadcast_in_dim3A_255 : vector<16xi32>
              %and3A_407 = arith.andi %add3A_406, %broadcast_in_dim3A_257 : vector<16xi32>
              %add3A_408 = arith.addi %add3A_391, %and3A_407 : vector<16xi32>
              %gather3A_409 = tpu.vector_load_idx %arg16[%add3A_253, %add3A_408] : memref<32x256xf32, #tpu.memory_space<vmem>>[vector<16xi32>, vector<16xi32>], vector<16xf32>,
              %gather3A_410 = tpu.vector_load_idx %arg17[%add3A_253, %add3A_408] : memref<32x256xf32, #tpu.memory_space<vmem>>[vector<16xi32>, vector<16xi32>], vector<16xf32>,
              %mul3A_411 = arith.mulf %gather3A_409, %gather3A_410 : vector<16xf32>
              %add3A_412 = arith.addf %add3A_405, %mul3A_411 : vector<16xf32>
              %add3A_413 = arith.addi %and3A_407, %broadcast_in_dim3A_255 : vector<16xi32>
              %and3A_414 = arith.andi %add3A_413, %broadcast_in_dim3A_257 : vector<16xi32>
              %add3A_415 = arith.addi %add3A_391, %and3A_414 : vector<16xi32>
              %gather3A_416 = tpu.vector_load_idx %arg16[%add3A_253, %add3A_415] : memref<32x256xf32, #tpu.memory_space<vmem>>[vector<16xi32>, vector<16xi32>], vector<16xf32>,
              %gather3A_417 = tpu.vector_load_idx %arg17[%add3A_253, %add3A_415] : memref<32x256xf32, #tpu.memory_space<vmem>>[vector<16xi32>, vector<16xi32>], vector<16xf32>,
              %mul3A_418 = arith.mulf %gather3A_416, %gather3A_417 : vector<16xf32>
              %add3A_419 = arith.addf %add3A_412, %mul3A_418 : vector<16xf32>
              %add3A_420 = arith.addi %and3A_414, %broadcast_in_dim3A_255 : vector<16xi32>
              %and3A_421 = arith.andi %add3A_420, %broadcast_in_dim3A_257 : vector<16xi32>
              %add3A_422 = arith.addi %add3A_391, %and3A_421 : vector<16xi32>
              %gather3A_423 = tpu.vector_load_idx %arg16[%add3A_253, %add3A_422] : memref<32x256xf32, #tpu.memory_space<vmem>>[vector<16xi32>, vector<16xi32>], vector<16xf32>,
              %gather3A_424 = tpu.vector_load_idx %arg17[%add3A_253, %add3A_422] : memref<32x256xf32, #tpu.memory_space<vmem>>[vector<16xi32>, vector<16xi32>], vector<16xf32>,
              %mul3A_425 = arith.mulf %gather3A_423, %gather3A_424 : vector<16xf32>
              %add3A_426 = arith.addf %add3A_419, %mul3A_425 : vector<16xf32>
              %add3A_427 = arith.addi %and3A_421, %broadcast_in_dim3A_255 : vector<16xi32>
              %and3A_428 = arith.andi %add3A_427, %broadcast_in_dim3A_257 : vector<16xi32>
              %add3A_429 = arith.addi %add3A_391, %and3A_428 : vector<16xi32>
              %gather3A_430 = tpu.vector_load_idx %arg16[%add3A_253, %add3A_429] : memref<32x256xf32, #tpu.memory_space<vmem>>[vector<16xi32>, vector<16xi32>], vector<16xf32>,
              %gather3A_431 = tpu.vector_load_idx %arg17[%add3A_253, %add3A_429] : memref<32x256xf32, #tpu.memory_space<vmem>>[vector<16xi32>, vector<16xi32>], vector<16xf32>,
              %mul3A_432 = arith.mulf %gather3A_430, %gather3A_431 : vector<16xf32>
              %add3A_433 = arith.addf %add3A_426, %mul3A_432 : vector<16xf32>
              %add3A_434 = arith.addi %and3A_428, %broadcast_in_dim3A_255 : vector<16xi32>
              %and3A_435 = arith.andi %add3A_434, %broadcast_in_dim3A_257 : vector<16xi32>
              %add3A_436 = arith.addi %add3A_391, %and3A_435 : vector<16xi32>
              %gather3A_437 = tpu.vector_load_idx %arg16[%add3A_253, %add3A_436] : memref<32x256xf32, #tpu.memory_space<vmem>>[vector<16xi32>, vector<16xi32>], vector<16xf32>,
              %gather3A_438 = tpu.vector_load_idx %arg17[%add3A_253, %add3A_436] : memref<32x256xf32, #tpu.memory_space<vmem>>[vector<16xi32>, vector<16xi32>], vector<16xf32>,
              %mul3A_439 = arith.mulf %gather3A_437, %gather3A_438 : vector<16xf32>
              %add3A_440 = arith.addf %add3A_433, %mul3A_439 : vector<16xf32>
              %add3A_441 = arith.addi %and3A_435, %broadcast_in_dim3A_255 : vector<16xi32>
              %and3A_442 = arith.andi %add3A_441, %broadcast_in_dim3A_257 : vector<16xi32>
              %add3A_443 = arith.addi %add3A_391, %and3A_442 : vector<16xi32>
              %gather3A_444 = tpu.vector_load_idx %arg16[%add3A_253, %add3A_443] : memref<32x256xf32, #tpu.memory_space<vmem>>[vector<16xi32>, vector<16xi32>], vector<16xf32>,
              %gather3A_445 = tpu.vector_load_idx %arg17[%add3A_253, %add3A_443] : memref<32x256xf32, #tpu.memory_space<vmem>>[vector<16xi32>, vector<16xi32>], vector<16xf32>,
              %mul3A_446 = arith.mulf %gather3A_444, %gather3A_445 : vector<16xf32>
              %add3A_447 = arith.addf %add3A_440, %mul3A_446 : vector<16xf32>
              %add3A_448 = arith.addi %and3A_442, %broadcast_in_dim3A_255 : vector<16xi32>
              %and3A_449 = arith.andi %add3A_448, %broadcast_in_dim3A_257 : vector<16xi32>
              %add3A_450 = arith.addi %add3A_391, %and3A_449 : vector<16xi32>
              %gather3A_451 = tpu.vector_load_idx %arg16[%add3A_253, %add3A_450] : memref<32x256xf32, #tpu.memory_space<vmem>>[vector<16xi32>, vector<16xi32>], vector<16xf32>,
              %gather3A_452 = tpu.vector_load_idx %arg17[%add3A_253, %add3A_450] : memref<32x256xf32, #tpu.memory_space<vmem>>[vector<16xi32>, vector<16xi32>], vector<16xf32>,
              %mul3A_453 = arith.mulf %gather3A_451, %gather3A_452 : vector<16xf32>
              %add3A_454 = arith.addf %add3A_447, %mul3A_453 : vector<16xf32>
              %add3A_455 = arith.addi %and3A_449, %broadcast_in_dim3A_255 : vector<16xi32>
              %and3A_456 = arith.andi %add3A_455, %broadcast_in_dim3A_257 : vector<16xi32>
              %add3A_457 = arith.addi %add3A_391, %and3A_456 : vector<16xi32>
              %gather3A_458 = tpu.vector_load_idx %arg16[%add3A_253, %add3A_457] : memref<32x256xf32, #tpu.memory_space<vmem>>[vector<16xi32>, vector<16xi32>], vector<16xf32>,
              %gather3A_459 = tpu.vector_load_idx %arg17[%add3A_253, %add3A_457] : memref<32x256xf32, #tpu.memory_space<vmem>>[vector<16xi32>, vector<16xi32>], vector<16xf32>,
              %mul3A_460 = arith.mulf %gather3A_458, %gather3A_459 : vector<16xf32>
              %add3A_461 = arith.addf %add3A_454, %mul3A_460 : vector<16xf32>
              %add3A_462 = arith.addi %and3A_456, %broadcast_in_dim3A_255 : vector<16xi32>
              %and3A_463 = arith.andi %add3A_462, %broadcast_in_dim3A_257 : vector<16xi32>
              %add3A_464 = arith.addi %add3A_391, %and3A_463 : vector<16xi32>
              %gather3A_465 = tpu.vector_load_idx %arg16[%add3A_253, %add3A_464] : memref<32x256xf32, #tpu.memory_space<vmem>>[vector<16xi32>, vector<16xi32>], vector<16xf32>,
              %gather3A_466 = tpu.vector_load_idx %arg17[%add3A_253, %add3A_464] : memref<32x256xf32, #tpu.memory_space<vmem>>[vector<16xi32>, vector<16xi32>], vector<16xf32>,
              %mul3A_467 = arith.mulf %gather3A_465, %gather3A_466 : vector<16xf32>
              %add3A_468 = arith.addf %add3A_461, %mul3A_467 : vector<16xf32>
              %add3A_469 = arith.addi %and3A_463, %broadcast_in_dim3A_255 : vector<16xi32>
              %and3A_470 = arith.andi %add3A_469, %broadcast_in_dim3A_257 : vector<16xi32>
              %add3A_471 = arith.addi %add3A_391, %and3A_470 : vector<16xi32>
              %gather3A_472 = tpu.vector_load_idx %arg16[%add3A_253, %add3A_471] : memref<32x256xf32, #tpu.memory_space<vmem>>[vector<16xi32>, vector<16xi32>], vector<16xf32>,
              %gather3A_473 = tpu.vector_load_idx %arg17[%add3A_253, %add3A_471] : memref<32x256xf32, #tpu.memory_space<vmem>>[vector<16xi32>, vector<16xi32>], vector<16xf32>,
              %mul3A_474 = arith.mulf %gather3A_472, %gather3A_473 : vector<16xf32>
              %add3A_475 = arith.addf %add3A_468, %mul3A_474 : vector<16xf32>
              %add3A_476 = arith.addi %and3A_470, %broadcast_in_dim3A_255 : vector<16xi32>
              %and3A_477 = arith.andi %add3A_476, %broadcast_in_dim3A_257 : vector<16xi32>
              %add3A_478 = arith.addi %add3A_391, %and3A_477 : vector<16xi32>
              %gather3A_479 = tpu.vector_load_idx %arg16[%add3A_253, %add3A_478] : memref<32x256xf32, #tpu.memory_space<vmem>>[vector<16xi32>, vector<16xi32>], vector<16xf32>,
              %gather3A_480 = tpu.vector_load_idx %arg17[%add3A_253, %add3A_478] : memref<32x256xf32, #tpu.memory_space<vmem>>[vector<16xi32>, vector<16xi32>], vector<16xf32>,
              %mul3A_481 = arith.mulf %gather3A_479, %gather3A_480 : vector<16xf32>
              %add3A_482 = arith.addf %add3A_475, %mul3A_481 : vector<16xf32>
              %add3A_483 = arith.addi %and3A_477, %broadcast_in_dim3A_255 : vector<16xi32>
              %and3A_484 = arith.andi %add3A_483, %broadcast_in_dim3A_257 : vector<16xi32>
              %add3A_485 = arith.addi %add3A_391, %and3A_484 : vector<16xi32>
              %gather3A_486 = tpu.vector_load_idx %arg16[%add3A_253, %add3A_485] : memref<32x256xf32, #tpu.memory_space<vmem>>[vector<16xi32>, vector<16xi32>], vector<16xf32>,
              %gather3A_487 = tpu.vector_load_idx %arg17[%add3A_253, %add3A_485] : memref<32x256xf32, #tpu.memory_space<vmem>>[vector<16xi32>, vector<16xi32>], vector<16xf32>,
              %mul3A_488 = arith.mulf %gather3A_486, %gather3A_487 : vector<16xf32>
              %add3A_489 = arith.addf %add3A_482, %mul3A_488 : vector<16xf32>
              %add3A_490 = arith.addi %and3A_484, %broadcast_in_dim3A_255 : vector<16xi32>
              %and3A_491 = arith.andi %add3A_490, %broadcast_in_dim3A_257 : vector<16xi32>
              %add3A_492 = arith.addi %add3A_391, %and3A_491 : vector<16xi32>
              %gather3A_493 = tpu.vector_load_idx %arg16[%add3A_253, %add3A_492] : memref<32x256xf32, #tpu.memory_space<vmem>>[vector<16xi32>, vector<16xi32>], vector<16xf32>,
              %gather3A_494 = tpu.vector_load_idx %arg17[%add3A_253, %add3A_492] : memref<32x256xf32, #tpu.memory_space<vmem>>[vector<16xi32>, vector<16xi32>], vector<16xf32>,
              %mul3A_495 = arith.mulf %gather3A_493, %gather3A_494 : vector<16xf32>
              %add3A_496 = arith.addf %add3A_489, %mul3A_495 : vector<16xf32>
              %add3A_497 = arith.addi %and3A_491, %broadcast_in_dim3A_255 : vector<16xi32>
              %and3A_498 = arith.andi %add3A_497, %broadcast_in_dim3A_257 : vector<16xi32>
              %add3A_499 = arith.addi %add3A_391, %and3A_498 : vector<16xi32>
              %gather3A_500 = tpu.vector_load_idx %arg16[%add3A_253, %add3A_499] : memref<32x256xf32, #tpu.memory_space<vmem>>[vector<16xi32>, vector<16xi32>], vector<16xf32>,
              %gather3A_501 = tpu.vector_load_idx %arg17[%add3A_253, %add3A_499] : memref<32x256xf32, #tpu.memory_space<vmem>>[vector<16xi32>, vector<16xi32>], vector<16xf32>,
              %mul3A_502 = arith.mulf %gather3A_500, %gather3A_501 : vector<16xf32>
              %add3A_503 = arith.addf %add3A_496, %mul3A_502 : vector<16xf32>
              %add3A_504 = arith.addi %and3A_498, %broadcast_in_dim3A_255 : vector<16xi32>
              %and3A_505 = arith.andi %add3A_504, %broadcast_in_dim3A_257 : vector<16xi32>
              %add3A_506 = arith.addi %add3A_391, %and3A_505 : vector<16xi32>
              %gather3A_507 = tpu.vector_load_idx %arg16[%add3A_253, %add3A_506] : memref<32x256xf32, #tpu.memory_space<vmem>>[vector<16xi32>, vector<16xi32>], vector<16xf32>,
              %gather3A_508 = tpu.vector_load_idx %arg17[%add3A_253, %add3A_506] : memref<32x256xf32, #tpu.memory_space<vmem>>[vector<16xi32>, vector<16xi32>], vector<16xf32>,
              %mul3A_509 = arith.mulf %gather3A_507, %gather3A_508 : vector<16xf32>
              %add3A_510 = arith.addf %add3A_503, %mul3A_509 : vector<16xf32>
              %add3A_511 = arith.addi %and3A_505, %broadcast_in_dim3A_255 : vector<16xi32>
              %and3A_512 = arith.andi %add3A_511, %broadcast_in_dim3A_257 : vector<16xi32>
              %add3A_513 = arith.addi %add3A_391, %and3A_512 : vector<16xi32>
              %gather3A_514 = tpu.vector_load_idx %arg16[%add3A_253, %add3A_513] : memref<32x256xf32, #tpu.memory_space<vmem>>[vector<16xi32>, vector<16xi32>], vector<16xf32>,
              %gather3A_515 = tpu.vector_load_idx %arg17[%add3A_253, %add3A_513] : memref<32x256xf32, #tpu.memory_space<vmem>>[vector<16xi32>, vector<16xi32>], vector<16xf32>,
              %mul3A_516 = arith.mulf %gather3A_514, %gather3A_515 : vector<16xf32>
              %add3A_517 = arith.addf %add3A_510, %mul3A_516 : vector<16xf32>
              %add3A_518 = arith.addi %and3A_512, %broadcast_in_dim3A_255 : vector<16xi32>
              %and3A_519 = arith.andi %add3A_518, %broadcast_in_dim3A_257 : vector<16xi32>
              %add3A_520 = arith.addi %add3A_391, %and3A_519 : vector<16xi32>
              %gather3A_521 = tpu.vector_load_idx %arg16[%add3A_253, %add3A_520] : memref<32x256xf32, #tpu.memory_space<vmem>>[vector<16xi32>, vector<16xi32>], vector<16xf32>,
              %gather3A_522 = tpu.vector_load_idx %arg17[%add3A_253, %add3A_520] : memref<32x256xf32, #tpu.memory_space<vmem>>[vector<16xi32>, vector<16xi32>], vector<16xf32>,
              %mul3A_523 = arith.mulf %gather3A_521, %gather3A_522 : vector<16xf32>
              %add3A_524 = arith.addf %add3A_517, %mul3A_523 : vector<16xf32>
              %add3A_525 = arith.addi %and3A_519, %broadcast_in_dim3A_255 : vector<16xi32>
              %and3A_526 = arith.andi %add3A_525, %broadcast_in_dim3A_257 : vector<16xi32>
              %add3A_527 = arith.addi %add3A_391, %and3A_526 : vector<16xi32>
              %gather3A_528 = tpu.vector_load_idx %arg16[%add3A_253, %add3A_527] : memref<32x256xf32, #tpu.memory_space<vmem>>[vector<16xi32>, vector<16xi32>], vector<16xf32>,
              %gather3A_529 = tpu.vector_load_idx %arg17[%add3A_253, %add3A_527] : memref<32x256xf32, #tpu.memory_space<vmem>>[vector<16xi32>, vector<16xi32>], vector<16xf32>,
              %mul3A_530 = arith.mulf %gather3A_528, %gather3A_529 : vector<16xf32>
              %add3A_531 = arith.addf %add3A_524, %mul3A_530 : vector<16xf32>
              %add3A_532 = arith.addi %and3A_526, %broadcast_in_dim3A_255 : vector<16xi32>
              %and3A_533 = arith.andi %add3A_532, %broadcast_in_dim3A_257 : vector<16xi32>
              %add3A_534 = arith.addi %add3A_391, %and3A_533 : vector<16xi32>
              %gather3A_535 = tpu.vector_load_idx %arg16[%add3A_253, %add3A_534] : memref<32x256xf32, #tpu.memory_space<vmem>>[vector<16xi32>, vector<16xi32>], vector<16xf32>,
              %gather3A_536 = tpu.vector_load_idx %arg17[%add3A_253, %add3A_534] : memref<32x256xf32, #tpu.memory_space<vmem>>[vector<16xi32>, vector<16xi32>], vector<16xf32>,
              %mul3A_537 = arith.mulf %gather3A_535, %gather3A_536 : vector<16xf32>
              %add3A_538 = arith.addf %add3A_531, %mul3A_537 : vector<16xf32>
              %add3A_539 = arith.addi %and3A_533, %broadcast_in_dim3A_255 : vector<16xi32>
              %and3A_540 = arith.andi %add3A_539, %broadcast_in_dim3A_257 : vector<16xi32>
              %add3A_541 = arith.addi %add3A_391, %and3A_540 : vector<16xi32>
              %gather3A_542 = tpu.vector_load_idx %arg16[%add3A_253, %add3A_541] : memref<32x256xf32, #tpu.memory_space<vmem>>[vector<16xi32>, vector<16xi32>], vector<16xf32>,
              %gather3A_543 = tpu.vector_load_idx %arg17[%add3A_253, %add3A_541] : memref<32x256xf32, #tpu.memory_space<vmem>>[vector<16xi32>, vector<16xi32>], vector<16xf32>,
              %mul3A_544 = arith.mulf %gather3A_542, %gather3A_543 : vector<16xf32>
              %add3A_545 = arith.addf %add3A_538, %mul3A_544 : vector<16xf32>
              %add3A_546 = arith.addi %and3A_540, %broadcast_in_dim3A_255 : vector<16xi32>
              %and3A_547 = arith.andi %add3A_546, %broadcast_in_dim3A_257 : vector<16xi32>
              %add3A_548 = arith.addi %add3A_391, %and3A_547 : vector<16xi32>
              %gather3A_549 = tpu.vector_load_idx %arg16[%add3A_253, %add3A_548] : memref<32x256xf32, #tpu.memory_space<vmem>>[vector<16xi32>, vector<16xi32>], vector<16xf32>,
              %gather3A_550 = tpu.vector_load_idx %arg17[%add3A_253, %add3A_548] : memref<32x256xf32, #tpu.memory_space<vmem>>[vector<16xi32>, vector<16xi32>], vector<16xf32>,
              %mul3A_551 = arith.mulf %gather3A_549, %gather3A_550 : vector<16xf32>
              %add3A_552 = arith.addf %add3A_545, %mul3A_551 : vector<16xf32>
              %add3A_553 = arith.addi %and3A_547, %broadcast_in_dim3A_255 : vector<16xi32>
              %and3A_554 = arith.andi %add3A_553, %broadcast_in_dim3A_257 : vector<16xi32>
              %add3A_555 = arith.addi %add3A_391, %and3A_554 : vector<16xi32>
              %gather3A_556 = tpu.vector_load_idx %arg16[%add3A_253, %add3A_555] : memref<32x256xf32, #tpu.memory_space<vmem>>[vector<16xi32>, vector<16xi32>], vector<16xf32>,
              %gather3A_557 = tpu.vector_load_idx %arg17[%add3A_253, %add3A_555] : memref<32x256xf32, #tpu.memory_space<vmem>>[vector<16xi32>, vector<16xi32>], vector<16xf32>,
              %mul3A_558 = arith.mulf %gather3A_556, %gather3A_557 : vector<16xf32>
              %add3A_559 = arith.addf %add3A_552, %mul3A_558 : vector<16xf32>
              %add3A_560 = arith.addi %and3A_554, %broadcast_in_dim3A_255 : vector<16xi32>
              %and3A_561 = arith.andi %add3A_560, %broadcast_in_dim3A_257 : vector<16xi32>
              %add3A_562 = arith.addi %add3A_391, %and3A_561 : vector<16xi32>
              %gather3A_563 = tpu.vector_load_idx %arg16[%add3A_253, %add3A_562] : memref<32x256xf32, #tpu.memory_space<vmem>>[vector<16xi32>, vector<16xi32>], vector<16xf32>,
              %gather3A_564 = tpu.vector_load_idx %arg17[%add3A_253, %add3A_562] : memref<32x256xf32, #tpu.memory_space<vmem>>[vector<16xi32>, vector<16xi32>], vector<16xf32>,
              %mul3A_565 = arith.mulf %gather3A_563, %gather3A_564 : vector<16xf32>
              %add3A_566 = arith.addf %add3A_559, %mul3A_565 : vector<16xf32>
              %add3A_567 = arith.addi %and3A_561, %broadcast_in_dim3A_255 : vector<16xi32>
              %and3A_568 = arith.andi %add3A_567, %broadcast_in_dim3A_257 : vector<16xi32>
              %add3A_569 = arith.addi %add3A_391, %and3A_568 : vector<16xi32>
              %gather3A_570 = tpu.vector_load_idx %arg16[%add3A_253, %add3A_569] : memref<32x256xf32, #tpu.memory_space<vmem>>[vector<16xi32>, vector<16xi32>], vector<16xf32>,
              %gather3A_571 = tpu.vector_load_idx %arg17[%add3A_253, %add3A_569] : memref<32x256xf32, #tpu.memory_space<vmem>>[vector<16xi32>, vector<16xi32>], vector<16xf32>,
              %mul3A_572 = arith.mulf %gather3A_570, %gather3A_571 : vector<16xf32>
              %add3A_573 = arith.addf %add3A_566, %mul3A_572 : vector<16xf32>
              %add3A_574 = arith.addi %and3A_568, %broadcast_in_dim3A_255 : vector<16xi32>
              %and3A_575 = arith.andi %add3A_574, %broadcast_in_dim3A_257 : vector<16xi32>
              %add3A_576 = arith.addi %add3A_391, %and3A_575 : vector<16xi32>
              %gather3A_577 = tpu.vector_load_idx %arg16[%add3A_253, %add3A_576] : memref<32x256xf32, #tpu.memory_space<vmem>>[vector<16xi32>, vector<16xi32>], vector<16xf32>,
              %gather3A_578 = tpu.vector_load_idx %arg17[%add3A_253, %add3A_576] : memref<32x256xf32, #tpu.memory_space<vmem>>[vector<16xi32>, vector<16xi32>], vector<16xf32>,
              %mul3A_579 = arith.mulf %gather3A_577, %gather3A_578 : vector<16xf32>
              %add3A_580 = arith.addf %add3A_573, %mul3A_579 : vector<16xf32>
              %add3A_581 = arith.addi %and3A_575, %broadcast_in_dim3A_255 : vector<16xi32>
              %and3A_582 = arith.andi %add3A_581, %broadcast_in_dim3A_257 : vector<16xi32>
              %add3A_583 = arith.addi %add3A_391, %and3A_582 : vector<16xi32>
              %gather3A_584 = tpu.vector_load_idx %arg16[%add3A_253, %add3A_583] : memref<32x256xf32, #tpu.memory_space<vmem>>[vector<16xi32>, vector<16xi32>], vector<16xf32>,
              %gather3A_585 = tpu.vector_load_idx %arg17[%add3A_253, %add3A_583] : memref<32x256xf32, #tpu.memory_space<vmem>>[vector<16xi32>, vector<16xi32>], vector<16xf32>,
              %mul3A_586 = arith.mulf %gather3A_584, %gather3A_585 : vector<16xf32>
              %add3A_587 = arith.addf %add3A_580, %mul3A_586 : vector<16xf32>
              %add3A_588 = arith.addi %and3A_582, %broadcast_in_dim3A_255 : vector<16xi32>
              %and3A_589 = arith.andi %add3A_588, %broadcast_in_dim3A_257 : vector<16xi32>
              %add3A_590 = arith.addi %add3A_391, %and3A_589 : vector<16xi32>
              %gather3A_591 = tpu.vector_load_idx %arg16[%add3A_253, %add3A_590] : memref<32x256xf32, #tpu.memory_space<vmem>>[vector<16xi32>, vector<16xi32>], vector<16xf32>,
              %gather3A_592 = tpu.vector_load_idx %arg17[%add3A_253, %add3A_590] : memref<32x256xf32, #tpu.memory_space<vmem>>[vector<16xi32>, vector<16xi32>], vector<16xf32>,
              %mul3A_593 = arith.mulf %gather3A_591, %gather3A_592 : vector<16xf32>
              %add3A_594 = arith.addf %add3A_587, %mul3A_593 : vector<16xf32>
              %add3A_595 = arith.addi %and3A_589, %broadcast_in_dim3A_255 : vector<16xi32>
              %and3A_596 = arith.andi %add3A_595, %broadcast_in_dim3A_257 : vector<16xi32>
              %add3A_597 = arith.addi %add3A_391, %and3A_596 : vector<16xi32>
              %gather3A_598 = tpu.vector_load_idx %arg16[%add3A_253, %add3A_597] : memref<32x256xf32, #tpu.memory_space<vmem>>[vector<16xi32>, vector<16xi32>], vector<16xf32>,
              %gather3A_599 = tpu.vector_load_idx %arg17[%add3A_253, %add3A_597] : memref<32x256xf32, #tpu.memory_space<vmem>>[vector<16xi32>, vector<16xi32>], vector<16xf32>,
              %mul3A_600 = arith.mulf %gather3A_598, %gather3A_599 : vector<16xf32>
              %add3A_601 = arith.addf %add3A_594, %mul3A_600 : vector<16xf32>
              %add3A_602 = arith.addi %and3A_596, %broadcast_in_dim3A_255 : vector<16xi32>
              %and3A_603 = arith.andi %add3A_602, %broadcast_in_dim3A_257 : vector<16xi32>
              %add3A_604 = arith.addi %add3A_391, %and3A_603 : vector<16xi32>
              %gather3A_605 = tpu.vector_load_idx %arg16[%add3A_253, %add3A_604] : memref<32x256xf32, #tpu.memory_space<vmem>>[vector<16xi32>, vector<16xi32>], vector<16xf32>,
              %gather3A_606 = tpu.vector_load_idx %arg17[%add3A_253, %add3A_604] : memref<32x256xf32, #tpu.memory_space<vmem>>[vector<16xi32>, vector<16xi32>], vector<16xf32>,
              %mul3A_607 = arith.mulf %gather3A_605, %gather3A_606 : vector<16xf32>
              %add3A_608 = arith.addf %add3A_601, %mul3A_607 : vector<16xf32>
              %add3A_609 = arith.addi %and3A_603, %broadcast_in_dim3A_255 : vector<16xi32>
              %and3A_610 = arith.andi %add3A_609, %broadcast_in_dim3A_257 : vector<16xi32>
              %add3A_611 = arith.addi %add3A_391, %and3A_610 : vector<16xi32>
              %gather3A_612 = tpu.vector_load_idx %arg16[%add3A_253, %add3A_611] : memref<32x256xf32, #tpu.memory_space<vmem>>[vector<16xi32>, vector<16xi32>], vector<16xf32>,
              %gather3A_613 = tpu.vector_load_idx %arg17[%add3A_253, %add3A_611] : memref<32x256xf32, #tpu.memory_space<vmem>>[vector<16xi32>, vector<16xi32>], vector<16xf32>,
              %mul3A_614 = arith.mulf %gather3A_612, %gather3A_613 : vector<16xf32>
              %add3A_615 = arith.addf %add3A_608, %mul3A_614 : vector<16xf32>
              %add3A_616 = arith.addi %and3A_610, %broadcast_in_dim3A_255 : vector<16xi32>
              %and3A_617 = arith.andi %add3A_616, %broadcast_in_dim3A_257 : vector<16xi32>
              %add3A_618 = vector.broadcast %scan3A_387 : i32 to vector<16xi32>
              %add3A_619 = arith.addi %broadcast_in_dim3A_1, %add3A_618 : vector<16xi32>
              tpu.vector_store_idx %arg19[%add3A_619, %iota3A], %add3A_615 : memref<8x16xf32, #tpu.memory_space<vmem>>[vector<16xi32>, vector<16xi32>], vector<16xf32>,
            }
            %scan3A_263 = arith.constant 8 : i32
            %broadcast_in_dim3A_264 = arith.constant 0 : i32
            %broadcast_in_dim3A_265 = vector.broadcast %broadcast_in_dim3A_264 : i32 to vector<16xi32>
            %gather3A = tpu.vector_load_idx %arg19[%broadcast_in_dim3A_265, %iota3A] : memref<8x16xf32, #tpu.memory_space<vmem>>[vector<16xi32>, vector<16xi32>], vector<16xf32>,
            %mul3A_266 = arith.constant 0.176776692 : f32
            %mul3A_267 = vector.broadcast %mul3A_266 : f32 to vector<16xf32>
            %mul3A_268 = arith.mulf %gather3A, %mul3A_267 : vector<16xf32>
            %broadcast_in_dim3A_269 = arith.constant 1 : i32
            %broadcast_in_dim3A_270 = vector.broadcast %broadcast_in_dim3A_269 : i32 to vector<16xi32>
            %gather3A_271 = tpu.vector_load_idx %arg19[%broadcast_in_dim3A_270, %iota3A] : memref<8x16xf32, #tpu.memory_space<vmem>>[vector<16xi32>, vector<16xi32>], vector<16xf32>,
            %mul3A_272 = arith.constant 0.176776692 : f32
            %mul3A_273 = vector.broadcast %mul3A_272 : f32 to vector<16xf32>
            %mul3A_274 = arith.mulf %gather3A_271, %mul3A_273 : vector<16xf32>
            %broadcast_in_dim3A_275 = arith.constant 2 : i32
            %broadcast_in_dim3A_276 = vector.broadcast %broadcast_in_dim3A_275 : i32 to vector<16xi32>
            %gather3A_277 = tpu.vector_load_idx %arg19[%broadcast_in_dim3A_276, %iota3A] : memref<8x16xf32, #tpu.memory_space<vmem>>[vector<16xi32>, vector<16xi32>], vector<16xf32>,
            %mul3A_278 = arith.constant 0.176776692 : f32
            %mul3A_279 = vector.broadcast %mul3A_278 : f32 to vector<16xf32>
            %mul3A_280 = arith.mulf %gather3A_277, %mul3A_279 : vector<16xf32>
            %broadcast_in_dim3A_281 = arith.constant 3 : i32
            %broadcast_in_dim3A_282 = vector.broadcast %broadcast_in_dim3A_281 : i32 to vector<16xi32>
            %gather3A_283 = tpu.vector_load_idx %arg19[%broadcast_in_dim3A_282, %iota3A] : memref<8x16xf32, #tpu.memory_space<vmem>>[vector<16xi32>, vector<16xi32>], vector<16xf32>,
            %mul3A_284 = arith.constant 0.176776692 : f32
            %mul3A_285 = vector.broadcast %mul3A_284 : f32 to vector<16xf32>
            %mul3A_286 = arith.mulf %gather3A_283, %mul3A_285 : vector<16xf32>
            %broadcast_in_dim3A_287 = arith.constant 4 : i32
            %broadcast_in_dim3A_288 = vector.broadcast %broadcast_in_dim3A_287 : i32 to vector<16xi32>
            %gather3A_289 = tpu.vector_load_idx %arg19[%broadcast_in_dim3A_288, %iota3A] : memref<8x16xf32, #tpu.memory_space<vmem>>[vector<16xi32>, vector<16xi32>], vector<16xf32>,
            %mul3A_290 = arith.constant 0.176776692 : f32
            %mul3A_291 = vector.broadcast %mul3A_290 : f32 to vector<16xf32>
            %mul3A_292 = arith.mulf %gather3A_289, %mul3A_291 : vector<16xf32>
            %broadcast_in_dim3A_293 = arith.constant 5 : i32
            %broadcast_in_dim3A_294 = vector.broadcast %broadcast_in_dim3A_293 : i32 to vector<16xi32>
            %gather3A_295 = tpu.vector_load_idx %arg19[%broadcast_in_dim3A_294, %iota3A] : memref<8x16xf32, #tpu.memory_space<vmem>>[vector<16xi32>, vector<16xi32>], vector<16xf32>,
            %mul3A_296 = arith.constant 0.176776692 : f32
            %mul3A_297 = vector.broadcast %mul3A_296 : f32 to vector<16xf32>
            %mul3A_298 = arith.mulf %gather3A_295, %mul3A_297 : vector<16xf32>
            %broadcast_in_dim3A_299 = arith.constant 6 : i32
            %broadcast_in_dim3A_300 = vector.broadcast %broadcast_in_dim3A_299 : i32 to vector<16xi32>
            %gather3A_301 = tpu.vector_load_idx %arg19[%broadcast_in_dim3A_300, %iota3A] : memref<8x16xf32, #tpu.memory_space<vmem>>[vector<16xi32>, vector<16xi32>], vector<16xf32>,
            %mul3A_302 = arith.constant 0.176776692 : f32
            %mul3A_303 = vector.broadcast %mul3A_302 : f32 to vector<16xf32>
            %mul3A_304 = arith.mulf %gather3A_301, %mul3A_303 : vector<16xf32>
            %broadcast_in_dim3A_305 = arith.constant 7 : i32
            %broadcast_in_dim3A_306 = vector.broadcast %broadcast_in_dim3A_305 : i32 to vector<16xi32>
            %gather3A_307 = tpu.vector_load_idx %arg19[%broadcast_in_dim3A_306, %iota3A] : memref<8x16xf32, #tpu.memory_space<vmem>>[vector<16xi32>, vector<16xi32>], vector<16xf32>,
            %mul3A_308 = arith.constant 0.176776692 : f32
            %mul3A_309 = vector.broadcast %mul3A_308 : f32 to vector<16xf32>
            %mul3A_310 = arith.mulf %gather3A_307, %mul3A_309 : vector<16xf32>
            %max3A = arith.maximumf %mul3A_268, %mul3A_274 : vector<16xf32>
            %max3A_311 = arith.maximumf %max3A, %mul3A_280 : vector<16xf32>
            %max3A_312 = arith.maximumf %max3A_311, %mul3A_286 : vector<16xf32>
            %max3A_313 = arith.maximumf %max3A_312, %mul3A_292 : vector<16xf32>
            %max3A_314 = arith.maximumf %max3A_313, %mul3A_298 : vector<16xf32>
            %max3A_315 = arith.maximumf %max3A_314, %mul3A_304 : vector<16xf32>
            %max3A_316 = arith.maximumf %max3A_315, %mul3A_310 : vector<16xf32>
            %sub3A_317 = arith.subf %mul3A_268, %max3A_316 : vector<16xf32>
            %exp3A = math.exp %sub3A_317 : vector<16xf32>
            %sub3A_318 = arith.subf %mul3A_274, %max3A_316 : vector<16xf32>
            %exp3A_319 = math.exp %sub3A_318 : vector<16xf32>
            %sub3A_320 = arith.subf %mul3A_280, %max3A_316 : vector<16xf32>
            %exp3A_321 = math.exp %sub3A_320 : vector<16xf32>
            %sub3A_322 = arith.subf %mul3A_286, %max3A_316 : vector<16xf32>
            %exp3A_323 = math.exp %sub3A_322 : vector<16xf32>
            %sub3A_324 = arith.subf %mul3A_292, %max3A_316 : vector<16xf32>
            %exp3A_325 = math.exp %sub3A_324 : vector<16xf32>
            %sub3A_326 = arith.subf %mul3A_298, %max3A_316 : vector<16xf32>
            %exp3A_327 = math.exp %sub3A_326 : vector<16xf32>
            %sub3A_328 = arith.subf %mul3A_304, %max3A_316 : vector<16xf32>
            %exp3A_329 = math.exp %sub3A_328 : vector<16xf32>
            %sub3A_330 = arith.subf %mul3A_310, %max3A_316 : vector<16xf32>
            %exp3A_331 = math.exp %sub3A_330 : vector<16xf32>
            %add3A_332 = arith.addf %exp3A, %exp3A_319 : vector<16xf32>
            %add3A_333 = arith.addf %add3A_332, %exp3A_321 : vector<16xf32>
            %add3A_334 = arith.addf %add3A_333, %exp3A_323 : vector<16xf32>
            %add3A_335 = arith.addf %add3A_334, %exp3A_325 : vector<16xf32>
            %add3A_336 = arith.addf %add3A_335, %exp3A_327 : vector<16xf32>
            %add3A_337 = arith.addf %add3A_336, %exp3A_329 : vector<16xf32>
            %add3A_338 = arith.addf %add3A_337, %exp3A_331 : vector<16xf32>
            %div3A_339 = arith.constant 1.000000e+00 : f32
            %div3A_340 = vector.broadcast %div3A_339 : f32 to vector<16xf32>
            %div3A_341 = arith.divf %div3A_340, %add3A_338 : vector<16xf32>
            %broadcast_in_dim3A_342 = arith.constant 0 : i32
            %broadcast_in_dim3A_343 = vector.broadcast %broadcast_in_dim3A_342 : i32 to vector<16xi32>
            %mul3A_344 = arith.mulf %exp3A, %div3A_341 : vector<16xf32>
            tpu.vector_store_idx %arg19[%broadcast_in_dim3A_343, %iota3A], %mul3A_344 : memref<8x16xf32, #tpu.memory_space<vmem>>[vector<16xi32>, vector<16xi32>], vector<16xf32>,
            %broadcast_in_dim3A_345 = arith.constant 1 : i32
            %broadcast_in_dim3A_346 = vector.broadcast %broadcast_in_dim3A_345 : i32 to vector<16xi32>
            %mul3A_347 = arith.mulf %exp3A_319, %div3A_341 : vector<16xf32>
            tpu.vector_store_idx %arg19[%broadcast_in_dim3A_346, %iota3A], %mul3A_347 : memref<8x16xf32, #tpu.memory_space<vmem>>[vector<16xi32>, vector<16xi32>], vector<16xf32>,
            %broadcast_in_dim3A_348 = arith.constant 2 : i32
            %broadcast_in_dim3A_349 = vector.broadcast %broadcast_in_dim3A_348 : i32 to vector<16xi32>
            %mul3A_350 = arith.mulf %exp3A_321, %div3A_341 : vector<16xf32>
            tpu.vector_store_idx %arg19[%broadcast_in_dim3A_349, %iota3A], %mul3A_350 : memref<8x16xf32, #tpu.memory_space<vmem>>[vector<16xi32>, vector<16xi32>], vector<16xf32>,
            %broadcast_in_dim3A_351 = arith.constant 3 : i32
            %broadcast_in_dim3A_352 = vector.broadcast %broadcast_in_dim3A_351 : i32 to vector<16xi32>
            %mul3A_353 = arith.mulf %exp3A_323, %div3A_341 : vector<16xf32>
            tpu.vector_store_idx %arg19[%broadcast_in_dim3A_352, %iota3A], %mul3A_353 : memref<8x16xf32, #tpu.memory_space<vmem>>[vector<16xi32>, vector<16xi32>], vector<16xf32>,
            %broadcast_in_dim3A_354 = arith.constant 4 : i32
            %broadcast_in_dim3A_355 = vector.broadcast %broadcast_in_dim3A_354 : i32 to vector<16xi32>
            %mul3A_356 = arith.mulf %exp3A_325, %div3A_341 : vector<16xf32>
            tpu.vector_store_idx %arg19[%broadcast_in_dim3A_355, %iota3A], %mul3A_356 : memref<8x16xf32, #tpu.memory_space<vmem>>[vector<16xi32>, vector<16xi32>], vector<16xf32>,
            %broadcast_in_dim3A_357 = arith.constant 5 : i32
            %broadcast_in_dim3A_358 = vector.broadcast %broadcast_in_dim3A_357 : i32 to vector<16xi32>
            %mul3A_359 = arith.mulf %exp3A_327, %div3A_341 : vector<16xf32>
            tpu.vector_store_idx %arg19[%broadcast_in_dim3A_358, %iota3A], %mul3A_359 : memref<8x16xf32, #tpu.memory_space<vmem>>[vector<16xi32>, vector<16xi32>], vector<16xf32>,
            %broadcast_in_dim3A_360 = arith.constant 6 : i32
            %broadcast_in_dim3A_361 = vector.broadcast %broadcast_in_dim3A_360 : i32 to vector<16xi32>
            %mul3A_362 = arith.mulf %exp3A_329, %div3A_341 : vector<16xf32>
            tpu.vector_store_idx %arg19[%broadcast_in_dim3A_361, %iota3A], %mul3A_362 : memref<8x16xf32, #tpu.memory_space<vmem>>[vector<16xi32>, vector<16xi32>], vector<16xf32>,
            %broadcast_in_dim3A_363 = arith.constant 7 : i32
            %broadcast_in_dim3A_364 = vector.broadcast %broadcast_in_dim3A_363 : i32 to vector<16xi32>
            %mul3A_365 = arith.mulf %exp3A_331, %div3A_341 : vector<16xf32>
            tpu.vector_store_idx %arg19[%broadcast_in_dim3A_364, %iota3A], %mul3A_365 : memref<8x16xf32, #tpu.memory_space<vmem>>[vector<16xi32>, vector<16xi32>], vector<16xf32>,
            %scan3A_366 = arith.constant 0 : i32
            %scan3A_367 = arith.constant 0 : i32
            %scan3A_368 = arith.constant 8 : i32
            %scan3A_369 = arith.addi %scan3A_367, %scan3A_368 : i32
            %scan3A_370 = arith.constant 1 : i32
            scf.for %scan3A_387 = %scan3A_367 to %scan3A_369 step %scan3A_370  : i32 {
              %mul3A_388 = arith.constant 32 : i32
              %mul3A_389 = arith.muli %scan3A_387, %mul3A_388 : i32
              %add3A_390 = vector.broadcast %mul3A_389 : i32 to vector<16xi32>
              %add3A_391 = arith.addi %broadcast_in_dim3A_1, %add3A_390 : vector<16xi32>
              %add3A_392 = vector.broadcast %scan3A_387 : i32 to vector<16xi32>
              %add3A_393 = arith.addi %broadcast_in_dim3A_1, %add3A_392 : vector<16xi32>
              %gather3A_394 = tpu.vector_load_idx %arg19[%add3A_393, %iota3A] : memref<8x16xf32, #tpu.memory_space<vmem>>[vector<16xi32>, vector<16xi32>], vector<16xf32>,
              %add3A_395 = arith.addi %add3A_391, %iota3A : vector<16xi32>
              %gather3A_396 = tpu.vector_load_idx %arg18[%add3A_253, %add3A_395] : memref<32x256xf32, #tpu.memory_space<vmem>>[vector<16xi32>, vector<16xi32>], vector<16xf32>,
              %mul3A_397 = arith.mulf %gather3A_394, %gather3A_396 : vector<16xf32>
              tpu.vector_store_idx %arg17[%add3A_253, %add3A_395], %mul3A_397 : memref<32x256xf32, #tpu.memory_space<vmem>>[vector<16xi32>, vector<16xi32>], vector<16xf32>,
              %add3A_398 = arith.addi %iota3A, %broadcast_in_dim3A_255 : vector<16xi32>
              %and3A_399 = arith.andi %add3A_398, %broadcast_in_dim3A_257 : vector<16xi32>
              %add3A_400 = arith.addi %add3A_391, %and3A_399 : vector<16xi32>
              %gather3A_401 = tpu.vector_load_idx %arg18[%add3A_253, %add3A_400] : memref<32x256xf32, #tpu.memory_space<vmem>>[vector<16xi32>, vector<16xi32>], vector<16xf32>,
              %mul3A_402 = arith.mulf %gather3A_394, %gather3A_401 : vector<16xf32>
              tpu.vector_store_idx %arg17[%add3A_253, %add3A_400], %mul3A_402 : memref<32x256xf32, #tpu.memory_space<vmem>>[vector<16xi32>, vector<16xi32>], vector<16xf32>,
              %add3A_403 = arith.addi %and3A_399, %broadcast_in_dim3A_255 : vector<16xi32>
              %and3A_404 = arith.andi %add3A_403, %broadcast_in_dim3A_257 : vector<16xi32>
              %add3A_405 = arith.addi %add3A_391, %and3A_404 : vector<16xi32>
              %gather3A_406 = tpu.vector_load_idx %arg18[%add3A_253, %add3A_405] : memref<32x256xf32, #tpu.memory_space<vmem>>[vector<16xi32>, vector<16xi32>], vector<16xf32>,
              %mul3A_407 = arith.mulf %gather3A_394, %gather3A_406 : vector<16xf32>
              tpu.vector_store_idx %arg17[%add3A_253, %add3A_405], %mul3A_407 : memref<32x256xf32, #tpu.memory_space<vmem>>[vector<16xi32>, vector<16xi32>], vector<16xf32>,
              %add3A_408 = arith.addi %and3A_404, %broadcast_in_dim3A_255 : vector<16xi32>
              %and3A_409 = arith.andi %add3A_408, %broadcast_in_dim3A_257 : vector<16xi32>
              %add3A_410 = arith.addi %add3A_391, %and3A_409 : vector<16xi32>
              %gather3A_411 = tpu.vector_load_idx %arg18[%add3A_253, %add3A_410] : memref<32x256xf32, #tpu.memory_space<vmem>>[vector<16xi32>, vector<16xi32>], vector<16xf32>,
              %mul3A_412 = arith.mulf %gather3A_394, %gather3A_411 : vector<16xf32>
              tpu.vector_store_idx %arg17[%add3A_253, %add3A_410], %mul3A_412 : memref<32x256xf32, #tpu.memory_space<vmem>>[vector<16xi32>, vector<16xi32>], vector<16xf32>,
              %add3A_413 = arith.addi %and3A_409, %broadcast_in_dim3A_255 : vector<16xi32>
              %and3A_414 = arith.andi %add3A_413, %broadcast_in_dim3A_257 : vector<16xi32>
              %add3A_415 = arith.addi %add3A_391, %and3A_414 : vector<16xi32>
              %gather3A_416 = tpu.vector_load_idx %arg18[%add3A_253, %add3A_415] : memref<32x256xf32, #tpu.memory_space<vmem>>[vector<16xi32>, vector<16xi32>], vector<16xf32>,
              %mul3A_417 = arith.mulf %gather3A_394, %gather3A_416 : vector<16xf32>
              tpu.vector_store_idx %arg17[%add3A_253, %add3A_415], %mul3A_417 : memref<32x256xf32, #tpu.memory_space<vmem>>[vector<16xi32>, vector<16xi32>], vector<16xf32>,
              %add3A_418 = arith.addi %and3A_414, %broadcast_in_dim3A_255 : vector<16xi32>
              %and3A_419 = arith.andi %add3A_418, %broadcast_in_dim3A_257 : vector<16xi32>
              %add3A_420 = arith.addi %add3A_391, %and3A_419 : vector<16xi32>
              %gather3A_421 = tpu.vector_load_idx %arg18[%add3A_253, %add3A_420] : memref<32x256xf32, #tpu.memory_space<vmem>>[vector<16xi32>, vector<16xi32>], vector<16xf32>,
              %mul3A_422 = arith.mulf %gather3A_394, %gather3A_421 : vector<16xf32>
              tpu.vector_store_idx %arg17[%add3A_253, %add3A_420], %mul3A_422 : memref<32x256xf32, #tpu.memory_space<vmem>>[vector<16xi32>, vector<16xi32>], vector<16xf32>,
              %add3A_423 = arith.addi %and3A_419, %broadcast_in_dim3A_255 : vector<16xi32>
              %and3A_424 = arith.andi %add3A_423, %broadcast_in_dim3A_257 : vector<16xi32>
              %add3A_425 = arith.addi %add3A_391, %and3A_424 : vector<16xi32>
              %gather3A_426 = tpu.vector_load_idx %arg18[%add3A_253, %add3A_425] : memref<32x256xf32, #tpu.memory_space<vmem>>[vector<16xi32>, vector<16xi32>], vector<16xf32>,
              %mul3A_427 = arith.mulf %gather3A_394, %gather3A_426 : vector<16xf32>
              tpu.vector_store_idx %arg17[%add3A_253, %add3A_425], %mul3A_427 : memref<32x256xf32, #tpu.memory_space<vmem>>[vector<16xi32>, vector<16xi32>], vector<16xf32>,
              %add3A_428 = arith.addi %and3A_424, %broadcast_in_dim3A_255 : vector<16xi32>
              %and3A_429 = arith.andi %add3A_428, %broadcast_in_dim3A_257 : vector<16xi32>
              %add3A_430 = arith.addi %add3A_391, %and3A_429 : vector<16xi32>
              %gather3A_431 = tpu.vector_load_idx %arg18[%add3A_253, %add3A_430] : memref<32x256xf32, #tpu.memory_space<vmem>>[vector<16xi32>, vector<16xi32>], vector<16xf32>,
              %mul3A_432 = arith.mulf %gather3A_394, %gather3A_431 : vector<16xf32>
              tpu.vector_store_idx %arg17[%add3A_253, %add3A_430], %mul3A_432 : memref<32x256xf32, #tpu.memory_space<vmem>>[vector<16xi32>, vector<16xi32>], vector<16xf32>,
              %add3A_433 = arith.addi %and3A_429, %broadcast_in_dim3A_255 : vector<16xi32>
              %and3A_434 = arith.andi %add3A_433, %broadcast_in_dim3A_257 : vector<16xi32>
              %add3A_435 = arith.addi %add3A_391, %and3A_434 : vector<16xi32>
              %gather3A_436 = tpu.vector_load_idx %arg18[%add3A_253, %add3A_435] : memref<32x256xf32, #tpu.memory_space<vmem>>[vector<16xi32>, vector<16xi32>], vector<16xf32>,
              %mul3A_437 = arith.mulf %gather3A_394, %gather3A_436 : vector<16xf32>
              tpu.vector_store_idx %arg17[%add3A_253, %add3A_435], %mul3A_437 : memref<32x256xf32, #tpu.memory_space<vmem>>[vector<16xi32>, vector<16xi32>], vector<16xf32>,
              %add3A_438 = arith.addi %and3A_434, %broadcast_in_dim3A_255 : vector<16xi32>
              %and3A_439 = arith.andi %add3A_438, %broadcast_in_dim3A_257 : vector<16xi32>
              %add3A_440 = arith.addi %add3A_391, %and3A_439 : vector<16xi32>
              %gather3A_441 = tpu.vector_load_idx %arg18[%add3A_253, %add3A_440] : memref<32x256xf32, #tpu.memory_space<vmem>>[vector<16xi32>, vector<16xi32>], vector<16xf32>,
              %mul3A_442 = arith.mulf %gather3A_394, %gather3A_441 : vector<16xf32>
              tpu.vector_store_idx %arg17[%add3A_253, %add3A_440], %mul3A_442 : memref<32x256xf32, #tpu.memory_space<vmem>>[vector<16xi32>, vector<16xi32>], vector<16xf32>,
              %add3A_443 = arith.addi %and3A_439, %broadcast_in_dim3A_255 : vector<16xi32>
              %and3A_444 = arith.andi %add3A_443, %broadcast_in_dim3A_257 : vector<16xi32>
              %add3A_445 = arith.addi %add3A_391, %and3A_444 : vector<16xi32>
              %gather3A_446 = tpu.vector_load_idx %arg18[%add3A_253, %add3A_445] : memref<32x256xf32, #tpu.memory_space<vmem>>[vector<16xi32>, vector<16xi32>], vector<16xf32>,
              %mul3A_447 = arith.mulf %gather3A_394, %gather3A_446 : vector<16xf32>
              tpu.vector_store_idx %arg17[%add3A_253, %add3A_445], %mul3A_447 : memref<32x256xf32, #tpu.memory_space<vmem>>[vector<16xi32>, vector<16xi32>], vector<16xf32>,
              %add3A_448 = arith.addi %and3A_444, %broadcast_in_dim3A_255 : vector<16xi32>
              %and3A_449 = arith.andi %add3A_448, %broadcast_in_dim3A_257 : vector<16xi32>
              %add3A_450 = arith.addi %add3A_391, %and3A_449 : vector<16xi32>
              %gather3A_451 = tpu.vector_load_idx %arg18[%add3A_253, %add3A_450] : memref<32x256xf32, #tpu.memory_space<vmem>>[vector<16xi32>, vector<16xi32>], vector<16xf32>,
              %mul3A_452 = arith.mulf %gather3A_394, %gather3A_451 : vector<16xf32>
              tpu.vector_store_idx %arg17[%add3A_253, %add3A_450], %mul3A_452 : memref<32x256xf32, #tpu.memory_space<vmem>>[vector<16xi32>, vector<16xi32>], vector<16xf32>,
              %add3A_453 = arith.addi %and3A_449, %broadcast_in_dim3A_255 : vector<16xi32>
              %and3A_454 = arith.andi %add3A_453, %broadcast_in_dim3A_257 : vector<16xi32>
              %add3A_455 = arith.addi %add3A_391, %and3A_454 : vector<16xi32>
              %gather3A_456 = tpu.vector_load_idx %arg18[%add3A_253, %add3A_455] : memref<32x256xf32, #tpu.memory_space<vmem>>[vector<16xi32>, vector<16xi32>], vector<16xf32>,
              %mul3A_457 = arith.mulf %gather3A_394, %gather3A_456 : vector<16xf32>
              tpu.vector_store_idx %arg17[%add3A_253, %add3A_455], %mul3A_457 : memref<32x256xf32, #tpu.memory_space<vmem>>[vector<16xi32>, vector<16xi32>], vector<16xf32>,
              %add3A_458 = arith.addi %and3A_454, %broadcast_in_dim3A_255 : vector<16xi32>
              %and3A_459 = arith.andi %add3A_458, %broadcast_in_dim3A_257 : vector<16xi32>
              %add3A_460 = arith.addi %add3A_391, %and3A_459 : vector<16xi32>
              %gather3A_461 = tpu.vector_load_idx %arg18[%add3A_253, %add3A_460] : memref<32x256xf32, #tpu.memory_space<vmem>>[vector<16xi32>, vector<16xi32>], vector<16xf32>,
              %mul3A_462 = arith.mulf %gather3A_394, %gather3A_461 : vector<16xf32>
              tpu.vector_store_idx %arg17[%add3A_253, %add3A_460], %mul3A_462 : memref<32x256xf32, #tpu.memory_space<vmem>>[vector<16xi32>, vector<16xi32>], vector<16xf32>,
              %add3A_463 = arith.addi %and3A_459, %broadcast_in_dim3A_255 : vector<16xi32>
              %and3A_464 = arith.andi %add3A_463, %broadcast_in_dim3A_257 : vector<16xi32>
              %add3A_465 = arith.addi %add3A_391, %and3A_464 : vector<16xi32>
              %gather3A_466 = tpu.vector_load_idx %arg18[%add3A_253, %add3A_465] : memref<32x256xf32, #tpu.memory_space<vmem>>[vector<16xi32>, vector<16xi32>], vector<16xf32>,
              %mul3A_467 = arith.mulf %gather3A_394, %gather3A_466 : vector<16xf32>
              tpu.vector_store_idx %arg17[%add3A_253, %add3A_465], %mul3A_467 : memref<32x256xf32, #tpu.memory_space<vmem>>[vector<16xi32>, vector<16xi32>], vector<16xf32>,
              %add3A_468 = arith.addi %and3A_464, %broadcast_in_dim3A_255 : vector<16xi32>
              %and3A_469 = arith.andi %add3A_468, %broadcast_in_dim3A_257 : vector<16xi32>
              %add3A_470 = arith.addi %add3A_391, %and3A_469 : vector<16xi32>
              %gather3A_471 = tpu.vector_load_idx %arg18[%add3A_253, %add3A_470] : memref<32x256xf32, #tpu.memory_space<vmem>>[vector<16xi32>, vector<16xi32>], vector<16xf32>,
              %mul3A_472 = arith.mulf %gather3A_394, %gather3A_471 : vector<16xf32>
              tpu.vector_store_idx %arg17[%add3A_253, %add3A_470], %mul3A_472 : memref<32x256xf32, #tpu.memory_space<vmem>>[vector<16xi32>, vector<16xi32>], vector<16xf32>,
              %add3A_473 = arith.addi %and3A_469, %broadcast_in_dim3A_255 : vector<16xi32>
              %and3A_474 = arith.andi %add3A_473, %broadcast_in_dim3A_257 : vector<16xi32>
              %add3A_475 = arith.addi %add3A_391, %and3A_474 : vector<16xi32>
              %gather3A_476 = tpu.vector_load_idx %arg18[%add3A_253, %add3A_475] : memref<32x256xf32, #tpu.memory_space<vmem>>[vector<16xi32>, vector<16xi32>], vector<16xf32>,
              %mul3A_477 = arith.mulf %gather3A_394, %gather3A_476 : vector<16xf32>
              tpu.vector_store_idx %arg17[%add3A_253, %add3A_475], %mul3A_477 : memref<32x256xf32, #tpu.memory_space<vmem>>[vector<16xi32>, vector<16xi32>], vector<16xf32>,
              %add3A_478 = arith.addi %and3A_474, %broadcast_in_dim3A_255 : vector<16xi32>
              %and3A_479 = arith.andi %add3A_478, %broadcast_in_dim3A_257 : vector<16xi32>
              %add3A_480 = arith.addi %add3A_391, %and3A_479 : vector<16xi32>
              %gather3A_481 = tpu.vector_load_idx %arg18[%add3A_253, %add3A_480] : memref<32x256xf32, #tpu.memory_space<vmem>>[vector<16xi32>, vector<16xi32>], vector<16xf32>,
              %mul3A_482 = arith.mulf %gather3A_394, %gather3A_481 : vector<16xf32>
              tpu.vector_store_idx %arg17[%add3A_253, %add3A_480], %mul3A_482 : memref<32x256xf32, #tpu.memory_space<vmem>>[vector<16xi32>, vector<16xi32>], vector<16xf32>,
              %add3A_483 = arith.addi %and3A_479, %broadcast_in_dim3A_255 : vector<16xi32>
              %and3A_484 = arith.andi %add3A_483, %broadcast_in_dim3A_257 : vector<16xi32>
              %add3A_485 = arith.addi %add3A_391, %and3A_484 : vector<16xi32>
              %gather3A_486 = tpu.vector_load_idx %arg18[%add3A_253, %add3A_485] : memref<32x256xf32, #tpu.memory_space<vmem>>[vector<16xi32>, vector<16xi32>], vector<16xf32>,
              %mul3A_487 = arith.mulf %gather3A_394, %gather3A_486 : vector<16xf32>
              tpu.vector_store_idx %arg17[%add3A_253, %add3A_485], %mul3A_487 : memref<32x256xf32, #tpu.memory_space<vmem>>[vector<16xi32>, vector<16xi32>], vector<16xf32>,
              %add3A_488 = arith.addi %and3A_484, %broadcast_in_dim3A_255 : vector<16xi32>
              %and3A_489 = arith.andi %add3A_488, %broadcast_in_dim3A_257 : vector<16xi32>
              %add3A_490 = arith.addi %add3A_391, %and3A_489 : vector<16xi32>
              %gather3A_491 = tpu.vector_load_idx %arg18[%add3A_253, %add3A_490] : memref<32x256xf32, #tpu.memory_space<vmem>>[vector<16xi32>, vector<16xi32>], vector<16xf32>,
              %mul3A_492 = arith.mulf %gather3A_394, %gather3A_491 : vector<16xf32>
              tpu.vector_store_idx %arg17[%add3A_253, %add3A_490], %mul3A_492 : memref<32x256xf32, #tpu.memory_space<vmem>>[vector<16xi32>, vector<16xi32>], vector<16xf32>,
              %add3A_493 = arith.addi %and3A_489, %broadcast_in_dim3A_255 : vector<16xi32>
              %and3A_494 = arith.andi %add3A_493, %broadcast_in_dim3A_257 : vector<16xi32>
              %add3A_495 = arith.addi %add3A_391, %and3A_494 : vector<16xi32>
              %gather3A_496 = tpu.vector_load_idx %arg18[%add3A_253, %add3A_495] : memref<32x256xf32, #tpu.memory_space<vmem>>[vector<16xi32>, vector<16xi32>], vector<16xf32>,
              %mul3A_497 = arith.mulf %gather3A_394, %gather3A_496 : vector<16xf32>
              tpu.vector_store_idx %arg17[%add3A_253, %add3A_495], %mul3A_497 : memref<32x256xf32, #tpu.memory_space<vmem>>[vector<16xi32>, vector<16xi32>], vector<16xf32>,
              %add3A_498 = arith.addi %and3A_494, %broadcast_in_dim3A_255 : vector<16xi32>
              %and3A_499 = arith.andi %add3A_498, %broadcast_in_dim3A_257 : vector<16xi32>
              %add3A_500 = arith.addi %add3A_391, %and3A_499 : vector<16xi32>
              %gather3A_501 = tpu.vector_load_idx %arg18[%add3A_253, %add3A_500] : memref<32x256xf32, #tpu.memory_space<vmem>>[vector<16xi32>, vector<16xi32>], vector<16xf32>,
              %mul3A_502 = arith.mulf %gather3A_394, %gather3A_501 : vector<16xf32>
              tpu.vector_store_idx %arg17[%add3A_253, %add3A_500], %mul3A_502 : memref<32x256xf32, #tpu.memory_space<vmem>>[vector<16xi32>, vector<16xi32>], vector<16xf32>,
              %add3A_503 = arith.addi %and3A_499, %broadcast_in_dim3A_255 : vector<16xi32>
              %and3A_504 = arith.andi %add3A_503, %broadcast_in_dim3A_257 : vector<16xi32>
              %add3A_505 = arith.addi %add3A_391, %and3A_504 : vector<16xi32>
              %gather3A_506 = tpu.vector_load_idx %arg18[%add3A_253, %add3A_505] : memref<32x256xf32, #tpu.memory_space<vmem>>[vector<16xi32>, vector<16xi32>], vector<16xf32>,
              %mul3A_507 = arith.mulf %gather3A_394, %gather3A_506 : vector<16xf32>
              tpu.vector_store_idx %arg17[%add3A_253, %add3A_505], %mul3A_507 : memref<32x256xf32, #tpu.memory_space<vmem>>[vector<16xi32>, vector<16xi32>], vector<16xf32>,
              %add3A_508 = arith.addi %and3A_504, %broadcast_in_dim3A_255 : vector<16xi32>
              %and3A_509 = arith.andi %add3A_508, %broadcast_in_dim3A_257 : vector<16xi32>
              %add3A_510 = arith.addi %add3A_391, %and3A_509 : vector<16xi32>
              %gather3A_511 = tpu.vector_load_idx %arg18[%add3A_253, %add3A_510] : memref<32x256xf32, #tpu.memory_space<vmem>>[vector<16xi32>, vector<16xi32>], vector<16xf32>,
              %mul3A_512 = arith.mulf %gather3A_394, %gather3A_511 : vector<16xf32>
              tpu.vector_store_idx %arg17[%add3A_253, %add3A_510], %mul3A_512 : memref<32x256xf32, #tpu.memory_space<vmem>>[vector<16xi32>, vector<16xi32>], vector<16xf32>,
              %add3A_513 = arith.addi %and3A_509, %broadcast_in_dim3A_255 : vector<16xi32>
              %and3A_514 = arith.andi %add3A_513, %broadcast_in_dim3A_257 : vector<16xi32>
              %add3A_515 = arith.addi %add3A_391, %and3A_514 : vector<16xi32>
              %gather3A_516 = tpu.vector_load_idx %arg18[%add3A_253, %add3A_515] : memref<32x256xf32, #tpu.memory_space<vmem>>[vector<16xi32>, vector<16xi32>], vector<16xf32>,
              %mul3A_517 = arith.mulf %gather3A_394, %gather3A_516 : vector<16xf32>
              tpu.vector_store_idx %arg17[%add3A_253, %add3A_515], %mul3A_517 : memref<32x256xf32, #tpu.memory_space<vmem>>[vector<16xi32>, vector<16xi32>], vector<16xf32>,
              %add3A_518 = arith.addi %and3A_514, %broadcast_in_dim3A_255 : vector<16xi32>
              %and3A_519 = arith.andi %add3A_518, %broadcast_in_dim3A_257 : vector<16xi32>
              %add3A_520 = arith.addi %add3A_391, %and3A_519 : vector<16xi32>
              %gather3A_521 = tpu.vector_load_idx %arg18[%add3A_253, %add3A_520] : memref<32x256xf32, #tpu.memory_space<vmem>>[vector<16xi32>, vector<16xi32>], vector<16xf32>,
              %mul3A_522 = arith.mulf %gather3A_394, %gather3A_521 : vector<16xf32>
              tpu.vector_store_idx %arg17[%add3A_253, %add3A_520], %mul3A_522 : memref<32x256xf32, #tpu.memory_space<vmem>>[vector<16xi32>, vector<16xi32>], vector<16xf32>,
              %add3A_523 = arith.addi %and3A_519, %broadcast_in_dim3A_255 : vector<16xi32>
              %and3A_524 = arith.andi %add3A_523, %broadcast_in_dim3A_257 : vector<16xi32>
              %add3A_525 = arith.addi %add3A_391, %and3A_524 : vector<16xi32>
              %gather3A_526 = tpu.vector_load_idx %arg18[%add3A_253, %add3A_525] : memref<32x256xf32, #tpu.memory_space<vmem>>[vector<16xi32>, vector<16xi32>], vector<16xf32>,
              %mul3A_527 = arith.mulf %gather3A_394, %gather3A_526 : vector<16xf32>
              tpu.vector_store_idx %arg17[%add3A_253, %add3A_525], %mul3A_527 : memref<32x256xf32, #tpu.memory_space<vmem>>[vector<16xi32>, vector<16xi32>], vector<16xf32>,
              %add3A_528 = arith.addi %and3A_524, %broadcast_in_dim3A_255 : vector<16xi32>
              %and3A_529 = arith.andi %add3A_528, %broadcast_in_dim3A_257 : vector<16xi32>
              %add3A_530 = arith.addi %add3A_391, %and3A_529 : vector<16xi32>
              %gather3A_531 = tpu.vector_load_idx %arg18[%add3A_253, %add3A_530] : memref<32x256xf32, #tpu.memory_space<vmem>>[vector<16xi32>, vector<16xi32>], vector<16xf32>,
              %mul3A_532 = arith.mulf %gather3A_394, %gather3A_531 : vector<16xf32>
              tpu.vector_store_idx %arg17[%add3A_253, %add3A_530], %mul3A_532 : memref<32x256xf32, #tpu.memory_space<vmem>>[vector<16xi32>, vector<16xi32>], vector<16xf32>,
              %add3A_533 = arith.addi %and3A_529, %broadcast_in_dim3A_255 : vector<16xi32>
              %and3A_534 = arith.andi %add3A_533, %broadcast_in_dim3A_257 : vector<16xi32>
              %add3A_535 = arith.addi %add3A_391, %and3A_534 : vector<16xi32>
              %gather3A_536 = tpu.vector_load_idx %arg18[%add3A_253, %add3A_535] : memref<32x256xf32, #tpu.memory_space<vmem>>[vector<16xi32>, vector<16xi32>], vector<16xf32>,
              %mul3A_537 = arith.mulf %gather3A_394, %gather3A_536 : vector<16xf32>
              tpu.vector_store_idx %arg17[%add3A_253, %add3A_535], %mul3A_537 : memref<32x256xf32, #tpu.memory_space<vmem>>[vector<16xi32>, vector<16xi32>], vector<16xf32>,
              %add3A_538 = arith.addi %and3A_534, %broadcast_in_dim3A_255 : vector<16xi32>
              %and3A_539 = arith.andi %add3A_538, %broadcast_in_dim3A_257 : vector<16xi32>
              %add3A_540 = arith.addi %add3A_391, %and3A_539 : vector<16xi32>
              %gather3A_541 = tpu.vector_load_idx %arg18[%add3A_253, %add3A_540] : memref<32x256xf32, #tpu.memory_space<vmem>>[vector<16xi32>, vector<16xi32>], vector<16xf32>,
              %mul3A_542 = arith.mulf %gather3A_394, %gather3A_541 : vector<16xf32>
              tpu.vector_store_idx %arg17[%add3A_253, %add3A_540], %mul3A_542 : memref<32x256xf32, #tpu.memory_space<vmem>>[vector<16xi32>, vector<16xi32>], vector<16xf32>,
              %add3A_543 = arith.addi %and3A_539, %broadcast_in_dim3A_255 : vector<16xi32>
              %and3A_544 = arith.andi %add3A_543, %broadcast_in_dim3A_257 : vector<16xi32>
              %add3A_545 = arith.addi %add3A_391, %and3A_544 : vector<16xi32>
              %gather3A_546 = tpu.vector_load_idx %arg18[%add3A_253, %add3A_545] : memref<32x256xf32, #tpu.memory_space<vmem>>[vector<16xi32>, vector<16xi32>], vector<16xf32>,
              %mul3A_547 = arith.mulf %gather3A_394, %gather3A_546 : vector<16xf32>
              tpu.vector_store_idx %arg17[%add3A_253, %add3A_545], %mul3A_547 : memref<32x256xf32, #tpu.memory_space<vmem>>[vector<16xi32>, vector<16xi32>], vector<16xf32>,
              %add3A_548 = arith.addi %and3A_544, %broadcast_in_dim3A_255 : vector<16xi32>
              %and3A_549 = arith.andi %add3A_548, %broadcast_in_dim3A_257 : vector<16xi32>
              %add3A_550 = arith.addi %add3A_391, %and3A_549 : vector<16xi32>
              %gather3A_551 = tpu.vector_load_idx %arg18[%add3A_253, %add3A_550] : memref<32x256xf32, #tpu.memory_space<vmem>>[vector<16xi32>, vector<16xi32>], vector<16xf32>,
              %mul3A_552 = arith.mulf %gather3A_394, %gather3A_551 : vector<16xf32>
              tpu.vector_store_idx %arg17[%add3A_253, %add3A_550], %mul3A_552 : memref<32x256xf32, #tpu.memory_space<vmem>>[vector<16xi32>, vector<16xi32>], vector<16xf32>,
              %add3A_553 = arith.addi %and3A_549, %broadcast_in_dim3A_255 : vector<16xi32>
              %and3A_554 = arith.andi %add3A_553, %broadcast_in_dim3A_257 : vector<16xi32>
            }
            %scan3A_371 = arith.constant 8 : i32
            %add3A_372 = vector.broadcast %add3A_250 : i32 to vector<16xi32>
            %add3A_373 = arith.addi %add3A_372, %iota3A : vector<16xi32>
            %lt3A_374 = vector.broadcast %scan3A_91 : i32 to vector<16xi32>
            %lt3A_375 = arith.cmpi slt, %add3A_373, %lt3A_374 : vector<16xi32>
            %sub3A_376 = vector.broadcast %mul3A_11 : i32 to vector<16xi32>
            %sub3A_377 = arith.subi %get3A_251, %sub3A_376 : vector<16xi32>
            %jit3A_378 = arith.constant -1 : i32
            %broadcast_in_dim3A_379 = vector.broadcast %jit3A_378 : i32 to vector<16xi32>
            %select_n3A_380 = arith.select %lt3A_375, %sub3A_377, %broadcast_in_dim3A_379 : vector<16xi1>, vector<16xi32>
            %dma_start3A_381 = arith.constant 0 : i32
            %dma_start3A_382 = tpu.memref_slice %arg17[%mul3A_247, %dma_start3A_381] : memref<32x256xf32, #tpu.memory_space<vmem>> -> memref<16x256xf32, #tpu.memory_space<vmem>>
            %dma_start3A_383 = arith.constant 0 : i32
            %dma_start3A_384 = arith.constant 0 : i32
            %dma_start3A_385 = tpu.memref_slice %arg20[%dma_start3A_383, %dma_start3A_384] : memref<2560x256xf32, #tpu.memory_space<vmem_shared>> -> memref<2560x256xf32, #tpu.memory_space<vmem_shared>>
            %dma_start3A_386 = arith.constant -1 : i32
            tpu.enqueue_indirect_dma source(%dma_start3A_382 : memref<16x256xf32, #tpu.memory_space<vmem>>) target(%dma_start3A_385 : memref<2560x256xf32, #tpu.memory_space<vmem_shared>>) offsets(%select_n3A_380 : vector<16xi32>) offset_filter(%dma_start3A_386) semaphore(%arg23 : memref<!tpu.dma_semaphore, #tpu.memory_space<semaphore_mem>>) {add = true}
          }
          %scan3A_220 = arith.constant 2 : i32
          %dma_wait3A_221 = arith.constant 0 : i32
          %dma_wait3A_222 = arith.constant 0 : i32
          %dma_wait3A_223 = tpu.memref_slice %arg17[%dma_wait3A_221, %dma_wait3A_222] : memref<32x256xf32, #tpu.memory_space<vmem>> -> memref<16x256xf32, #tpu.memory_space<vmem>>
          %dma_wait3A_224 = arith.constant 0 : i32
          %dma_wait3A_225 = arith.constant 0 : i32
          %dma_wait3A_226 = tpu.memref_slice %arg2[%dma_wait3A_224, %dma_wait3A_225] : memref<10000x256xf32, #tpu.memory_space<hbm>> -> memref<16x256xf32, #tpu.memory_space<hbm>>
          %dma_wait3A_227 = arith.constant 0 : i32
          %dma_wait3A_228 = arith.constant 0 : i32
          %dma_wait3A_229 = tpu.memref_slice %arg17[%dma_wait3A_227, %dma_wait3A_228] : memref<32x256xf32, #tpu.memory_space<vmem>> -> memref<16x256xf32, #tpu.memory_space<vmem>>
          %dma_wait3A_230 = arith.constant 0 : i32
          %dma_wait3A_231 = arith.constant 0 : i32
          %dma_wait3A_232 = tpu.memref_slice %arg2[%dma_wait3A_230, %dma_wait3A_231] : memref<10000x256xf32, #tpu.memory_space<hbm>> -> memref<16x256xf32, #tpu.memory_space<hbm>>
          tpu.wait_dma2 semaphore(%arg23 : memref<!tpu.dma_semaphore, #tpu.memory_space<semaphore_mem>>) src(%dma_wait3A_232 : memref<16x256xf32, #tpu.memory_space<hbm>>) dst(%dma_wait3A_229 : memref<16x256xf32, #tpu.memory_space<vmem>>)
          %dma_wait3A_233 = arith.constant 16 : i32
          %dma_wait3A_234 = arith.constant 0 : i32
          %dma_wait3A_235 = tpu.memref_slice %arg17[%dma_wait3A_233, %dma_wait3A_234] : memref<32x256xf32, #tpu.memory_space<vmem>> -> memref<16x256xf32, #tpu.memory_space<vmem>>
          %dma_wait3A_236 = arith.constant 0 : i32
          %dma_wait3A_237 = arith.constant 0 : i32
          %dma_wait3A_238 = tpu.memref_slice %arg2[%dma_wait3A_236, %dma_wait3A_237] : memref<10000x256xf32, #tpu.memory_space<hbm>> -> memref<16x256xf32, #tpu.memory_space<hbm>>
          %dma_wait3A_239 = arith.constant 16 : i32
          %dma_wait3A_240 = arith.constant 0 : i32
          %dma_wait3A_241 = tpu.memref_slice %arg17[%dma_wait3A_239, %dma_wait3A_240] : memref<32x256xf32, #tpu.memory_space<vmem>> -> memref<16x256xf32, #tpu.memory_space<vmem>>
          %dma_wait3A_242 = arith.constant 0 : i32
          %dma_wait3A_243 = arith.constant 0 : i32
          %dma_wait3A_244 = tpu.memref_slice %arg2[%dma_wait3A_242, %dma_wait3A_243] : memref<10000x256xf32, #tpu.memory_space<hbm>> -> memref<16x256xf32, #tpu.memory_space<hbm>>
          tpu.wait_dma2 semaphore(%arg23 : memref<!tpu.dma_semaphore, #tpu.memory_space<semaphore_mem>>) src(%dma_wait3A_244 : memref<16x256xf32, #tpu.memory_space<hbm>>) dst(%dma_wait3A_241 : memref<16x256xf32, #tpu.memory_space<vmem>>)
        } else {
        }
      }
      %while3A_163 = arith.constant 1 : i32
      scf.for %while3A_174 = %while3A_161 to %while3A_157 step %while3A_163  : i32 {
        %mul3A_175 = arith.constant 2 : i32
        %mul3A_176 = arith.muli %while3A_174, %mul3A_175 : i32
        %add3A_177 = arith.constant 0 : i32
        %add3A_178 = arith.addi %mul3A_176, %add3A_177 : i32
        %lt3A_179 = arith.cmpi slt, %add3A_178, %select_n3A : i32
        %convert_element_type3A_180 = arith.extui %lt3A_179 : i1 to i32
        %cond3A_181 = arith.constant 0 : i32
        %cond3A_182 = arith.cmpi ne, %convert_element_type3A_180, %cond3A_181 : i32
        scf.if %cond3A_182 {
          %add3A_191 = arith.constant 1 : i32
          %add3A_192 = arith.addi %add3A_178, %add3A_191 : i32
          %lt3A_193 = arith.cmpi slt, %add3A_192, %select_n3A : i32
          %convert_element_type3A_194 = arith.extui %lt3A_193 : i1 to i32
          %cond3A_195 = arith.constant 0 : i32
          %cond3A_196 = arith.cmpi ne, %convert_element_type3A_194, %cond3A_195 : i32
          scf.if %cond3A_196 {
            %add3A_245 = arith.constant 1 : i32
            %add3A_246 = arith.addi %add3A_178, %add3A_245 : i32
            %mul3A_247 = arith.constant 32 : i32
            %mul3A_248 = arith.muli %add3A_246, %mul3A_247 : i32
            %dma_start3A_249 = tpu.memref_slice %arg11[%mul3A_248] : memref<10032xi32, #tpu.memory_space<vmem>> -> memref<32xi32, #tpu.memory_space<vmem>>
            %dma_start3A_250 = arith.constant 0 : i32
            %dma_start3A_251 = arith.constant 0 : i32
            %dma_start3A_252 = tpu.memref_slice %arg2[%dma_start3A_250, %dma_start3A_251] : memref<10000x256xf32, #tpu.memory_space<hbm>> -> memref<10000x256xf32, #tpu.memory_space<hbm>>
            tpu.enqueue_indirect_dma source(%dma_start3A_252 : memref<10000x256xf32, #tpu.memory_space<hbm>>) target(%arg16 : memref<32x256xf32, #tpu.memory_space<vmem>>) offsets(%dma_start3A_249 : memref<32xi32, #tpu.memory_space<vmem>>) semaphore(%arg22 : memref<!tpu.dma_semaphore, #tpu.memory_space<semaphore_mem>>)
            %dma_start3A_253 = tpu.memref_slice %arg12[%mul3A_248] : memref<10032xi32, #tpu.memory_space<vmem>> -> memref<32xi32, #tpu.memory_space<vmem>>
            %dma_start3A_254 = arith.constant 0 : i32
            %dma_start3A_255 = arith.constant 0 : i32
            %dma_start3A_256 = tpu.memref_slice %arg3[%dma_start3A_254, %dma_start3A_255] : memref<10000x256xf32, #tpu.memory_space<hbm>> -> memref<10000x256xf32, #tpu.memory_space<hbm>>
            tpu.enqueue_indirect_dma source(%dma_start3A_256 : memref<10000x256xf32, #tpu.memory_space<hbm>>) target(%arg17 : memref<32x256xf32, #tpu.memory_space<vmem>>) offsets(%dma_start3A_253 : memref<32xi32, #tpu.memory_space<vmem>>) semaphore(%arg22 : memref<!tpu.dma_semaphore, #tpu.memory_space<semaphore_mem>>)
            %dma_start3A_257 = tpu.memref_slice %arg12[%mul3A_248] : memref<10032xi32, #tpu.memory_space<vmem>> -> memref<32xi32, #tpu.memory_space<vmem>>
            %dma_start3A_258 = arith.constant 0 : i32
            %dma_start3A_259 = arith.constant 0 : i32
            %dma_start3A_260 = tpu.memref_slice %arg4[%dma_start3A_258, %dma_start3A_259] : memref<10000x256xf32, #tpu.memory_space<hbm>> -> memref<10000x256xf32, #tpu.memory_space<hbm>>
            tpu.enqueue_indirect_dma source(%dma_start3A_260 : memref<10000x256xf32, #tpu.memory_space<hbm>>) target(%arg18 : memref<32x256xf32, #tpu.memory_space<vmem>>) offsets(%dma_start3A_257 : memref<32xi32, #tpu.memory_space<vmem>>) semaphore(%arg22 : memref<!tpu.dma_semaphore, #tpu.memory_space<semaphore_mem>>)
          } else {
          }
          %dma_wait3A_197 = arith.constant 0 : i32
          %dma_wait3A_198 = arith.constant 0 : i32
          %dma_wait3A_199 = tpu.memref_slice %arg2[%dma_wait3A_197, %dma_wait3A_198] : memref<10000x256xf32, #tpu.memory_space<hbm>> -> memref<32x256xf32, #tpu.memory_space<hbm>>
          %dma_wait3A_200 = arith.constant 0 : i32
          %dma_wait3A_201 = arith.constant 0 : i32
          %dma_wait3A_202 = tpu.memref_slice %arg2[%dma_wait3A_200, %dma_wait3A_201] : memref<10000x256xf32, #tpu.memory_space<hbm>> -> memref<32x256xf32, #tpu.memory_space<hbm>>
          tpu.wait_dma2 semaphore(%arg21 : memref<!tpu.dma_semaphore, #tpu.memory_space<semaphore_mem>>) src(%dma_wait3A_202 : memref<32x256xf32, #tpu.memory_space<hbm>>) dst(%arg13 : memref<32x256xf32, #tpu.memory_space<vmem>>)
          %dma_wait3A_203 = arith.constant 0 : i32
          %dma_wait3A_204 = arith.constant 0 : i32
          %dma_wait3A_205 = tpu.memref_slice %arg2[%dma_wait3A_203, %dma_wait3A_204] : memref<10000x256xf32, #tpu.memory_space<hbm>> -> memref<32x256xf32, #tpu.memory_space<hbm>>
          %dma_wait3A_206 = arith.constant 0 : i32
          %dma_wait3A_207 = arith.constant 0 : i32
          %dma_wait3A_208 = tpu.memref_slice %arg2[%dma_wait3A_206, %dma_wait3A_207] : memref<10000x256xf32, #tpu.memory_space<hbm>> -> memref<32x256xf32, #tpu.memory_space<hbm>>
          tpu.wait_dma2 semaphore(%arg21 : memref<!tpu.dma_semaphore, #tpu.memory_space<semaphore_mem>>) src(%dma_wait3A_208 : memref<32x256xf32, #tpu.memory_space<hbm>>) dst(%arg14 : memref<32x256xf32, #tpu.memory_space<vmem>>)
          %dma_wait3A_209 = arith.constant 0 : i32
          %dma_wait3A_210 = arith.constant 0 : i32
          %dma_wait3A_211 = tpu.memref_slice %arg2[%dma_wait3A_209, %dma_wait3A_210] : memref<10000x256xf32, #tpu.memory_space<hbm>> -> memref<32x256xf32, #tpu.memory_space<hbm>>
          %dma_wait3A_212 = arith.constant 0 : i32
          %dma_wait3A_213 = arith.constant 0 : i32
          %dma_wait3A_214 = tpu.memref_slice %arg2[%dma_wait3A_212, %dma_wait3A_213] : memref<10000x256xf32, #tpu.memory_space<hbm>> -> memref<32x256xf32, #tpu.memory_space<hbm>>
          tpu.wait_dma2 semaphore(%arg21 : memref<!tpu.dma_semaphore, #tpu.memory_space<semaphore_mem>>) src(%dma_wait3A_214 : memref<32x256xf32, #tpu.memory_space<hbm>>) dst(%arg15 : memref<32x256xf32, #tpu.memory_space<vmem>>)
          %scan3A_215 = arith.constant 0 : i32
          %scan3A_216 = arith.constant 0 : i32
          %scan3A_217 = arith.constant 2 : i32
          %scan3A_218 = arith.addi %scan3A_216, %scan3A_217 : i32
          %scan3A_219 = arith.constant 1 : i32
          scf.for %scan3A_245 = %scan3A_216 to %scan3A_218 step %scan3A_219  : i32 {
            %mul3A_246 = arith.constant 16 : i32
            %mul3A_247 = arith.muli %scan3A_245, %mul3A_246 : i32
            %mul3A_248 = arith.constant 32 : i32
            %mul3A_249 = arith.muli %add3A_178, %mul3A_248 : i32
            %add3A_250 = arith.addi %mul3A_249, %mul3A_247 : i32
            %get3A = arith.index_cast %add3A_250 : i32 to index
            %get3A_251 = tpu.vector_load %arg11[%get3A] {strides = array<i32>} : memref<10032xi32, #tpu.memory_space<vmem>>, vector<16xi32>,
            %add3A_252 = vector.broadcast %mul3A_247 : i32 to vector<16xi32>
            %add3A_253 = arith.addi %add3A_252, %iota3A : vector<16xi32>
            %broadcast_in_dim3A_254 = arith.constant 1 : i32
            %broadcast_in_dim3A_255 = vector.broadcast %broadcast_in_dim3A_254 : i32 to vector<16xi32>
            %broadcast_in_dim3A_256 = arith.constant 31 : i32
            %broadcast_in_dim3A_257 = vector.broadcast %broadcast_in_dim3A_256 : i32 to vector<16xi32>
            %scan3A_258 = arith.constant 0 : i32
            %scan3A_259 = arith.constant 0 : i32
            %scan3A_260 = arith.constant 8 : i32
            %scan3A_261 = arith.addi %scan3A_259, %scan3A_260 : i32
            %scan3A_262 = arith.constant 1 : i32
            scf.for %scan3A_387 = %scan3A_259 to %scan3A_261 step %scan3A_262  : i32 {
              %mul3A_388 = arith.constant 32 : i32
              %mul3A_389 = arith.muli %scan3A_387, %mul3A_388 : i32
              %add3A_390 = vector.broadcast %mul3A_389 : i32 to vector<16xi32>
              %add3A_391 = arith.addi %broadcast_in_dim3A_1, %add3A_390 : vector<16xi32>
              %broadcast_in_dim3A_392 = arith.constant 0.000000e+00 : f32
              %broadcast_in_dim3A_393 = vector.broadcast %broadcast_in_dim3A_392 : f32 to vector<16xf32>
              %add3A_394 = arith.addi %add3A_391, %iota3A : vector<16xi32>
              %gather3A_395 = tpu.vector_load_idx %arg13[%add3A_253, %add3A_394] : memref<32x256xf32, #tpu.memory_space<vmem>>[vector<16xi32>, vector<16xi32>], vector<16xf32>,
              %gather3A_396 = tpu.vector_load_idx %arg14[%add3A_253, %add3A_394] : memref<32x256xf32, #tpu.memory_space<vmem>>[vector<16xi32>, vector<16xi32>], vector<16xf32>,
              %mul3A_397 = arith.mulf %gather3A_395, %gather3A_396 : vector<16xf32>
              %add3A_398 = arith.addf %broadcast_in_dim3A_393, %mul3A_397 : vector<16xf32>
              %add3A_399 = arith.addi %iota3A, %broadcast_in_dim3A_255 : vector<16xi32>
              %and3A_400 = arith.andi %add3A_399, %broadcast_in_dim3A_257 : vector<16xi32>
              %add3A_401 = arith.addi %add3A_391, %and3A_400 : vector<16xi32>
              %gather3A_402 = tpu.vector_load_idx %arg13[%add3A_253, %add3A_401] : memref<32x256xf32, #tpu.memory_space<vmem>>[vector<16xi32>, vector<16xi32>], vector<16xf32>,
              %gather3A_403 = tpu.vector_load_idx %arg14[%add3A_253, %add3A_401] : memref<32x256xf32, #tpu.memory_space<vmem>>[vector<16xi32>, vector<16xi32>], vector<16xf32>,
              %mul3A_404 = arith.mulf %gather3A_402, %gather3A_403 : vector<16xf32>
              %add3A_405 = arith.addf %add3A_398, %mul3A_404 : vector<16xf32>
              %add3A_406 = arith.addi %and3A_400, %broadcast_in_dim3A_255 : vector<16xi32>
              %and3A_407 = arith.andi %add3A_406, %broadcast_in_dim3A_257 : vector<16xi32>
              %add3A_408 = arith.addi %add3A_391, %and3A_407 : vector<16xi32>
              %gather3A_409 = tpu.vector_load_idx %arg13[%add3A_253, %add3A_408] : memref<32x256xf32, #tpu.memory_space<vmem>>[vector<16xi32>, vector<16xi32>], vector<16xf32>,
              %gather3A_410 = tpu.vector_load_idx %arg14[%add3A_253, %add3A_408] : memref<32x256xf32, #tpu.memory_space<vmem>>[vector<16xi32>, vector<16xi32>], vector<16xf32>,
              %mul3A_411 = arith.mulf %gather3A_409, %gather3A_410 : vector<16xf32>
              %add3A_412 = arith.addf %add3A_405, %mul3A_411 : vector<16xf32>
              %add3A_413 = arith.addi %and3A_407, %broadcast_in_dim3A_255 : vector<16xi32>
              %and3A_414 = arith.andi %add3A_413, %broadcast_in_dim3A_257 : vector<16xi32>
              %add3A_415 = arith.addi %add3A_391, %and3A_414 : vector<16xi32>
              %gather3A_416 = tpu.vector_load_idx %arg13[%add3A_253, %add3A_415] : memref<32x256xf32, #tpu.memory_space<vmem>>[vector<16xi32>, vector<16xi32>], vector<16xf32>,
              %gather3A_417 = tpu.vector_load_idx %arg14[%add3A_253, %add3A_415] : memref<32x256xf32, #tpu.memory_space<vmem>>[vector<16xi32>, vector<16xi32>], vector<16xf32>,
              %mul3A_418 = arith.mulf %gather3A_416, %gather3A_417 : vector<16xf32>
              %add3A_419 = arith.addf %add3A_412, %mul3A_418 : vector<16xf32>
              %add3A_420 = arith.addi %and3A_414, %broadcast_in_dim3A_255 : vector<16xi32>
              %and3A_421 = arith.andi %add3A_420, %broadcast_in_dim3A_257 : vector<16xi32>
              %add3A_422 = arith.addi %add3A_391, %and3A_421 : vector<16xi32>
              %gather3A_423 = tpu.vector_load_idx %arg13[%add3A_253, %add3A_422] : memref<32x256xf32, #tpu.memory_space<vmem>>[vector<16xi32>, vector<16xi32>], vector<16xf32>,
              %gather3A_424 = tpu.vector_load_idx %arg14[%add3A_253, %add3A_422] : memref<32x256xf32, #tpu.memory_space<vmem>>[vector<16xi32>, vector<16xi32>], vector<16xf32>,
              %mul3A_425 = arith.mulf %gather3A_423, %gather3A_424 : vector<16xf32>
              %add3A_426 = arith.addf %add3A_419, %mul3A_425 : vector<16xf32>
              %add3A_427 = arith.addi %and3A_421, %broadcast_in_dim3A_255 : vector<16xi32>
              %and3A_428 = arith.andi %add3A_427, %broadcast_in_dim3A_257 : vector<16xi32>
              %add3A_429 = arith.addi %add3A_391, %and3A_428 : vector<16xi32>
              %gather3A_430 = tpu.vector_load_idx %arg13[%add3A_253, %add3A_429] : memref<32x256xf32, #tpu.memory_space<vmem>>[vector<16xi32>, vector<16xi32>], vector<16xf32>,
              %gather3A_431 = tpu.vector_load_idx %arg14[%add3A_253, %add3A_429] : memref<32x256xf32, #tpu.memory_space<vmem>>[vector<16xi32>, vector<16xi32>], vector<16xf32>,
              %mul3A_432 = arith.mulf %gather3A_430, %gather3A_431 : vector<16xf32>
              %add3A_433 = arith.addf %add3A_426, %mul3A_432 : vector<16xf32>
              %add3A_434 = arith.addi %and3A_428, %broadcast_in_dim3A_255 : vector<16xi32>
              %and3A_435 = arith.andi %add3A_434, %broadcast_in_dim3A_257 : vector<16xi32>
              %add3A_436 = arith.addi %add3A_391, %and3A_435 : vector<16xi32>
              %gather3A_437 = tpu.vector_load_idx %arg13[%add3A_253, %add3A_436] : memref<32x256xf32, #tpu.memory_space<vmem>>[vector<16xi32>, vector<16xi32>], vector<16xf32>,
              %gather3A_438 = tpu.vector_load_idx %arg14[%add3A_253, %add3A_436] : memref<32x256xf32, #tpu.memory_space<vmem>>[vector<16xi32>, vector<16xi32>], vector<16xf32>,
              %mul3A_439 = arith.mulf %gather3A_437, %gather3A_438 : vector<16xf32>
              %add3A_440 = arith.addf %add3A_433, %mul3A_439 : vector<16xf32>
              %add3A_441 = arith.addi %and3A_435, %broadcast_in_dim3A_255 : vector<16xi32>
              %and3A_442 = arith.andi %add3A_441, %broadcast_in_dim3A_257 : vector<16xi32>
              %add3A_443 = arith.addi %add3A_391, %and3A_442 : vector<16xi32>
              %gather3A_444 = tpu.vector_load_idx %arg13[%add3A_253, %add3A_443] : memref<32x256xf32, #tpu.memory_space<vmem>>[vector<16xi32>, vector<16xi32>], vector<16xf32>,
              %gather3A_445 = tpu.vector_load_idx %arg14[%add3A_253, %add3A_443] : memref<32x256xf32, #tpu.memory_space<vmem>>[vector<16xi32>, vector<16xi32>], vector<16xf32>,
              %mul3A_446 = arith.mulf %gather3A_444, %gather3A_445 : vector<16xf32>
              %add3A_447 = arith.addf %add3A_440, %mul3A_446 : vector<16xf32>
              %add3A_448 = arith.addi %and3A_442, %broadcast_in_dim3A_255 : vector<16xi32>
              %and3A_449 = arith.andi %add3A_448, %broadcast_in_dim3A_257 : vector<16xi32>
              %add3A_450 = arith.addi %add3A_391, %and3A_449 : vector<16xi32>
              %gather3A_451 = tpu.vector_load_idx %arg13[%add3A_253, %add3A_450] : memref<32x256xf32, #tpu.memory_space<vmem>>[vector<16xi32>, vector<16xi32>], vector<16xf32>,
              %gather3A_452 = tpu.vector_load_idx %arg14[%add3A_253, %add3A_450] : memref<32x256xf32, #tpu.memory_space<vmem>>[vector<16xi32>, vector<16xi32>], vector<16xf32>,
              %mul3A_453 = arith.mulf %gather3A_451, %gather3A_452 : vector<16xf32>
              %add3A_454 = arith.addf %add3A_447, %mul3A_453 : vector<16xf32>
              %add3A_455 = arith.addi %and3A_449, %broadcast_in_dim3A_255 : vector<16xi32>
              %and3A_456 = arith.andi %add3A_455, %broadcast_in_dim3A_257 : vector<16xi32>
              %add3A_457 = arith.addi %add3A_391, %and3A_456 : vector<16xi32>
              %gather3A_458 = tpu.vector_load_idx %arg13[%add3A_253, %add3A_457] : memref<32x256xf32, #tpu.memory_space<vmem>>[vector<16xi32>, vector<16xi32>], vector<16xf32>,
              %gather3A_459 = tpu.vector_load_idx %arg14[%add3A_253, %add3A_457] : memref<32x256xf32, #tpu.memory_space<vmem>>[vector<16xi32>, vector<16xi32>], vector<16xf32>,
              %mul3A_460 = arith.mulf %gather3A_458, %gather3A_459 : vector<16xf32>
              %add3A_461 = arith.addf %add3A_454, %mul3A_460 : vector<16xf32>
              %add3A_462 = arith.addi %and3A_456, %broadcast_in_dim3A_255 : vector<16xi32>
              %and3A_463 = arith.andi %add3A_462, %broadcast_in_dim3A_257 : vector<16xi32>
              %add3A_464 = arith.addi %add3A_391, %and3A_463 : vector<16xi32>
              %gather3A_465 = tpu.vector_load_idx %arg13[%add3A_253, %add3A_464] : memref<32x256xf32, #tpu.memory_space<vmem>>[vector<16xi32>, vector<16xi32>], vector<16xf32>,
              %gather3A_466 = tpu.vector_load_idx %arg14[%add3A_253, %add3A_464] : memref<32x256xf32, #tpu.memory_space<vmem>>[vector<16xi32>, vector<16xi32>], vector<16xf32>,
              %mul3A_467 = arith.mulf %gather3A_465, %gather3A_466 : vector<16xf32>
              %add3A_468 = arith.addf %add3A_461, %mul3A_467 : vector<16xf32>
              %add3A_469 = arith.addi %and3A_463, %broadcast_in_dim3A_255 : vector<16xi32>
              %and3A_470 = arith.andi %add3A_469, %broadcast_in_dim3A_257 : vector<16xi32>
              %add3A_471 = arith.addi %add3A_391, %and3A_470 : vector<16xi32>
              %gather3A_472 = tpu.vector_load_idx %arg13[%add3A_253, %add3A_471] : memref<32x256xf32, #tpu.memory_space<vmem>>[vector<16xi32>, vector<16xi32>], vector<16xf32>,
              %gather3A_473 = tpu.vector_load_idx %arg14[%add3A_253, %add3A_471] : memref<32x256xf32, #tpu.memory_space<vmem>>[vector<16xi32>, vector<16xi32>], vector<16xf32>,
              %mul3A_474 = arith.mulf %gather3A_472, %gather3A_473 : vector<16xf32>
              %add3A_475 = arith.addf %add3A_468, %mul3A_474 : vector<16xf32>
              %add3A_476 = arith.addi %and3A_470, %broadcast_in_dim3A_255 : vector<16xi32>
              %and3A_477 = arith.andi %add3A_476, %broadcast_in_dim3A_257 : vector<16xi32>
              %add3A_478 = arith.addi %add3A_391, %and3A_477 : vector<16xi32>
              %gather3A_479 = tpu.vector_load_idx %arg13[%add3A_253, %add3A_478] : memref<32x256xf32, #tpu.memory_space<vmem>>[vector<16xi32>, vector<16xi32>], vector<16xf32>,
              %gather3A_480 = tpu.vector_load_idx %arg14[%add3A_253, %add3A_478] : memref<32x256xf32, #tpu.memory_space<vmem>>[vector<16xi32>, vector<16xi32>], vector<16xf32>,
              %mul3A_481 = arith.mulf %gather3A_479, %gather3A_480 : vector<16xf32>
              %add3A_482 = arith.addf %add3A_475, %mul3A_481 : vector<16xf32>
              %add3A_483 = arith.addi %and3A_477, %broadcast_in_dim3A_255 : vector<16xi32>
              %and3A_484 = arith.andi %add3A_483, %broadcast_in_dim3A_257 : vector<16xi32>
              %add3A_485 = arith.addi %add3A_391, %and3A_484 : vector<16xi32>
              %gather3A_486 = tpu.vector_load_idx %arg13[%add3A_253, %add3A_485] : memref<32x256xf32, #tpu.memory_space<vmem>>[vector<16xi32>, vector<16xi32>], vector<16xf32>,
              %gather3A_487 = tpu.vector_load_idx %arg14[%add3A_253, %add3A_485] : memref<32x256xf32, #tpu.memory_space<vmem>>[vector<16xi32>, vector<16xi32>], vector<16xf32>,
              %mul3A_488 = arith.mulf %gather3A_486, %gather3A_487 : vector<16xf32>
              %add3A_489 = arith.addf %add3A_482, %mul3A_488 : vector<16xf32>
              %add3A_490 = arith.addi %and3A_484, %broadcast_in_dim3A_255 : vector<16xi32>
              %and3A_491 = arith.andi %add3A_490, %broadcast_in_dim3A_257 : vector<16xi32>
              %add3A_492 = arith.addi %add3A_391, %and3A_491 : vector<16xi32>
              %gather3A_493 = tpu.vector_load_idx %arg13[%add3A_253, %add3A_492] : memref<32x256xf32, #tpu.memory_space<vmem>>[vector<16xi32>, vector<16xi32>], vector<16xf32>,
              %gather3A_494 = tpu.vector_load_idx %arg14[%add3A_253, %add3A_492] : memref<32x256xf32, #tpu.memory_space<vmem>>[vector<16xi32>, vector<16xi32>], vector<16xf32>,
              %mul3A_495 = arith.mulf %gather3A_493, %gather3A_494 : vector<16xf32>
              %add3A_496 = arith.addf %add3A_489, %mul3A_495 : vector<16xf32>
              %add3A_497 = arith.addi %and3A_491, %broadcast_in_dim3A_255 : vector<16xi32>
              %and3A_498 = arith.andi %add3A_497, %broadcast_in_dim3A_257 : vector<16xi32>
              %add3A_499 = arith.addi %add3A_391, %and3A_498 : vector<16xi32>
              %gather3A_500 = tpu.vector_load_idx %arg13[%add3A_253, %add3A_499] : memref<32x256xf32, #tpu.memory_space<vmem>>[vector<16xi32>, vector<16xi32>], vector<16xf32>,
              %gather3A_501 = tpu.vector_load_idx %arg14[%add3A_253, %add3A_499] : memref<32x256xf32, #tpu.memory_space<vmem>>[vector<16xi32>, vector<16xi32>], vector<16xf32>,
              %mul3A_502 = arith.mulf %gather3A_500, %gather3A_501 : vector<16xf32>
              %add3A_503 = arith.addf %add3A_496, %mul3A_502 : vector<16xf32>
              %add3A_504 = arith.addi %and3A_498, %broadcast_in_dim3A_255 : vector<16xi32>
              %and3A_505 = arith.andi %add3A_504, %broadcast_in_dim3A_257 : vector<16xi32>
              %add3A_506 = arith.addi %add3A_391, %and3A_505 : vector<16xi32>
              %gather3A_507 = tpu.vector_load_idx %arg13[%add3A_253, %add3A_506] : memref<32x256xf32, #tpu.memory_space<vmem>>[vector<16xi32>, vector<16xi32>], vector<16xf32>,
              %gather3A_508 = tpu.vector_load_idx %arg14[%add3A_253, %add3A_506] : memref<32x256xf32, #tpu.memory_space<vmem>>[vector<16xi32>, vector<16xi32>], vector<16xf32>,
              %mul3A_509 = arith.mulf %gather3A_507, %gather3A_508 : vector<16xf32>
              %add3A_510 = arith.addf %add3A_503, %mul3A_509 : vector<16xf32>
              %add3A_511 = arith.addi %and3A_505, %broadcast_in_dim3A_255 : vector<16xi32>
              %and3A_512 = arith.andi %add3A_511, %broadcast_in_dim3A_257 : vector<16xi32>
              %add3A_513 = arith.addi %add3A_391, %and3A_512 : vector<16xi32>
              %gather3A_514 = tpu.vector_load_idx %arg13[%add3A_253, %add3A_513] : memref<32x256xf32, #tpu.memory_space<vmem>>[vector<16xi32>, vector<16xi32>], vector<16xf32>,
              %gather3A_515 = tpu.vector_load_idx %arg14[%add3A_253, %add3A_513] : memref<32x256xf32, #tpu.memory_space<vmem>>[vector<16xi32>, vector<16xi32>], vector<16xf32>,
              %mul3A_516 = arith.mulf %gather3A_514, %gather3A_515 : vector<16xf32>
              %add3A_517 = arith.addf %add3A_510, %mul3A_516 : vector<16xf32>
              %add3A_518 = arith.addi %and3A_512, %broadcast_in_dim3A_255 : vector<16xi32>
              %and3A_519 = arith.andi %add3A_518, %broadcast_in_dim3A_257 : vector<16xi32>
              %add3A_520 = arith.addi %add3A_391, %and3A_519 : vector<16xi32>
              %gather3A_521 = tpu.vector_load_idx %arg13[%add3A_253, %add3A_520] : memref<32x256xf32, #tpu.memory_space<vmem>>[vector<16xi32>, vector<16xi32>], vector<16xf32>,
              %gather3A_522 = tpu.vector_load_idx %arg14[%add3A_253, %add3A_520] : memref<32x256xf32, #tpu.memory_space<vmem>>[vector<16xi32>, vector<16xi32>], vector<16xf32>,
              %mul3A_523 = arith.mulf %gather3A_521, %gather3A_522 : vector<16xf32>
              %add3A_524 = arith.addf %add3A_517, %mul3A_523 : vector<16xf32>
              %add3A_525 = arith.addi %and3A_519, %broadcast_in_dim3A_255 : vector<16xi32>
              %and3A_526 = arith.andi %add3A_525, %broadcast_in_dim3A_257 : vector<16xi32>
              %add3A_527 = arith.addi %add3A_391, %and3A_526 : vector<16xi32>
              %gather3A_528 = tpu.vector_load_idx %arg13[%add3A_253, %add3A_527] : memref<32x256xf32, #tpu.memory_space<vmem>>[vector<16xi32>, vector<16xi32>], vector<16xf32>,
              %gather3A_529 = tpu.vector_load_idx %arg14[%add3A_253, %add3A_527] : memref<32x256xf32, #tpu.memory_space<vmem>>[vector<16xi32>, vector<16xi32>], vector<16xf32>,
              %mul3A_530 = arith.mulf %gather3A_528, %gather3A_529 : vector<16xf32>
              %add3A_531 = arith.addf %add3A_524, %mul3A_530 : vector<16xf32>
              %add3A_532 = arith.addi %and3A_526, %broadcast_in_dim3A_255 : vector<16xi32>
              %and3A_533 = arith.andi %add3A_532, %broadcast_in_dim3A_257 : vector<16xi32>
              %add3A_534 = arith.addi %add3A_391, %and3A_533 : vector<16xi32>
              %gather3A_535 = tpu.vector_load_idx %arg13[%add3A_253, %add3A_534] : memref<32x256xf32, #tpu.memory_space<vmem>>[vector<16xi32>, vector<16xi32>], vector<16xf32>,
              %gather3A_536 = tpu.vector_load_idx %arg14[%add3A_253, %add3A_534] : memref<32x256xf32, #tpu.memory_space<vmem>>[vector<16xi32>, vector<16xi32>], vector<16xf32>,
              %mul3A_537 = arith.mulf %gather3A_535, %gather3A_536 : vector<16xf32>
              %add3A_538 = arith.addf %add3A_531, %mul3A_537 : vector<16xf32>
              %add3A_539 = arith.addi %and3A_533, %broadcast_in_dim3A_255 : vector<16xi32>
              %and3A_540 = arith.andi %add3A_539, %broadcast_in_dim3A_257 : vector<16xi32>
              %add3A_541 = arith.addi %add3A_391, %and3A_540 : vector<16xi32>
              %gather3A_542 = tpu.vector_load_idx %arg13[%add3A_253, %add3A_541] : memref<32x256xf32, #tpu.memory_space<vmem>>[vector<16xi32>, vector<16xi32>], vector<16xf32>,
              %gather3A_543 = tpu.vector_load_idx %arg14[%add3A_253, %add3A_541] : memref<32x256xf32, #tpu.memory_space<vmem>>[vector<16xi32>, vector<16xi32>], vector<16xf32>,
              %mul3A_544 = arith.mulf %gather3A_542, %gather3A_543 : vector<16xf32>
              %add3A_545 = arith.addf %add3A_538, %mul3A_544 : vector<16xf32>
              %add3A_546 = arith.addi %and3A_540, %broadcast_in_dim3A_255 : vector<16xi32>
              %and3A_547 = arith.andi %add3A_546, %broadcast_in_dim3A_257 : vector<16xi32>
              %add3A_548 = arith.addi %add3A_391, %and3A_547 : vector<16xi32>
              %gather3A_549 = tpu.vector_load_idx %arg13[%add3A_253, %add3A_548] : memref<32x256xf32, #tpu.memory_space<vmem>>[vector<16xi32>, vector<16xi32>], vector<16xf32>,
              %gather3A_550 = tpu.vector_load_idx %arg14[%add3A_253, %add3A_548] : memref<32x256xf32, #tpu.memory_space<vmem>>[vector<16xi32>, vector<16xi32>], vector<16xf32>,
              %mul3A_551 = arith.mulf %gather3A_549, %gather3A_550 : vector<16xf32>
              %add3A_552 = arith.addf %add3A_545, %mul3A_551 : vector<16xf32>
              %add3A_553 = arith.addi %and3A_547, %broadcast_in_dim3A_255 : vector<16xi32>
              %and3A_554 = arith.andi %add3A_553, %broadcast_in_dim3A_257 : vector<16xi32>
              %add3A_555 = arith.addi %add3A_391, %and3A_554 : vector<16xi32>
              %gather3A_556 = tpu.vector_load_idx %arg13[%add3A_253, %add3A_555] : memref<32x256xf32, #tpu.memory_space<vmem>>[vector<16xi32>, vector<16xi32>], vector<16xf32>,
              %gather3A_557 = tpu.vector_load_idx %arg14[%add3A_253, %add3A_555] : memref<32x256xf32, #tpu.memory_space<vmem>>[vector<16xi32>, vector<16xi32>], vector<16xf32>,
              %mul3A_558 = arith.mulf %gather3A_556, %gather3A_557 : vector<16xf32>
              %add3A_559 = arith.addf %add3A_552, %mul3A_558 : vector<16xf32>
              %add3A_560 = arith.addi %and3A_554, %broadcast_in_dim3A_255 : vector<16xi32>
              %and3A_561 = arith.andi %add3A_560, %broadcast_in_dim3A_257 : vector<16xi32>
              %add3A_562 = arith.addi %add3A_391, %and3A_561 : vector<16xi32>
              %gather3A_563 = tpu.vector_load_idx %arg13[%add3A_253, %add3A_562] : memref<32x256xf32, #tpu.memory_space<vmem>>[vector<16xi32>, vector<16xi32>], vector<16xf32>,
              %gather3A_564 = tpu.vector_load_idx %arg14[%add3A_253, %add3A_562] : memref<32x256xf32, #tpu.memory_space<vmem>>[vector<16xi32>, vector<16xi32>], vector<16xf32>,
              %mul3A_565 = arith.mulf %gather3A_563, %gather3A_564 : vector<16xf32>
              %add3A_566 = arith.addf %add3A_559, %mul3A_565 : vector<16xf32>
              %add3A_567 = arith.addi %and3A_561, %broadcast_in_dim3A_255 : vector<16xi32>
              %and3A_568 = arith.andi %add3A_567, %broadcast_in_dim3A_257 : vector<16xi32>
              %add3A_569 = arith.addi %add3A_391, %and3A_568 : vector<16xi32>
              %gather3A_570 = tpu.vector_load_idx %arg13[%add3A_253, %add3A_569] : memref<32x256xf32, #tpu.memory_space<vmem>>[vector<16xi32>, vector<16xi32>], vector<16xf32>,
              %gather3A_571 = tpu.vector_load_idx %arg14[%add3A_253, %add3A_569] : memref<32x256xf32, #tpu.memory_space<vmem>>[vector<16xi32>, vector<16xi32>], vector<16xf32>,
              %mul3A_572 = arith.mulf %gather3A_570, %gather3A_571 : vector<16xf32>
              %add3A_573 = arith.addf %add3A_566, %mul3A_572 : vector<16xf32>
              %add3A_574 = arith.addi %and3A_568, %broadcast_in_dim3A_255 : vector<16xi32>
              %and3A_575 = arith.andi %add3A_574, %broadcast_in_dim3A_257 : vector<16xi32>
              %add3A_576 = arith.addi %add3A_391, %and3A_575 : vector<16xi32>
              %gather3A_577 = tpu.vector_load_idx %arg13[%add3A_253, %add3A_576] : memref<32x256xf32, #tpu.memory_space<vmem>>[vector<16xi32>, vector<16xi32>], vector<16xf32>,
              %gather3A_578 = tpu.vector_load_idx %arg14[%add3A_253, %add3A_576] : memref<32x256xf32, #tpu.memory_space<vmem>>[vector<16xi32>, vector<16xi32>], vector<16xf32>,
              %mul3A_579 = arith.mulf %gather3A_577, %gather3A_578 : vector<16xf32>
              %add3A_580 = arith.addf %add3A_573, %mul3A_579 : vector<16xf32>
              %add3A_581 = arith.addi %and3A_575, %broadcast_in_dim3A_255 : vector<16xi32>
              %and3A_582 = arith.andi %add3A_581, %broadcast_in_dim3A_257 : vector<16xi32>
              %add3A_583 = arith.addi %add3A_391, %and3A_582 : vector<16xi32>
              %gather3A_584 = tpu.vector_load_idx %arg13[%add3A_253, %add3A_583] : memref<32x256xf32, #tpu.memory_space<vmem>>[vector<16xi32>, vector<16xi32>], vector<16xf32>,
              %gather3A_585 = tpu.vector_load_idx %arg14[%add3A_253, %add3A_583] : memref<32x256xf32, #tpu.memory_space<vmem>>[vector<16xi32>, vector<16xi32>], vector<16xf32>,
              %mul3A_586 = arith.mulf %gather3A_584, %gather3A_585 : vector<16xf32>
              %add3A_587 = arith.addf %add3A_580, %mul3A_586 : vector<16xf32>
              %add3A_588 = arith.addi %and3A_582, %broadcast_in_dim3A_255 : vector<16xi32>
              %and3A_589 = arith.andi %add3A_588, %broadcast_in_dim3A_257 : vector<16xi32>
              %add3A_590 = arith.addi %add3A_391, %and3A_589 : vector<16xi32>
              %gather3A_591 = tpu.vector_load_idx %arg13[%add3A_253, %add3A_590] : memref<32x256xf32, #tpu.memory_space<vmem>>[vector<16xi32>, vector<16xi32>], vector<16xf32>,
              %gather3A_592 = tpu.vector_load_idx %arg14[%add3A_253, %add3A_590] : memref<32x256xf32, #tpu.memory_space<vmem>>[vector<16xi32>, vector<16xi32>], vector<16xf32>,
              %mul3A_593 = arith.mulf %gather3A_591, %gather3A_592 : vector<16xf32>
              %add3A_594 = arith.addf %add3A_587, %mul3A_593 : vector<16xf32>
              %add3A_595 = arith.addi %and3A_589, %broadcast_in_dim3A_255 : vector<16xi32>
              %and3A_596 = arith.andi %add3A_595, %broadcast_in_dim3A_257 : vector<16xi32>
              %add3A_597 = arith.addi %add3A_391, %and3A_596 : vector<16xi32>
              %gather3A_598 = tpu.vector_load_idx %arg13[%add3A_253, %add3A_597] : memref<32x256xf32, #tpu.memory_space<vmem>>[vector<16xi32>, vector<16xi32>], vector<16xf32>,
              %gather3A_599 = tpu.vector_load_idx %arg14[%add3A_253, %add3A_597] : memref<32x256xf32, #tpu.memory_space<vmem>>[vector<16xi32>, vector<16xi32>], vector<16xf32>,
              %mul3A_600 = arith.mulf %gather3A_598, %gather3A_599 : vector<16xf32>
              %add3A_601 = arith.addf %add3A_594, %mul3A_600 : vector<16xf32>
              %add3A_602 = arith.addi %and3A_596, %broadcast_in_dim3A_255 : vector<16xi32>
              %and3A_603 = arith.andi %add3A_602, %broadcast_in_dim3A_257 : vector<16xi32>
              %add3A_604 = arith.addi %add3A_391, %and3A_603 : vector<16xi32>
              %gather3A_605 = tpu.vector_load_idx %arg13[%add3A_253, %add3A_604] : memref<32x256xf32, #tpu.memory_space<vmem>>[vector<16xi32>, vector<16xi32>], vector<16xf32>,
              %gather3A_606 = tpu.vector_load_idx %arg14[%add3A_253, %add3A_604] : memref<32x256xf32, #tpu.memory_space<vmem>>[vector<16xi32>, vector<16xi32>], vector<16xf32>,
              %mul3A_607 = arith.mulf %gather3A_605, %gather3A_606 : vector<16xf32>
              %add3A_608 = arith.addf %add3A_601, %mul3A_607 : vector<16xf32>
              %add3A_609 = arith.addi %and3A_603, %broadcast_in_dim3A_255 : vector<16xi32>
              %and3A_610 = arith.andi %add3A_609, %broadcast_in_dim3A_257 : vector<16xi32>
              %add3A_611 = arith.addi %add3A_391, %and3A_610 : vector<16xi32>
              %gather3A_612 = tpu.vector_load_idx %arg13[%add3A_253, %add3A_611] : memref<32x256xf32, #tpu.memory_space<vmem>>[vector<16xi32>, vector<16xi32>], vector<16xf32>,
              %gather3A_613 = tpu.vector_load_idx %arg14[%add3A_253, %add3A_611] : memref<32x256xf32, #tpu.memory_space<vmem>>[vector<16xi32>, vector<16xi32>], vector<16xf32>,
              %mul3A_614 = arith.mulf %gather3A_612, %gather3A_613 : vector<16xf32>
              %add3A_615 = arith.addf %add3A_608, %mul3A_614 : vector<16xf32>
              %add3A_616 = arith.addi %and3A_610, %broadcast_in_dim3A_255 : vector<16xi32>
              %and3A_617 = arith.andi %add3A_616, %broadcast_in_dim3A_257 : vector<16xi32>
              %add3A_618 = vector.broadcast %scan3A_387 : i32 to vector<16xi32>
              %add3A_619 = arith.addi %broadcast_in_dim3A_1, %add3A_618 : vector<16xi32>
              tpu.vector_store_idx %arg19[%add3A_619, %iota3A], %add3A_615 : memref<8x16xf32, #tpu.memory_space<vmem>>[vector<16xi32>, vector<16xi32>], vector<16xf32>,
            }
            %scan3A_263 = arith.constant 8 : i32
            %broadcast_in_dim3A_264 = arith.constant 0 : i32
            %broadcast_in_dim3A_265 = vector.broadcast %broadcast_in_dim3A_264 : i32 to vector<16xi32>
            %gather3A = tpu.vector_load_idx %arg19[%broadcast_in_dim3A_265, %iota3A] : memref<8x16xf32, #tpu.memory_space<vmem>>[vector<16xi32>, vector<16xi32>], vector<16xf32>,
            %mul3A_266 = arith.constant 0.176776692 : f32
            %mul3A_267 = vector.broadcast %mul3A_266 : f32 to vector<16xf32>
            %mul3A_268 = arith.mulf %gather3A, %mul3A_267 : vector<16xf32>
            %broadcast_in_dim3A_269 = arith.constant 1 : i32
            %broadcast_in_dim3A_270 = vector.broadcast %broadcast_in_dim3A_269 : i32 to vector<16xi32>
            %gather3A_271 = tpu.vector_load_idx %arg19[%broadcast_in_dim3A_270, %iota3A] : memref<8x16xf32, #tpu.memory_space<vmem>>[vector<16xi32>, vector<16xi32>], vector<16xf32>,
            %mul3A_272 = arith.constant 0.176776692 : f32
            %mul3A_273 = vector.broadcast %mul3A_272 : f32 to vector<16xf32>
            %mul3A_274 = arith.mulf %gather3A_271, %mul3A_273 : vector<16xf32>
            %broadcast_in_dim3A_275 = arith.constant 2 : i32
            %broadcast_in_dim3A_276 = vector.broadcast %broadcast_in_dim3A_275 : i32 to vector<16xi32>
            %gather3A_277 = tpu.vector_load_idx %arg19[%broadcast_in_dim3A_276, %iota3A] : memref<8x16xf32, #tpu.memory_space<vmem>>[vector<16xi32>, vector<16xi32>], vector<16xf32>,
            %mul3A_278 = arith.constant 0.176776692 : f32
            %mul3A_279 = vector.broadcast %mul3A_278 : f32 to vector<16xf32>
            %mul3A_280 = arith.mulf %gather3A_277, %mul3A_279 : vector<16xf32>
            %broadcast_in_dim3A_281 = arith.constant 3 : i32
            %broadcast_in_dim3A_282 = vector.broadcast %broadcast_in_dim3A_281 : i32 to vector<16xi32>
            %gather3A_283 = tpu.vector_load_idx %arg19[%broadcast_in_dim3A_282, %iota3A] : memref<8x16xf32, #tpu.memory_space<vmem>>[vector<16xi32>, vector<16xi32>], vector<16xf32>,
            %mul3A_284 = arith.constant 0.176776692 : f32
            %mul3A_285 = vector.broadcast %mul3A_284 : f32 to vector<16xf32>
            %mul3A_286 = arith.mulf %gather3A_283, %mul3A_285 : vector<16xf32>
            %broadcast_in_dim3A_287 = arith.constant 4 : i32
            %broadcast_in_dim3A_288 = vector.broadcast %broadcast_in_dim3A_287 : i32 to vector<16xi32>
            %gather3A_289 = tpu.vector_load_idx %arg19[%broadcast_in_dim3A_288, %iota3A] : memref<8x16xf32, #tpu.memory_space<vmem>>[vector<16xi32>, vector<16xi32>], vector<16xf32>,
            %mul3A_290 = arith.constant 0.176776692 : f32
            %mul3A_291 = vector.broadcast %mul3A_290 : f32 to vector<16xf32>
            %mul3A_292 = arith.mulf %gather3A_289, %mul3A_291 : vector<16xf32>
            %broadcast_in_dim3A_293 = arith.constant 5 : i32
            %broadcast_in_dim3A_294 = vector.broadcast %broadcast_in_dim3A_293 : i32 to vector<16xi32>
            %gather3A_295 = tpu.vector_load_idx %arg19[%broadcast_in_dim3A_294, %iota3A] : memref<8x16xf32, #tpu.memory_space<vmem>>[vector<16xi32>, vector<16xi32>], vector<16xf32>,
            %mul3A_296 = arith.constant 0.176776692 : f32
            %mul3A_297 = vector.broadcast %mul3A_296 : f32 to vector<16xf32>
            %mul3A_298 = arith.mulf %gather3A_295, %mul3A_297 : vector<16xf32>
            %broadcast_in_dim3A_299 = arith.constant 6 : i32
            %broadcast_in_dim3A_300 = vector.broadcast %broadcast_in_dim3A_299 : i32 to vector<16xi32>
            %gather3A_301 = tpu.vector_load_idx %arg19[%broadcast_in_dim3A_300, %iota3A] : memref<8x16xf32, #tpu.memory_space<vmem>>[vector<16xi32>, vector<16xi32>], vector<16xf32>,
            %mul3A_302 = arith.constant 0.176776692 : f32
            %mul3A_303 = vector.broadcast %mul3A_302 : f32 to vector<16xf32>
            %mul3A_304 = arith.mulf %gather3A_301, %mul3A_303 : vector<16xf32>
            %broadcast_in_dim3A_305 = arith.constant 7 : i32
            %broadcast_in_dim3A_306 = vector.broadcast %broadcast_in_dim3A_305 : i32 to vector<16xi32>
            %gather3A_307 = tpu.vector_load_idx %arg19[%broadcast_in_dim3A_306, %iota3A] : memref<8x16xf32, #tpu.memory_space<vmem>>[vector<16xi32>, vector<16xi32>], vector<16xf32>,
            %mul3A_308 = arith.constant 0.176776692 : f32
            %mul3A_309 = vector.broadcast %mul3A_308 : f32 to vector<16xf32>
            %mul3A_310 = arith.mulf %gather3A_307, %mul3A_309 : vector<16xf32>
            %max3A = arith.maximumf %mul3A_268, %mul3A_274 : vector<16xf32>
            %max3A_311 = arith.maximumf %max3A, %mul3A_280 : vector<16xf32>
            %max3A_312 = arith.maximumf %max3A_311, %mul3A_286 : vector<16xf32>
            %max3A_313 = arith.maximumf %max3A_312, %mul3A_292 : vector<16xf32>
            %max3A_314 = arith.maximumf %max3A_313, %mul3A_298 : vector<16xf32>
            %max3A_315 = arith.maximumf %max3A_314, %mul3A_304 : vector<16xf32>
            %max3A_316 = arith.maximumf %max3A_315, %mul3A_310 : vector<16xf32>
            %sub3A_317 = arith.subf %mul3A_268, %max3A_316 : vector<16xf32>
            %exp3A = math.exp %sub3A_317 : vector<16xf32>
            %sub3A_318 = arith.subf %mul3A_274, %max3A_316 : vector<16xf32>
            %exp3A_319 = math.exp %sub3A_318 : vector<16xf32>
            %sub3A_320 = arith.subf %mul3A_280, %max3A_316 : vector<16xf32>
            %exp3A_321 = math.exp %sub3A_320 : vector<16xf32>
            %sub3A_322 = arith.subf %mul3A_286, %max3A_316 : vector<16xf32>
            %exp3A_323 = math.exp %sub3A_322 : vector<16xf32>
            %sub3A_324 = arith.subf %mul3A_292, %max3A_316 : vector<16xf32>
            %exp3A_325 = math.exp %sub3A_324 : vector<16xf32>
            %sub3A_326 = arith.subf %mul3A_298, %max3A_316 : vector<16xf32>
            %exp3A_327 = math.exp %sub3A_326 : vector<16xf32>
            %sub3A_328 = arith.subf %mul3A_304, %max3A_316 : vector<16xf32>
            %exp3A_329 = math.exp %sub3A_328 : vector<16xf32>
            %sub3A_330 = arith.subf %mul3A_310, %max3A_316 : vector<16xf32>
            %exp3A_331 = math.exp %sub3A_330 : vector<16xf32>
            %add3A_332 = arith.addf %exp3A, %exp3A_319 : vector<16xf32>
            %add3A_333 = arith.addf %add3A_332, %exp3A_321 : vector<16xf32>
            %add3A_334 = arith.addf %add3A_333, %exp3A_323 : vector<16xf32>
            %add3A_335 = arith.addf %add3A_334, %exp3A_325 : vector<16xf32>
            %add3A_336 = arith.addf %add3A_335, %exp3A_327 : vector<16xf32>
            %add3A_337 = arith.addf %add3A_336, %exp3A_329 : vector<16xf32>
            %add3A_338 = arith.addf %add3A_337, %exp3A_331 : vector<16xf32>
            %div3A_339 = arith.constant 1.000000e+00 : f32
            %div3A_340 = vector.broadcast %div3A_339 : f32 to vector<16xf32>
            %div3A_341 = arith.divf %div3A_340, %add3A_338 : vector<16xf32>
            %broadcast_in_dim3A_342 = arith.constant 0 : i32
            %broadcast_in_dim3A_343 = vector.broadcast %broadcast_in_dim3A_342 : i32 to vector<16xi32>
            %mul3A_344 = arith.mulf %exp3A, %div3A_341 : vector<16xf32>
            tpu.vector_store_idx %arg19[%broadcast_in_dim3A_343, %iota3A], %mul3A_344 : memref<8x16xf32, #tpu.memory_space<vmem>>[vector<16xi32>, vector<16xi32>], vector<16xf32>,
            %broadcast_in_dim3A_345 = arith.constant 1 : i32
            %broadcast_in_dim3A_346 = vector.broadcast %broadcast_in_dim3A_345 : i32 to vector<16xi32>
            %mul3A_347 = arith.mulf %exp3A_319, %div3A_341 : vector<16xf32>
            tpu.vector_store_idx %arg19[%broadcast_in_dim3A_346, %iota3A], %mul3A_347 : memref<8x16xf32, #tpu.memory_space<vmem>>[vector<16xi32>, vector<16xi32>], vector<16xf32>,
            %broadcast_in_dim3A_348 = arith.constant 2 : i32
            %broadcast_in_dim3A_349 = vector.broadcast %broadcast_in_dim3A_348 : i32 to vector<16xi32>
            %mul3A_350 = arith.mulf %exp3A_321, %div3A_341 : vector<16xf32>
            tpu.vector_store_idx %arg19[%broadcast_in_dim3A_349, %iota3A], %mul3A_350 : memref<8x16xf32, #tpu.memory_space<vmem>>[vector<16xi32>, vector<16xi32>], vector<16xf32>,
            %broadcast_in_dim3A_351 = arith.constant 3 : i32
            %broadcast_in_dim3A_352 = vector.broadcast %broadcast_in_dim3A_351 : i32 to vector<16xi32>
            %mul3A_353 = arith.mulf %exp3A_323, %div3A_341 : vector<16xf32>
            tpu.vector_store_idx %arg19[%broadcast_in_dim3A_352, %iota3A], %mul3A_353 : memref<8x16xf32, #tpu.memory_space<vmem>>[vector<16xi32>, vector<16xi32>], vector<16xf32>,
            %broadcast_in_dim3A_354 = arith.constant 4 : i32
            %broadcast_in_dim3A_355 = vector.broadcast %broadcast_in_dim3A_354 : i32 to vector<16xi32>
            %mul3A_356 = arith.mulf %exp3A_325, %div3A_341 : vector<16xf32>
            tpu.vector_store_idx %arg19[%broadcast_in_dim3A_355, %iota3A], %mul3A_356 : memref<8x16xf32, #tpu.memory_space<vmem>>[vector<16xi32>, vector<16xi32>], vector<16xf32>,
            %broadcast_in_dim3A_357 = arith.constant 5 : i32
            %broadcast_in_dim3A_358 = vector.broadcast %broadcast_in_dim3A_357 : i32 to vector<16xi32>
            %mul3A_359 = arith.mulf %exp3A_327, %div3A_341 : vector<16xf32>
            tpu.vector_store_idx %arg19[%broadcast_in_dim3A_358, %iota3A], %mul3A_359 : memref<8x16xf32, #tpu.memory_space<vmem>>[vector<16xi32>, vector<16xi32>], vector<16xf32>,
            %broadcast_in_dim3A_360 = arith.constant 6 : i32
            %broadcast_in_dim3A_361 = vector.broadcast %broadcast_in_dim3A_360 : i32 to vector<16xi32>
            %mul3A_362 = arith.mulf %exp3A_329, %div3A_341 : vector<16xf32>
            tpu.vector_store_idx %arg19[%broadcast_in_dim3A_361, %iota3A], %mul3A_362 : memref<8x16xf32, #tpu.memory_space<vmem>>[vector<16xi32>, vector<16xi32>], vector<16xf32>,
            %broadcast_in_dim3A_363 = arith.constant 7 : i32
            %broadcast_in_dim3A_364 = vector.broadcast %broadcast_in_dim3A_363 : i32 to vector<16xi32>
            %mul3A_365 = arith.mulf %exp3A_331, %div3A_341 : vector<16xf32>
            tpu.vector_store_idx %arg19[%broadcast_in_dim3A_364, %iota3A], %mul3A_365 : memref<8x16xf32, #tpu.memory_space<vmem>>[vector<16xi32>, vector<16xi32>], vector<16xf32>,
            %scan3A_366 = arith.constant 0 : i32
            %scan3A_367 = arith.constant 0 : i32
            %scan3A_368 = arith.constant 8 : i32
            %scan3A_369 = arith.addi %scan3A_367, %scan3A_368 : i32
            %scan3A_370 = arith.constant 1 : i32
            scf.for %scan3A_387 = %scan3A_367 to %scan3A_369 step %scan3A_370  : i32 {
              %mul3A_388 = arith.constant 32 : i32
              %mul3A_389 = arith.muli %scan3A_387, %mul3A_388 : i32
              %add3A_390 = vector.broadcast %mul3A_389 : i32 to vector<16xi32>
              %add3A_391 = arith.addi %broadcast_in_dim3A_1, %add3A_390 : vector<16xi32>
              %add3A_392 = vector.broadcast %scan3A_387 : i32 to vector<16xi32>
              %add3A_393 = arith.addi %broadcast_in_dim3A_1, %add3A_392 : vector<16xi32>
              %gather3A_394 = tpu.vector_load_idx %arg19[%add3A_393, %iota3A] : memref<8x16xf32, #tpu.memory_space<vmem>>[vector<16xi32>, vector<16xi32>], vector<16xf32>,
              %add3A_395 = arith.addi %add3A_391, %iota3A : vector<16xi32>
              %gather3A_396 = tpu.vector_load_idx %arg15[%add3A_253, %add3A_395] : memref<32x256xf32, #tpu.memory_space<vmem>>[vector<16xi32>, vector<16xi32>], vector<16xf32>,
              %mul3A_397 = arith.mulf %gather3A_394, %gather3A_396 : vector<16xf32>
              tpu.vector_store_idx %arg14[%add3A_253, %add3A_395], %mul3A_397 : memref<32x256xf32, #tpu.memory_space<vmem>>[vector<16xi32>, vector<16xi32>], vector<16xf32>,
              %add3A_398 = arith.addi %iota3A, %broadcast_in_dim3A_255 : vector<16xi32>
              %and3A_399 = arith.andi %add3A_398, %broadcast_in_dim3A_257 : vector<16xi32>
              %add3A_400 = arith.addi %add3A_391, %and3A_399 : vector<16xi32>
              %gather3A_401 = tpu.vector_load_idx %arg15[%add3A_253, %add3A_400] : memref<32x256xf32, #tpu.memory_space<vmem>>[vector<16xi32>, vector<16xi32>], vector<16xf32>,
              %mul3A_402 = arith.mulf %gather3A_394, %gather3A_401 : vector<16xf32>
              tpu.vector_store_idx %arg14[%add3A_253, %add3A_400], %mul3A_402 : memref<32x256xf32, #tpu.memory_space<vmem>>[vector<16xi32>, vector<16xi32>], vector<16xf32>,
              %add3A_403 = arith.addi %and3A_399, %broadcast_in_dim3A_255 : vector<16xi32>
              %and3A_404 = arith.andi %add3A_403, %broadcast_in_dim3A_257 : vector<16xi32>
              %add3A_405 = arith.addi %add3A_391, %and3A_404 : vector<16xi32>
              %gather3A_406 = tpu.vector_load_idx %arg15[%add3A_253, %add3A_405] : memref<32x256xf32, #tpu.memory_space<vmem>>[vector<16xi32>, vector<16xi32>], vector<16xf32>,
              %mul3A_407 = arith.mulf %gather3A_394, %gather3A_406 : vector<16xf32>
              tpu.vector_store_idx %arg14[%add3A_253, %add3A_405], %mul3A_407 : memref<32x256xf32, #tpu.memory_space<vmem>>[vector<16xi32>, vector<16xi32>], vector<16xf32>,
              %add3A_408 = arith.addi %and3A_404, %broadcast_in_dim3A_255 : vector<16xi32>
              %and3A_409 = arith.andi %add3A_408, %broadcast_in_dim3A_257 : vector<16xi32>
              %add3A_410 = arith.addi %add3A_391, %and3A_409 : vector<16xi32>
              %gather3A_411 = tpu.vector_load_idx %arg15[%add3A_253, %add3A_410] : memref<32x256xf32, #tpu.memory_space<vmem>>[vector<16xi32>, vector<16xi32>], vector<16xf32>,
              %mul3A_412 = arith.mulf %gather3A_394, %gather3A_411 : vector<16xf32>
              tpu.vector_store_idx %arg14[%add3A_253, %add3A_410], %mul3A_412 : memref<32x256xf32, #tpu.memory_space<vmem>>[vector<16xi32>, vector<16xi32>], vector<16xf32>,
              %add3A_413 = arith.addi %and3A_409, %broadcast_in_dim3A_255 : vector<16xi32>
              %and3A_414 = arith.andi %add3A_413, %broadcast_in_dim3A_257 : vector<16xi32>
              %add3A_415 = arith.addi %add3A_391, %and3A_414 : vector<16xi32>
              %gather3A_416 = tpu.vector_load_idx %arg15[%add3A_253, %add3A_415] : memref<32x256xf32, #tpu.memory_space<vmem>>[vector<16xi32>, vector<16xi32>], vector<16xf32>,
              %mul3A_417 = arith.mulf %gather3A_394, %gather3A_416 : vector<16xf32>
              tpu.vector_store_idx %arg14[%add3A_253, %add3A_415], %mul3A_417 : memref<32x256xf32, #tpu.memory_space<vmem>>[vector<16xi32>, vector<16xi32>], vector<16xf32>,
              %add3A_418 = arith.addi %and3A_414, %broadcast_in_dim3A_255 : vector<16xi32>
              %and3A_419 = arith.andi %add3A_418, %broadcast_in_dim3A_257 : vector<16xi32>
              %add3A_420 = arith.addi %add3A_391, %and3A_419 : vector<16xi32>
              %gather3A_421 = tpu.vector_load_idx %arg15[%add3A_253, %add3A_420] : memref<32x256xf32, #tpu.memory_space<vmem>>[vector<16xi32>, vector<16xi32>], vector<16xf32>,
              %mul3A_422 = arith.mulf %gather3A_394, %gather3A_421 : vector<16xf32>
              tpu.vector_store_idx %arg14[%add3A_253, %add3A_420], %mul3A_422 : memref<32x256xf32, #tpu.memory_space<vmem>>[vector<16xi32>, vector<16xi32>], vector<16xf32>,
              %add3A_423 = arith.addi %and3A_419, %broadcast_in_dim3A_255 : vector<16xi32>
              %and3A_424 = arith.andi %add3A_423, %broadcast_in_dim3A_257 : vector<16xi32>
              %add3A_425 = arith.addi %add3A_391, %and3A_424 : vector<16xi32>
              %gather3A_426 = tpu.vector_load_idx %arg15[%add3A_253, %add3A_425] : memref<32x256xf32, #tpu.memory_space<vmem>>[vector<16xi32>, vector<16xi32>], vector<16xf32>,
              %mul3A_427 = arith.mulf %gather3A_394, %gather3A_426 : vector<16xf32>
              tpu.vector_store_idx %arg14[%add3A_253, %add3A_425], %mul3A_427 : memref<32x256xf32, #tpu.memory_space<vmem>>[vector<16xi32>, vector<16xi32>], vector<16xf32>,
              %add3A_428 = arith.addi %and3A_424, %broadcast_in_dim3A_255 : vector<16xi32>
              %and3A_429 = arith.andi %add3A_428, %broadcast_in_dim3A_257 : vector<16xi32>
              %add3A_430 = arith.addi %add3A_391, %and3A_429 : vector<16xi32>
              %gather3A_431 = tpu.vector_load_idx %arg15[%add3A_253, %add3A_430] : memref<32x256xf32, #tpu.memory_space<vmem>>[vector<16xi32>, vector<16xi32>], vector<16xf32>,
              %mul3A_432 = arith.mulf %gather3A_394, %gather3A_431 : vector<16xf32>
              tpu.vector_store_idx %arg14[%add3A_253, %add3A_430], %mul3A_432 : memref<32x256xf32, #tpu.memory_space<vmem>>[vector<16xi32>, vector<16xi32>], vector<16xf32>,
              %add3A_433 = arith.addi %and3A_429, %broadcast_in_dim3A_255 : vector<16xi32>
              %and3A_434 = arith.andi %add3A_433, %broadcast_in_dim3A_257 : vector<16xi32>
              %add3A_435 = arith.addi %add3A_391, %and3A_434 : vector<16xi32>
              %gather3A_436 = tpu.vector_load_idx %arg15[%add3A_253, %add3A_435] : memref<32x256xf32, #tpu.memory_space<vmem>>[vector<16xi32>, vector<16xi32>], vector<16xf32>,
              %mul3A_437 = arith.mulf %gather3A_394, %gather3A_436 : vector<16xf32>
              tpu.vector_store_idx %arg14[%add3A_253, %add3A_435], %mul3A_437 : memref<32x256xf32, #tpu.memory_space<vmem>>[vector<16xi32>, vector<16xi32>], vector<16xf32>,
              %add3A_438 = arith.addi %and3A_434, %broadcast_in_dim3A_255 : vector<16xi32>
              %and3A_439 = arith.andi %add3A_438, %broadcast_in_dim3A_257 : vector<16xi32>
              %add3A_440 = arith.addi %add3A_391, %and3A_439 : vector<16xi32>
              %gather3A_441 = tpu.vector_load_idx %arg15[%add3A_253, %add3A_440] : memref<32x256xf32, #tpu.memory_space<vmem>>[vector<16xi32>, vector<16xi32>], vector<16xf32>,
              %mul3A_442 = arith.mulf %gather3A_394, %gather3A_441 : vector<16xf32>
              tpu.vector_store_idx %arg14[%add3A_253, %add3A_440], %mul3A_442 : memref<32x256xf32, #tpu.memory_space<vmem>>[vector<16xi32>, vector<16xi32>], vector<16xf32>,
              %add3A_443 = arith.addi %and3A_439, %broadcast_in_dim3A_255 : vector<16xi32>
              %and3A_444 = arith.andi %add3A_443, %broadcast_in_dim3A_257 : vector<16xi32>
              %add3A_445 = arith.addi %add3A_391, %and3A_444 : vector<16xi32>
              %gather3A_446 = tpu.vector_load_idx %arg15[%add3A_253, %add3A_445] : memref<32x256xf32, #tpu.memory_space<vmem>>[vector<16xi32>, vector<16xi32>], vector<16xf32>,
              %mul3A_447 = arith.mulf %gather3A_394, %gather3A_446 : vector<16xf32>
              tpu.vector_store_idx %arg14[%add3A_253, %add3A_445], %mul3A_447 : memref<32x256xf32, #tpu.memory_space<vmem>>[vector<16xi32>, vector<16xi32>], vector<16xf32>,
              %add3A_448 = arith.addi %and3A_444, %broadcast_in_dim3A_255 : vector<16xi32>
              %and3A_449 = arith.andi %add3A_448, %broadcast_in_dim3A_257 : vector<16xi32>
              %add3A_450 = arith.addi %add3A_391, %and3A_449 : vector<16xi32>
              %gather3A_451 = tpu.vector_load_idx %arg15[%add3A_253, %add3A_450] : memref<32x256xf32, #tpu.memory_space<vmem>>[vector<16xi32>, vector<16xi32>], vector<16xf32>,
              %mul3A_452 = arith.mulf %gather3A_394, %gather3A_451 : vector<16xf32>
              tpu.vector_store_idx %arg14[%add3A_253, %add3A_450], %mul3A_452 : memref<32x256xf32, #tpu.memory_space<vmem>>[vector<16xi32>, vector<16xi32>], vector<16xf32>,
              %add3A_453 = arith.addi %and3A_449, %broadcast_in_dim3A_255 : vector<16xi32>
              %and3A_454 = arith.andi %add3A_453, %broadcast_in_dim3A_257 : vector<16xi32>
              %add3A_455 = arith.addi %add3A_391, %and3A_454 : vector<16xi32>
              %gather3A_456 = tpu.vector_load_idx %arg15[%add3A_253, %add3A_455] : memref<32x256xf32, #tpu.memory_space<vmem>>[vector<16xi32>, vector<16xi32>], vector<16xf32>,
              %mul3A_457 = arith.mulf %gather3A_394, %gather3A_456 : vector<16xf32>
              tpu.vector_store_idx %arg14[%add3A_253, %add3A_455], %mul3A_457 : memref<32x256xf32, #tpu.memory_space<vmem>>[vector<16xi32>, vector<16xi32>], vector<16xf32>,
              %add3A_458 = arith.addi %and3A_454, %broadcast_in_dim3A_255 : vector<16xi32>
              %and3A_459 = arith.andi %add3A_458, %broadcast_in_dim3A_257 : vector<16xi32>
              %add3A_460 = arith.addi %add3A_391, %and3A_459 : vector<16xi32>
              %gather3A_461 = tpu.vector_load_idx %arg15[%add3A_253, %add3A_460] : memref<32x256xf32, #tpu.memory_space<vmem>>[vector<16xi32>, vector<16xi32>], vector<16xf32>,
              %mul3A_462 = arith.mulf %gather3A_394, %gather3A_461 : vector<16xf32>
              tpu.vector_store_idx %arg14[%add3A_253, %add3A_460], %mul3A_462 : memref<32x256xf32, #tpu.memory_space<vmem>>[vector<16xi32>, vector<16xi32>], vector<16xf32>,
              %add3A_463 = arith.addi %and3A_459, %broadcast_in_dim3A_255 : vector<16xi32>
              %and3A_464 = arith.andi %add3A_463, %broadcast_in_dim3A_257 : vector<16xi32>
              %add3A_465 = arith.addi %add3A_391, %and3A_464 : vector<16xi32>
              %gather3A_466 = tpu.vector_load_idx %arg15[%add3A_253, %add3A_465] : memref<32x256xf32, #tpu.memory_space<vmem>>[vector<16xi32>, vector<16xi32>], vector<16xf32>,
              %mul3A_467 = arith.mulf %gather3A_394, %gather3A_466 : vector<16xf32>
              tpu.vector_store_idx %arg14[%add3A_253, %add3A_465], %mul3A_467 : memref<32x256xf32, #tpu.memory_space<vmem>>[vector<16xi32>, vector<16xi32>], vector<16xf32>,
              %add3A_468 = arith.addi %and3A_464, %broadcast_in_dim3A_255 : vector<16xi32>
              %and3A_469 = arith.andi %add3A_468, %broadcast_in_dim3A_257 : vector<16xi32>
              %add3A_470 = arith.addi %add3A_391, %and3A_469 : vector<16xi32>
              %gather3A_471 = tpu.vector_load_idx %arg15[%add3A_253, %add3A_470] : memref<32x256xf32, #tpu.memory_space<vmem>>[vector<16xi32>, vector<16xi32>], vector<16xf32>,
              %mul3A_472 = arith.mulf %gather3A_394, %gather3A_471 : vector<16xf32>
              tpu.vector_store_idx %arg14[%add3A_253, %add3A_470], %mul3A_472 : memref<32x256xf32, #tpu.memory_space<vmem>>[vector<16xi32>, vector<16xi32>], vector<16xf32>,
              %add3A_473 = arith.addi %and3A_469, %broadcast_in_dim3A_255 : vector<16xi32>
              %and3A_474 = arith.andi %add3A_473, %broadcast_in_dim3A_257 : vector<16xi32>
              %add3A_475 = arith.addi %add3A_391, %and3A_474 : vector<16xi32>
              %gather3A_476 = tpu.vector_load_idx %arg15[%add3A_253, %add3A_475] : memref<32x256xf32, #tpu.memory_space<vmem>>[vector<16xi32>, vector<16xi32>], vector<16xf32>,
              %mul3A_477 = arith.mulf %gather3A_394, %gather3A_476 : vector<16xf32>
              tpu.vector_store_idx %arg14[%add3A_253, %add3A_475], %mul3A_477 : memref<32x256xf32, #tpu.memory_space<vmem>>[vector<16xi32>, vector<16xi32>], vector<16xf32>,
              %add3A_478 = arith.addi %and3A_474, %broadcast_in_dim3A_255 : vector<16xi32>
              %and3A_479 = arith.andi %add3A_478, %broadcast_in_dim3A_257 : vector<16xi32>
              %add3A_480 = arith.addi %add3A_391, %and3A_479 : vector<16xi32>
              %gather3A_481 = tpu.vector_load_idx %arg15[%add3A_253, %add3A_480] : memref<32x256xf32, #tpu.memory_space<vmem>>[vector<16xi32>, vector<16xi32>], vector<16xf32>,
              %mul3A_482 = arith.mulf %gather3A_394, %gather3A_481 : vector<16xf32>
              tpu.vector_store_idx %arg14[%add3A_253, %add3A_480], %mul3A_482 : memref<32x256xf32, #tpu.memory_space<vmem>>[vector<16xi32>, vector<16xi32>], vector<16xf32>,
              %add3A_483 = arith.addi %and3A_479, %broadcast_in_dim3A_255 : vector<16xi32>
              %and3A_484 = arith.andi %add3A_483, %broadcast_in_dim3A_257 : vector<16xi32>
              %add3A_485 = arith.addi %add3A_391, %and3A_484 : vector<16xi32>
              %gather3A_486 = tpu.vector_load_idx %arg15[%add3A_253, %add3A_485] : memref<32x256xf32, #tpu.memory_space<vmem>>[vector<16xi32>, vector<16xi32>], vector<16xf32>,
              %mul3A_487 = arith.mulf %gather3A_394, %gather3A_486 : vector<16xf32>
              tpu.vector_store_idx %arg14[%add3A_253, %add3A_485], %mul3A_487 : memref<32x256xf32, #tpu.memory_space<vmem>>[vector<16xi32>, vector<16xi32>], vector<16xf32>,
              %add3A_488 = arith.addi %and3A_484, %broadcast_in_dim3A_255 : vector<16xi32>
              %and3A_489 = arith.andi %add3A_488, %broadcast_in_dim3A_257 : vector<16xi32>
              %add3A_490 = arith.addi %add3A_391, %and3A_489 : vector<16xi32>
              %gather3A_491 = tpu.vector_load_idx %arg15[%add3A_253, %add3A_490] : memref<32x256xf32, #tpu.memory_space<vmem>>[vector<16xi32>, vector<16xi32>], vector<16xf32>,
              %mul3A_492 = arith.mulf %gather3A_394, %gather3A_491 : vector<16xf32>
              tpu.vector_store_idx %arg14[%add3A_253, %add3A_490], %mul3A_492 : memref<32x256xf32, #tpu.memory_space<vmem>>[vector<16xi32>, vector<16xi32>], vector<16xf32>,
              %add3A_493 = arith.addi %and3A_489, %broadcast_in_dim3A_255 : vector<16xi32>
              %and3A_494 = arith.andi %add3A_493, %broadcast_in_dim3A_257 : vector<16xi32>
              %add3A_495 = arith.addi %add3A_391, %and3A_494 : vector<16xi32>
              %gather3A_496 = tpu.vector_load_idx %arg15[%add3A_253, %add3A_495] : memref<32x256xf32, #tpu.memory_space<vmem>>[vector<16xi32>, vector<16xi32>], vector<16xf32>,
              %mul3A_497 = arith.mulf %gather3A_394, %gather3A_496 : vector<16xf32>
              tpu.vector_store_idx %arg14[%add3A_253, %add3A_495], %mul3A_497 : memref<32x256xf32, #tpu.memory_space<vmem>>[vector<16xi32>, vector<16xi32>], vector<16xf32>,
              %add3A_498 = arith.addi %and3A_494, %broadcast_in_dim3A_255 : vector<16xi32>
              %and3A_499 = arith.andi %add3A_498, %broadcast_in_dim3A_257 : vector<16xi32>
              %add3A_500 = arith.addi %add3A_391, %and3A_499 : vector<16xi32>
              %gather3A_501 = tpu.vector_load_idx %arg15[%add3A_253, %add3A_500] : memref<32x256xf32, #tpu.memory_space<vmem>>[vector<16xi32>, vector<16xi32>], vector<16xf32>,
              %mul3A_502 = arith.mulf %gather3A_394, %gather3A_501 : vector<16xf32>
              tpu.vector_store_idx %arg14[%add3A_253, %add3A_500], %mul3A_502 : memref<32x256xf32, #tpu.memory_space<vmem>>[vector<16xi32>, vector<16xi32>], vector<16xf32>,
              %add3A_503 = arith.addi %and3A_499, %broadcast_in_dim3A_255 : vector<16xi32>
              %and3A_504 = arith.andi %add3A_503, %broadcast_in_dim3A_257 : vector<16xi32>
              %add3A_505 = arith.addi %add3A_391, %and3A_504 : vector<16xi32>
              %gather3A_506 = tpu.vector_load_idx %arg15[%add3A_253, %add3A_505] : memref<32x256xf32, #tpu.memory_space<vmem>>[vector<16xi32>, vector<16xi32>], vector<16xf32>,
              %mul3A_507 = arith.mulf %gather3A_394, %gather3A_506 : vector<16xf32>
              tpu.vector_store_idx %arg14[%add3A_253, %add3A_505], %mul3A_507 : memref<32x256xf32, #tpu.memory_space<vmem>>[vector<16xi32>, vector<16xi32>], vector<16xf32>,
              %add3A_508 = arith.addi %and3A_504, %broadcast_in_dim3A_255 : vector<16xi32>
              %and3A_509 = arith.andi %add3A_508, %broadcast_in_dim3A_257 : vector<16xi32>
              %add3A_510 = arith.addi %add3A_391, %and3A_509 : vector<16xi32>
              %gather3A_511 = tpu.vector_load_idx %arg15[%add3A_253, %add3A_510] : memref<32x256xf32, #tpu.memory_space<vmem>>[vector<16xi32>, vector<16xi32>], vector<16xf32>,
              %mul3A_512 = arith.mulf %gather3A_394, %gather3A_511 : vector<16xf32>
              tpu.vector_store_idx %arg14[%add3A_253, %add3A_510], %mul3A_512 : memref<32x256xf32, #tpu.memory_space<vmem>>[vector<16xi32>, vector<16xi32>], vector<16xf32>,
              %add3A_513 = arith.addi %and3A_509, %broadcast_in_dim3A_255 : vector<16xi32>
              %and3A_514 = arith.andi %add3A_513, %broadcast_in_dim3A_257 : vector<16xi32>
              %add3A_515 = arith.addi %add3A_391, %and3A_514 : vector<16xi32>
              %gather3A_516 = tpu.vector_load_idx %arg15[%add3A_253, %add3A_515] : memref<32x256xf32, #tpu.memory_space<vmem>>[vector<16xi32>, vector<16xi32>], vector<16xf32>,
              %mul3A_517 = arith.mulf %gather3A_394, %gather3A_516 : vector<16xf32>
              tpu.vector_store_idx %arg14[%add3A_253, %add3A_515], %mul3A_517 : memref<32x256xf32, #tpu.memory_space<vmem>>[vector<16xi32>, vector<16xi32>], vector<16xf32>,
              %add3A_518 = arith.addi %and3A_514, %broadcast_in_dim3A_255 : vector<16xi32>
              %and3A_519 = arith.andi %add3A_518, %broadcast_in_dim3A_257 : vector<16xi32>
              %add3A_520 = arith.addi %add3A_391, %and3A_519 : vector<16xi32>
              %gather3A_521 = tpu.vector_load_idx %arg15[%add3A_253, %add3A_520] : memref<32x256xf32, #tpu.memory_space<vmem>>[vector<16xi32>, vector<16xi32>], vector<16xf32>,
              %mul3A_522 = arith.mulf %gather3A_394, %gather3A_521 : vector<16xf32>
              tpu.vector_store_idx %arg14[%add3A_253, %add3A_520], %mul3A_522 : memref<32x256xf32, #tpu.memory_space<vmem>>[vector<16xi32>, vector<16xi32>], vector<16xf32>,
              %add3A_523 = arith.addi %and3A_519, %broadcast_in_dim3A_255 : vector<16xi32>
              %and3A_524 = arith.andi %add3A_523, %broadcast_in_dim3A_257 : vector<16xi32>
              %add3A_525 = arith.addi %add3A_391, %and3A_524 : vector<16xi32>
              %gather3A_526 = tpu.vector_load_idx %arg15[%add3A_253, %add3A_525] : memref<32x256xf32, #tpu.memory_space<vmem>>[vector<16xi32>, vector<16xi32>], vector<16xf32>,
              %mul3A_527 = arith.mulf %gather3A_394, %gather3A_526 : vector<16xf32>
              tpu.vector_store_idx %arg14[%add3A_253, %add3A_525], %mul3A_527 : memref<32x256xf32, #tpu.memory_space<vmem>>[vector<16xi32>, vector<16xi32>], vector<16xf32>,
              %add3A_528 = arith.addi %and3A_524, %broadcast_in_dim3A_255 : vector<16xi32>
              %and3A_529 = arith.andi %add3A_528, %broadcast_in_dim3A_257 : vector<16xi32>
              %add3A_530 = arith.addi %add3A_391, %and3A_529 : vector<16xi32>
              %gather3A_531 = tpu.vector_load_idx %arg15[%add3A_253, %add3A_530] : memref<32x256xf32, #tpu.memory_space<vmem>>[vector<16xi32>, vector<16xi32>], vector<16xf32>,
              %mul3A_532 = arith.mulf %gather3A_394, %gather3A_531 : vector<16xf32>
              tpu.vector_store_idx %arg14[%add3A_253, %add3A_530], %mul3A_532 : memref<32x256xf32, #tpu.memory_space<vmem>>[vector<16xi32>, vector<16xi32>], vector<16xf32>,
              %add3A_533 = arith.addi %and3A_529, %broadcast_in_dim3A_255 : vector<16xi32>
              %and3A_534 = arith.andi %add3A_533, %broadcast_in_dim3A_257 : vector<16xi32>
              %add3A_535 = arith.addi %add3A_391, %and3A_534 : vector<16xi32>
              %gather3A_536 = tpu.vector_load_idx %arg15[%add3A_253, %add3A_535] : memref<32x256xf32, #tpu.memory_space<vmem>>[vector<16xi32>, vector<16xi32>], vector<16xf32>,
              %mul3A_537 = arith.mulf %gather3A_394, %gather3A_536 : vector<16xf32>
              tpu.vector_store_idx %arg14[%add3A_253, %add3A_535], %mul3A_537 : memref<32x256xf32, #tpu.memory_space<vmem>>[vector<16xi32>, vector<16xi32>], vector<16xf32>,
              %add3A_538 = arith.addi %and3A_534, %broadcast_in_dim3A_255 : vector<16xi32>
              %and3A_539 = arith.andi %add3A_538, %broadcast_in_dim3A_257 : vector<16xi32>
              %add3A_540 = arith.addi %add3A_391, %and3A_539 : vector<16xi32>
              %gather3A_541 = tpu.vector_load_idx %arg15[%add3A_253, %add3A_540] : memref<32x256xf32, #tpu.memory_space<vmem>>[vector<16xi32>, vector<16xi32>], vector<16xf32>,
              %mul3A_542 = arith.mulf %gather3A_394, %gather3A_541 : vector<16xf32>
              tpu.vector_store_idx %arg14[%add3A_253, %add3A_540], %mul3A_542 : memref<32x256xf32, #tpu.memory_space<vmem>>[vector<16xi32>, vector<16xi32>], vector<16xf32>,
              %add3A_543 = arith.addi %and3A_539, %broadcast_in_dim3A_255 : vector<16xi32>
              %and3A_544 = arith.andi %add3A_543, %broadcast_in_dim3A_257 : vector<16xi32>
              %add3A_545 = arith.addi %add3A_391, %and3A_544 : vector<16xi32>
              %gather3A_546 = tpu.vector_load_idx %arg15[%add3A_253, %add3A_545] : memref<32x256xf32, #tpu.memory_space<vmem>>[vector<16xi32>, vector<16xi32>], vector<16xf32>,
              %mul3A_547 = arith.mulf %gather3A_394, %gather3A_546 : vector<16xf32>
              tpu.vector_store_idx %arg14[%add3A_253, %add3A_545], %mul3A_547 : memref<32x256xf32, #tpu.memory_space<vmem>>[vector<16xi32>, vector<16xi32>], vector<16xf32>,
              %add3A_548 = arith.addi %and3A_544, %broadcast_in_dim3A_255 : vector<16xi32>
              %and3A_549 = arith.andi %add3A_548, %broadcast_in_dim3A_257 : vector<16xi32>
              %add3A_550 = arith.addi %add3A_391, %and3A_549 : vector<16xi32>
              %gather3A_551 = tpu.vector_load_idx %arg15[%add3A_253, %add3A_550] : memref<32x256xf32, #tpu.memory_space<vmem>>[vector<16xi32>, vector<16xi32>], vector<16xf32>,
              %mul3A_552 = arith.mulf %gather3A_394, %gather3A_551 : vector<16xf32>
              tpu.vector_store_idx %arg14[%add3A_253, %add3A_550], %mul3A_552 : memref<32x256xf32, #tpu.memory_space<vmem>>[vector<16xi32>, vector<16xi32>], vector<16xf32>,
              %add3A_553 = arith.addi %and3A_549, %broadcast_in_dim3A_255 : vector<16xi32>
              %and3A_554 = arith.andi %add3A_553, %broadcast_in_dim3A_257 : vector<16xi32>
            }
            %scan3A_371 = arith.constant 8 : i32
            %add3A_372 = vector.broadcast %add3A_250 : i32 to vector<16xi32>
            %add3A_373 = arith.addi %add3A_372, %iota3A : vector<16xi32>
            %lt3A_374 = vector.broadcast %scan3A_91 : i32 to vector<16xi32>
            %lt3A_375 = arith.cmpi slt, %add3A_373, %lt3A_374 : vector<16xi32>
            %sub3A_376 = vector.broadcast %mul3A_11 : i32 to vector<16xi32>
            %sub3A_377 = arith.subi %get3A_251, %sub3A_376 : vector<16xi32>
            %jit3A_378 = arith.constant -1 : i32
            %broadcast_in_dim3A_379 = vector.broadcast %jit3A_378 : i32 to vector<16xi32>
            %select_n3A_380 = arith.select %lt3A_375, %sub3A_377, %broadcast_in_dim3A_379 : vector<16xi1>, vector<16xi32>
            %dma_start3A_381 = arith.constant 0 : i32
            %dma_start3A_382 = tpu.memref_slice %arg14[%mul3A_247, %dma_start3A_381] : memref<32x256xf32, #tpu.memory_space<vmem>> -> memref<16x256xf32, #tpu.memory_space<vmem>>
            %dma_start3A_383 = arith.constant 0 : i32
            %dma_start3A_384 = arith.constant 0 : i32
            %dma_start3A_385 = tpu.memref_slice %arg20[%dma_start3A_383, %dma_start3A_384] : memref<2560x256xf32, #tpu.memory_space<vmem_shared>> -> memref<2560x256xf32, #tpu.memory_space<vmem_shared>>
            %dma_start3A_386 = arith.constant -1 : i32
            tpu.enqueue_indirect_dma source(%dma_start3A_382 : memref<16x256xf32, #tpu.memory_space<vmem>>) target(%dma_start3A_385 : memref<2560x256xf32, #tpu.memory_space<vmem_shared>>) offsets(%select_n3A_380 : vector<16xi32>) offset_filter(%dma_start3A_386) semaphore(%arg23 : memref<!tpu.dma_semaphore, #tpu.memory_space<semaphore_mem>>) {add = true}
          }
          %scan3A_220 = arith.constant 2 : i32
          %dma_wait3A_221 = arith.constant 0 : i32
          %dma_wait3A_222 = arith.constant 0 : i32
          %dma_wait3A_223 = tpu.memref_slice %arg14[%dma_wait3A_221, %dma_wait3A_222] : memref<32x256xf32, #tpu.memory_space<vmem>> -> memref<16x256xf32, #tpu.memory_space<vmem>>
          %dma_wait3A_224 = arith.constant 0 : i32
          %dma_wait3A_225 = arith.constant 0 : i32
          %dma_wait3A_226 = tpu.memref_slice %arg2[%dma_wait3A_224, %dma_wait3A_225] : memref<10000x256xf32, #tpu.memory_space<hbm>> -> memref<16x256xf32, #tpu.memory_space<hbm>>
          %dma_wait3A_227 = arith.constant 0 : i32
          %dma_wait3A_228 = arith.constant 0 : i32
          %dma_wait3A_229 = tpu.memref_slice %arg14[%dma_wait3A_227, %dma_wait3A_228] : memref<32x256xf32, #tpu.memory_space<vmem>> -> memref<16x256xf32, #tpu.memory_space<vmem>>
          %dma_wait3A_230 = arith.constant 0 : i32
          %dma_wait3A_231 = arith.constant 0 : i32
          %dma_wait3A_232 = tpu.memref_slice %arg2[%dma_wait3A_230, %dma_wait3A_231] : memref<10000x256xf32, #tpu.memory_space<hbm>> -> memref<16x256xf32, #tpu.memory_space<hbm>>
          tpu.wait_dma2 semaphore(%arg23 : memref<!tpu.dma_semaphore, #tpu.memory_space<semaphore_mem>>) src(%dma_wait3A_232 : memref<16x256xf32, #tpu.memory_space<hbm>>) dst(%dma_wait3A_229 : memref<16x256xf32, #tpu.memory_space<vmem>>)
          %dma_wait3A_233 = arith.constant 16 : i32
          %dma_wait3A_234 = arith.constant 0 : i32
          %dma_wait3A_235 = tpu.memref_slice %arg14[%dma_wait3A_233, %dma_wait3A_234] : memref<32x256xf32, #tpu.memory_space<vmem>> -> memref<16x256xf32, #tpu.memory_space<vmem>>
          %dma_wait3A_236 = arith.constant 0 : i32
          %dma_wait3A_237 = arith.constant 0 : i32
          %dma_wait3A_238 = tpu.memref_slice %arg2[%dma_wait3A_236, %dma_wait3A_237] : memref<10000x256xf32, #tpu.memory_space<hbm>> -> memref<16x256xf32, #tpu.memory_space<hbm>>
          %dma_wait3A_239 = arith.constant 16 : i32
          %dma_wait3A_240 = arith.constant 0 : i32
          %dma_wait3A_241 = tpu.memref_slice %arg14[%dma_wait3A_239, %dma_wait3A_240] : memref<32x256xf32, #tpu.memory_space<vmem>> -> memref<16x256xf32, #tpu.memory_space<vmem>>
          %dma_wait3A_242 = arith.constant 0 : i32
          %dma_wait3A_243 = arith.constant 0 : i32
          %dma_wait3A_244 = tpu.memref_slice %arg2[%dma_wait3A_242, %dma_wait3A_243] : memref<10000x256xf32, #tpu.memory_space<hbm>> -> memref<16x256xf32, #tpu.memory_space<hbm>>
          tpu.wait_dma2 semaphore(%arg23 : memref<!tpu.dma_semaphore, #tpu.memory_space<semaphore_mem>>) src(%dma_wait3A_244 : memref<16x256xf32, #tpu.memory_space<hbm>>) dst(%dma_wait3A_241 : memref<16x256xf32, #tpu.memory_space<vmem>>)
        } else {
        }
        %mul3A_183 = arith.constant 2 : i32
        %mul3A_184 = arith.muli %while3A_174, %mul3A_183 : i32
        %add3A_185 = arith.constant 1 : i32
        %add3A_186 = arith.addi %mul3A_184, %add3A_185 : i32
        %lt3A_187 = arith.cmpi slt, %add3A_186, %select_n3A : i32
        %convert_element_type3A_188 = arith.extui %lt3A_187 : i1 to i32
        %cond3A_189 = arith.constant 0 : i32
        %cond3A_190 = arith.cmpi ne, %convert_element_type3A_188, %cond3A_189 : i32
        scf.if %cond3A_190 {
          %add3A_191 = arith.constant 1 : i32
          %add3A_192 = arith.addi %add3A_186, %add3A_191 : i32
          %lt3A_193 = arith.cmpi slt, %add3A_192, %select_n3A : i32
          %convert_element_type3A_194 = arith.extui %lt3A_193 : i1 to i32
          %cond3A_195 = arith.constant 0 : i32
          %cond3A_196 = arith.cmpi ne, %convert_element_type3A_194, %cond3A_195 : i32
          scf.if %cond3A_196 {
            %add3A_245 = arith.constant 1 : i32
            %add3A_246 = arith.addi %add3A_186, %add3A_245 : i32
            %mul3A_247 = arith.constant 32 : i32
            %mul3A_248 = arith.muli %add3A_246, %mul3A_247 : i32
            %dma_start3A_249 = tpu.memref_slice %arg11[%mul3A_248] : memref<10032xi32, #tpu.memory_space<vmem>> -> memref<32xi32, #tpu.memory_space<vmem>>
            %dma_start3A_250 = arith.constant 0 : i32
            %dma_start3A_251 = arith.constant 0 : i32
            %dma_start3A_252 = tpu.memref_slice %arg2[%dma_start3A_250, %dma_start3A_251] : memref<10000x256xf32, #tpu.memory_space<hbm>> -> memref<10000x256xf32, #tpu.memory_space<hbm>>
            tpu.enqueue_indirect_dma source(%dma_start3A_252 : memref<10000x256xf32, #tpu.memory_space<hbm>>) target(%arg13 : memref<32x256xf32, #tpu.memory_space<vmem>>) offsets(%dma_start3A_249 : memref<32xi32, #tpu.memory_space<vmem>>) semaphore(%arg21 : memref<!tpu.dma_semaphore, #tpu.memory_space<semaphore_mem>>)
            %dma_start3A_253 = tpu.memref_slice %arg12[%mul3A_248] : memref<10032xi32, #tpu.memory_space<vmem>> -> memref<32xi32, #tpu.memory_space<vmem>>
            %dma_start3A_254 = arith.constant 0 : i32
            %dma_start3A_255 = arith.constant 0 : i32
            %dma_start3A_256 = tpu.memref_slice %arg3[%dma_start3A_254, %dma_start3A_255] : memref<10000x256xf32, #tpu.memory_space<hbm>> -> memref<10000x256xf32, #tpu.memory_space<hbm>>
            tpu.enqueue_indirect_dma source(%dma_start3A_256 : memref<10000x256xf32, #tpu.memory_space<hbm>>) target(%arg14 : memref<32x256xf32, #tpu.memory_space<vmem>>) offsets(%dma_start3A_253 : memref<32xi32, #tpu.memory_space<vmem>>) semaphore(%arg21 : memref<!tpu.dma_semaphore, #tpu.memory_space<semaphore_mem>>)
            %dma_start3A_257 = tpu.memref_slice %arg12[%mul3A_248] : memref<10032xi32, #tpu.memory_space<vmem>> -> memref<32xi32, #tpu.memory_space<vmem>>
            %dma_start3A_258 = arith.constant 0 : i32
            %dma_start3A_259 = arith.constant 0 : i32
            %dma_start3A_260 = tpu.memref_slice %arg4[%dma_start3A_258, %dma_start3A_259] : memref<10000x256xf32, #tpu.memory_space<hbm>> -> memref<10000x256xf32, #tpu.memory_space<hbm>>
            tpu.enqueue_indirect_dma source(%dma_start3A_260 : memref<10000x256xf32, #tpu.memory_space<hbm>>) target(%arg15 : memref<32x256xf32, #tpu.memory_space<vmem>>) offsets(%dma_start3A_257 : memref<32xi32, #tpu.memory_space<vmem>>) semaphore(%arg21 : memref<!tpu.dma_semaphore, #tpu.memory_space<semaphore_mem>>)
          } else {
          }
          %dma_wait3A_197 = arith.constant 0 : i32
          %dma_wait3A_198 = arith.constant 0 : i32
          %dma_wait3A_199 = tpu.memref_slice %arg2[%dma_wait3A_197, %dma_wait3A_198] : memref<10000x256xf32, #tpu.memory_space<hbm>> -> memref<32x256xf32, #tpu.memory_space<hbm>>
          %dma_wait3A_200 = arith.constant 0 : i32
          %dma_wait3A_201 = arith.constant 0 : i32
          %dma_wait3A_202 = tpu.memref_slice %arg2[%dma_wait3A_200, %dma_wait3A_201] : memref<10000x256xf32, #tpu.memory_space<hbm>> -> memref<32x256xf32, #tpu.memory_space<hbm>>
          tpu.wait_dma2 semaphore(%arg22 : memref<!tpu.dma_semaphore, #tpu.memory_space<semaphore_mem>>) src(%dma_wait3A_202 : memref<32x256xf32, #tpu.memory_space<hbm>>) dst(%arg16 : memref<32x256xf32, #tpu.memory_space<vmem>>)
          %dma_wait3A_203 = arith.constant 0 : i32
          %dma_wait3A_204 = arith.constant 0 : i32
          %dma_wait3A_205 = tpu.memref_slice %arg2[%dma_wait3A_203, %dma_wait3A_204] : memref<10000x256xf32, #tpu.memory_space<hbm>> -> memref<32x256xf32, #tpu.memory_space<hbm>>
          %dma_wait3A_206 = arith.constant 0 : i32
          %dma_wait3A_207 = arith.constant 0 : i32
          %dma_wait3A_208 = tpu.memref_slice %arg2[%dma_wait3A_206, %dma_wait3A_207] : memref<10000x256xf32, #tpu.memory_space<hbm>> -> memref<32x256xf32, #tpu.memory_space<hbm>>
          tpu.wait_dma2 semaphore(%arg22 : memref<!tpu.dma_semaphore, #tpu.memory_space<semaphore_mem>>) src(%dma_wait3A_208 : memref<32x256xf32, #tpu.memory_space<hbm>>) dst(%arg17 : memref<32x256xf32, #tpu.memory_space<vmem>>)
          %dma_wait3A_209 = arith.constant 0 : i32
          %dma_wait3A_210 = arith.constant 0 : i32
          %dma_wait3A_211 = tpu.memref_slice %arg2[%dma_wait3A_209, %dma_wait3A_210] : memref<10000x256xf32, #tpu.memory_space<hbm>> -> memref<32x256xf32, #tpu.memory_space<hbm>>
          %dma_wait3A_212 = arith.constant 0 : i32
          %dma_wait3A_213 = arith.constant 0 : i32
          %dma_wait3A_214 = tpu.memref_slice %arg2[%dma_wait3A_212, %dma_wait3A_213] : memref<10000x256xf32, #tpu.memory_space<hbm>> -> memref<32x256xf32, #tpu.memory_space<hbm>>
          tpu.wait_dma2 semaphore(%arg22 : memref<!tpu.dma_semaphore, #tpu.memory_space<semaphore_mem>>) src(%dma_wait3A_214 : memref<32x256xf32, #tpu.memory_space<hbm>>) dst(%arg18 : memref<32x256xf32, #tpu.memory_space<vmem>>)
          %scan3A_215 = arith.constant 0 : i32
          %scan3A_216 = arith.constant 0 : i32
          %scan3A_217 = arith.constant 2 : i32
          %scan3A_218 = arith.addi %scan3A_216, %scan3A_217 : i32
          %scan3A_219 = arith.constant 1 : i32
          scf.for %scan3A_245 = %scan3A_216 to %scan3A_218 step %scan3A_219  : i32 {
            %mul3A_246 = arith.constant 16 : i32
            %mul3A_247 = arith.muli %scan3A_245, %mul3A_246 : i32
            %mul3A_248 = arith.constant 32 : i32
            %mul3A_249 = arith.muli %add3A_186, %mul3A_248 : i32
            %add3A_250 = arith.addi %mul3A_249, %mul3A_247 : i32
            %get3A = arith.index_cast %add3A_250 : i32 to index
            %get3A_251 = tpu.vector_load %arg11[%get3A] {strides = array<i32>} : memref<10032xi32, #tpu.memory_space<vmem>>, vector<16xi32>,
            %add3A_252 = vector.broadcast %mul3A_247 : i32 to vector<16xi32>
            %add3A_253 = arith.addi %add3A_252, %iota3A : vector<16xi32>
            %broadcast_in_dim3A_254 = arith.constant 1 : i32
            %broadcast_in_dim3A_255 = vector.broadcast %broadcast_in_dim3A_254 : i32 to vector<16xi32>
            %broadcast_in_dim3A_256 = arith.constant 31 : i32
            %broadcast_in_dim3A_257 = vector.broadcast %broadcast_in_dim3A_256 : i32 to vector<16xi32>
            %scan3A_258 = arith.constant 0 : i32
            %scan3A_259 = arith.constant 0 : i32
            %scan3A_260 = arith.constant 8 : i32
            %scan3A_261 = arith.addi %scan3A_259, %scan3A_260 : i32
            %scan3A_262 = arith.constant 1 : i32
            scf.for %scan3A_387 = %scan3A_259 to %scan3A_261 step %scan3A_262  : i32 {
              %mul3A_388 = arith.constant 32 : i32
              %mul3A_389 = arith.muli %scan3A_387, %mul3A_388 : i32
              %add3A_390 = vector.broadcast %mul3A_389 : i32 to vector<16xi32>
              %add3A_391 = arith.addi %broadcast_in_dim3A_1, %add3A_390 : vector<16xi32>
              %broadcast_in_dim3A_392 = arith.constant 0.000000e+00 : f32
              %broadcast_in_dim3A_393 = vector.broadcast %broadcast_in_dim3A_392 : f32 to vector<16xf32>
              %add3A_394 = arith.addi %add3A_391, %iota3A : vector<16xi32>
              %gather3A_395 = tpu.vector_load_idx %arg16[%add3A_253, %add3A_394] : memref<32x256xf32, #tpu.memory_space<vmem>>[vector<16xi32>, vector<16xi32>], vector<16xf32>,
              %gather3A_396 = tpu.vector_load_idx %arg17[%add3A_253, %add3A_394] : memref<32x256xf32, #tpu.memory_space<vmem>>[vector<16xi32>, vector<16xi32>], vector<16xf32>,
              %mul3A_397 = arith.mulf %gather3A_395, %gather3A_396 : vector<16xf32>
              %add3A_398 = arith.addf %broadcast_in_dim3A_393, %mul3A_397 : vector<16xf32>
              %add3A_399 = arith.addi %iota3A, %broadcast_in_dim3A_255 : vector<16xi32>
              %and3A_400 = arith.andi %add3A_399, %broadcast_in_dim3A_257 : vector<16xi32>
              %add3A_401 = arith.addi %add3A_391, %and3A_400 : vector<16xi32>
              %gather3A_402 = tpu.vector_load_idx %arg16[%add3A_253, %add3A_401] : memref<32x256xf32, #tpu.memory_space<vmem>>[vector<16xi32>, vector<16xi32>], vector<16xf32>,
              %gather3A_403 = tpu.vector_load_idx %arg17[%add3A_253, %add3A_401] : memref<32x256xf32, #tpu.memory_space<vmem>>[vector<16xi32>, vector<16xi32>], vector<16xf32>,
              %mul3A_404 = arith.mulf %gather3A_402, %gather3A_403 : vector<16xf32>
              %add3A_405 = arith.addf %add3A_398, %mul3A_404 : vector<16xf32>
              %add3A_406 = arith.addi %and3A_400, %broadcast_in_dim3A_255 : vector<16xi32>
              %and3A_407 = arith.andi %add3A_406, %broadcast_in_dim3A_257 : vector<16xi32>
              %add3A_408 = arith.addi %add3A_391, %and3A_407 : vector<16xi32>
              %gather3A_409 = tpu.vector_load_idx %arg16[%add3A_253, %add3A_408] : memref<32x256xf32, #tpu.memory_space<vmem>>[vector<16xi32>, vector<16xi32>], vector<16xf32>,
              %gather3A_410 = tpu.vector_load_idx %arg17[%add3A_253, %add3A_408] : memref<32x256xf32, #tpu.memory_space<vmem>>[vector<16xi32>, vector<16xi32>], vector<16xf32>,
              %mul3A_411 = arith.mulf %gather3A_409, %gather3A_410 : vector<16xf32>
              %add3A_412 = arith.addf %add3A_405, %mul3A_411 : vector<16xf32>
              %add3A_413 = arith.addi %and3A_407, %broadcast_in_dim3A_255 : vector<16xi32>
              %and3A_414 = arith.andi %add3A_413, %broadcast_in_dim3A_257 : vector<16xi32>
              %add3A_415 = arith.addi %add3A_391, %and3A_414 : vector<16xi32>
              %gather3A_416 = tpu.vector_load_idx %arg16[%add3A_253, %add3A_415] : memref<32x256xf32, #tpu.memory_space<vmem>>[vector<16xi32>, vector<16xi32>], vector<16xf32>,
              %gather3A_417 = tpu.vector_load_idx %arg17[%add3A_253, %add3A_415] : memref<32x256xf32, #tpu.memory_space<vmem>>[vector<16xi32>, vector<16xi32>], vector<16xf32>,
              %mul3A_418 = arith.mulf %gather3A_416, %gather3A_417 : vector<16xf32>
              %add3A_419 = arith.addf %add3A_412, %mul3A_418 : vector<16xf32>
              %add3A_420 = arith.addi %and3A_414, %broadcast_in_dim3A_255 : vector<16xi32>
              %and3A_421 = arith.andi %add3A_420, %broadcast_in_dim3A_257 : vector<16xi32>
              %add3A_422 = arith.addi %add3A_391, %and3A_421 : vector<16xi32>
              %gather3A_423 = tpu.vector_load_idx %arg16[%add3A_253, %add3A_422] : memref<32x256xf32, #tpu.memory_space<vmem>>[vector<16xi32>, vector<16xi32>], vector<16xf32>,
              %gather3A_424 = tpu.vector_load_idx %arg17[%add3A_253, %add3A_422] : memref<32x256xf32, #tpu.memory_space<vmem>>[vector<16xi32>, vector<16xi32>], vector<16xf32>,
              %mul3A_425 = arith.mulf %gather3A_423, %gather3A_424 : vector<16xf32>
              %add3A_426 = arith.addf %add3A_419, %mul3A_425 : vector<16xf32>
              %add3A_427 = arith.addi %and3A_421, %broadcast_in_dim3A_255 : vector<16xi32>
              %and3A_428 = arith.andi %add3A_427, %broadcast_in_dim3A_257 : vector<16xi32>
              %add3A_429 = arith.addi %add3A_391, %and3A_428 : vector<16xi32>
              %gather3A_430 = tpu.vector_load_idx %arg16[%add3A_253, %add3A_429] : memref<32x256xf32, #tpu.memory_space<vmem>>[vector<16xi32>, vector<16xi32>], vector<16xf32>,
              %gather3A_431 = tpu.vector_load_idx %arg17[%add3A_253, %add3A_429] : memref<32x256xf32, #tpu.memory_space<vmem>>[vector<16xi32>, vector<16xi32>], vector<16xf32>,
              %mul3A_432 = arith.mulf %gather3A_430, %gather3A_431 : vector<16xf32>
              %add3A_433 = arith.addf %add3A_426, %mul3A_432 : vector<16xf32>
              %add3A_434 = arith.addi %and3A_428, %broadcast_in_dim3A_255 : vector<16xi32>
              %and3A_435 = arith.andi %add3A_434, %broadcast_in_dim3A_257 : vector<16xi32>
              %add3A_436 = arith.addi %add3A_391, %and3A_435 : vector<16xi32>
              %gather3A_437 = tpu.vector_load_idx %arg16[%add3A_253, %add3A_436] : memref<32x256xf32, #tpu.memory_space<vmem>>[vector<16xi32>, vector<16xi32>], vector<16xf32>,
              %gather3A_438 = tpu.vector_load_idx %arg17[%add3A_253, %add3A_436] : memref<32x256xf32, #tpu.memory_space<vmem>>[vector<16xi32>, vector<16xi32>], vector<16xf32>,
              %mul3A_439 = arith.mulf %gather3A_437, %gather3A_438 : vector<16xf32>
              %add3A_440 = arith.addf %add3A_433, %mul3A_439 : vector<16xf32>
              %add3A_441 = arith.addi %and3A_435, %broadcast_in_dim3A_255 : vector<16xi32>
              %and3A_442 = arith.andi %add3A_441, %broadcast_in_dim3A_257 : vector<16xi32>
              %add3A_443 = arith.addi %add3A_391, %and3A_442 : vector<16xi32>
              %gather3A_444 = tpu.vector_load_idx %arg16[%add3A_253, %add3A_443] : memref<32x256xf32, #tpu.memory_space<vmem>>[vector<16xi32>, vector<16xi32>], vector<16xf32>,
              %gather3A_445 = tpu.vector_load_idx %arg17[%add3A_253, %add3A_443] : memref<32x256xf32, #tpu.memory_space<vmem>>[vector<16xi32>, vector<16xi32>], vector<16xf32>,
              %mul3A_446 = arith.mulf %gather3A_444, %gather3A_445 : vector<16xf32>
              %add3A_447 = arith.addf %add3A_440, %mul3A_446 : vector<16xf32>
              %add3A_448 = arith.addi %and3A_442, %broadcast_in_dim3A_255 : vector<16xi32>
              %and3A_449 = arith.andi %add3A_448, %broadcast_in_dim3A_257 : vector<16xi32>
              %add3A_450 = arith.addi %add3A_391, %and3A_449 : vector<16xi32>
              %gather3A_451 = tpu.vector_load_idx %arg16[%add3A_253, %add3A_450] : memref<32x256xf32, #tpu.memory_space<vmem>>[vector<16xi32>, vector<16xi32>], vector<16xf32>,
              %gather3A_452 = tpu.vector_load_idx %arg17[%add3A_253, %add3A_450] : memref<32x256xf32, #tpu.memory_space<vmem>>[vector<16xi32>, vector<16xi32>], vector<16xf32>,
              %mul3A_453 = arith.mulf %gather3A_451, %gather3A_452 : vector<16xf32>
              %add3A_454 = arith.addf %add3A_447, %mul3A_453 : vector<16xf32>
              %add3A_455 = arith.addi %and3A_449, %broadcast_in_dim3A_255 : vector<16xi32>
              %and3A_456 = arith.andi %add3A_455, %broadcast_in_dim3A_257 : vector<16xi32>
              %add3A_457 = arith.addi %add3A_391, %and3A_456 : vector<16xi32>
              %gather3A_458 = tpu.vector_load_idx %arg16[%add3A_253, %add3A_457] : memref<32x256xf32, #tpu.memory_space<vmem>>[vector<16xi32>, vector<16xi32>], vector<16xf32>,
              %gather3A_459 = tpu.vector_load_idx %arg17[%add3A_253, %add3A_457] : memref<32x256xf32, #tpu.memory_space<vmem>>[vector<16xi32>, vector<16xi32>], vector<16xf32>,
              %mul3A_460 = arith.mulf %gather3A_458, %gather3A_459 : vector<16xf32>
              %add3A_461 = arith.addf %add3A_454, %mul3A_460 : vector<16xf32>
              %add3A_462 = arith.addi %and3A_456, %broadcast_in_dim3A_255 : vector<16xi32>
              %and3A_463 = arith.andi %add3A_462, %broadcast_in_dim3A_257 : vector<16xi32>
              %add3A_464 = arith.addi %add3A_391, %and3A_463 : vector<16xi32>
              %gather3A_465 = tpu.vector_load_idx %arg16[%add3A_253, %add3A_464] : memref<32x256xf32, #tpu.memory_space<vmem>>[vector<16xi32>, vector<16xi32>], vector<16xf32>,
              %gather3A_466 = tpu.vector_load_idx %arg17[%add3A_253, %add3A_464] : memref<32x256xf32, #tpu.memory_space<vmem>>[vector<16xi32>, vector<16xi32>], vector<16xf32>,
              %mul3A_467 = arith.mulf %gather3A_465, %gather3A_466 : vector<16xf32>
              %add3A_468 = arith.addf %add3A_461, %mul3A_467 : vector<16xf32>
              %add3A_469 = arith.addi %and3A_463, %broadcast_in_dim3A_255 : vector<16xi32>
              %and3A_470 = arith.andi %add3A_469, %broadcast_in_dim3A_257 : vector<16xi32>
              %add3A_471 = arith.addi %add3A_391, %and3A_470 : vector<16xi32>
              %gather3A_472 = tpu.vector_load_idx %arg16[%add3A_253, %add3A_471] : memref<32x256xf32, #tpu.memory_space<vmem>>[vector<16xi32>, vector<16xi32>], vector<16xf32>,
              %gather3A_473 = tpu.vector_load_idx %arg17[%add3A_253, %add3A_471] : memref<32x256xf32, #tpu.memory_space<vmem>>[vector<16xi32>, vector<16xi32>], vector<16xf32>,
              %mul3A_474 = arith.mulf %gather3A_472, %gather3A_473 : vector<16xf32>
              %add3A_475 = arith.addf %add3A_468, %mul3A_474 : vector<16xf32>
              %add3A_476 = arith.addi %and3A_470, %broadcast_in_dim3A_255 : vector<16xi32>
              %and3A_477 = arith.andi %add3A_476, %broadcast_in_dim3A_257 : vector<16xi32>
              %add3A_478 = arith.addi %add3A_391, %and3A_477 : vector<16xi32>
              %gather3A_479 = tpu.vector_load_idx %arg16[%add3A_253, %add3A_478] : memref<32x256xf32, #tpu.memory_space<vmem>>[vector<16xi32>, vector<16xi32>], vector<16xf32>,
              %gather3A_480 = tpu.vector_load_idx %arg17[%add3A_253, %add3A_478] : memref<32x256xf32, #tpu.memory_space<vmem>>[vector<16xi32>, vector<16xi32>], vector<16xf32>,
              %mul3A_481 = arith.mulf %gather3A_479, %gather3A_480 : vector<16xf32>
              %add3A_482 = arith.addf %add3A_475, %mul3A_481 : vector<16xf32>
              %add3A_483 = arith.addi %and3A_477, %broadcast_in_dim3A_255 : vector<16xi32>
              %and3A_484 = arith.andi %add3A_483, %broadcast_in_dim3A_257 : vector<16xi32>
              %add3A_485 = arith.addi %add3A_391, %and3A_484 : vector<16xi32>
              %gather3A_486 = tpu.vector_load_idx %arg16[%add3A_253, %add3A_485] : memref<32x256xf32, #tpu.memory_space<vmem>>[vector<16xi32>, vector<16xi32>], vector<16xf32>,
              %gather3A_487 = tpu.vector_load_idx %arg17[%add3A_253, %add3A_485] : memref<32x256xf32, #tpu.memory_space<vmem>>[vector<16xi32>, vector<16xi32>], vector<16xf32>,
              %mul3A_488 = arith.mulf %gather3A_486, %gather3A_487 : vector<16xf32>
              %add3A_489 = arith.addf %add3A_482, %mul3A_488 : vector<16xf32>
              %add3A_490 = arith.addi %and3A_484, %broadcast_in_dim3A_255 : vector<16xi32>
              %and3A_491 = arith.andi %add3A_490, %broadcast_in_dim3A_257 : vector<16xi32>
              %add3A_492 = arith.addi %add3A_391, %and3A_491 : vector<16xi32>
              %gather3A_493 = tpu.vector_load_idx %arg16[%add3A_253, %add3A_492] : memref<32x256xf32, #tpu.memory_space<vmem>>[vector<16xi32>, vector<16xi32>], vector<16xf32>,
              %gather3A_494 = tpu.vector_load_idx %arg17[%add3A_253, %add3A_492] : memref<32x256xf32, #tpu.memory_space<vmem>>[vector<16xi32>, vector<16xi32>], vector<16xf32>,
              %mul3A_495 = arith.mulf %gather3A_493, %gather3A_494 : vector<16xf32>
              %add3A_496 = arith.addf %add3A_489, %mul3A_495 : vector<16xf32>
              %add3A_497 = arith.addi %and3A_491, %broadcast_in_dim3A_255 : vector<16xi32>
              %and3A_498 = arith.andi %add3A_497, %broadcast_in_dim3A_257 : vector<16xi32>
              %add3A_499 = arith.addi %add3A_391, %and3A_498 : vector<16xi32>
              %gather3A_500 = tpu.vector_load_idx %arg16[%add3A_253, %add3A_499] : memref<32x256xf32, #tpu.memory_space<vmem>>[vector<16xi32>, vector<16xi32>], vector<16xf32>,
              %gather3A_501 = tpu.vector_load_idx %arg17[%add3A_253, %add3A_499] : memref<32x256xf32, #tpu.memory_space<vmem>>[vector<16xi32>, vector<16xi32>], vector<16xf32>,
              %mul3A_502 = arith.mulf %gather3A_500, %gather3A_501 : vector<16xf32>
              %add3A_503 = arith.addf %add3A_496, %mul3A_502 : vector<16xf32>
              %add3A_504 = arith.addi %and3A_498, %broadcast_in_dim3A_255 : vector<16xi32>
              %and3A_505 = arith.andi %add3A_504, %broadcast_in_dim3A_257 : vector<16xi32>
              %add3A_506 = arith.addi %add3A_391, %and3A_505 : vector<16xi32>
              %gather3A_507 = tpu.vector_load_idx %arg16[%add3A_253, %add3A_506] : memref<32x256xf32, #tpu.memory_space<vmem>>[vector<16xi32>, vector<16xi32>], vector<16xf32>,
              %gather3A_508 = tpu.vector_load_idx %arg17[%add3A_253, %add3A_506] : memref<32x256xf32, #tpu.memory_space<vmem>>[vector<16xi32>, vector<16xi32>], vector<16xf32>,
              %mul3A_509 = arith.mulf %gather3A_507, %gather3A_508 : vector<16xf32>
              %add3A_510 = arith.addf %add3A_503, %mul3A_509 : vector<16xf32>
              %add3A_511 = arith.addi %and3A_505, %broadcast_in_dim3A_255 : vector<16xi32>
              %and3A_512 = arith.andi %add3A_511, %broadcast_in_dim3A_257 : vector<16xi32>
              %add3A_513 = arith.addi %add3A_391, %and3A_512 : vector<16xi32>
              %gather3A_514 = tpu.vector_load_idx %arg16[%add3A_253, %add3A_513] : memref<32x256xf32, #tpu.memory_space<vmem>>[vector<16xi32>, vector<16xi32>], vector<16xf32>,
              %gather3A_515 = tpu.vector_load_idx %arg17[%add3A_253, %add3A_513] : memref<32x256xf32, #tpu.memory_space<vmem>>[vector<16xi32>, vector<16xi32>], vector<16xf32>,
              %mul3A_516 = arith.mulf %gather3A_514, %gather3A_515 : vector<16xf32>
              %add3A_517 = arith.addf %add3A_510, %mul3A_516 : vector<16xf32>
              %add3A_518 = arith.addi %and3A_512, %broadcast_in_dim3A_255 : vector<16xi32>
              %and3A_519 = arith.andi %add3A_518, %broadcast_in_dim3A_257 : vector<16xi32>
              %add3A_520 = arith.addi %add3A_391, %and3A_519 : vector<16xi32>
              %gather3A_521 = tpu.vector_load_idx %arg16[%add3A_253, %add3A_520] : memref<32x256xf32, #tpu.memory_space<vmem>>[vector<16xi32>, vector<16xi32>], vector<16xf32>,
              %gather3A_522 = tpu.vector_load_idx %arg17[%add3A_253, %add3A_520] : memref<32x256xf32, #tpu.memory_space<vmem>>[vector<16xi32>, vector<16xi32>], vector<16xf32>,
              %mul3A_523 = arith.mulf %gather3A_521, %gather3A_522 : vector<16xf32>
              %add3A_524 = arith.addf %add3A_517, %mul3A_523 : vector<16xf32>
              %add3A_525 = arith.addi %and3A_519, %broadcast_in_dim3A_255 : vector<16xi32>
              %and3A_526 = arith.andi %add3A_525, %broadcast_in_dim3A_257 : vector<16xi32>
              %add3A_527 = arith.addi %add3A_391, %and3A_526 : vector<16xi32>
              %gather3A_528 = tpu.vector_load_idx %arg16[%add3A_253, %add3A_527] : memref<32x256xf32, #tpu.memory_space<vmem>>[vector<16xi32>, vector<16xi32>], vector<16xf32>,
              %gather3A_529 = tpu.vector_load_idx %arg17[%add3A_253, %add3A_527] : memref<32x256xf32, #tpu.memory_space<vmem>>[vector<16xi32>, vector<16xi32>], vector<16xf32>,
              %mul3A_530 = arith.mulf %gather3A_528, %gather3A_529 : vector<16xf32>
              %add3A_531 = arith.addf %add3A_524, %mul3A_530 : vector<16xf32>
              %add3A_532 = arith.addi %and3A_526, %broadcast_in_dim3A_255 : vector<16xi32>
              %and3A_533 = arith.andi %add3A_532, %broadcast_in_dim3A_257 : vector<16xi32>
              %add3A_534 = arith.addi %add3A_391, %and3A_533 : vector<16xi32>
              %gather3A_535 = tpu.vector_load_idx %arg16[%add3A_253, %add3A_534] : memref<32x256xf32, #tpu.memory_space<vmem>>[vector<16xi32>, vector<16xi32>], vector<16xf32>,
              %gather3A_536 = tpu.vector_load_idx %arg17[%add3A_253, %add3A_534] : memref<32x256xf32, #tpu.memory_space<vmem>>[vector<16xi32>, vector<16xi32>], vector<16xf32>,
              %mul3A_537 = arith.mulf %gather3A_535, %gather3A_536 : vector<16xf32>
              %add3A_538 = arith.addf %add3A_531, %mul3A_537 : vector<16xf32>
              %add3A_539 = arith.addi %and3A_533, %broadcast_in_dim3A_255 : vector<16xi32>
              %and3A_540 = arith.andi %add3A_539, %broadcast_in_dim3A_257 : vector<16xi32>
              %add3A_541 = arith.addi %add3A_391, %and3A_540 : vector<16xi32>
              %gather3A_542 = tpu.vector_load_idx %arg16[%add3A_253, %add3A_541] : memref<32x256xf32, #tpu.memory_space<vmem>>[vector<16xi32>, vector<16xi32>], vector<16xf32>,
              %gather3A_543 = tpu.vector_load_idx %arg17[%add3A_253, %add3A_541] : memref<32x256xf32, #tpu.memory_space<vmem>>[vector<16xi32>, vector<16xi32>], vector<16xf32>,
              %mul3A_544 = arith.mulf %gather3A_542, %gather3A_543 : vector<16xf32>
              %add3A_545 = arith.addf %add3A_538, %mul3A_544 : vector<16xf32>
              %add3A_546 = arith.addi %and3A_540, %broadcast_in_dim3A_255 : vector<16xi32>
              %and3A_547 = arith.andi %add3A_546, %broadcast_in_dim3A_257 : vector<16xi32>
              %add3A_548 = arith.addi %add3A_391, %and3A_547 : vector<16xi32>
              %gather3A_549 = tpu.vector_load_idx %arg16[%add3A_253, %add3A_548] : memref<32x256xf32, #tpu.memory_space<vmem>>[vector<16xi32>, vector<16xi32>], vector<16xf32>,
              %gather3A_550 = tpu.vector_load_idx %arg17[%add3A_253, %add3A_548] : memref<32x256xf32, #tpu.memory_space<vmem>>[vector<16xi32>, vector<16xi32>], vector<16xf32>,
              %mul3A_551 = arith.mulf %gather3A_549, %gather3A_550 : vector<16xf32>
              %add3A_552 = arith.addf %add3A_545, %mul3A_551 : vector<16xf32>
              %add3A_553 = arith.addi %and3A_547, %broadcast_in_dim3A_255 : vector<16xi32>
              %and3A_554 = arith.andi %add3A_553, %broadcast_in_dim3A_257 : vector<16xi32>
              %add3A_555 = arith.addi %add3A_391, %and3A_554 : vector<16xi32>
              %gather3A_556 = tpu.vector_load_idx %arg16[%add3A_253, %add3A_555] : memref<32x256xf32, #tpu.memory_space<vmem>>[vector<16xi32>, vector<16xi32>], vector<16xf32>,
              %gather3A_557 = tpu.vector_load_idx %arg17[%add3A_253, %add3A_555] : memref<32x256xf32, #tpu.memory_space<vmem>>[vector<16xi32>, vector<16xi32>], vector<16xf32>,
              %mul3A_558 = arith.mulf %gather3A_556, %gather3A_557 : vector<16xf32>
              %add3A_559 = arith.addf %add3A_552, %mul3A_558 : vector<16xf32>
              %add3A_560 = arith.addi %and3A_554, %broadcast_in_dim3A_255 : vector<16xi32>
              %and3A_561 = arith.andi %add3A_560, %broadcast_in_dim3A_257 : vector<16xi32>
              %add3A_562 = arith.addi %add3A_391, %and3A_561 : vector<16xi32>
              %gather3A_563 = tpu.vector_load_idx %arg16[%add3A_253, %add3A_562] : memref<32x256xf32, #tpu.memory_space<vmem>>[vector<16xi32>, vector<16xi32>], vector<16xf32>,
              %gather3A_564 = tpu.vector_load_idx %arg17[%add3A_253, %add3A_562] : memref<32x256xf32, #tpu.memory_space<vmem>>[vector<16xi32>, vector<16xi32>], vector<16xf32>,
              %mul3A_565 = arith.mulf %gather3A_563, %gather3A_564 : vector<16xf32>
              %add3A_566 = arith.addf %add3A_559, %mul3A_565 : vector<16xf32>
              %add3A_567 = arith.addi %and3A_561, %broadcast_in_dim3A_255 : vector<16xi32>
              %and3A_568 = arith.andi %add3A_567, %broadcast_in_dim3A_257 : vector<16xi32>
              %add3A_569 = arith.addi %add3A_391, %and3A_568 : vector<16xi32>
              %gather3A_570 = tpu.vector_load_idx %arg16[%add3A_253, %add3A_569] : memref<32x256xf32, #tpu.memory_space<vmem>>[vector<16xi32>, vector<16xi32>], vector<16xf32>,
              %gather3A_571 = tpu.vector_load_idx %arg17[%add3A_253, %add3A_569] : memref<32x256xf32, #tpu.memory_space<vmem>>[vector<16xi32>, vector<16xi32>], vector<16xf32>,
              %mul3A_572 = arith.mulf %gather3A_570, %gather3A_571 : vector<16xf32>
              %add3A_573 = arith.addf %add3A_566, %mul3A_572 : vector<16xf32>
              %add3A_574 = arith.addi %and3A_568, %broadcast_in_dim3A_255 : vector<16xi32>
              %and3A_575 = arith.andi %add3A_574, %broadcast_in_dim3A_257 : vector<16xi32>
              %add3A_576 = arith.addi %add3A_391, %and3A_575 : vector<16xi32>
              %gather3A_577 = tpu.vector_load_idx %arg16[%add3A_253, %add3A_576] : memref<32x256xf32, #tpu.memory_space<vmem>>[vector<16xi32>, vector<16xi32>], vector<16xf32>,
              %gather3A_578 = tpu.vector_load_idx %arg17[%add3A_253, %add3A_576] : memref<32x256xf32, #tpu.memory_space<vmem>>[vector<16xi32>, vector<16xi32>], vector<16xf32>,
              %mul3A_579 = arith.mulf %gather3A_577, %gather3A_578 : vector<16xf32>
              %add3A_580 = arith.addf %add3A_573, %mul3A_579 : vector<16xf32>
              %add3A_581 = arith.addi %and3A_575, %broadcast_in_dim3A_255 : vector<16xi32>
              %and3A_582 = arith.andi %add3A_581, %broadcast_in_dim3A_257 : vector<16xi32>
              %add3A_583 = arith.addi %add3A_391, %and3A_582 : vector<16xi32>
              %gather3A_584 = tpu.vector_load_idx %arg16[%add3A_253, %add3A_583] : memref<32x256xf32, #tpu.memory_space<vmem>>[vector<16xi32>, vector<16xi32>], vector<16xf32>,
              %gather3A_585 = tpu.vector_load_idx %arg17[%add3A_253, %add3A_583] : memref<32x256xf32, #tpu.memory_space<vmem>>[vector<16xi32>, vector<16xi32>], vector<16xf32>,
              %mul3A_586 = arith.mulf %gather3A_584, %gather3A_585 : vector<16xf32>
              %add3A_587 = arith.addf %add3A_580, %mul3A_586 : vector<16xf32>
              %add3A_588 = arith.addi %and3A_582, %broadcast_in_dim3A_255 : vector<16xi32>
              %and3A_589 = arith.andi %add3A_588, %broadcast_in_dim3A_257 : vector<16xi32>
              %add3A_590 = arith.addi %add3A_391, %and3A_589 : vector<16xi32>
              %gather3A_591 = tpu.vector_load_idx %arg16[%add3A_253, %add3A_590] : memref<32x256xf32, #tpu.memory_space<vmem>>[vector<16xi32>, vector<16xi32>], vector<16xf32>,
              %gather3A_592 = tpu.vector_load_idx %arg17[%add3A_253, %add3A_590] : memref<32x256xf32, #tpu.memory_space<vmem>>[vector<16xi32>, vector<16xi32>], vector<16xf32>,
              %mul3A_593 = arith.mulf %gather3A_591, %gather3A_592 : vector<16xf32>
              %add3A_594 = arith.addf %add3A_587, %mul3A_593 : vector<16xf32>
              %add3A_595 = arith.addi %and3A_589, %broadcast_in_dim3A_255 : vector<16xi32>
              %and3A_596 = arith.andi %add3A_595, %broadcast_in_dim3A_257 : vector<16xi32>
              %add3A_597 = arith.addi %add3A_391, %and3A_596 : vector<16xi32>
              %gather3A_598 = tpu.vector_load_idx %arg16[%add3A_253, %add3A_597] : memref<32x256xf32, #tpu.memory_space<vmem>>[vector<16xi32>, vector<16xi32>], vector<16xf32>,
              %gather3A_599 = tpu.vector_load_idx %arg17[%add3A_253, %add3A_597] : memref<32x256xf32, #tpu.memory_space<vmem>>[vector<16xi32>, vector<16xi32>], vector<16xf32>,
              %mul3A_600 = arith.mulf %gather3A_598, %gather3A_599 : vector<16xf32>
              %add3A_601 = arith.addf %add3A_594, %mul3A_600 : vector<16xf32>
              %add3A_602 = arith.addi %and3A_596, %broadcast_in_dim3A_255 : vector<16xi32>
              %and3A_603 = arith.andi %add3A_602, %broadcast_in_dim3A_257 : vector<16xi32>
              %add3A_604 = arith.addi %add3A_391, %and3A_603 : vector<16xi32>
              %gather3A_605 = tpu.vector_load_idx %arg16[%add3A_253, %add3A_604] : memref<32x256xf32, #tpu.memory_space<vmem>>[vector<16xi32>, vector<16xi32>], vector<16xf32>,
              %gather3A_606 = tpu.vector_load_idx %arg17[%add3A_253, %add3A_604] : memref<32x256xf32, #tpu.memory_space<vmem>>[vector<16xi32>, vector<16xi32>], vector<16xf32>,
              %mul3A_607 = arith.mulf %gather3A_605, %gather3A_606 : vector<16xf32>
              %add3A_608 = arith.addf %add3A_601, %mul3A_607 : vector<16xf32>
              %add3A_609 = arith.addi %and3A_603, %broadcast_in_dim3A_255 : vector<16xi32>
              %and3A_610 = arith.andi %add3A_609, %broadcast_in_dim3A_257 : vector<16xi32>
              %add3A_611 = arith.addi %add3A_391, %and3A_610 : vector<16xi32>
              %gather3A_612 = tpu.vector_load_idx %arg16[%add3A_253, %add3A_611] : memref<32x256xf32, #tpu.memory_space<vmem>>[vector<16xi32>, vector<16xi32>], vector<16xf32>,
              %gather3A_613 = tpu.vector_load_idx %arg17[%add3A_253, %add3A_611] : memref<32x256xf32, #tpu.memory_space<vmem>>[vector<16xi32>, vector<16xi32>], vector<16xf32>,
              %mul3A_614 = arith.mulf %gather3A_612, %gather3A_613 : vector<16xf32>
              %add3A_615 = arith.addf %add3A_608, %mul3A_614 : vector<16xf32>
              %add3A_616 = arith.addi %and3A_610, %broadcast_in_dim3A_255 : vector<16xi32>
              %and3A_617 = arith.andi %add3A_616, %broadcast_in_dim3A_257 : vector<16xi32>
              %add3A_618 = vector.broadcast %scan3A_387 : i32 to vector<16xi32>
              %add3A_619 = arith.addi %broadcast_in_dim3A_1, %add3A_618 : vector<16xi32>
              tpu.vector_store_idx %arg19[%add3A_619, %iota3A], %add3A_615 : memref<8x16xf32, #tpu.memory_space<vmem>>[vector<16xi32>, vector<16xi32>], vector<16xf32>,
            }
            %scan3A_263 = arith.constant 8 : i32
            %broadcast_in_dim3A_264 = arith.constant 0 : i32
            %broadcast_in_dim3A_265 = vector.broadcast %broadcast_in_dim3A_264 : i32 to vector<16xi32>
            %gather3A = tpu.vector_load_idx %arg19[%broadcast_in_dim3A_265, %iota3A] : memref<8x16xf32, #tpu.memory_space<vmem>>[vector<16xi32>, vector<16xi32>], vector<16xf32>,
            %mul3A_266 = arith.constant 0.176776692 : f32
            %mul3A_267 = vector.broadcast %mul3A_266 : f32 to vector<16xf32>
            %mul3A_268 = arith.mulf %gather3A, %mul3A_267 : vector<16xf32>
            %broadcast_in_dim3A_269 = arith.constant 1 : i32
            %broadcast_in_dim3A_270 = vector.broadcast %broadcast_in_dim3A_269 : i32 to vector<16xi32>
            %gather3A_271 = tpu.vector_load_idx %arg19[%broadcast_in_dim3A_270, %iota3A] : memref<8x16xf32, #tpu.memory_space<vmem>>[vector<16xi32>, vector<16xi32>], vector<16xf32>,
            %mul3A_272 = arith.constant 0.176776692 : f32
            %mul3A_273 = vector.broadcast %mul3A_272 : f32 to vector<16xf32>
            %mul3A_274 = arith.mulf %gather3A_271, %mul3A_273 : vector<16xf32>
            %broadcast_in_dim3A_275 = arith.constant 2 : i32
            %broadcast_in_dim3A_276 = vector.broadcast %broadcast_in_dim3A_275 : i32 to vector<16xi32>
            %gather3A_277 = tpu.vector_load_idx %arg19[%broadcast_in_dim3A_276, %iota3A] : memref<8x16xf32, #tpu.memory_space<vmem>>[vector<16xi32>, vector<16xi32>], vector<16xf32>,
            %mul3A_278 = arith.constant 0.176776692 : f32
            %mul3A_279 = vector.broadcast %mul3A_278 : f32 to vector<16xf32>
            %mul3A_280 = arith.mulf %gather3A_277, %mul3A_279 : vector<16xf32>
            %broadcast_in_dim3A_281 = arith.constant 3 : i32
            %broadcast_in_dim3A_282 = vector.broadcast %broadcast_in_dim3A_281 : i32 to vector<16xi32>
            %gather3A_283 = tpu.vector_load_idx %arg19[%broadcast_in_dim3A_282, %iota3A] : memref<8x16xf32, #tpu.memory_space<vmem>>[vector<16xi32>, vector<16xi32>], vector<16xf32>,
            %mul3A_284 = arith.constant 0.176776692 : f32
            %mul3A_285 = vector.broadcast %mul3A_284 : f32 to vector<16xf32>
            %mul3A_286 = arith.mulf %gather3A_283, %mul3A_285 : vector<16xf32>
            %broadcast_in_dim3A_287 = arith.constant 4 : i32
            %broadcast_in_dim3A_288 = vector.broadcast %broadcast_in_dim3A_287 : i32 to vector<16xi32>
            %gather3A_289 = tpu.vector_load_idx %arg19[%broadcast_in_dim3A_288, %iota3A] : memref<8x16xf32, #tpu.memory_space<vmem>>[vector<16xi32>, vector<16xi32>], vector<16xf32>,
            %mul3A_290 = arith.constant 0.176776692 : f32
            %mul3A_291 = vector.broadcast %mul3A_290 : f32 to vector<16xf32>
            %mul3A_292 = arith.mulf %gather3A_289, %mul3A_291 : vector<16xf32>
            %broadcast_in_dim3A_293 = arith.constant 5 : i32
            %broadcast_in_dim3A_294 = vector.broadcast %broadcast_in_dim3A_293 : i32 to vector<16xi32>
            %gather3A_295 = tpu.vector_load_idx %arg19[%broadcast_in_dim3A_294, %iota3A] : memref<8x16xf32, #tpu.memory_space<vmem>>[vector<16xi32>, vector<16xi32>], vector<16xf32>,
            %mul3A_296 = arith.constant 0.176776692 : f32
            %mul3A_297 = vector.broadcast %mul3A_296 : f32 to vector<16xf32>
            %mul3A_298 = arith.mulf %gather3A_295, %mul3A_297 : vector<16xf32>
            %broadcast_in_dim3A_299 = arith.constant 6 : i32
            %broadcast_in_dim3A_300 = vector.broadcast %broadcast_in_dim3A_299 : i32 to vector<16xi32>
            %gather3A_301 = tpu.vector_load_idx %arg19[%broadcast_in_dim3A_300, %iota3A] : memref<8x16xf32, #tpu.memory_space<vmem>>[vector<16xi32>, vector<16xi32>], vector<16xf32>,
            %mul3A_302 = arith.constant 0.176776692 : f32
            %mul3A_303 = vector.broadcast %mul3A_302 : f32 to vector<16xf32>
            %mul3A_304 = arith.mulf %gather3A_301, %mul3A_303 : vector<16xf32>
            %broadcast_in_dim3A_305 = arith.constant 7 : i32
            %broadcast_in_dim3A_306 = vector.broadcast %broadcast_in_dim3A_305 : i32 to vector<16xi32>
            %gather3A_307 = tpu.vector_load_idx %arg19[%broadcast_in_dim3A_306, %iota3A] : memref<8x16xf32, #tpu.memory_space<vmem>>[vector<16xi32>, vector<16xi32>], vector<16xf32>,
            %mul3A_308 = arith.constant 0.176776692 : f32
            %mul3A_309 = vector.broadcast %mul3A_308 : f32 to vector<16xf32>
            %mul3A_310 = arith.mulf %gather3A_307, %mul3A_309 : vector<16xf32>
            %max3A = arith.maximumf %mul3A_268, %mul3A_274 : vector<16xf32>
            %max3A_311 = arith.maximumf %max3A, %mul3A_280 : vector<16xf32>
            %max3A_312 = arith.maximumf %max3A_311, %mul3A_286 : vector<16xf32>
            %max3A_313 = arith.maximumf %max3A_312, %mul3A_292 : vector<16xf32>
            %max3A_314 = arith.maximumf %max3A_313, %mul3A_298 : vector<16xf32>
            %max3A_315 = arith.maximumf %max3A_314, %mul3A_304 : vector<16xf32>
            %max3A_316 = arith.maximumf %max3A_315, %mul3A_310 : vector<16xf32>
            %sub3A_317 = arith.subf %mul3A_268, %max3A_316 : vector<16xf32>
            %exp3A = math.exp %sub3A_317 : vector<16xf32>
            %sub3A_318 = arith.subf %mul3A_274, %max3A_316 : vector<16xf32>
            %exp3A_319 = math.exp %sub3A_318 : vector<16xf32>
            %sub3A_320 = arith.subf %mul3A_280, %max3A_316 : vector<16xf32>
            %exp3A_321 = math.exp %sub3A_320 : vector<16xf32>
            %sub3A_322 = arith.subf %mul3A_286, %max3A_316 : vector<16xf32>
            %exp3A_323 = math.exp %sub3A_322 : vector<16xf32>
            %sub3A_324 = arith.subf %mul3A_292, %max3A_316 : vector<16xf32>
            %exp3A_325 = math.exp %sub3A_324 : vector<16xf32>
            %sub3A_326 = arith.subf %mul3A_298, %max3A_316 : vector<16xf32>
            %exp3A_327 = math.exp %sub3A_326 : vector<16xf32>
            %sub3A_328 = arith.subf %mul3A_304, %max3A_316 : vector<16xf32>
            %exp3A_329 = math.exp %sub3A_328 : vector<16xf32>
            %sub3A_330 = arith.subf %mul3A_310, %max3A_316 : vector<16xf32>
            %exp3A_331 = math.exp %sub3A_330 : vector<16xf32>
            %add3A_332 = arith.addf %exp3A, %exp3A_319 : vector<16xf32>
            %add3A_333 = arith.addf %add3A_332, %exp3A_321 : vector<16xf32>
            %add3A_334 = arith.addf %add3A_333, %exp3A_323 : vector<16xf32>
            %add3A_335 = arith.addf %add3A_334, %exp3A_325 : vector<16xf32>
            %add3A_336 = arith.addf %add3A_335, %exp3A_327 : vector<16xf32>
            %add3A_337 = arith.addf %add3A_336, %exp3A_329 : vector<16xf32>
            %add3A_338 = arith.addf %add3A_337, %exp3A_331 : vector<16xf32>
            %div3A_339 = arith.constant 1.000000e+00 : f32
            %div3A_340 = vector.broadcast %div3A_339 : f32 to vector<16xf32>
            %div3A_341 = arith.divf %div3A_340, %add3A_338 : vector<16xf32>
            %broadcast_in_dim3A_342 = arith.constant 0 : i32
            %broadcast_in_dim3A_343 = vector.broadcast %broadcast_in_dim3A_342 : i32 to vector<16xi32>
            %mul3A_344 = arith.mulf %exp3A, %div3A_341 : vector<16xf32>
            tpu.vector_store_idx %arg19[%broadcast_in_dim3A_343, %iota3A], %mul3A_344 : memref<8x16xf32, #tpu.memory_space<vmem>>[vector<16xi32>, vector<16xi32>], vector<16xf32>,
            %broadcast_in_dim3A_345 = arith.constant 1 : i32
            %broadcast_in_dim3A_346 = vector.broadcast %broadcast_in_dim3A_345 : i32 to vector<16xi32>
            %mul3A_347 = arith.mulf %exp3A_319, %div3A_341 : vector<16xf32>
            tpu.vector_store_idx %arg19[%broadcast_in_dim3A_346, %iota3A], %mul3A_347 : memref<8x16xf32, #tpu.memory_space<vmem>>[vector<16xi32>, vector<16xi32>], vector<16xf32>,
            %broadcast_in_dim3A_348 = arith.constant 2 : i32
            %broadcast_in_dim3A_349 = vector.broadcast %broadcast_in_dim3A_348 : i32 to vector<16xi32>
            %mul3A_350 = arith.mulf %exp3A_321, %div3A_341 : vector<16xf32>
            tpu.vector_store_idx %arg19[%broadcast_in_dim3A_349, %iota3A], %mul3A_350 : memref<8x16xf32, #tpu.memory_space<vmem>>[vector<16xi32>, vector<16xi32>], vector<16xf32>,
            %broadcast_in_dim3A_351 = arith.constant 3 : i32
            %broadcast_in_dim3A_352 = vector.broadcast %broadcast_in_dim3A_351 : i32 to vector<16xi32>
            %mul3A_353 = arith.mulf %exp3A_323, %div3A_341 : vector<16xf32>
            tpu.vector_store_idx %arg19[%broadcast_in_dim3A_352, %iota3A], %mul3A_353 : memref<8x16xf32, #tpu.memory_space<vmem>>[vector<16xi32>, vector<16xi32>], vector<16xf32>,
            %broadcast_in_dim3A_354 = arith.constant 4 : i32
            %broadcast_in_dim3A_355 = vector.broadcast %broadcast_in_dim3A_354 : i32 to vector<16xi32>
            %mul3A_356 = arith.mulf %exp3A_325, %div3A_341 : vector<16xf32>
            tpu.vector_store_idx %arg19[%broadcast_in_dim3A_355, %iota3A], %mul3A_356 : memref<8x16xf32, #tpu.memory_space<vmem>>[vector<16xi32>, vector<16xi32>], vector<16xf32>,
            %broadcast_in_dim3A_357 = arith.constant 5 : i32
            %broadcast_in_dim3A_358 = vector.broadcast %broadcast_in_dim3A_357 : i32 to vector<16xi32>
            %mul3A_359 = arith.mulf %exp3A_327, %div3A_341 : vector<16xf32>
            tpu.vector_store_idx %arg19[%broadcast_in_dim3A_358, %iota3A], %mul3A_359 : memref<8x16xf32, #tpu.memory_space<vmem>>[vector<16xi32>, vector<16xi32>], vector<16xf32>,
            %broadcast_in_dim3A_360 = arith.constant 6 : i32
            %broadcast_in_dim3A_361 = vector.broadcast %broadcast_in_dim3A_360 : i32 to vector<16xi32>
            %mul3A_362 = arith.mulf %exp3A_329, %div3A_341 : vector<16xf32>
            tpu.vector_store_idx %arg19[%broadcast_in_dim3A_361, %iota3A], %mul3A_362 : memref<8x16xf32, #tpu.memory_space<vmem>>[vector<16xi32>, vector<16xi32>], vector<16xf32>,
            %broadcast_in_dim3A_363 = arith.constant 7 : i32
            %broadcast_in_dim3A_364 = vector.broadcast %broadcast_in_dim3A_363 : i32 to vector<16xi32>
            %mul3A_365 = arith.mulf %exp3A_331, %div3A_341 : vector<16xf32>
            tpu.vector_store_idx %arg19[%broadcast_in_dim3A_364, %iota3A], %mul3A_365 : memref<8x16xf32, #tpu.memory_space<vmem>>[vector<16xi32>, vector<16xi32>], vector<16xf32>,
            %scan3A_366 = arith.constant 0 : i32
            %scan3A_367 = arith.constant 0 : i32
            %scan3A_368 = arith.constant 8 : i32
            %scan3A_369 = arith.addi %scan3A_367, %scan3A_368 : i32
            %scan3A_370 = arith.constant 1 : i32
            scf.for %scan3A_387 = %scan3A_367 to %scan3A_369 step %scan3A_370  : i32 {
              %mul3A_388 = arith.constant 32 : i32
              %mul3A_389 = arith.muli %scan3A_387, %mul3A_388 : i32
              %add3A_390 = vector.broadcast %mul3A_389 : i32 to vector<16xi32>
              %add3A_391 = arith.addi %broadcast_in_dim3A_1, %add3A_390 : vector<16xi32>
              %add3A_392 = vector.broadcast %scan3A_387 : i32 to vector<16xi32>
              %add3A_393 = arith.addi %broadcast_in_dim3A_1, %add3A_392 : vector<16xi32>
              %gather3A_394 = tpu.vector_load_idx %arg19[%add3A_393, %iota3A] : memref<8x16xf32, #tpu.memory_space<vmem>>[vector<16xi32>, vector<16xi32>], vector<16xf32>,
              %add3A_395 = arith.addi %add3A_391, %iota3A : vector<16xi32>
              %gather3A_396 = tpu.vector_load_idx %arg18[%add3A_253, %add3A_395] : memref<32x256xf32, #tpu.memory_space<vmem>>[vector<16xi32>, vector<16xi32>], vector<16xf32>,
              %mul3A_397 = arith.mulf %gather3A_394, %gather3A_396 : vector<16xf32>
              tpu.vector_store_idx %arg17[%add3A_253, %add3A_395], %mul3A_397 : memref<32x256xf32, #tpu.memory_space<vmem>>[vector<16xi32>, vector<16xi32>], vector<16xf32>,
              %add3A_398 = arith.addi %iota3A, %broadcast_in_dim3A_255 : vector<16xi32>
              %and3A_399 = arith.andi %add3A_398, %broadcast_in_dim3A_257 : vector<16xi32>
              %add3A_400 = arith.addi %add3A_391, %and3A_399 : vector<16xi32>
              %gather3A_401 = tpu.vector_load_idx %arg18[%add3A_253, %add3A_400] : memref<32x256xf32, #tpu.memory_space<vmem>>[vector<16xi32>, vector<16xi32>], vector<16xf32>,
              %mul3A_402 = arith.mulf %gather3A_394, %gather3A_401 : vector<16xf32>
              tpu.vector_store_idx %arg17[%add3A_253, %add3A_400], %mul3A_402 : memref<32x256xf32, #tpu.memory_space<vmem>>[vector<16xi32>, vector<16xi32>], vector<16xf32>,
              %add3A_403 = arith.addi %and3A_399, %broadcast_in_dim3A_255 : vector<16xi32>
              %and3A_404 = arith.andi %add3A_403, %broadcast_in_dim3A_257 : vector<16xi32>
              %add3A_405 = arith.addi %add3A_391, %and3A_404 : vector<16xi32>
              %gather3A_406 = tpu.vector_load_idx %arg18[%add3A_253, %add3A_405] : memref<32x256xf32, #tpu.memory_space<vmem>>[vector<16xi32>, vector<16xi32>], vector<16xf32>,
              %mul3A_407 = arith.mulf %gather3A_394, %gather3A_406 : vector<16xf32>
              tpu.vector_store_idx %arg17[%add3A_253, %add3A_405], %mul3A_407 : memref<32x256xf32, #tpu.memory_space<vmem>>[vector<16xi32>, vector<16xi32>], vector<16xf32>,
              %add3A_408 = arith.addi %and3A_404, %broadcast_in_dim3A_255 : vector<16xi32>
              %and3A_409 = arith.andi %add3A_408, %broadcast_in_dim3A_257 : vector<16xi32>
              %add3A_410 = arith.addi %add3A_391, %and3A_409 : vector<16xi32>
              %gather3A_411 = tpu.vector_load_idx %arg18[%add3A_253, %add3A_410] : memref<32x256xf32, #tpu.memory_space<vmem>>[vector<16xi32>, vector<16xi32>], vector<16xf32>,
              %mul3A_412 = arith.mulf %gather3A_394, %gather3A_411 : vector<16xf32>
              tpu.vector_store_idx %arg17[%add3A_253, %add3A_410], %mul3A_412 : memref<32x256xf32, #tpu.memory_space<vmem>>[vector<16xi32>, vector<16xi32>], vector<16xf32>,
              %add3A_413 = arith.addi %and3A_409, %broadcast_in_dim3A_255 : vector<16xi32>
              %and3A_414 = arith.andi %add3A_413, %broadcast_in_dim3A_257 : vector<16xi32>
              %add3A_415 = arith.addi %add3A_391, %and3A_414 : vector<16xi32>
              %gather3A_416 = tpu.vector_load_idx %arg18[%add3A_253, %add3A_415] : memref<32x256xf32, #tpu.memory_space<vmem>>[vector<16xi32>, vector<16xi32>], vector<16xf32>,
              %mul3A_417 = arith.mulf %gather3A_394, %gather3A_416 : vector<16xf32>
              tpu.vector_store_idx %arg17[%add3A_253, %add3A_415], %mul3A_417 : memref<32x256xf32, #tpu.memory_space<vmem>>[vector<16xi32>, vector<16xi32>], vector<16xf32>,
              %add3A_418 = arith.addi %and3A_414, %broadcast_in_dim3A_255 : vector<16xi32>
              %and3A_419 = arith.andi %add3A_418, %broadcast_in_dim3A_257 : vector<16xi32>
              %add3A_420 = arith.addi %add3A_391, %and3A_419 : vector<16xi32>
              %gather3A_421 = tpu.vector_load_idx %arg18[%add3A_253, %add3A_420] : memref<32x256xf32, #tpu.memory_space<vmem>>[vector<16xi32>, vector<16xi32>], vector<16xf32>,
              %mul3A_422 = arith.mulf %gather3A_394, %gather3A_421 : vector<16xf32>
              tpu.vector_store_idx %arg17[%add3A_253, %add3A_420], %mul3A_422 : memref<32x256xf32, #tpu.memory_space<vmem>>[vector<16xi32>, vector<16xi32>], vector<16xf32>,
              %add3A_423 = arith.addi %and3A_419, %broadcast_in_dim3A_255 : vector<16xi32>
              %and3A_424 = arith.andi %add3A_423, %broadcast_in_dim3A_257 : vector<16xi32>
              %add3A_425 = arith.addi %add3A_391, %and3A_424 : vector<16xi32>
              %gather3A_426 = tpu.vector_load_idx %arg18[%add3A_253, %add3A_425] : memref<32x256xf32, #tpu.memory_space<vmem>>[vector<16xi32>, vector<16xi32>], vector<16xf32>,
              %mul3A_427 = arith.mulf %gather3A_394, %gather3A_426 : vector<16xf32>
              tpu.vector_store_idx %arg17[%add3A_253, %add3A_425], %mul3A_427 : memref<32x256xf32, #tpu.memory_space<vmem>>[vector<16xi32>, vector<16xi32>], vector<16xf32>,
              %add3A_428 = arith.addi %and3A_424, %broadcast_in_dim3A_255 : vector<16xi32>
              %and3A_429 = arith.andi %add3A_428, %broadcast_in_dim3A_257 : vector<16xi32>
              %add3A_430 = arith.addi %add3A_391, %and3A_429 : vector<16xi32>
              %gather3A_431 = tpu.vector_load_idx %arg18[%add3A_253, %add3A_430] : memref<32x256xf32, #tpu.memory_space<vmem>>[vector<16xi32>, vector<16xi32>], vector<16xf32>,
              %mul3A_432 = arith.mulf %gather3A_394, %gather3A_431 : vector<16xf32>
              tpu.vector_store_idx %arg17[%add3A_253, %add3A_430], %mul3A_432 : memref<32x256xf32, #tpu.memory_space<vmem>>[vector<16xi32>, vector<16xi32>], vector<16xf32>,
              %add3A_433 = arith.addi %and3A_429, %broadcast_in_dim3A_255 : vector<16xi32>
              %and3A_434 = arith.andi %add3A_433, %broadcast_in_dim3A_257 : vector<16xi32>
              %add3A_435 = arith.addi %add3A_391, %and3A_434 : vector<16xi32>
              %gather3A_436 = tpu.vector_load_idx %arg18[%add3A_253, %add3A_435] : memref<32x256xf32, #tpu.memory_space<vmem>>[vector<16xi32>, vector<16xi32>], vector<16xf32>,
              %mul3A_437 = arith.mulf %gather3A_394, %gather3A_436 : vector<16xf32>
              tpu.vector_store_idx %arg17[%add3A_253, %add3A_435], %mul3A_437 : memref<32x256xf32, #tpu.memory_space<vmem>>[vector<16xi32>, vector<16xi32>], vector<16xf32>,
              %add3A_438 = arith.addi %and3A_434, %broadcast_in_dim3A_255 : vector<16xi32>
              %and3A_439 = arith.andi %add3A_438, %broadcast_in_dim3A_257 : vector<16xi32>
              %add3A_440 = arith.addi %add3A_391, %and3A_439 : vector<16xi32>
              %gather3A_441 = tpu.vector_load_idx %arg18[%add3A_253, %add3A_440] : memref<32x256xf32, #tpu.memory_space<vmem>>[vector<16xi32>, vector<16xi32>], vector<16xf32>,
              %mul3A_442 = arith.mulf %gather3A_394, %gather3A_441 : vector<16xf32>
              tpu.vector_store_idx %arg17[%add3A_253, %add3A_440], %mul3A_442 : memref<32x256xf32, #tpu.memory_space<vmem>>[vector<16xi32>, vector<16xi32>], vector<16xf32>,
              %add3A_443 = arith.addi %and3A_439, %broadcast_in_dim3A_255 : vector<16xi32>
              %and3A_444 = arith.andi %add3A_443, %broadcast_in_dim3A_257 : vector<16xi32>
              %add3A_445 = arith.addi %add3A_391, %and3A_444 : vector<16xi32>
              %gather3A_446 = tpu.vector_load_idx %arg18[%add3A_253, %add3A_445] : memref<32x256xf32, #tpu.memory_space<vmem>>[vector<16xi32>, vector<16xi32>], vector<16xf32>,
              %mul3A_447 = arith.mulf %gather3A_394, %gather3A_446 : vector<16xf32>
              tpu.vector_store_idx %arg17[%add3A_253, %add3A_445], %mul3A_447 : memref<32x256xf32, #tpu.memory_space<vmem>>[vector<16xi32>, vector<16xi32>], vector<16xf32>,
              %add3A_448 = arith.addi %and3A_444, %broadcast_in_dim3A_255 : vector<16xi32>
              %and3A_449 = arith.andi %add3A_448, %broadcast_in_dim3A_257 : vector<16xi32>
              %add3A_450 = arith.addi %add3A_391, %and3A_449 : vector<16xi32>
              %gather3A_451 = tpu.vector_load_idx %arg18[%add3A_253, %add3A_450] : memref<32x256xf32, #tpu.memory_space<vmem>>[vector<16xi32>, vector<16xi32>], vector<16xf32>,
              %mul3A_452 = arith.mulf %gather3A_394, %gather3A_451 : vector<16xf32>
              tpu.vector_store_idx %arg17[%add3A_253, %add3A_450], %mul3A_452 : memref<32x256xf32, #tpu.memory_space<vmem>>[vector<16xi32>, vector<16xi32>], vector<16xf32>,
              %add3A_453 = arith.addi %and3A_449, %broadcast_in_dim3A_255 : vector<16xi32>
              %and3A_454 = arith.andi %add3A_453, %broadcast_in_dim3A_257 : vector<16xi32>
              %add3A_455 = arith.addi %add3A_391, %and3A_454 : vector<16xi32>
              %gather3A_456 = tpu.vector_load_idx %arg18[%add3A_253, %add3A_455] : memref<32x256xf32, #tpu.memory_space<vmem>>[vector<16xi32>, vector<16xi32>], vector<16xf32>,
              %mul3A_457 = arith.mulf %gather3A_394, %gather3A_456 : vector<16xf32>
              tpu.vector_store_idx %arg17[%add3A_253, %add3A_455], %mul3A_457 : memref<32x256xf32, #tpu.memory_space<vmem>>[vector<16xi32>, vector<16xi32>], vector<16xf32>,
              %add3A_458 = arith.addi %and3A_454, %broadcast_in_dim3A_255 : vector<16xi32>
              %and3A_459 = arith.andi %add3A_458, %broadcast_in_dim3A_257 : vector<16xi32>
              %add3A_460 = arith.addi %add3A_391, %and3A_459 : vector<16xi32>
              %gather3A_461 = tpu.vector_load_idx %arg18[%add3A_253, %add3A_460] : memref<32x256xf32, #tpu.memory_space<vmem>>[vector<16xi32>, vector<16xi32>], vector<16xf32>,
              %mul3A_462 = arith.mulf %gather3A_394, %gather3A_461 : vector<16xf32>
              tpu.vector_store_idx %arg17[%add3A_253, %add3A_460], %mul3A_462 : memref<32x256xf32, #tpu.memory_space<vmem>>[vector<16xi32>, vector<16xi32>], vector<16xf32>,
              %add3A_463 = arith.addi %and3A_459, %broadcast_in_dim3A_255 : vector<16xi32>
              %and3A_464 = arith.andi %add3A_463, %broadcast_in_dim3A_257 : vector<16xi32>
              %add3A_465 = arith.addi %add3A_391, %and3A_464 : vector<16xi32>
              %gather3A_466 = tpu.vector_load_idx %arg18[%add3A_253, %add3A_465] : memref<32x256xf32, #tpu.memory_space<vmem>>[vector<16xi32>, vector<16xi32>], vector<16xf32>,
              %mul3A_467 = arith.mulf %gather3A_394, %gather3A_466 : vector<16xf32>
              tpu.vector_store_idx %arg17[%add3A_253, %add3A_465], %mul3A_467 : memref<32x256xf32, #tpu.memory_space<vmem>>[vector<16xi32>, vector<16xi32>], vector<16xf32>,
              %add3A_468 = arith.addi %and3A_464, %broadcast_in_dim3A_255 : vector<16xi32>
              %and3A_469 = arith.andi %add3A_468, %broadcast_in_dim3A_257 : vector<16xi32>
              %add3A_470 = arith.addi %add3A_391, %and3A_469 : vector<16xi32>
              %gather3A_471 = tpu.vector_load_idx %arg18[%add3A_253, %add3A_470] : memref<32x256xf32, #tpu.memory_space<vmem>>[vector<16xi32>, vector<16xi32>], vector<16xf32>,
              %mul3A_472 = arith.mulf %gather3A_394, %gather3A_471 : vector<16xf32>
              tpu.vector_store_idx %arg17[%add3A_253, %add3A_470], %mul3A_472 : memref<32x256xf32, #tpu.memory_space<vmem>>[vector<16xi32>, vector<16xi32>], vector<16xf32>,
              %add3A_473 = arith.addi %and3A_469, %broadcast_in_dim3A_255 : vector<16xi32>
              %and3A_474 = arith.andi %add3A_473, %broadcast_in_dim3A_257 : vector<16xi32>
              %add3A_475 = arith.addi %add3A_391, %and3A_474 : vector<16xi32>
              %gather3A_476 = tpu.vector_load_idx %arg18[%add3A_253, %add3A_475] : memref<32x256xf32, #tpu.memory_space<vmem>>[vector<16xi32>, vector<16xi32>], vector<16xf32>,
              %mul3A_477 = arith.mulf %gather3A_394, %gather3A_476 : vector<16xf32>
              tpu.vector_store_idx %arg17[%add3A_253, %add3A_475], %mul3A_477 : memref<32x256xf32, #tpu.memory_space<vmem>>[vector<16xi32>, vector<16xi32>], vector<16xf32>,
              %add3A_478 = arith.addi %and3A_474, %broadcast_in_dim3A_255 : vector<16xi32>
              %and3A_479 = arith.andi %add3A_478, %broadcast_in_dim3A_257 : vector<16xi32>
              %add3A_480 = arith.addi %add3A_391, %and3A_479 : vector<16xi32>
              %gather3A_481 = tpu.vector_load_idx %arg18[%add3A_253, %add3A_480] : memref<32x256xf32, #tpu.memory_space<vmem>>[vector<16xi32>, vector<16xi32>], vector<16xf32>,
              %mul3A_482 = arith.mulf %gather3A_394, %gather3A_481 : vector<16xf32>
              tpu.vector_store_idx %arg17[%add3A_253, %add3A_480], %mul3A_482 : memref<32x256xf32, #tpu.memory_space<vmem>>[vector<16xi32>, vector<16xi32>], vector<16xf32>,
              %add3A_483 = arith.addi %and3A_479, %broadcast_in_dim3A_255 : vector<16xi32>
              %and3A_484 = arith.andi %add3A_483, %broadcast_in_dim3A_257 : vector<16xi32>
              %add3A_485 = arith.addi %add3A_391, %and3A_484 : vector<16xi32>
              %gather3A_486 = tpu.vector_load_idx %arg18[%add3A_253, %add3A_485] : memref<32x256xf32, #tpu.memory_space<vmem>>[vector<16xi32>, vector<16xi32>], vector<16xf32>,
              %mul3A_487 = arith.mulf %gather3A_394, %gather3A_486 : vector<16xf32>
              tpu.vector_store_idx %arg17[%add3A_253, %add3A_485], %mul3A_487 : memref<32x256xf32, #tpu.memory_space<vmem>>[vector<16xi32>, vector<16xi32>], vector<16xf32>,
              %add3A_488 = arith.addi %and3A_484, %broadcast_in_dim3A_255 : vector<16xi32>
              %and3A_489 = arith.andi %add3A_488, %broadcast_in_dim3A_257 : vector<16xi32>
              %add3A_490 = arith.addi %add3A_391, %and3A_489 : vector<16xi32>
              %gather3A_491 = tpu.vector_load_idx %arg18[%add3A_253, %add3A_490] : memref<32x256xf32, #tpu.memory_space<vmem>>[vector<16xi32>, vector<16xi32>], vector<16xf32>,
              %mul3A_492 = arith.mulf %gather3A_394, %gather3A_491 : vector<16xf32>
              tpu.vector_store_idx %arg17[%add3A_253, %add3A_490], %mul3A_492 : memref<32x256xf32, #tpu.memory_space<vmem>>[vector<16xi32>, vector<16xi32>], vector<16xf32>,
              %add3A_493 = arith.addi %and3A_489, %broadcast_in_dim3A_255 : vector<16xi32>
              %and3A_494 = arith.andi %add3A_493, %broadcast_in_dim3A_257 : vector<16xi32>
              %add3A_495 = arith.addi %add3A_391, %and3A_494 : vector<16xi32>
              %gather3A_496 = tpu.vector_load_idx %arg18[%add3A_253, %add3A_495] : memref<32x256xf32, #tpu.memory_space<vmem>>[vector<16xi32>, vector<16xi32>], vector<16xf32>,
              %mul3A_497 = arith.mulf %gather3A_394, %gather3A_496 : vector<16xf32>
              tpu.vector_store_idx %arg17[%add3A_253, %add3A_495], %mul3A_497 : memref<32x256xf32, #tpu.memory_space<vmem>>[vector<16xi32>, vector<16xi32>], vector<16xf32>,
              %add3A_498 = arith.addi %and3A_494, %broadcast_in_dim3A_255 : vector<16xi32>
              %and3A_499 = arith.andi %add3A_498, %broadcast_in_dim3A_257 : vector<16xi32>
              %add3A_500 = arith.addi %add3A_391, %and3A_499 : vector<16xi32>
              %gather3A_501 = tpu.vector_load_idx %arg18[%add3A_253, %add3A_500] : memref<32x256xf32, #tpu.memory_space<vmem>>[vector<16xi32>, vector<16xi32>], vector<16xf32>,
              %mul3A_502 = arith.mulf %gather3A_394, %gather3A_501 : vector<16xf32>
              tpu.vector_store_idx %arg17[%add3A_253, %add3A_500], %mul3A_502 : memref<32x256xf32, #tpu.memory_space<vmem>>[vector<16xi32>, vector<16xi32>], vector<16xf32>,
              %add3A_503 = arith.addi %and3A_499, %broadcast_in_dim3A_255 : vector<16xi32>
              %and3A_504 = arith.andi %add3A_503, %broadcast_in_dim3A_257 : vector<16xi32>
              %add3A_505 = arith.addi %add3A_391, %and3A_504 : vector<16xi32>
              %gather3A_506 = tpu.vector_load_idx %arg18[%add3A_253, %add3A_505] : memref<32x256xf32, #tpu.memory_space<vmem>>[vector<16xi32>, vector<16xi32>], vector<16xf32>,
              %mul3A_507 = arith.mulf %gather3A_394, %gather3A_506 : vector<16xf32>
              tpu.vector_store_idx %arg17[%add3A_253, %add3A_505], %mul3A_507 : memref<32x256xf32, #tpu.memory_space<vmem>>[vector<16xi32>, vector<16xi32>], vector<16xf32>,
              %add3A_508 = arith.addi %and3A_504, %broadcast_in_dim3A_255 : vector<16xi32>
              %and3A_509 = arith.andi %add3A_508, %broadcast_in_dim3A_257 : vector<16xi32>
              %add3A_510 = arith.addi %add3A_391, %and3A_509 : vector<16xi32>
              %gather3A_511 = tpu.vector_load_idx %arg18[%add3A_253, %add3A_510] : memref<32x256xf32, #tpu.memory_space<vmem>>[vector<16xi32>, vector<16xi32>], vector<16xf32>,
              %mul3A_512 = arith.mulf %gather3A_394, %gather3A_511 : vector<16xf32>
              tpu.vector_store_idx %arg17[%add3A_253, %add3A_510], %mul3A_512 : memref<32x256xf32, #tpu.memory_space<vmem>>[vector<16xi32>, vector<16xi32>], vector<16xf32>,
              %add3A_513 = arith.addi %and3A_509, %broadcast_in_dim3A_255 : vector<16xi32>
              %and3A_514 = arith.andi %add3A_513, %broadcast_in_dim3A_257 : vector<16xi32>
              %add3A_515 = arith.addi %add3A_391, %and3A_514 : vector<16xi32>
              %gather3A_516 = tpu.vector_load_idx %arg18[%add3A_253, %add3A_515] : memref<32x256xf32, #tpu.memory_space<vmem>>[vector<16xi32>, vector<16xi32>], vector<16xf32>,
              %mul3A_517 = arith.mulf %gather3A_394, %gather3A_516 : vector<16xf32>
              tpu.vector_store_idx %arg17[%add3A_253, %add3A_515], %mul3A_517 : memref<32x256xf32, #tpu.memory_space<vmem>>[vector<16xi32>, vector<16xi32>], vector<16xf32>,
              %add3A_518 = arith.addi %and3A_514, %broadcast_in_dim3A_255 : vector<16xi32>
              %and3A_519 = arith.andi %add3A_518, %broadcast_in_dim3A_257 : vector<16xi32>
              %add3A_520 = arith.addi %add3A_391, %and3A_519 : vector<16xi32>
              %gather3A_521 = tpu.vector_load_idx %arg18[%add3A_253, %add3A_520] : memref<32x256xf32, #tpu.memory_space<vmem>>[vector<16xi32>, vector<16xi32>], vector<16xf32>,
              %mul3A_522 = arith.mulf %gather3A_394, %gather3A_521 : vector<16xf32>
              tpu.vector_store_idx %arg17[%add3A_253, %add3A_520], %mul3A_522 : memref<32x256xf32, #tpu.memory_space<vmem>>[vector<16xi32>, vector<16xi32>], vector<16xf32>,
              %add3A_523 = arith.addi %and3A_519, %broadcast_in_dim3A_255 : vector<16xi32>
              %and3A_524 = arith.andi %add3A_523, %broadcast_in_dim3A_257 : vector<16xi32>
              %add3A_525 = arith.addi %add3A_391, %and3A_524 : vector<16xi32>
              %gather3A_526 = tpu.vector_load_idx %arg18[%add3A_253, %add3A_525] : memref<32x256xf32, #tpu.memory_space<vmem>>[vector<16xi32>, vector<16xi32>], vector<16xf32>,
              %mul3A_527 = arith.mulf %gather3A_394, %gather3A_526 : vector<16xf32>
              tpu.vector_store_idx %arg17[%add3A_253, %add3A_525], %mul3A_527 : memref<32x256xf32, #tpu.memory_space<vmem>>[vector<16xi32>, vector<16xi32>], vector<16xf32>,
              %add3A_528 = arith.addi %and3A_524, %broadcast_in_dim3A_255 : vector<16xi32>
              %and3A_529 = arith.andi %add3A_528, %broadcast_in_dim3A_257 : vector<16xi32>
              %add3A_530 = arith.addi %add3A_391, %and3A_529 : vector<16xi32>
              %gather3A_531 = tpu.vector_load_idx %arg18[%add3A_253, %add3A_530] : memref<32x256xf32, #tpu.memory_space<vmem>>[vector<16xi32>, vector<16xi32>], vector<16xf32>,
              %mul3A_532 = arith.mulf %gather3A_394, %gather3A_531 : vector<16xf32>
              tpu.vector_store_idx %arg17[%add3A_253, %add3A_530], %mul3A_532 : memref<32x256xf32, #tpu.memory_space<vmem>>[vector<16xi32>, vector<16xi32>], vector<16xf32>,
              %add3A_533 = arith.addi %and3A_529, %broadcast_in_dim3A_255 : vector<16xi32>
              %and3A_534 = arith.andi %add3A_533, %broadcast_in_dim3A_257 : vector<16xi32>
              %add3A_535 = arith.addi %add3A_391, %and3A_534 : vector<16xi32>
              %gather3A_536 = tpu.vector_load_idx %arg18[%add3A_253, %add3A_535] : memref<32x256xf32, #tpu.memory_space<vmem>>[vector<16xi32>, vector<16xi32>], vector<16xf32>,
              %mul3A_537 = arith.mulf %gather3A_394, %gather3A_536 : vector<16xf32>
              tpu.vector_store_idx %arg17[%add3A_253, %add3A_535], %mul3A_537 : memref<32x256xf32, #tpu.memory_space<vmem>>[vector<16xi32>, vector<16xi32>], vector<16xf32>,
              %add3A_538 = arith.addi %and3A_534, %broadcast_in_dim3A_255 : vector<16xi32>
              %and3A_539 = arith.andi %add3A_538, %broadcast_in_dim3A_257 : vector<16xi32>
              %add3A_540 = arith.addi %add3A_391, %and3A_539 : vector<16xi32>
              %gather3A_541 = tpu.vector_load_idx %arg18[%add3A_253, %add3A_540] : memref<32x256xf32, #tpu.memory_space<vmem>>[vector<16xi32>, vector<16xi32>], vector<16xf32>,
              %mul3A_542 = arith.mulf %gather3A_394, %gather3A_541 : vector<16xf32>
              tpu.vector_store_idx %arg17[%add3A_253, %add3A_540], %mul3A_542 : memref<32x256xf32, #tpu.memory_space<vmem>>[vector<16xi32>, vector<16xi32>], vector<16xf32>,
              %add3A_543 = arith.addi %and3A_539, %broadcast_in_dim3A_255 : vector<16xi32>
              %and3A_544 = arith.andi %add3A_543, %broadcast_in_dim3A_257 : vector<16xi32>
              %add3A_545 = arith.addi %add3A_391, %and3A_544 : vector<16xi32>
              %gather3A_546 = tpu.vector_load_idx %arg18[%add3A_253, %add3A_545] : memref<32x256xf32, #tpu.memory_space<vmem>>[vector<16xi32>, vector<16xi32>], vector<16xf32>,
              %mul3A_547 = arith.mulf %gather3A_394, %gather3A_546 : vector<16xf32>
              tpu.vector_store_idx %arg17[%add3A_253, %add3A_545], %mul3A_547 : memref<32x256xf32, #tpu.memory_space<vmem>>[vector<16xi32>, vector<16xi32>], vector<16xf32>,
              %add3A_548 = arith.addi %and3A_544, %broadcast_in_dim3A_255 : vector<16xi32>
              %and3A_549 = arith.andi %add3A_548, %broadcast_in_dim3A_257 : vector<16xi32>
              %add3A_550 = arith.addi %add3A_391, %and3A_549 : vector<16xi32>
              %gather3A_551 = tpu.vector_load_idx %arg18[%add3A_253, %add3A_550] : memref<32x256xf32, #tpu.memory_space<vmem>>[vector<16xi32>, vector<16xi32>], vector<16xf32>,
              %mul3A_552 = arith.mulf %gather3A_394, %gather3A_551 : vector<16xf32>
              tpu.vector_store_idx %arg17[%add3A_253, %add3A_550], %mul3A_552 : memref<32x256xf32, #tpu.memory_space<vmem>>[vector<16xi32>, vector<16xi32>], vector<16xf32>,
              %add3A_553 = arith.addi %and3A_549, %broadcast_in_dim3A_255 : vector<16xi32>
              %and3A_554 = arith.andi %add3A_553, %broadcast_in_dim3A_257 : vector<16xi32>
            }
            %scan3A_371 = arith.constant 8 : i32
            %add3A_372 = vector.broadcast %add3A_250 : i32 to vector<16xi32>
            %add3A_373 = arith.addi %add3A_372, %iota3A : vector<16xi32>
            %lt3A_374 = vector.broadcast %scan3A_91 : i32 to vector<16xi32>
            %lt3A_375 = arith.cmpi slt, %add3A_373, %lt3A_374 : vector<16xi32>
            %sub3A_376 = vector.broadcast %mul3A_11 : i32 to vector<16xi32>
            %sub3A_377 = arith.subi %get3A_251, %sub3A_376 : vector<16xi32>
            %jit3A_378 = arith.constant -1 : i32
            %broadcast_in_dim3A_379 = vector.broadcast %jit3A_378 : i32 to vector<16xi32>
            %select_n3A_380 = arith.select %lt3A_375, %sub3A_377, %broadcast_in_dim3A_379 : vector<16xi1>, vector<16xi32>
            %dma_start3A_381 = arith.constant 0 : i32
            %dma_start3A_382 = tpu.memref_slice %arg17[%mul3A_247, %dma_start3A_381] : memref<32x256xf32, #tpu.memory_space<vmem>> -> memref<16x256xf32, #tpu.memory_space<vmem>>
            %dma_start3A_383 = arith.constant 0 : i32
            %dma_start3A_384 = arith.constant 0 : i32
            %dma_start3A_385 = tpu.memref_slice %arg20[%dma_start3A_383, %dma_start3A_384] : memref<2560x256xf32, #tpu.memory_space<vmem_shared>> -> memref<2560x256xf32, #tpu.memory_space<vmem_shared>>
            %dma_start3A_386 = arith.constant -1 : i32
            tpu.enqueue_indirect_dma source(%dma_start3A_382 : memref<16x256xf32, #tpu.memory_space<vmem>>) target(%dma_start3A_385 : memref<2560x256xf32, #tpu.memory_space<vmem_shared>>) offsets(%select_n3A_380 : vector<16xi32>) offset_filter(%dma_start3A_386) semaphore(%arg23 : memref<!tpu.dma_semaphore, #tpu.memory_space<semaphore_mem>>) {add = true}
          }
          %scan3A_220 = arith.constant 2 : i32
          %dma_wait3A_221 = arith.constant 0 : i32
          %dma_wait3A_222 = arith.constant 0 : i32
          %dma_wait3A_223 = tpu.memref_slice %arg17[%dma_wait3A_221, %dma_wait3A_222] : memref<32x256xf32, #tpu.memory_space<vmem>> -> memref<16x256xf32, #tpu.memory_space<vmem>>
          %dma_wait3A_224 = arith.constant 0 : i32
          %dma_wait3A_225 = arith.constant 0 : i32
          %dma_wait3A_226 = tpu.memref_slice %arg2[%dma_wait3A_224, %dma_wait3A_225] : memref<10000x256xf32, #tpu.memory_space<hbm>> -> memref<16x256xf32, #tpu.memory_space<hbm>>
          %dma_wait3A_227 = arith.constant 0 : i32
          %dma_wait3A_228 = arith.constant 0 : i32
          %dma_wait3A_229 = tpu.memref_slice %arg17[%dma_wait3A_227, %dma_wait3A_228] : memref<32x256xf32, #tpu.memory_space<vmem>> -> memref<16x256xf32, #tpu.memory_space<vmem>>
          %dma_wait3A_230 = arith.constant 0 : i32
          %dma_wait3A_231 = arith.constant 0 : i32
          %dma_wait3A_232 = tpu.memref_slice %arg2[%dma_wait3A_230, %dma_wait3A_231] : memref<10000x256xf32, #tpu.memory_space<hbm>> -> memref<16x256xf32, #tpu.memory_space<hbm>>
          tpu.wait_dma2 semaphore(%arg23 : memref<!tpu.dma_semaphore, #tpu.memory_space<semaphore_mem>>) src(%dma_wait3A_232 : memref<16x256xf32, #tpu.memory_space<hbm>>) dst(%dma_wait3A_229 : memref<16x256xf32, #tpu.memory_space<vmem>>)
          %dma_wait3A_233 = arith.constant 16 : i32
          %dma_wait3A_234 = arith.constant 0 : i32
          %dma_wait3A_235 = tpu.memref_slice %arg17[%dma_wait3A_233, %dma_wait3A_234] : memref<32x256xf32, #tpu.memory_space<vmem>> -> memref<16x256xf32, #tpu.memory_space<vmem>>
          %dma_wait3A_236 = arith.constant 0 : i32
          %dma_wait3A_237 = arith.constant 0 : i32
          %dma_wait3A_238 = tpu.memref_slice %arg2[%dma_wait3A_236, %dma_wait3A_237] : memref<10000x256xf32, #tpu.memory_space<hbm>> -> memref<16x256xf32, #tpu.memory_space<hbm>>
          %dma_wait3A_239 = arith.constant 16 : i32
          %dma_wait3A_240 = arith.constant 0 : i32
          %dma_wait3A_241 = tpu.memref_slice %arg17[%dma_wait3A_239, %dma_wait3A_240] : memref<32x256xf32, #tpu.memory_space<vmem>> -> memref<16x256xf32, #tpu.memory_space<vmem>>
          %dma_wait3A_242 = arith.constant 0 : i32
          %dma_wait3A_243 = arith.constant 0 : i32
          %dma_wait3A_244 = tpu.memref_slice %arg2[%dma_wait3A_242, %dma_wait3A_243] : memref<10000x256xf32, #tpu.memory_space<hbm>> -> memref<16x256xf32, #tpu.memory_space<hbm>>
          tpu.wait_dma2 semaphore(%arg23 : memref<!tpu.dma_semaphore, #tpu.memory_space<semaphore_mem>>) src(%dma_wait3A_244 : memref<16x256xf32, #tpu.memory_space<hbm>>) dst(%dma_wait3A_241 : memref<16x256xf32, #tpu.memory_space<vmem>>)
        } else {
        }
      }
      %barrier3A_164 = arith.constant 0 : index
      tpu.barrier barrier_id(%barrier3A_164)
      %lt3A = arith.constant 15 : i32
      %lt3A_165 = arith.cmpi slt, %arg1, %lt3A : i32
      %convert_element_type3A_166 = arith.extui %lt3A_165 : i1 to i32
      %cond3A_167 = arith.constant 0 : i32
      %cond3A_168 = arith.cmpi ne, %convert_element_type3A_166, %cond3A_167 : i32
      scf.if %cond3A_168 {
        %mul3A_174 = arith.constant 160 : i32
        %mul3A_175 = arith.muli %arg1, %mul3A_174 : i32
        %add3A_176 = arith.addi %mul3A_11, %mul3A_175 : i32
        "tpu.region"() ({
          %run_scoped3A = tpu.sem_alloc : memref<!tpu.dma_semaphore, #tpu.memory_space<semaphore_mem>>
          %dma_start3A_177 = arith.constant 0 : i32
          %dma_start3A_178 = tpu.memref_slice %arg8[%add3A_176, %dma_start3A_177] : memref<10000x256xf32, #tpu.memory_space<hbm>> -> memref<160x256xf32, #tpu.memory_space<hbm>>
          %dma_start3A_179 = arith.constant 0 : i32
          %dma_start3A_180 = tpu.memref_slice %arg20[%mul3A_175, %dma_start3A_179] : memref<2560x256xf32, #tpu.memory_space<vmem_shared>> -> memref<160x256xf32, #tpu.memory_space<vmem_shared>>
          tpu.enqueue_dma source(%dma_start3A_180 : memref<160x256xf32, #tpu.memory_space<vmem_shared>>) target(%dma_start3A_178 : memref<160x256xf32, #tpu.memory_space<hbm>>) target_semaphore(%run_scoped3A : memref<!tpu.dma_semaphore, #tpu.memory_space<semaphore_mem>>)
          %dma_wait3A_181 = arith.constant 0 : i32
          %dma_wait3A_182 = tpu.memref_slice %arg8[%add3A_176, %dma_wait3A_181] : memref<10000x256xf32, #tpu.memory_space<hbm>> -> memref<160x256xf32, #tpu.memory_space<hbm>>
          %dma_wait3A_183 = arith.constant 0 : i32
          %dma_wait3A_184 = tpu.memref_slice %arg20[%mul3A_175, %dma_wait3A_183] : memref<2560x256xf32, #tpu.memory_space<vmem_shared>> -> memref<160x256xf32, #tpu.memory_space<vmem_shared>>
          tpu.wait_dma2 semaphore(%run_scoped3A : memref<!tpu.dma_semaphore, #tpu.memory_space<semaphore_mem>>) src(%dma_wait3A_184 : memref<160x256xf32, #tpu.memory_space<vmem_shared>>) dst(%dma_wait3A_182 : memref<160x256xf32, #tpu.memory_space<hbm>>)
          tpu.yield
        }) : () -> ()
      } else {
      }
      %eq3A = arith.constant 15 : i32
      %eq3A_169 = arith.cmpi eq, %arg1, %eq3A : i32
      %convert_element_type3A_170 = arith.extui %eq3A_169 : i1 to i32
      %cond3A_171 = arith.constant 0 : i32
      %cond3A_172 = arith.cmpi ne, %convert_element_type3A_170, %cond3A_171 : i32
      scf.if %cond3A_172 {
        %add3A_174 = arith.constant 2400 : i32
        %add3A_175 = arith.addi %mul3A_11, %add3A_174 : i32
        "tpu.region"() ({
          %run_scoped3A = tpu.sem_alloc : memref<!tpu.dma_semaphore, #tpu.memory_space<semaphore_mem>>
          %dma_start3A_176 = arith.constant 0 : i32
          %dma_start3A_177 = tpu.memref_slice %arg8[%add3A_175, %dma_start3A_176] : memref<10000x256xf32, #tpu.memory_space<hbm>> -> memref<100x256xf32, #tpu.memory_space<hbm>>
          %dma_start3A_178 = arith.constant 2400 : i32
          %dma_start3A_179 = arith.constant 0 : i32
          %dma_start3A_180 = tpu.memref_slice %arg20[%dma_start3A_178, %dma_start3A_179] : memref<2560x256xf32, #tpu.memory_space<vmem_shared>> -> memref<100x256xf32, #tpu.memory_space<vmem_shared>>
          tpu.enqueue_dma source(%dma_start3A_180 : memref<100x256xf32, #tpu.memory_space<vmem_shared>>) target(%dma_start3A_177 : memref<100x256xf32, #tpu.memory_space<hbm>>) target_semaphore(%run_scoped3A : memref<!tpu.dma_semaphore, #tpu.memory_space<semaphore_mem>>)
          %dma_wait3A_181 = arith.constant 0 : i32
          %dma_wait3A_182 = tpu.memref_slice %arg8[%add3A_175, %dma_wait3A_181] : memref<10000x256xf32, #tpu.memory_space<hbm>> -> memref<100x256xf32, #tpu.memory_space<hbm>>
          %dma_wait3A_183 = arith.constant 2400 : i32
          %dma_wait3A_184 = arith.constant 0 : i32
          %dma_wait3A_185 = tpu.memref_slice %arg20[%dma_wait3A_183, %dma_wait3A_184] : memref<2560x256xf32, #tpu.memory_space<vmem_shared>> -> memref<100x256xf32, #tpu.memory_space<vmem_shared>>
          tpu.wait_dma2 semaphore(%run_scoped3A : memref<!tpu.dma_semaphore, #tpu.memory_space<semaphore_mem>>) src(%dma_wait3A_185 : memref<100x256xf32, #tpu.memory_space<vmem_shared>>) dst(%dma_wait3A_182 : memref<100x256xf32, #tpu.memory_space<hbm>>)
          tpu.yield
        }) : () -> ()
      } else {
      }
      %barrier3A_173 = arith.constant 0 : index
      tpu.barrier barrier_id(%barrier3A_173)
    }
    %scan3A_6 = arith.constant 2 : i32
    return
  }
}

module attributes {stable_mosaic.version = 14 : i64} {
  func.func @_qkv_body(%arg0: i32, %arg1: memref<1000x256xf32, #tpu.memory_space<vmem>>, %arg2: memref<256x256xf32, #tpu.memory_space<vmem>>, %arg3: memref<256x256xf32, #tpu.memory_space<vmem>>, %arg4: memref<256x256xf32, #tpu.memory_space<vmem>>, %arg5: memref<1x256xf32, #tpu.memory_space<vmem>>, %arg6: memref<1000x256xf32, #tpu.memory_space<vmem>>, %arg7: memref<1000x256xf32, #tpu.memory_space<vmem>>, %arg8: memref<1000x256xf32, #tpu.memory_space<vmem>>) attributes {dimension_semantics = [#tpu.dimension_semantics<arbitrary>], iteration_bounds = array<i64: 10>, scalar_prefetch = 0 : i64, scratch_operands = 0 : i64, tpu.core_type = #tpu.core_type<tc>, window_params = [{transform_indices = @transform_0, window_bounds = array<i64: 1000, 256>}, {pipeline_mode = #tpu.pipeline_mode<synchronous>, transform_indices = @transform_1, window_bounds = array<i64: 256, 256>}, {pipeline_mode = #tpu.pipeline_mode<synchronous>, transform_indices = @transform_2, window_bounds = array<i64: 256, 256>}, {pipeline_mode = #tpu.pipeline_mode<synchronous>, transform_indices = @transform_3, window_bounds = array<i64: 256, 256>}, {pipeline_mode = #tpu.pipeline_mode<synchronous>, transform_indices = @transform_4, window_bounds = array<i64: 1, 256>}, {transform_indices = @transform_5, window_bounds = array<i64: 1000, 256>}, {transform_indices = @transform_6, window_bounds = array<i64: 1000, 256>}, {transform_indices = @transform_7, window_bounds = array<i64: 1000, 256>}]} {
    %get3A = arith.constant 0 : index
    %get3A_0 = arith.constant 0 : index
    %get3A_1 = vector.load %arg1[%get3A, %get3A_0] : memref<1000x256xf32, #tpu.memory_space<vmem>>, vector<1000x256xf32>
    %get3A_2 = arith.constant 0 : index
    %get3A_3 = arith.constant 0 : index
    %get3A_4 = vector.load %arg2[%get3A_2, %get3A_3] : memref<256x256xf32, #tpu.memory_space<vmem>>, vector<256x256xf32>
    %dot_general3A = arith.constant dense<0.000000e+00> : vector<1000x256xf32>
    %dot_general3A_5 = tpu.matmul %get3A_1, %get3A_4, %dot_general3A {dimension_numbers = #tpu.dot_dimension_numbers<[1], [0], [0], [1], [0, 0, 1, 1], [], []>, transpose_lhs_hint = false} : vector<1000x256xf32>, vector<256x256xf32>, vector<1000x256xf32> -> vector<1000x256xf32>
    %swap3A = arith.constant 0 : index
    %swap3A_6 = arith.constant 0 : index
    %swap3A_7 = vector.load %arg6[%swap3A, %swap3A_6] : memref<1000x256xf32, #tpu.memory_space<vmem>>, vector<1000x256xf32>
    tpu.vector_store %arg6[%swap3A, %swap3A_6], %dot_general3A_5 {strides = array<i32>} : memref<1000x256xf32, #tpu.memory_space<vmem>>, vector<1000x256xf32>,
    %get3A_8 = arith.constant 0 : index
    %get3A_9 = arith.constant 0 : index
    %get3A_10 = vector.load %arg3[%get3A_8, %get3A_9] : memref<256x256xf32, #tpu.memory_space<vmem>>, vector<256x256xf32>
    %dot_general3A_11 = arith.constant dense<0.000000e+00> : vector<1000x256xf32>
    %dot_general3A_12 = tpu.matmul %get3A_1, %get3A_10, %dot_general3A_11 {dimension_numbers = #tpu.dot_dimension_numbers<[1], [0], [0], [1], [0, 0, 1, 1], [], []>, transpose_lhs_hint = false} : vector<1000x256xf32>, vector<256x256xf32>, vector<1000x256xf32> -> vector<1000x256xf32>
    %get3A_13 = arith.constant 0 : index
    %get3A_14 = arith.constant 0 : index
    %get3A_15 = vector.load %arg5[%get3A_13, %get3A_14] : memref<1x256xf32, #tpu.memory_space<vmem>>, vector<1x256xf32>
    %add3A = vector.broadcast %get3A_15 : vector<1x256xf32> to vector<1000x256xf32>
    %add3A_16 = arith.addf %dot_general3A_12, %add3A : vector<1000x256xf32>
    %swap3A_17 = arith.constant 0 : index
    %swap3A_18 = arith.constant 0 : index
    %swap3A_19 = vector.load %arg7[%swap3A_17, %swap3A_18] : memref<1000x256xf32, #tpu.memory_space<vmem>>, vector<1000x256xf32>
    tpu.vector_store %arg7[%swap3A_17, %swap3A_18], %add3A_16 {strides = array<i32>} : memref<1000x256xf32, #tpu.memory_space<vmem>>, vector<1000x256xf32>,
    %get3A_20 = arith.constant 0 : index
    %get3A_21 = arith.constant 0 : index
    %get3A_22 = vector.load %arg4[%get3A_20, %get3A_21] : memref<256x256xf32, #tpu.memory_space<vmem>>, vector<256x256xf32>
    %dot_general3A_23 = arith.constant dense<0.000000e+00> : vector<1000x256xf32>
    %dot_general3A_24 = tpu.matmul %get3A_1, %get3A_22, %dot_general3A_23 {dimension_numbers = #tpu.dot_dimension_numbers<[1], [0], [0], [1], [0, 0, 1, 1], [], []>, transpose_lhs_hint = false} : vector<1000x256xf32>, vector<256x256xf32>, vector<1000x256xf32> -> vector<1000x256xf32>
    %swap3A_25 = arith.constant 0 : index
    %swap3A_26 = arith.constant 0 : index
    %swap3A_27 = vector.load %arg8[%swap3A_25, %swap3A_26] : memref<1000x256xf32, #tpu.memory_space<vmem>>, vector<1000x256xf32>
    tpu.vector_store %arg8[%swap3A_25, %swap3A_26], %dot_general3A_24 {strides = array<i32>} : memref<1000x256xf32, #tpu.memory_space<vmem>>, vector<1000x256xf32>,
    return
  }
  func.func @transform_0(%arg0: i32) -> (i32, i32) {
    %c0_i32 = arith.constant 0 : i32
    %c0_i32_0 = arith.constant 0 : i32
    return %arg0, %c0_i32 : i32, i32
  }
  func.func @transform_1(%arg0: i32) -> (i32, i32) {
    %c0_i32 = arith.constant 0 : i32
    %c0_i32_0 = arith.constant 0 : i32
    %c0_i32_1 = arith.constant 0 : i32
    return %c0_i32, %c0_i32_0 : i32, i32
  }
  func.func @transform_2(%arg0: i32) -> (i32, i32) {
    %c0_i32 = arith.constant 0 : i32
    %c0_i32_0 = arith.constant 0 : i32
    %c0_i32_1 = arith.constant 0 : i32
    return %c0_i32, %c0_i32_0 : i32, i32
  }
  func.func @transform_3(%arg0: i32) -> (i32, i32) {
    %c0_i32 = arith.constant 0 : i32
    %c0_i32_0 = arith.constant 0 : i32
    %c0_i32_1 = arith.constant 0 : i32
    return %c0_i32, %c0_i32_0 : i32, i32
  }
  func.func @transform_4(%arg0: i32) -> (i32, i32) {
    %c0_i32 = arith.constant 0 : i32
    %c0_i32_0 = arith.constant 0 : i32
    %c0_i32_1 = arith.constant 0 : i32
    return %c0_i32, %c0_i32_0 : i32, i32
  }
  func.func @transform_5(%arg0: i32) -> (i32, i32) {
    %c0_i32 = arith.constant 0 : i32
    %c0_i32_0 = arith.constant 0 : i32
    return %arg0, %c0_i32 : i32, i32
  }
  func.func @transform_6(%arg0: i32) -> (i32, i32) {
    %c0_i32 = arith.constant 0 : i32
    %c0_i32_0 = arith.constant 0 : i32
    return %arg0, %c0_i32 : i32, i32
  }
  func.func @transform_7(%arg0: i32) -> (i32, i32) {
    %c0_i32 = arith.constant 0 : i32
    %c0_i32_0 = arith.constant 0 : i32
    return %arg0, %c0_i32 : i32, i32
  }
}

module attributes {stable_mosaic.version = 14 : i64} {
  func.func @_ffn_body(%arg0: i32, %arg1: memref<1000x256xf32, #tpu.memory_space<vmem>>, %arg2: memref<1000x256xf32, #tpu.memory_space<vmem>>, %arg3: memref<1x256xf32, #tpu.memory_space<vmem>>, %arg4: memref<1x256xf32, #tpu.memory_space<vmem>>, %arg5: memref<256x1024xf32, #tpu.memory_space<vmem>>, %arg6: memref<1024x256xf32, #tpu.memory_space<vmem>>, %arg7: memref<1000x256xf32, #tpu.memory_space<vmem>>) attributes {dimension_semantics = [#tpu.dimension_semantics<arbitrary>], iteration_bounds = array<i64: 10>, scalar_prefetch = 0 : i64, scratch_operands = 0 : i64, tpu.core_type = #tpu.core_type<tc>, window_params = [{transform_indices = @transform_0, window_bounds = array<i64: 1000, 256>}, {transform_indices = @transform_1, window_bounds = array<i64: 1000, 256>}, {pipeline_mode = #tpu.pipeline_mode<synchronous>, transform_indices = @transform_2, window_bounds = array<i64: 1, 256>}, {pipeline_mode = #tpu.pipeline_mode<synchronous>, transform_indices = @transform_3, window_bounds = array<i64: 1, 256>}, {pipeline_mode = #tpu.pipeline_mode<synchronous>, transform_indices = @transform_4, window_bounds = array<i64: 256, 1024>}, {pipeline_mode = #tpu.pipeline_mode<synchronous>, transform_indices = @transform_5, window_bounds = array<i64: 1024, 256>}, {transform_indices = @transform_6, window_bounds = array<i64: 1000, 256>}]} {
    %get3A = arith.constant 0 : index
    %get3A_0 = arith.constant 0 : index
    %get3A_1 = vector.load %arg1[%get3A, %get3A_0] : memref<1000x256xf32, #tpu.memory_space<vmem>>, vector<1000x256xf32>
    %get3A_2 = arith.constant 0 : index
    %get3A_3 = arith.constant 0 : index
    %get3A_4 = vector.load %arg2[%get3A_2, %get3A_3] : memref<1000x256xf32, #tpu.memory_space<vmem>>, vector<1000x256xf32>
    %add3A = arith.addf %get3A_1, %get3A_4 : vector<1000x256xf32>
    %reduce_sum3A = arith.constant dense<0.000000e+00> : vector<1000xf32>
    %reduce_sum3A_5 = vector.multi_reduction <add>, %add3A, %reduce_sum3A [1] : vector<1000x256xf32> to vector<1000xf32>
    %broadcast_in_dim3A = vector.shape_cast %reduce_sum3A_5 : vector<1000xf32> to vector<1000x1xf32>
    %div3A = arith.constant 2.560000e+02 : f32
    %div3A_6 = vector.broadcast %div3A : f32 to vector<1000x1xf32>
    %div3A_7 = arith.divf %broadcast_in_dim3A, %div3A_6 : vector<1000x1xf32>
    %sub3A = vector.broadcast %div3A_7 : vector<1000x1xf32> to vector<1000x256xf32>
    %sub3A_8 = arith.subf %add3A, %sub3A : vector<1000x256xf32>
    %square3A = arith.mulf %sub3A_8, %sub3A_8 : vector<1000x256xf32>
    %reduce_sum3A_9 = arith.constant dense<0.000000e+00> : vector<1000xf32>
    %reduce_sum3A_10 = vector.multi_reduction <add>, %square3A, %reduce_sum3A_9 [1] : vector<1000x256xf32> to vector<1000xf32>
    %broadcast_in_dim3A_11 = vector.shape_cast %reduce_sum3A_10 : vector<1000xf32> to vector<1000x1xf32>
    %div3A_12 = arith.constant 2.560000e+02 : f32
    %div3A_13 = vector.broadcast %div3A_12 : f32 to vector<1000x1xf32>
    %div3A_14 = arith.divf %broadcast_in_dim3A_11, %div3A_13 : vector<1000x1xf32>
    %sub3A_15 = vector.broadcast %div3A_7 : vector<1000x1xf32> to vector<1000x256xf32>
    %sub3A_16 = arith.subf %add3A, %sub3A_15 : vector<1000x256xf32>
    %add3A_17 = arith.constant 9.99999974E-6 : f32
    %add3A_18 = vector.broadcast %add3A_17 : f32 to vector<1000x1xf32>
    %add3A_19 = arith.addf %div3A_14, %add3A_18 : vector<1000x1xf32>
    %rsqrt3A = math.rsqrt %add3A_19 : vector<1000x1xf32>
    %mul3A = vector.broadcast %rsqrt3A : vector<1000x1xf32> to vector<1000x256xf32>
    %mul3A_20 = arith.mulf %sub3A_16, %mul3A : vector<1000x256xf32>
    %get3A_21 = arith.constant 0 : index
    %get3A_22 = arith.constant 0 : index
    %get3A_23 = vector.load %arg3[%get3A_21, %get3A_22] : memref<1x256xf32, #tpu.memory_space<vmem>>, vector<1x256xf32>
    %mul3A_24 = vector.broadcast %get3A_23 : vector<1x256xf32> to vector<1000x256xf32>
    %mul3A_25 = arith.mulf %mul3A_20, %mul3A_24 : vector<1000x256xf32>
    %get3A_26 = arith.constant 0 : index
    %get3A_27 = arith.constant 0 : index
    %get3A_28 = vector.load %arg4[%get3A_26, %get3A_27] : memref<1x256xf32, #tpu.memory_space<vmem>>, vector<1x256xf32>
    %add3A_29 = vector.broadcast %get3A_28 : vector<1x256xf32> to vector<1000x256xf32>
    %add3A_30 = arith.addf %mul3A_25, %add3A_29 : vector<1000x256xf32>
    %get3A_31 = arith.constant 0 : index
    %get3A_32 = arith.constant 0 : index
    %get3A_33 = vector.load %arg5[%get3A_31, %get3A_32] : memref<256x1024xf32, #tpu.memory_space<vmem>>, vector<256x1024xf32>
    %dot_general3A = arith.constant dense<0.000000e+00> : vector<1000x1024xf32>
    %dot_general3A_34 = tpu.matmul %add3A_30, %get3A_33, %dot_general3A {dimension_numbers = #tpu.dot_dimension_numbers<[1], [0], [0], [1], [0, 0, 1, 1], [], []>, transpose_lhs_hint = false} : vector<1000x256xf32>, vector<256x1024xf32>, vector<1000x1024xf32> -> vector<1000x1024xf32>
    %mul3A_35 = arith.constant 5.000000e-01 : f32
    %mul3A_36 = vector.broadcast %mul3A_35 : f32 to vector<1000x1024xf32>
    %mul3A_37 = arith.mulf %dot_general3A_34, %mul3A_36 : vector<1000x1024xf32>
    %mul3A_38 = arith.constant 0.707106769 : f32
    %mul3A_39 = vector.broadcast %mul3A_38 : f32 to vector<1000x1024xf32>
    %mul3A_40 = arith.mulf %dot_general3A_34, %mul3A_39 : vector<1000x1024xf32>
    %erf3A = math.erf %mul3A_40 : vector<1000x1024xf32>
    %add3A_41 = arith.constant 1.000000e+00 : f32
    %add3A_42 = vector.broadcast %add3A_41 : f32 to vector<1000x1024xf32>
    %add3A_43 = arith.addf %add3A_42, %erf3A : vector<1000x1024xf32>
    %mul3A_44 = arith.mulf %mul3A_37, %add3A_43 : vector<1000x1024xf32>
    %get3A_45 = arith.constant 0 : index
    %get3A_46 = arith.constant 0 : index
    %get3A_47 = vector.load %arg6[%get3A_45, %get3A_46] : memref<1024x256xf32, #tpu.memory_space<vmem>>, vector<1024x256xf32>
    %dot_general3A_48 = arith.constant dense<0.000000e+00> : vector<1000x256xf32>
    %dot_general3A_49 = tpu.matmul %mul3A_44, %get3A_47, %dot_general3A_48 {dimension_numbers = #tpu.dot_dimension_numbers<[1], [0], [0], [1], [0, 0, 1, 1], [], []>, transpose_lhs_hint = false} : vector<1000x1024xf32>, vector<1024x256xf32>, vector<1000x256xf32> -> vector<1000x256xf32>
    %add3A_50 = arith.addf %add3A, %dot_general3A_49 : vector<1000x256xf32>
    %swap3A = arith.constant 0 : index
    %swap3A_51 = arith.constant 0 : index
    %swap3A_52 = vector.load %arg7[%swap3A, %swap3A_51] : memref<1000x256xf32, #tpu.memory_space<vmem>>, vector<1000x256xf32>
    tpu.vector_store %arg7[%swap3A, %swap3A_51], %add3A_50 {strides = array<i32>} : memref<1000x256xf32, #tpu.memory_space<vmem>>, vector<1000x256xf32>,
    return
  }
  func.func @transform_0(%arg0: i32) -> (i32, i32) {
    %c0_i32 = arith.constant 0 : i32
    %c0_i32_0 = arith.constant 0 : i32
    return %arg0, %c0_i32 : i32, i32
  }
  func.func @transform_1(%arg0: i32) -> (i32, i32) {
    %c0_i32 = arith.constant 0 : i32
    %c0_i32_0 = arith.constant 0 : i32
    return %arg0, %c0_i32 : i32, i32
  }
  func.func @transform_2(%arg0: i32) -> (i32, i32) {
    %c0_i32 = arith.constant 0 : i32
    %c0_i32_0 = arith.constant 0 : i32
    %c0_i32_1 = arith.constant 0 : i32
    return %c0_i32, %c0_i32_0 : i32, i32
  }
  func.func @transform_3(%arg0: i32) -> (i32, i32) {
    %c0_i32 = arith.constant 0 : i32
    %c0_i32_0 = arith.constant 0 : i32
    %c0_i32_1 = arith.constant 0 : i32
    return %c0_i32, %c0_i32_0 : i32, i32
  }
  func.func @transform_4(%arg0: i32) -> (i32, i32) {
    %c0_i32 = arith.constant 0 : i32
    %c0_i32_0 = arith.constant 0 : i32
    %c0_i32_1 = arith.constant 0 : i32
    return %c0_i32, %c0_i32_0 : i32, i32
  }
  func.func @transform_5(%arg0: i32) -> (i32, i32) {
    %c0_i32 = arith.constant 0 : i32
    %c0_i32_0 = arith.constant 0 : i32
    %c0_i32_1 = arith.constant 0 : i32
    return %c0_i32, %c0_i32_0 : i32, i32
  }
  func.func @transform_6(%arg0: i32) -> (i32, i32) {
    %c0_i32 = arith.constant 0 : i32
    %c0_i32_0 = arith.constant 0 : i32
    return %arg0, %c0_i32 : i32, i32
  }
}

</mosaic_0001>

<sc_bundles>
// kernel: kernel.5.cloned.1.call-start
scs
__scs_entry_jumppad:
0x0: {  	(pc) =	sbr.rel $0x88, $3  }
0x1: {  	(tag) =	ssettag $0x0;
	lr =	simm.s32 $0x1  }
0x2: {  	[smem:$0x3F97] =	sst lr;
	_ =	strace $0xD0000000  }
0x3: {  	_ = 	snop  }
0x4: {  	_ = 	snop  }
0x5: {  	_ = 	snop  }
0x6: {  	_ = 	snop  }
0x7: {  	_ = 	snop  }
__scs_overlays_trampoline_lowered:
0x8: {  	[smem:$0x3FA6] =	sst s0  }
0x9: {  	[smem:$0x3FA7] =	sst s1  }
0xa: {  	[smem:$0x3FA8] =	sst s2  }
0xb: {  	[smem:$0x3FA9] =	sst s3  }
0xc: {  	[smem:$0x3FAA] =	sst s4  }
0xd: {  	[smem:$0x3FAB] =	sst s5  }
0xe: {  	[smem:$0x3FAC] =	sst s6  }
0xf: {  	[smem:$0x3FAD] =	sst s7  }
0x10: {  	[smem:$0x3FAE] =	sst s8  }
0x11: {  	[smem:$0x3FAF] =	sst s9;
	s0 =	simm.s32 @!p0 $0x0  }
0x12: {  	s1 =	sld [smem:$0x3F95];
	s0 =	simm.s32 @p0 $0x1  }
0x13: {  	[smem:$0x3FB0] =	sst s0;
	s0 =	simm.s32 @!p1 $0x0  }
0x14: {  	s2 =	sld [smem:$0x3F94];
	s0 =	simm.s32 @p1 $0x1  }
0x15: {  	[smem:$0x3FB1] =	sst s0;
	s0 =	simm.s32 @!p2 $0x0  }
0x16: {  	s3 =	sld [smem:$0x3FDB];
	s0 =	simm.s32 @p2 $0x1  }
0x17: {  	s4 =	simm.s32 $0x1BF5;
	[smem:$0x3FB3] =	sst s0  }
0x18: {  	s0 =	sld [smem:$0x3F96];
	_ =	swait.ge [sflag:s4], $0x0  }
0x19: {  	s7 =	sld [smem:$0x3F97]  }
0x1a: {  	s8 =	sadd.s32 $0xFFFFE003, lr  }
0x1b: {  	s9 =	sadd.s32 $0xFFFFFEF7, lr;
	s5 =	simm.s32 $0xFFFFFFFF;
	p2 =	slt.u32 s8, $0xFFFFF086  }
0x1c: {  	p1 =	slt.u32 s9, $0xF7A;
	s5 =	simm.s32 @!p2 $0x0  }
0x1d: {  	s5 =	simm.s32 @p1 $0x1;
	p0 =	seq.s32 s7, s2  }
0x1e: {  	s7 =	smul.u32 @!p0 $0xF7A, s2;
	p2 =	seq.s32 @!p0 s5, $0x0  }
0x1f: {  	s9 =	smul.u32 $0xF7A, s1;
	s8 =	simm.s32 @!p0 $0x1BF5;
	p2 =	por !p2, p0  }
0x20: {  	[sflag:s8] =	ssyncset.s32 @!p0 $0xFFFFF086;
	s6 =	sadd.s32 @!p0 s3, s7;
	s7 =	simm.s32 @!p0 $0x108  }
0x21: {  	s3 =	sadd.s32 s3, s9;
	s6 =	sadd.s32 @!p0 $0x88, s6;
	s7 =	simm.s32 @p2 $0x1082  }
0x22: {  	[simem:s7], [sflag:s8] =	dma.local @!p0 [hbm:s6], $0xF7A  }
0x23: {  	s9 =	sor.u32 $0xD0000000, s2;
	s6 =	simm.s32 $0x108;
	_ =	swait.ge @!p0 [sflag:s8], $0x0  }
0x24: {  	s3 =	sadd.s32 $0x88, s3;
	s6 =	simm.s32 @!p1 $0x1082;
	[sflag:s4] =	ssyncset.s32 $0xFFFFF086  }
0x25: {  	[simem:s6], [sflag:s4] =	dma.local [hbm:s3], $0xF7A  }
0x26: {  	[smem:$0x3F97] =	sst s1;
	(tag) =	ssettag s2;
	_ =	strace s9  }
0x27: {  	s1 =	sld [smem:$0x3FA7]  }
0x28: {  	s2 =	sld [smem:$0x3FA8]  }
0x29: {  	s4 =	sld [smem:$0x3FAA]  }
0x2a: {  	p0 =	seq.s32 s5, $0x0;
	s5 =	sld [smem:$0x3FAB]  }
0x2b: {  	s6 =	sld [smem:$0x3FAC]  }
0x2c: {  	s7 =	sld [smem:$0x3FAD]  }
0x2d: {  	s3 =	simm.s32 $0x108;
	s8 =	sld [smem:$0x3FAE]  }
0x2e: {  	s3 =	simm.s32 @!p0 $0x1082;
	s9 =	sld [smem:$0x3FAF]  }
0x2f: {  	lr =	sadd.s32 s0, s3;
	s0 =	sld [smem:$0x3FA6]  }
0x30: {  	s3 =	sld [smem:$0x3FA9]  }
0x31: {  	[smem:$0x3FB2] =	sst s10  }
0x32: {  	s10 =	sld [smem:$0x3FB0];
	_ =	sdelay $0x3  }
0x33: {  	p0 =	seq.s32 s10, $0x1;
	s10 =	sld [smem:$0x3FB2];
	_ =	sdelay $0x3  }
0x34: {  	[smem:$0x3FB2] =	sst s10  }
0x35: {  	s10 =	sld [smem:$0x3FB1];
	_ =	sdelay $0x3  }
0x36: {  	p1 =	seq.s32 s10, $0x1;
	s10 =	sld [smem:$0x3FB2];
	_ =	sdelay $0x3  }
0x37: {  	[smem:$0x3FB2] =	sst s10  }
0x38: {  	s10 =	sld [smem:$0x3FB3]  }
0x39: {  	_ = 	snop;
	(pc) =	sbr.ind lr, $3  }
0x3a: {  	_ = 	snop  }
0x3b: {  	_ = 	snop  }
0x3c: {  	p2 =	seq.s32 s10, $0x1;
	s10 =	sld [smem:$0x3FB2]  }
0x3d: {  	_ =	shalt  }
0x3e: {  	_ =	shalt  }
0x3f: {  	_ =	shalt  }
0x40: {  	_ =	shalt  }
0x41: {  	_ =	shalt  }
0x42: {  	_ =	shalt  }
0x43: {  	_ =	shalt  }
0x44: {  	_ =	shalt  }
0x45: {  	_ =	shalt  }
0x46: {  	_ =	shalt  }
0x47: {  	_ =	shalt  }
0x48: {  	_ =	shalt  }
0x49: {  	_ =	shalt  }
0x4a: {  	_ =	shalt  }
0x4b: {  	_ =	shalt  }
0x4c: {  	_ =	shalt  }
0x4d: {  	_ =	shalt  }
0x4e: {  	_ =	shalt  }
0x4f: {  	_ =	shalt  }
0x50: {  	_ =	shalt  }
0x51: {  	_ =	shalt  }
0x52: {  	_ =	shalt  }
0x53: {  	_ =	shalt  }
0x54: {  	_ =	shalt  }
0x55: {  	_ =	shalt  }
0x56: {  	_ =	shalt  }
0x57: {  	_ =	shalt  }
0x58: {  	_ =	shalt  }
0x59: {  	_ =	shalt  }
0x5a: {  	_ =	shalt  }
0x5b: {  	_ =	shalt  }
0x5c: {  	_ =	shalt  }
0x5d: {  	_ =	shalt  }
0x5e: {  	_ =	shalt  }
0x5f: {  	_ =	shalt  }
0x60: {  	_ =	shalt  }
0x61: {  	_ =	shalt  }
0x62: {  	_ =	shalt  }
0x63: {  	_ =	shalt  }
0x64: {  	_ =	shalt  }
0x65: {  	_ =	shalt  }
0x66: {  	_ =	shalt  }
0x67: {  	_ =	shalt  }
0x68: {  	_ =	shalt  }
0x69: {  	_ =	shalt  }
0x6a: {  	_ =	shalt  }
0x6b: {  	_ =	shalt  }
0x6c: {  	_ =	shalt  }
0x6d: {  	_ =	shalt  }
0x6e: {  	_ =	shalt  }
0x6f: {  	_ =	shalt  }
0x70: {  	_ =	shalt  }
0x71: {  	_ =	shalt  }
0x72: {  	_ =	shalt  }
0x73: {  	_ =	shalt  }
0x74: {  	_ =	shalt  }
0x75: {  	_ =	shalt  }
0x76: {  	_ =	shalt  }
0x77: {  	_ =	shalt  }
0x78: {  	_ =	shalt  }
0x79: {  	_ =	shalt  }
0x7a: {  	_ =	shalt  }
0x7b: {  	_ =	shalt  }
0x7c: {  	_ =	shalt  }
0x7d: {  	_ =	shalt  }
0x7e: {  	_ =	shalt  }
0x7f: {  	_ =	shalt  }
0x80: {  	_ =	shalt  }
0x81: {  	_ =	shalt  }
0x82: {  	_ =	shalt  }
0x83: {  	_ =	shalt  }
0x84: {  	_ =	shalt  }
0x85: {  	_ =	shalt  }
0x86: {  	_ =	shalt  }
0x87: {  	_ =	shalt  }
.Lfunc_end0:
.L_simem_size_0:
called_computation_lowered:
.L_overlay_start_0:
0x88: {  	s2 =	sld [smem:$0x3FD9]  }
0x89: {  	s3 =	sld [smem:$0x3FFE];
	_ =	sdelay $0x1  }
0x8a: {  	s1 =	srdreg.scid  }
0x8b: {  	s0 =	sand.u32 $0x1, s1  }
0x8c: {  	s17 =	sshll.u32 s0, $0xA;
	s2 =	sadd.s32 s3, s2  }
0x8d: {  	s2 =	sadd.s32 s2, s17  }
0x8e: {  	[smem:$0x3FBE] =	sst s2  }
0x8f: {  	_ = 	snop  }
0x90: {  	s2 =	sld [smem:$0x3FD0];
	(tm) =	ssettm $0x1  }
0x91: {  	s18 =	sld [smem:$0x3FFB];
	_ =	sdelay $0x3  }
0x92: {  	_ =	strace s18  }
0x93: {  	s3 =	sld [smem:$0x3FFC];
	_ =	sdelay $0x3  }
0x94: {  	_ =	strace s3  }
0x95: {  	s3 =	sld [smem:$0x3FFD];
	_ =	sdelay $0x3  }
0x96: {  	_ =	strace s3  }
0x97: {  	_ =	strace $0x8FFFFFFF  }
0x98: {  	s19 =	sld [smem:$0x3FDB];
	_ =	sdelay $0x1  }
0x99: {  	s4 =	simm.s32 $_scs_section_size  }
0x9a: {  	s5 =	simm.s32 $_size__tile_overlayer_lowered;
	s6 =	simm.s32 $_tile_overlayer_lowered  }
0x9b: {  	s22 =	simm.s32 $0x1BFF;
	s21 =	sshll.u32 s6, $0x1;
	s3 =	sadd.s32 s4, s19  }
0x9c: {  	s7 =	simm.s32 $0x0;
	s20 =	sshll.u32 s5, $0x1;
	s5 =	sadd.s32 s21, s3  }
0x9d: {  	[timem:s7], [sflag:s22] =	dma.local [hbm:s5], s20  }
0x9e: {  	_ =	swait.ge [sflag:s22], s20  }
0x9f: {  	s4 =	ssub.s32 $0x0, s20;
	[sflag:s22] =	ssyncset.done $0x0  }
0xa0: {  	[sflag:s22] =	ssyncadd.s32 s4;
	_ =	sdelay $0x1  }
0xa1: {  	s23 =	simm.s32 $0x1B8B  }
0xa2: {  	_ =	swait.ge [sflag:s23], $0x1  }
0xa3: {  	[sflag:s23] =	ssyncset.done $0x0  }
0xa4: {  	s25 =	simm.s32 $0x1B8E;
	s24 =	sld [smem:$0x3FFE];
	[sflag:s23] =	ssyncadd.s32 $0xFFFFFFFF  }
0xa5: {  	s26 =	simm.s32 $execute0_lowered;
	[smem:$0x3FD2] =	sst s25  }
0xa6: {  	s5 =	sshll.u32 s26, $0x1;
	_ =	strace $0x80000046;
	[dreg:$0x1] =	wrdreg $0xFFFFFFFF  }
0xa7: {  	s28 =	simm.s32 $_size_execute0_lowered;
	s3 =	sadd.s32 s3, s5;
	[dreg:$0x0] =	wrdreg $0x0  }
0xa8: {  	s5 =	sshll.u32 s28, $0x1;
	[dreg:$0x2] =	wrdreg s3  }
0xa9: {  	[dreg:$0x3] =	wrdreg s5  }
0xaa: {  	[dreg:$0x4] =	wrdreg $0xC0  }
0xab: {  	_ =	task [dreg:s7], $0x5FFFF  }
0xac: {  	[dreg:$0x1] =	wrdreg $0xFFFFFFFF  }
0xad: {  	[dreg:$0x0] =	wrdreg $0x60  }
0xae: {  	[dreg:$0x2] =	wrdreg s2  }
0xaf: {  	[dreg:$0x3] =	wrdreg s24  }
0xb0: {  	[dreg:$0x4] =	wrdreg $0x11E800  }
0xb1: {  	[dreg:$0x5] =	wrdreg $0x9  }
0xb2: {  	_ =	task.clear_ibuf [dreg:s7], $0x6FFFF;
	_ =	strace $0x90000046  }
0xb3: {  	s29 =	simm.s32 $0x9;
	_ =	strace $0x80000048  }
0xb4: {  	_ =	swait.ge [sflag:s29], $0x1  }
0xb5: {  	[sflag:s29] =	ssyncadd.s32 $0xFFFFFFFF  }
0xb6: {  	_ =	strace $0x90000048  }
0xb7: {  	_ =	sfence  }
0xb8: {  	s30 =	sld [smem:$0x0];
	_ =	sdelay $0x2  }
0xb9: {  	s31 =	sshll.u32 s1, $0xD;
	s1 =	sshrl.u32 s1, $0x2  }
0xba: {  	s3 =	sand.u32 $0x4000, s31;
	s1 =	sadd.s32 s1, s30  }
0xbb: {  	s0 =	sor.u32 s3, s0;
	s1 =	sshll.u32 s1, $0x11  }
0xbc: {  	s0 =	sor.u32 s1, s0  }
0xbd: {  	s0 =	sadd.s32 $0x8F2B, s0  }
0xbe: {  	[sflag:s0] =	ssyncadd.remote.s32 $0x1  }
0xbf: {  	_ =	sfence.sel $0xFFFF  }
0xc0: {  	[dreg:$0x0] =	wrdreg $0xFFFFFFFF;
	(pc) =	sbr.abs _section_cstart, $3  }
0xc1: {  	[dreg:$0x1] =	wrdreg $0xFFFFFFFF  }
0xc2: {  	_ =	task.clear_ibuf [dreg:s7], $0x2FFFF;
	_ =	strace $0x9FFFFFFF  }
0xc3: {  	(tm) =	ssettm $0x7FFFFFFF  }
tec
execute0_lowered:
.L_overlay_start_1:
0x0: {  	(tag) =	ssettag $0x1  }
0x1: {  	v0 =	vlaneseq.u32  }
0x2: {  	v1 =	vmul.u32 $0x100, v0;
	_ =	sdelay $0x1  }
0x3: {  	[tilespmem:$0x1FED0] =	vst v1;
	v1 =	vadd.s32 $0x1, v0  }
0x4: {  	v3 =	vimm.s32 $0x1C1B1A19;
	v5 =	vimm.s32 $0x15141312;
	[tilespmem:$0x1FEE0] =	vst v1;
	v1 =	vadd.s32 $0x2, v0  }
0x5: {  	v6 =	vimm.s32 $0x19181716;
	vm0 =	vcmask $0x1F10;
	[tilespmem:$0x1FEF0] =	vst v1;
	v1 =	vadd.s32 $0x3, v0  }
0x6: {  	v8 =	vimm.s32 $0x1D1C1B1A;
	v45 =	vimm.s32 $0x1001F1E;
	[tilespmem:$0x1FF00] =	vst v1;
	v1 =	vadd.s32 $0x4, v0  }
0x7: {  	v9 =	vimm.s32 $0x16151413;
	v19 =	vimm.s32 $0x1A191817;
	[tilespmem:$0x1FF10] =	vst v1;
	v1 =	vadd.s32 $0x5, v0  }
0x8: {  	v46 =	vimm.s32 $0x1E1D1C1B;
	v20 =	vimm.s32 $0x201001F;
	[tilespmem:$0x1FF20] =	vst v1;
	v1 =	vadd.s32 $0x6, v0  }
0x9: {  	v21 =	vimm.s32 $0x3020100;
	v22 =	vimm.s32 $0x1B1A1918;
	[tilespmem:$0x1FF30] =	vst v1;
	v1 =	vadd.s32 $0x7, v0  }
0xa: {  	v23 =	vimm.s32 $0x6050403;
	v50 =	vimm.s32 $0x76543210;
	[tilespmem:$0x1FF40] =	vst v1;
	v1 =	vadd.s32 $0x8, v0  }
0xb: {  	v51 =	vimm.s32 $0x87654321;
	v52 =	vimm.s32 $0x98765432;
	[tilespmem:$0x1FF50] =	vst v1;
	v1 =	vadd.s32 $0x9, v0  }
0xc: {  	v53 =	vimm.s32 $0xA9876543;
	v54 =	vimm.s32 $0x32107654;
	[tilespmem:$0x1FF60] =	vst v1;
	v1 =	vadd.s32 $0xA, v0  }
0xd: {  	v56 =	vimm.s32 $0x43218765;
	v57 =	vimm.s32 $0x54329876;
	[tilespmem:$0x1FF70] =	vst v1;
	v1 =	vadd.s32 $0xB, v0  }
0xe: {  	v58 =	vimm.s32 $0x6543A987;
	vm15 =	vcmask $0x2F10;
	[tilespmem:$0x1FF80] =	vst v1;
	v1 =	vadd.s32 $0xC, v0  }
0xf: {  	v59 =	vimm.s32 $0xB0A0908;
	vm1 =	vcmask $0x3F30;
	[tilespmem:$0x1FF90] =	vst v1;
	v1 =	vadd.s32 $0xD, v0  }
0x10: {  	v61 =	vimm.s32 $0xC0B0A09;
	v62 =	vimm.s32 $0xD0C0B0A;
	[tilespmem:$0x1FFA0] =	vst v1;
	v1 =	vadd.s32 $0xE, v0  }
0x11: {  	v63 =	vimm.s32 $0xE0D0C0B;
	v3 =	vunpack.c.0.s8.s32 v3;
	[tilespmem:$0x1FFB0] =	vst v1;
	v1 =	vadd.s32 $0xF, v0  }
0x12: {  	v5 =	vunpack.c.0.s8.s32 v5;
	v6 =	vunpack.c.0.s8.s32 v6;
	[tilespmem:$0x1FFC0] =	vst v1;
	v1 =	vimm.s32 $0x14131211  }
0x13: {  	v44 =	vunpack.c.0.s8.s32 v8;
	v2 =	vunpack.c.0.s8.s32 v1;
	v1 =	vimm.s32 $0x18171615  }
0x14: {  	s0 =	rddreg [dreg:$0x0];
	v28 =	vunpack.c.0.s8.s32 v20;
	v4 =	vunpack.c.0.s8.s32 v1;
	v1 =	vimm.s32 $0x1F1E1D  }
0x15: {  	s1 =	rddreg [dreg:$0x1];
	v47 =	vunpack.c.0.s8.s32 v21;
	v20 =	vimm.s32 $0x1F1E1D1C;
	v1 =	vunpack.c.0.s8.s32 v1  }
0x16: {  	s2 =	rddreg [dreg:$0x2];
	v21 =	vimm.s32 $0x17161514;
	v26 =	vunpack.c.0.s8.s32 v22;
	v29 =	vunpack.c.0.s8.s32 v20  }
0x17: {  	s11 =	simm.s32 $0x0;
	s3 =	srdreg.scid;
	s10 =	stileid.u32;
	v20 =	vunpack.c.0.s8.s32 v21;
	v2 =	vsel vm0, v4, v2;
	v7 =	vsel vm0, v1, v3  }
0x18: {  	s28 =	simm.s32 $0x4;
	s31 =	simm.s32 $0x1;
	s13 =	simm.s32 $0xDE00;
	v8 =	vunpack.c.0.s8.s32 v45;
	v9 =	vunpack.c.0.s8.s32 v9;
	v2 =	vcombine.low v2, v7  }
0x19: {  	s14 =	simm.s32 $0xFE00;
	v24 =	vunpack.c.0.s8.s32 v19;
	[smem:$0x7FF] =	sst s11;
	s4 =	sadd.s32 $0x4F600, s1;
	v19 =	vsel vm0, v47, v29;
	v20 =	vsel vm0, v26, v20  }
0x1a: {  	s5 =	sadd.s32 $0x1400, s1;
	s6 =	sadd.s32 $0xA2800, s1;
	s9 =	smul.u32 $0x28000, s10;
	v27 =	vsel vm0, v8, v44;
	v10 =	vcombine.low v20, v19;
	[tilespmem:$0x1FFD0] =	vst v2;
	v2 =	vsel vm0, v6, v5  }
0x1b: {  	v25 =	vunpack.c.0.s8.s32 v46;
	s7 =	sadd.s32 $0x9D800, s1;
	s8 =	sadd.s32 $0xA7800, s1;
	s17 =	smul.u32 $0x2710, s10;
	v21 =	vimm.s32 $0x4030201;
	v2 =	vcombine.low v2, v27  }
0x1c: {  	s3 =	sand.u32 $0x1, s3;
	s1 =	sadd.s32 $0xA8C00, s1;
	v55 =	vunpack.c.l.s4.s8 v54;
	s18 =	smul.u32 $0xA0, s10;
	v22 =	vunpack.c.0.s8.s32 v21;
	v20 =	vimm.s32 $0x5040302;
	[tilespmem:$0x1FFE0] =	vst v10  }
0x1d: {  	s20 =	sshll.u32 s10, $0x6;
	p0 =	seq.s32 s10, $0xF;
	s10 =	simm.s32 $0xBE00;
	v9 =	vsel vm0, v24, v9;
	v30 =	vsel vm0, v28, v25;
	v48 =	vunpack.c.0.s8.s32 v20;
	[tilespmem:$0x1FFF0] =	vst v2  }
0x1e: {  	s15 =	ssub.s32 $0x2, s3;
	v21 =	vcombine.low v9, v30;
	v3 =	vsel vm0, v3, v4;
	v49 =	vsel vm0, v22, v1;
	_ =	strace $0x80000047;
	[dreg:$0x5] =	wrdreg s8  }
0x1f: {  	s3 =	sshll.u32 s3, $0x1;
	s12 =	sor.u32 $0x1C05, s20;
	v4 =	vsel vm0, v48, v8;
	v5 =	vsel vm0, v44, v6;
	v2 =	vunpack.c.0.s8.s32 v23;
	[dreg:$0x6] =	wrdreg s1  }
0x20: {  	s16 =	sshrl.u32 s15, $0x1;
	s21 =	sshrl.u32 s17, $0x3;
	v23 =	vcombine.low v5, v4;
	v4 =	vunpack.c.l.s4.s8 v50;
	v5 =	vunpack.c.l.s4.s8 v51;
	[dreg:$0x7] =	wrdreg s3  }
0x21: {  	s22 =	sadd.s32 s7, s21;
	s23 =	sadd.s32 $0xFA, s21;
	v9 =	vunpack.c.0.s8.s32 v63;
	v22 =	vcombine.low v3, v49;
	v3 =	vsel vm0, v25, v24;
	[dreg:$0x8] =	wrdreg s18  }
0x22: {  	s25 =	sadd.s32 $0x1F4, s21;
	s24 =	sadd.s32 s6, s23;
	[dreg:$0xb] =	wrdreg s22;
	v2 =	vsel vm0, v2, v28;
	v4 =	vunpack.c.0.s8.s32 v4;
	v5 =	vunpack.c.0.s8.s32 v5  }
0x23: {  	s29 =	sadd.s32 $0x2EE, s21;
	s26 =	sadd.s32 s6, s25;
	[dreg:$0xc] =	wrdreg s24;
	v24 =	vcombine.low v3, v2;
	v2 =	vsel vm0, v29, v26;
	v3 =	vunpack.c.l.s4.s8 v52  }
0x24: {  	s19 =	sshrl.u32 s9, $0x2;
	s30 =	sadd.s32 s6, s29;
	v6 =	vunpack.c.l.s4.s8 v53;
	[dreg:$0xe] =	wrdreg s26;
	v25 =	vcombine.low v2, v4;
	v4 =	vunpack.c.l.s4.s8 v56  }
0x25: {  	s9 =	simm.s32 $0x2;
	s8 =	sadd.s32 s6, s21;
	[dreg:$0x10] =	wrdreg s30;
	v2 =	vand.u32 $0xF, v5;
	v5 =	vunpack.c.l.s4.s8 v57;
	v3 =	vunpack.c.0.s8.s32 v3  }
0x26: {  	s1 =	ssub.s32 s15, s16;
	s15 =	sadd.s32 s19, s2;
	[dreg:$0xa] =	wrdreg s8;
	v26 =	vcombine.low v7, v2;
	v7 =	vunpack.c.0.s8.s32 v59;
	v4 =	vunpack.c.0.s8.s32 v4  }
0x27: {  	s3 =	sadd.s32 $0x3E8, s21;
	s8 =	sadd.s32 s7, s23;
	[dreg:$0x9] =	wrdreg s15;
	v5 =	vunpack.c.0.s8.s32 v5;
	v2 =	vand.u32 $0xF, v3;
	v3 =	vunpack.c.0.s8.s32 v6  }
0x28: {  	s19 =	simm.s32 $0x7D0;
	s6 =	sadd.s32 s6, s3;
	[dreg:$0xd] =	wrdreg s8;
	v6 =	vunpack.c.l.s4.s8 v58;
	v27 =	vcombine.low v27, v2;
	v2 =	vunpack.c.0.s8.s32 v55  }
0x29: {  	s3 =	sadd.s32 s7, s3;
	s1 =	smax.u32 s1, $0x1;
	[dreg:$0x12] =	wrdreg s6;
	v4 =	vand.u32 $0xF, v4;
	v60 =	vand.u32 $0xF, v5;
	v5 =	vunpack.c.0.s8.s32 v61  }
.Ltmp0:
0x2a: {  	s23 =	simm.s32 $0x11E00;
	[dreg:$0x13] =	wrdreg s3;
	v3 =	vand.u32 $0xF, v3;
	v6 =	vunpack.c.0.s8.s32 v6;
	v1 =	vsel vm15, v4, v1;
	(pc) =	sbr.rel .LBB2_1-.Ltmp0, $4  }
0x2b: {  	s8 =	sadd.s32 s7, s25;
	s3 =	sadd.s32 $0x96000, s2;
	[dreg:$0x14] =	wrdreg s1;
	v4 =	vsel vm15, v60, v8;
	v8 =	vunpack.c.0.s8.s32 v62;
	v2 =	vand.u32 $0xF, v2  }
0x2c: {  	s6 =	simm.s32 $0x7E00;
	[dreg:$0xf] =	wrdreg s8;
	s8 =	sadd.s32 s7, s29;
	v31 =	vsel vm1, v5, v1;
	v2 =	vsel vm15, v2, v29;
	v6 =	vand.u32 $0xF, v6  }
0x2d: {  	s1 =	sshrl.u32 @p0 s3, $0x3;
	s3 =	simm.s32 $0x9E00;
	[dreg:$0x11] =	wrdreg s8;
	v29 =	vor.u32 $0x10, v0;
	v32 =	vsel vm1, v8, v4;
	v6 =	vsel vm15, v6, v28  }
0x2e: {  	s7 =	simm.s32 $0x3;
	[dreg:$0x15] =	wrdreg s1;
	s1 =	simm.s32 $0x5E00;
	v28 =	vcombine.low v30, v3;
	v30 =	vsel vm1, v7, v2;
	v33 =	vsel vm1, v9, v6  }
.LBB2_32:
0x2f: {  	s11 =	rddreg [dreg:$0x4]  }
0x30: {  	s8 =	rddreg [dreg:$0x14];
	s11 =	sadd.s32 $0x1, s11  }
0x31: {  	p1 =	sne.s32 s11, s8  }
.Ltmp1:
0x32: {  	_ = 	snop;
	(pc) =	sbr.rel @!p1 .LBB2_33-.Ltmp1, $1  }
0x33: {  	_ =	sdelay $0x3  }
.LBB2_1:
.Ltmp2:
0x34: {  	(pc) =	sbr.rel .LBB2_2-.Ltmp2, $2  }
0x35: {  	_ =	sdelay $0x2  }
0x36: {  	[dreg:$0x4] =	wrdreg s11;
	p2 =	por $0x1, $0x1;
	s11 =	simm.s32 $0x0  }
.LBB2_31:
0x37: {  	s8 =	smul.u32 @p0 $0x9C400, s16;
	_ =	sdelay $0x1  }
0x38: {  	s16 =	rddreg [dreg:$0x6];
	s8 =	sshrl.u32 @p0 s8, $0x3  }
0x39: {  	[bflag:$0x0] =	sbarrier.arrive $0xFFFF;
	s8 =	sadd.s32 @p0 s16, s8  }
0x3a: {  	s11 =	rddreg [dreg:$0x15];
	s8 =	sadd.s32 @p0 $0x12C00, s8  }
0x3b: {  	[hbm:s8], [sflag:s12] =	dma.local @p0 [spmem:s11], $0xC80  }
0x3c: {  	s8 =	simm.s32 @p0 $0x5  }
0x3d: {  	_ =	swait.ge @p0 [sflag:s8], $0xC80  }
0x3e: {  	s11 =	rddreg [dreg:$0x8]  }
0x3f: {  	s11 =	sadd.s32 @!p0 s11, s15  }
0x40: {  	[sflag:s8] =	ssyncset.done @p0 $0x0;
	s15 =	rddreg [dreg:$0x9];
	s11 =	sshll.u32 @!p0 s11, $0x5  }
0x41: {  	[sflag:s8] =	ssyncadd.s32 @p0 $0xFFFFF380;
	s8 =	sadd.s32 @!p0 s16, s11;
	s11 =	sshrl.u32 @!p0 s15, $0x3  }
0x42: {  	[hbm:s8], [sflag:s12] =	dma.local @!p0 [spmem:s11], $0x1400  }
0x43: {  	s8 =	simm.s32 @!p0 $0x5  }
.Ltmp3:
0x44: {  	_ =	swait.ge @!p0 [sflag:s8], $0x1400;
	(pc) =	sbr.rel @!p1 .LBB2_32-.Ltmp3, $4  }
0x45: {  	[sflag:s8] =	ssyncset.done @!p0 $0x0  }
0x46: {  	[sflag:s8] =	ssyncadd.s32 @!p0 $0xFFFFEC00  }
0x47: {  	[bflag:$0x0] =	sbarrier.arrive $0xFFFF  }
0x48: {  	p2 =	por $0x0, $0x0;
	s19 =	simm.s32 $0x7D0;
	s11 =	simm.s32 $0x1  }
.LBB2_2:
0x49: {  	s8 =	sshrl.u32 s15, $0x3;
	s22 =	rddreg [dreg:$0x5];
	s24 =	simm.s32 $0x5  }
0x4a: {  	[spmem:s8], [sflag:s12] =	dma.local [hbm:s22], $0x1400  }
0x4b: {  	_ =	swait.ge [sflag:s24], $0x1400  }
0x4c: {  	[sflag:s24] =	ssyncset.done $0x0  }
0x4d: {  	[sflag:s24] =	ssyncadd.s32 $0xFFFFEC00  }
0x4e: {  	[bflag:$0x0] =	sbarrier.arrive $0xFFFF  }
0x4f: {  	s8 =	simm.s32 $0x0;
	s25 =	rddreg [dreg:$0xa]  }
0x50: {  	[tilespmem:s8], [sflag:$0x4] =	stream.linear.gather [hbm4b:s25+s8], $0x7D0, $0x38;
	[tilespmem:$0x1BE80] =	vst v63  }
0x51: {  	s26 =	rddreg [dreg:$0xb]  }
0x52: {  	[tilespmem:s19], [sflag:$0x4] =	stream.linear.gather [hbm4b:s26+s8], $0x7D0, $0x38;
	[tilespmem:$0x1BE80] =	vst v63  }
0x53: {  	_ =	swait.ge [sflag:s28], $0x7D0  }
0x54: {  	[sflag:s28] =	ssyncset.done $0x0  }
0x55: {  	[sflag:s28] =	ssyncadd.s32 $0xFFFFF830  }
0x56: {  	_ =	swait.ge [sflag:s28], $0x7D0  }
0x57: {  	[sflag:s28] =	ssyncset.done $0x0  }
0x58: {  	s17 =	simm.s32 $0x0;
	s29 =	rddreg [dreg:$0x7];
	[sflag:s28] =	ssyncadd.s32 $0xFFFFF830  }
0x59: {  	s16 =	sor.u32 s29, s11;
	v2 =	vld [tilespmem:s17+$0x0]  }
0x5a: {  	s15 =	smul.u32 $0x9C4, s16;
	_ =	sdelay $0x1  }
0x5b: {  	s30 =	sadd.s32 $0x9C4, s15  }
0x5c: {  	v34 =	vmov s15;
	v1 =	vmov s30  }
0x5d: {  	vm0 =	vge.s32 v2, v34;
	vm1 =	vlt.s32 v2, v1  }
0x5e: {  	vm0 =	vmand vm0, vm1  }
0x5f: {  	v4 =	vmpcnt.ones.xlane vm0;
	_ =	sdelay $0x1  }
0x60: {  	(v2sf) =	vpush v4, $0x0  }
0x61: {  	v3 =	vld [tilespmem:s17+$0x7D0];
	_ =	sdelay $0x3  }
0x62: {  	[tilespmem:s8+$0xFA0] =	vst.msk vm0, v2  }
0x63: {  	p1 =	por p2, p2;
	s11 =	simm.s32 $0x80;
	s17 =	simm.s32 $0x10;
	[tilespmem:s8+$0x36D0] =	vst.msk vm0, v3  }
.LBB2_3:
0x64: {  	p2 =	sne.s32 s11, $0x1F00;
	v2 =	vld [tilespmem:s17+$0x0];
	_ =	sdelay $0x4  }
0x65: {  	vm0 =	vge.s32 v2, v34;
	vm1 =	vlt.s32 v2, v1  }
0x66: {  	v3 =	vld [tilespmem:s17+$0x7D0];
	vm0 =	vmand vm0, vm1  }
0x67: {  	v4 =	vmpcnt.ones.xlane vm0  }
0x68: {  	s17 =	spop (v2sf)  }
0x69: {  	(v2sf) =	vpush v4, $0x0;
	s8 =	sadd.s32 s8, s17  }
0x6a: {  	[tilespmem:s8+$0xFA0] =	vst.msk vm0, v2  }
.Ltmp4:
0x6b: {  	[tilespmem:s8+$0x36D0] =	vst.msk vm0, v3;
	(pc) =	sbr.rel @p2 .LBB2_3-.Ltmp4, $2  }
0x6c: {  	_ =	sdelay $0x2  }
0x6d: {  	s17 =	sshra.s32 s11, $0x2;
	s11 =	sadd.s32 $0x40, s11  }
0x6e: {  	v2 =	vld [tilespmem:s17+$0x0];
	_ =	sdelay $0x4  }
0x6f: {  	vm0 =	vge.s32 v2, v34;
	vm1 =	vlt.s32 v2, v1  }
0x70: {  	vm0 =	vmand vm0, vm1  }
0x71: {  	v3 =	vmpcnt.ones.xlane vm0;
	_ =	sdelay $0x1  }
0x72: {  	(v2sf) =	vpush v3, $0x0;
	_ =	sdelay $0x5  }
0x73: {  	v3 =	vld [tilespmem:s17+$0x7D0];
	_ =	sdelay $0x1  }
0x74: {  	s11 =	spop (v2sf)  }
0x75: {  	s8 =	sadd.s32 s8, s11  }
0x76: {  	[tilespmem:s8+$0xFA0] =	vst.msk vm0, v2  }
0x77: {  	s25 =	simm.s32 $0x0;
	s26 =	rddreg [dreg:$0xc];
	[tilespmem:s8+$0x36D0] =	vst.msk vm0, v3  }
0x78: {  	[tilespmem:s25], [sflag:$0x4] =	stream.linear.gather [hbm4b:s26+s25], $0x7D0, $0x38;
	[tilespmem:$0x1BE80] =	vst v63  }
0x79: {  	s18 =	rddreg [dreg:$0xd]  }
0x7a: {  	[tilespmem:s19], [sflag:$0x4] =	stream.linear.gather [hbm4b:s18+s25], $0x7D0, $0x38;
	[tilespmem:$0x1BE80] =	vst v63  }
0x7b: {  	s29 =	spop (v2sf)  }
0x7c: {  	_ =	swait.ge [sflag:s28], $0x7D0  }
0x7d: {  	[sflag:s28] =	ssyncset.done $0x0  }
0x7e: {  	[sflag:s28] =	ssyncadd.s32 $0xFFFFF830  }
0x7f: {  	_ =	swait.ge [sflag:s28], $0x7D0  }
0x80: {  	[sflag:s28] =	ssyncset.done $0x0  }
0x81: {  	s30 =	simm.s32 $0x0;
	[sflag:s28] =	ssyncadd.s32 $0xFFFFF830  }
0x82: {  	v2 =	vld [tilespmem:s30+$0x0];
	_ =	sdelay $0x4  }
0x83: {  	vm14 =	vge.s32 v2, v34;
	vm15 =	vlt.s32 v2, v1  }
0x84: {  	vm0 =	vmand vm14, vm15  }
0x85: {  	v4 =	vmpcnt.ones.xlane vm0;
	_ =	sdelay $0x1  }
0x86: {  	(v2sf) =	vpush v4, $0x0  }
0x87: {  	v3 =	vld [tilespmem:s30+$0x7D0];
	_ =	sdelay $0x2  }
0x88: {  	s8 =	sadd.s32 s8, s29  }
0x89: {  	[tilespmem:s8+$0xFA0] =	vst.msk vm0, v2  }
0x8a: {  	s17 =	simm.s32 $0x10;
	s11 =	simm.s32 $0x80;
	[tilespmem:s8+$0x36D0] =	vst.msk vm0, v3  }
.LBB2_5:
0x8b: {  	p2 =	sne.s32 s11, $0x1F00;
	v2 =	vld [tilespmem:s17+$0x0];
	_ =	sdelay $0x4  }
0x8c: {  	vm0 =	vge.s32 v2, v34;
	vm1 =	vlt.s32 v2, v1  }
0x8d: {  	v3 =	vld [tilespmem:s17+$0x7D0];
	vm0 =	vmand vm0, vm1  }
0x8e: {  	v4 =	vmpcnt.ones.xlane vm0  }
0x8f: {  	s17 =	spop (v2sf)  }
0x90: {  	(v2sf) =	vpush v4, $0x0;
	s8 =	sadd.s32 s8, s17  }
0x91: {  	[tilespmem:s8+$0xFA0] =	vst.msk vm0, v2  }
.Ltmp5:
0x92: {  	[tilespmem:s8+$0x36D0] =	vst.msk vm0, v3;
	(pc) =	sbr.rel @p2 .LBB2_5-.Ltmp5, $2  }
0x93: {  	_ =	sdelay $0x2  }
0x94: {  	s17 =	sshra.s32 s11, $0x2;
	s11 =	sadd.s32 $0x40, s11  }
0x95: {  	v2 =	vld [tilespmem:s17+$0x0];
	_ =	sdelay $0x4  }
0x96: {  	vm0 =	vge.s32 v2, v34;
	vm1 =	vlt.s32 v2, v1  }
0x97: {  	vm0 =	vmand vm0, vm1  }
0x98: {  	v3 =	vmpcnt.ones.xlane vm0;
	_ =	sdelay $0x1  }
0x99: {  	(v2sf) =	vpush v3, $0x0;
	_ =	sdelay $0x5  }
0x9a: {  	v3 =	vld [tilespmem:s17+$0x7D0];
	_ =	sdelay $0x1  }
0x9b: {  	s11 =	spop (v2sf)  }
0x9c: {  	s8 =	sadd.s32 s8, s11  }
0x9d: {  	[tilespmem:s8+$0xFA0] =	vst.msk vm0, v2  }
0x9e: {  	s25 =	simm.s32 $0x0;
	s26 =	rddreg [dreg:$0xe];
	[tilespmem:s8+$0x36D0] =	vst.msk vm0, v3  }
0x9f: {  	[tilespmem:s25], [sflag:$0x4] =	stream.linear.gather [hbm4b:s26+s25], $0x7D0, $0x38;
	[tilespmem:$0x1BE80] =	vst v63  }
0xa0: {  	s18 =	rddreg [dreg:$0xf]  }
0xa1: {  	[tilespmem:s19], [sflag:$0x4] =	stream.linear.gather [hbm4b:s18+s25], $0x7D0, $0x38;
	[tilespmem:$0x1BE80] =	vst v63  }
0xa2: {  	s29 =	spop (v2sf)  }
0xa3: {  	_ =	swait.ge [sflag:s28], $0x7D0  }
0xa4: {  	[sflag:s28] =	ssyncset.done $0x0  }
0xa5: {  	[sflag:s28] =	ssyncadd.s32 $0xFFFFF830  }
0xa6: {  	_ =	swait.ge [sflag:s28], $0x7D0  }
0xa7: {  	[sflag:s28] =	ssyncset.done $0x0  }
0xa8: {  	s30 =	simm.s32 $0x0;
	[sflag:s28] =	ssyncadd.s32 $0xFFFFF830  }
0xa9: {  	v2 =	vld [tilespmem:s30+$0x0];
	_ =	sdelay $0x4  }
0xaa: {  	vm14 =	vge.s32 v2, v34;
	vm15 =	vlt.s32 v2, v1  }
0xab: {  	vm0 =	vmand vm14, vm15  }
0xac: {  	v4 =	vmpcnt.ones.xlane vm0;
	_ =	sdelay $0x1  }
0xad: {  	(v2sf) =	vpush v4, $0x0  }
0xae: {  	v3 =	vld [tilespmem:s30+$0x7D0];
	_ =	sdelay $0x2  }
0xaf: {  	s8 =	sadd.s32 s8, s29  }
0xb0: {  	[tilespmem:s8+$0xFA0] =	vst.msk vm0, v2  }
0xb1: {  	s17 =	simm.s32 $0x10;
	s11 =	simm.s32 $0x80;
	[tilespmem:s8+$0x36D0] =	vst.msk vm0, v3  }
.LBB2_7:
0xb2: {  	p2 =	sne.s32 s11, $0x1F00;
	v2 =	vld [tilespmem:s17+$0x0];
	_ =	sdelay $0x4  }
0xb3: {  	vm0 =	vge.s32 v2, v34;
	vm1 =	vlt.s32 v2, v1  }
0xb4: {  	v3 =	vld [tilespmem:s17+$0x7D0];
	vm0 =	vmand vm0, vm1  }
0xb5: {  	v4 =	vmpcnt.ones.xlane vm0  }
0xb6: {  	s17 =	spop (v2sf)  }
0xb7: {  	(v2sf) =	vpush v4, $0x0;
	s8 =	sadd.s32 s8, s17  }
0xb8: {  	[tilespmem:s8+$0xFA0] =	vst.msk vm0, v2  }
.Ltmp6:
0xb9: {  	[tilespmem:s8+$0x36D0] =	vst.msk vm0, v3;
	(pc) =	sbr.rel @p2 .LBB2_7-.Ltmp6, $2  }
0xba: {  	_ =	sdelay $0x2  }
0xbb: {  	s17 =	sshra.s32 s11, $0x2;
	s11 =	sadd.s32 $0x40, s11  }
0xbc: {  	v2 =	vld [tilespmem:s17+$0x0];
	_ =	sdelay $0x4  }
0xbd: {  	vm0 =	vge.s32 v2, v34;
	vm1 =	vlt.s32 v2, v1  }
0xbe: {  	vm0 =	vmand vm0, vm1  }
0xbf: {  	v3 =	vmpcnt.ones.xlane vm0;
	_ =	sdelay $0x1  }
0xc0: {  	(v2sf) =	vpush v3, $0x0;
	_ =	sdelay $0x5  }
0xc1: {  	v3 =	vld [tilespmem:s17+$0x7D0];
	_ =	sdelay $0x1  }
0xc2: {  	s11 =	spop (v2sf)  }
0xc3: {  	s8 =	sadd.s32 s8, s11  }
0xc4: {  	[tilespmem:s8+$0xFA0] =	vst.msk vm0, v2  }
0xc5: {  	s25 =	simm.s32 $0x0;
	s26 =	rddreg [dreg:$0x10];
	[tilespmem:s8+$0x36D0] =	vst.msk vm0, v3  }
0xc6: {  	[tilespmem:s25], [sflag:$0x4] =	stream.linear.gather [hbm4b:s26+s25], $0x7D0, $0x38;
	[tilespmem:$0x1BE80] =	vst v63  }
0xc7: {  	s18 =	rddreg [dreg:$0x11]  }
0xc8: {  	[tilespmem:s19], [sflag:$0x4] =	stream.linear.gather [hbm4b:s18+s25], $0x7D0, $0x38;
	[tilespmem:$0x1BE80] =	vst v63  }
0xc9: {  	s29 =	spop (v2sf)  }
0xca: {  	_ =	swait.ge [sflag:s28], $0x7D0  }
0xcb: {  	[sflag:s28] =	ssyncset.done $0x0  }
0xcc: {  	[sflag:s28] =	ssyncadd.s32 $0xFFFFF830  }
0xcd: {  	_ =	swait.ge [sflag:s28], $0x7D0  }
0xce: {  	[sflag:s28] =	ssyncset.done $0x0  }
0xcf: {  	s30 =	simm.s32 $0x0;
	[sflag:s28] =	ssyncadd.s32 $0xFFFFF830  }
0xd0: {  	v2 =	vld [tilespmem:s30+$0x0];
	_ =	sdelay $0x4  }
0xd1: {  	vm14 =	vge.s32 v2, v34;
	vm15 =	vlt.s32 v2, v1  }
0xd2: {  	vm0 =	vmand vm14, vm15  }
0xd3: {  	v4 =	vmpcnt.ones.xlane vm0;
	_ =	sdelay $0x1  }
0xd4: {  	(v2sf) =	vpush v4, $0x0  }
0xd5: {  	v3 =	vld [tilespmem:s30+$0x7D0];
	_ =	sdelay $0x2  }
0xd6: {  	s8 =	sadd.s32 s8, s29  }
0xd7: {  	[tilespmem:s8+$0xFA0] =	vst.msk vm0, v2  }
0xd8: {  	s17 =	simm.s32 $0x10;
	s11 =	simm.s32 $0x80;
	[tilespmem:s8+$0x36D0] =	vst.msk vm0, v3  }
.LBB2_9:
0xd9: {  	p2 =	sne.s32 s11, $0x1F00;
	v2 =	vld [tilespmem:s17+$0x0];
	_ =	sdelay $0x4  }
0xda: {  	vm0 =	vge.s32 v2, v34;
	vm1 =	vlt.s32 v2, v1  }
0xdb: {  	v3 =	vld [tilespmem:s17+$0x7D0];
	vm0 =	vmand vm0, vm1  }
0xdc: {  	v4 =	vmpcnt.ones.xlane vm0  }
0xdd: {  	s17 =	spop (v2sf)  }
0xde: {  	(v2sf) =	vpush v4, $0x0;
	s8 =	sadd.s32 s8, s17  }
0xdf: {  	[tilespmem:s8+$0xFA0] =	vst.msk vm0, v2  }
.Ltmp7:
0xe0: {  	[tilespmem:s8+$0x36D0] =	vst.msk vm0, v3;
	(pc) =	sbr.rel @p2 .LBB2_9-.Ltmp7, $2  }
0xe1: {  	_ =	sdelay $0x2  }
0xe2: {  	s17 =	sshra.s32 s11, $0x2;
	s11 =	sadd.s32 $0x40, s11  }
0xe3: {  	v2 =	vld [tilespmem:s17+$0x0];
	_ =	sdelay $0x4  }
0xe4: {  	vm0 =	vge.s32 v2, v34;
	vm1 =	vlt.s32 v2, v1  }
0xe5: {  	vm0 =	vmand vm0, vm1  }
0xe6: {  	v3 =	vmpcnt.ones.xlane vm0;
	_ =	sdelay $0x1  }
0xe7: {  	(v2sf) =	vpush v3, $0x0;
	_ =	sdelay $0x5  }
0xe8: {  	v3 =	vld [tilespmem:s17+$0x7D0];
	_ =	sdelay $0x1  }
0xe9: {  	s11 =	spop (v2sf)  }
0xea: {  	s8 =	sadd.s32 s8, s11  }
0xeb: {  	[tilespmem:s8+$0xFA0] =	vst.msk vm0, v2  }
0xec: {  	s25 =	simm.s32 $0x0;
	s26 =	rddreg [dreg:$0x12];
	[tilespmem:s8+$0x36D0] =	vst.msk vm0, v3  }
0xed: {  	[tilespmem:s25], [sflag:$0x4] =	stream.linear.gather [hbm4b:s26+s25], $0x7D0, $0x38;
	[tilespmem:$0x1BE80] =	vst v63  }
0xee: {  	s18 =	rddreg [dreg:$0x13]  }
0xef: {  	[tilespmem:s19], [sflag:$0x4] =	stream.linear.gather [hbm4b:s18+s25], $0x7D0, $0x38;
	[tilespmem:$0x1BE80] =	vst v63  }
0xf0: {  	s29 =	spop (v2sf)  }
0xf1: {  	_ =	swait.ge [sflag:s28], $0x7D0  }
0xf2: {  	[sflag:s28] =	ssyncset.done $0x0  }
0xf3: {  	[sflag:s28] =	ssyncadd.s32 $0xFFFFF830  }
0xf4: {  	_ =	swait.ge [sflag:s28], $0x7D0  }
0xf5: {  	[sflag:s28] =	ssyncset.done $0x0  }
0xf6: {  	s30 =	simm.s32 $0x0;
	[sflag:s28] =	ssyncadd.s32 $0xFFFFF830  }
0xf7: {  	v2 =	vld [tilespmem:s30+$0x0];
	_ =	sdelay $0x4  }
0xf8: {  	vm14 =	vge.s32 v2, v34;
	vm15 =	vlt.s32 v2, v1  }
0xf9: {  	vm0 =	vmand vm14, vm15  }
0xfa: {  	v4 =	vmpcnt.ones.xlane vm0;
	_ =	sdelay $0x1  }
0xfb: {  	(v2sf) =	vpush v4, $0x0  }
0xfc: {  	v3 =	vld [tilespmem:s30+$0x7D0];
	_ =	sdelay $0x2  }
0xfd: {  	s8 =	sadd.s32 s8, s29  }
0xfe: {  	[tilespmem:s8+$0xFA0] =	vst.msk vm0, v2  }
0xff: {  	s17 =	simm.s32 $0x10;
	s11 =	simm.s32 $0x80;
	[tilespmem:s8+$0x36D0] =	vst.msk vm0, v3  }
.LBB2_11:
0x100: {  	p2 =	sne.s32 s11, $0x1F00;
	v2 =	vld [tilespmem:s17+$0x0];
	_ =	sdelay $0x4  }
0x101: {  	vm0 =	vge.s32 v2, v34;
	vm1 =	vlt.s32 v2, v1  }
0x102: {  	v3 =	vld [tilespmem:s17+$0x7D0];
	vm0 =	vmand vm0, vm1  }
0x103: {  	v4 =	vmpcnt.ones.xlane vm0  }
0x104: {  	s17 =	spop (v2sf)  }
0x105: {  	(v2sf) =	vpush v4, $0x0;
	s8 =	sadd.s32 s8, s17  }
0x106: {  	[tilespmem:s8+$0xFA0] =	vst.msk vm0, v2  }
.Ltmp8:
0x107: {  	[tilespmem:s8+$0x36D0] =	vst.msk vm0, v3;
	(pc) =	sbr.rel @p2 .LBB2_11-.Ltmp8, $2  }
0x108: {  	_ =	sdelay $0x2  }
0x109: {  	s17 =	sshra.s32 s11, $0x2;
	s11 =	sadd.s32 $0x40, s11  }
0x10a: {  	v2 =	vld [tilespmem:s17+$0x0];
	_ =	sdelay $0x4  }
0x10b: {  	vm0 =	vge.s32 v2, v34;
	vm1 =	vlt.s32 v2, v1  }
0x10c: {  	vm0 =	vmand vm0, vm1  }
0x10d: {  	v1 =	vmpcnt.ones.xlane vm0;
	_ =	sdelay $0x1  }
0x10e: {  	(v2sf) =	vpush v1, $0x0;
	_ =	sdelay $0xd  }
0x10f: {  	s11 =	spop (v2sf)  }
0x110: {  	s11 =	sadd.s32 s8, s11;
	s19 =	spop (v2sf)  }
0x111: {  	v1 =	vld [tilespmem:s17+$0x7D0];
	s8 =	sadd.s32 s11, s19  }
0x112: {  	v3 =	vadd.s32 s8, v0;
	s20 =	sadd.s32 $0x1F, s8  }
0x113: {  	s18 =	sadd.s32 $0x10, s8;
	s19 =	sand.u32 $0x1F, s20  }
0x114: {  	v4 =	vadd.s32 s18, v0;
	s21 =	sshra.s32 s20, $0x1F;
	p2 =	slt.s32 s20, $0x1;
	p3 =	sne.s32 s19, $0x0  }
0x115: {  	s24 =	simm.s32 $0xFA0;
	[tilespmem:s11+$0xFA0] =	vst.msk vm0, v2;
	s18 =	sshrl.u32 s21, $0x1B;
	p2 =	por !p2, !p3  }
0x116: {  	s17 =	simm.s32 $0x1;
	[tilespmem:s11+$0x36D0] =	vst.msk vm0, v1;
	v1 =	vimm.s32 $0x0;
	s22 =	sadd.s32 s18, s20;
	p2 =	por !p2, !p2  }
0x117: {  	s25 =	simm.s32 $0x36D0;
	s11 =	sshra.s32 s22, $0x5;
	[tilespmem:v3+s24+$0x0] =	vst.idx.msk $0xffff, v1;
	s17 =	simm.s32 @!p2 $0x0  }
0x118: {  	[tilespmem:v3+s25+$0x0] =	vst.idx.msk $0xffff, v1;
	s17 =	ssub.s32 s11, s17  }
0x119: {  	[tilespmem:v4+s24+$0x0] =	vst.idx.msk $0xffff, v1;
	p2 =	slt.s32 s17, $0x1;
	s26 =	sadd.s32 $0x1, s17  }
0x11a: {  	[tilespmem:v4+s25+$0x0] =	vst.idx.msk $0xffff, v1;
	s11 =	simm.s32 @!p2 $0x20;
	s18 =	simm.s32 @!p2 $0xFA0;
	s19 =	simm.s32 @!p2 $0x5E00  }
0x11b: {  	[tilespmem:s19], [sflag:$0x1] =	stream.indirect.gather @!p2 [hbm4b:s0+s11], $0x100, s18, s11, $0xb8;
	[tilespmem:$0x1BE80] =	vst v63  }
0x11c: {  	s29 =	sand.u32 $0x1, s26;
	s18 =	simm.s32 @!p2 $0x36D0;
	s19 =	simm.s32 @!p2 $0x7E00  }
0x11d: {  	[tilespmem:s19], [sflag:$0x1] =	stream.indirect.gather @!p2 [hbm4b:s4+s11], $0x100, s18, s11, $0xb8;
	[tilespmem:$0x1BE80] =	vst v63  }
0x11e: {  	p5 =	slt.s32 s17, $0x0;
	p6 =	seq.s32 s29, $0x1;
	s19 =	simm.s32 @!p2 $0x9E00  }
0x11f: {  	[tilespmem:s19], [sflag:$0x1] =	stream.indirect.gather @!p2 [hbm4b:s5+s11], $0x100, s18, s11, $0xb8;
	[tilespmem:$0x1BE80] =	vst v63  }
0x120: {  	s30 =	sshrl.u32 s26, $0x1F;
	p2 =	por !p5, !p6  }
0x121: {  	s11 =	sadd.s32 s30, s26;
	s18 =	simm.s32 $0x1;
	p2 =	por !p2, !p2  }
0x122: {  	s11 =	sshra.s32 s11, $0x1;
	s18 =	simm.s32 @!p2 $0x0  }
0x123: {  	s18 =	ssub.s32 s11, s18  }
0x124: {  	p2 =	slt.s32 s18, $0x1  }
.Ltmp9:
0x125: {  	_ = 	snop;
	(pc) =	sbr.rel @p2 .LBB2_31-.Ltmp9, $1  }
0x126: {  	_ =	sdelay $0x3  }
.Ltmp10:
0x127: {  	(pc) =	sbr.rel .LBB2_14-.Ltmp10, $2  }
0x128: {  	_ =	sdelay $0x2  }
0x129: {  	v35 =	vmov s8;
	s19 =	simm.s32 $0x0  }
.LBB2_30:
0x12a: {  	s19 =	sadd.s32 $0x1, s19  }
0x12b: {  	p2 =	sne.s32 s19, s18  }
.Ltmp11:
0x12c: {  	_ = 	snop;
	(pc) =	sbr.rel @!p2 .LBB2_31-.Ltmp11, $1  }
0x12d: {  	_ =	sdelay $0x3  }
.LBB2_14:
0x12e: {  	s21 =	sshll.u32 s19, $0x1  }
0x12f: {  	p3 =	sge.s32 s21, s17  }
.Ltmp12:
0x130: {  	_ = 	snop;
	(pc) =	sbr.rel @p3 .LBB2_22-.Ltmp12, $3  }
0x131: {  	_ =	sdelay $0x1  }
0x132: {  	s20 =	sshllo.u32 s19, $0x1  }
0x133: {  	p2 =	sge.s32 s20, s17  }
0x134: {  	s8 =	sshll.u32 @!p2 s20, $0x5  }
0x135: {  	s22 =	simm.s32 @!p2 $0x20;
	s24 =	simm.s32 @!p2 $0xBE00;
	s11 =	sadd.s32 @!p2 $0xFA0, s8  }
0x136: {  	[tilespmem:s24], [sflag:$0x2] =	stream.indirect.gather @!p2 [hbm4b:s0+s22], $0x100, s11, s22, $0xb8;
	[tilespmem:$0x1BE80] =	vst v63  }
0x137: {  	s8 =	sadd.s32 @!p2 $0x36D0, s8;
	s11 =	simm.s32 @!p2 $0xDE00  }
0x138: {  	[tilespmem:s11], [sflag:$0x2] =	stream.indirect.gather @!p2 [hbm4b:s4+s22], $0x100, s8, s22, $0xb8;
	[tilespmem:$0x1BE80] =	vst v63  }
0x139: {  	s11 =	simm.s32 @!p2 $0xFE00  }
0x13a: {  	[tilespmem:s11], [sflag:$0x2] =	stream.indirect.gather @!p2 [hbm4b:s5+s22], $0x100, s8, s22, $0xb8;
	[tilespmem:$0x1BE80] =	vst v63  }
0x13b: {  	_ =	swait.ge [sflag:s31], $0x2000  }
0x13c: {  	[sflag:s31] =	ssyncset.done $0x0  }
0x13d: {  	[sflag:s31] =	ssyncadd.s32 $0xFFFFE000  }
0x13e: {  	_ =	swait.ge [sflag:s31], $0x2000  }
0x13f: {  	[sflag:s31] =	ssyncset.done $0x0  }
0x140: {  	[sflag:s31] =	ssyncadd.s32 $0xFFFFE000  }
0x141: {  	_ =	swait.ge [sflag:s31], $0x2000  }
0x142: {  	s25 =	simm.s32 $0x0;
	p4 =	por $0x1, $0x1;
	[sflag:s31] =	ssyncset.done $0x0  }
0x143: {  	s29 =	simm.s32 $0x0;
	s22 =	sshll.u32 s19, $0x6;
	[sflag:s31] =	ssyncadd.s32 $0xFFFFE000  }
.LBB2_16:
0x144: {  	v2 =	vld [tilespmem:$0x1FED0];
	_ =	sdelay $0x1  }
0x145: {  	s8 =	sshll.u32 s29, $0x4  }
0x146: {  	v10 =	vld [tilespmem:$0x1FF30];
	v1 =	vmov s8  }
0x147: {  	v1 =	vshll.u32 v1, $0x8  }
0x148: {  	v4 =	vor.u32 v2, v1;
	v2 =	vld [tilespmem:$0x1FEE0];
	_ =	sdelay $0x1  }
0x149: {  	v3 =	vld [tilespmem:$0x1FEF0]  }
0x14a: {  	v36 =	vor.u32 v0, v4;
	v42 =	vor.u32 v10, v4;
	v10 =	vld [tilespmem:$0x1FF40]  }
0x14b: {  	v5 =	vld [tilespmem:$0x1FF00];
	v1 =	vor.u32 s25, v36  }
0x14c: {  	v7 =	vld [tilespmem:$0x1FF10];
	v37 =	vor.u32 v2, v4  }
0x14d: {  	v9 =	vld [tilespmem:$0x1FF20];
	v2 =	vor.u32 s25, v37  }
0x14e: {  	v38 =	vor.u32 v3, v4  }
0x14f: {  	v3 =	vor.u32 s25, v38;
	v43 =	vor.u32 v10, v4;
	v10 =	vld [tilespmem:$0x1FF50]  }
0x150: {  	v39 =	vor.u32 v5, v4;
	v5 =	vld.idx.msk [tilespmem:v1+s6+$0x0], $0xffff  }
0x151: {  	v1 =	vld.idx.msk [tilespmem:v1+s1+$0x0], $0xffff  }
0x152: {  	v40 =	vor.u32 v7, v4;
	v41 =	vor.u32 v9, v4;
	v6 =	vor.u32 s25, v39;
	v7 =	vld.idx.msk [tilespmem:v2+s1+$0x0], $0xffff  }
0x153: {  	v45 =	vor.u32 s25, v41;
	v2 =	vld.idx.msk [tilespmem:v2+s6+$0x0], $0xffff  }
0x154: {  	v9 =	vld.idx.msk [tilespmem:v3+s1+$0x0], $0xffff  }
0x155: {  	v3 =	vld.idx.msk [tilespmem:v3+s6+$0x0], $0xffff  }
0x156: {  	v44 =	vor.u32 v10, v4;
	v10 =	vld [tilespmem:$0x1FF60];
	v1 =	vmul.f32 v5, v1  }
0x157: {  	v46 =	vld.idx.msk [tilespmem:v6+s1+$0x0], $0xffff  }
0x158: {  	v48 =	vld.idx.msk [tilespmem:v45+s1+$0x0], $0xffff;
	v1 =	vadd.f32 $0.0e+00, v1;
	v2 =	vmul.f32 v2, v7  }
0x159: {  	v8 =	vor.u32 s25, v40;
	v5 =	vld.idx.msk [tilespmem:v6+s6+$0x0], $0xffff  }
0x15a: {  	v1 =	vadd.f32 v2, v1;
	v2 =	vmul.f32 v3, v9;
	v3 =	vld.idx.msk [tilespmem:v45+s6+$0x0], $0xffff  }
0x15b: {  	v45 =	vor.u32 v10, v4;
	v10 =	vld [tilespmem:$0x1FF70];
	_ =	sdelay $0x2  }
0x15c: {  	v47 =	vld.idx.msk [tilespmem:v8+s1+$0x0], $0xffff  }
0x15d: {  	v7 =	vld.idx.msk [tilespmem:v8+s6+$0x0], $0xffff  }
0x15e: {  	v1 =	vadd.f32 v2, v1;
	v2 =	vmul.f32 v5, v46;
	v46 =	vor.u32 v10, v4;
	v10 =	vld [tilespmem:$0x1FF80];
	_ =	sdelay $0x2  }
0x15f: {  	v6 =	vor.u32 s25, v42;
	_ =	sdelay $0x1  }
0x160: {  	v1 =	vadd.f32 v2, v1;
	v2 =	vmul.f32 v7, v47;
	v47 =	vor.u32 v10, v4;
	v10 =	vld [tilespmem:$0x1FF90];
	_ =	sdelay $0x2  }
0x161: {  	v8 =	vor.u32 s25, v43;
	v49 =	vld.idx.msk [tilespmem:v6+s1+$0x0], $0xffff  }
0x162: {  	v5 =	vld.idx.msk [tilespmem:v6+s6+$0x0], $0xffff  }
0x163: {  	v1 =	vadd.f32 v2, v1;
	v2 =	vmul.f32 v3, v48;
	v48 =	vor.u32 v10, v4;
	v10 =	vld [tilespmem:$0x1FFA0];
	_ =	sdelay $0x2  }
0x164: {  	v9 =	vor.u32 s25, v44;
	v50 =	vld.idx.msk [tilespmem:v8+s1+$0x0], $0xffff  }
0x165: {  	v7 =	vld.idx.msk [tilespmem:v8+s6+$0x0], $0xffff  }
0x166: {  	v1 =	vadd.f32 v2, v1;
	v2 =	vmul.f32 v5, v49;
	v49 =	vor.u32 v10, v4;
	v10 =	vld [tilespmem:$0x1FFB0]  }
0x167: {  	v6 =	vor.u32 s25, v45;
	_ =	sdelay $0x1  }
0x168: {  	v51 =	vld.idx.msk [tilespmem:v9+s1+$0x0], $0xffff;
	v8 =	vor.u32 s25, v46  }
0x169: {  	v3 =	vld.idx.msk [tilespmem:v9+s6+$0x0], $0xffff  }
0x16a: {  	v1 =	vadd.f32 v2, v1;
	v2 =	vmul.f32 v7, v50;
	v50 =	vor.u32 v10, v4;
	v10 =	vld [tilespmem:$0x1FFC0]  }
0x16b: {  	v52 =	vld.idx.msk [tilespmem:v6+s1+$0x0], $0xffff;
	v9 =	vor.u32 s25, v47  }
0x16c: {  	v5 =	vld.idx.msk [tilespmem:v6+s6+$0x0], $0xffff  }
0x16d: {  	v53 =	vld.idx.msk [tilespmem:v8+s1+$0x0], $0xffff;
	v6 =	vor.u32 s25, v48  }
0x16e: {  	v7 =	vld.idx.msk [tilespmem:v8+s6+$0x0], $0xffff  }
0x16f: {  	v1 =	vadd.f32 v2, v1;
	v2 =	vmul.f32 v3, v51;
	v51 =	vor.u32 v10, v4;
	v10 =	vld [tilespmem:$0x1FFD0]  }
0x170: {  	v54 =	vld.idx.msk [tilespmem:v9+s1+$0x0], $0xffff;
	v8 =	vor.u32 s25, v49  }
0x171: {  	v3 =	vld.idx.msk [tilespmem:v9+s6+$0x0], $0xffff  }
0x172: {  	v1 =	vadd.f32 v2, v1;
	v2 =	vmul.f32 v5, v52;
	v55 =	vld.idx.msk [tilespmem:v6+s1+$0x0], $0xffff;
	v9 =	vor.u32 s25, v50  }
0x173: {  	v5 =	vld.idx.msk [tilespmem:v6+s6+$0x0], $0xffff  }
0x174: {  	v1 =	vadd.f32 v2, v1;
	v2 =	vmul.f32 v7, v53;
	v53 =	vor.u32 v10, v4;
	v10 =	vld [tilespmem:$0x1FFF0]  }
0x175: {  	v56 =	vld.idx.msk [tilespmem:v8+s1+$0x0], $0xffff;
	v6 =	vor.u32 s25, v51  }
0x176: {  	v52 =	vor.u32 v29, v4;
	v7 =	vld.idx.msk [tilespmem:v8+s6+$0x0], $0xffff  }
0x177: {  	v8 =	vor.u32 s25, v52;
	v57 =	vld.idx.msk [tilespmem:v9+s1+$0x0], $0xffff  }
0x178: {  	v1 =	vadd.f32 v2, v1;
	v2 =	vmul.f32 v3, v54;
	v3 =	vld.idx.msk [tilespmem:v9+s6+$0x0], $0xffff  }
0x179: {  	v9 =	vor.u32 s25, v53;
	v54 =	vor.u32 v10, v4;
	v10 =	vld [tilespmem:$0x1FFE0]  }
0x17a: {  	v1 =	vadd.f32 v2, v1;
	v2 =	vmul.f32 v5, v55;
	v58 =	vld.idx.msk [tilespmem:v6+s1+$0x0], $0xffff  }
0x17b: {  	v5 =	vld.idx.msk [tilespmem:v6+s6+$0x0], $0xffff;
	v6 =	vor.u32 s25, v54  }
0x17c: {  	v55 =	vor.u32 v21, v4;
	v1 =	vadd.f32 v2, v1;
	v59 =	vld.idx.msk [tilespmem:v8+s1+$0x0], $0xffff;
	v2 =	vmul.f32 v7, v56  }
0x17d: {  	v7 =	vld.idx.msk [tilespmem:v8+s6+$0x0], $0xffff;
	v8 =	vor.u32 s25, v55  }
0x17e: {  	v1 =	vadd.f32 v2, v1;
	v2 =	vmul.f32 v3, v57;
	v60 =	vld.idx.msk [tilespmem:v9+s1+$0x0], $0xffff;
	v56 =	vor.u32 v10, v4  }
0x17f: {  	v3 =	vld.idx.msk [tilespmem:v9+s6+$0x0], $0xffff;
	v9 =	vor.u32 s25, v56  }
0x180: {  	v57 =	vor.u32 v22, v4;
	v1 =	vadd.f32 v2, v1;
	v2 =	vmul.f32 v5, v58;
	v61 =	vld.idx.msk [tilespmem:v6+s1+$0x0], $0xffff  }
0x181: {  	v5 =	vld.idx.msk [tilespmem:v6+s6+$0x0], $0xffff;
	v6 =	vor.u32 s25, v57  }
0x182: {  	v62 =	vld.idx.msk [tilespmem:v8+s1+$0x0], $0xffff;
	v58 =	vor.u32 v23, v4;
	v1 =	vadd.f32 v2, v1;
	v2 =	vmul.f32 v7, v59  }
0x183: {  	v7 =	vld.idx.msk [tilespmem:v8+s6+$0x0], $0xffff;
	v8 =	vor.u32 s25, v58  }
0x184: {  	v59 =	vor.u32 v24, v4;
	v1 =	vadd.f32 v2, v1;
	v2 =	vmul.f32 v3, v60;
	v63 =	vld.idx.msk [tilespmem:v9+s1+$0x0], $0xffff  }
0x185: {  	v3 =	vld.idx.msk [tilespmem:v9+s6+$0x0], $0xffff;
	v9 =	vor.u32 s25, v59  }
0x186: {  	v60 =	vor.u32 v25, v4;
	v1 =	vadd.f32 v2, v1;
	v10 =	vld.idx.msk [tilespmem:v6+s1+$0x0], $0xffff;
	v2 =	vmul.f32 v5, v61  }
0x187: {  	v5 =	vld.idx.msk [tilespmem:v6+s6+$0x0], $0xffff;
	v6 =	vor.u32 s25, v60  }
0x188: {  	v11 =	vld.idx.msk [tilespmem:v8+s1+$0x0], $0xffff;
	v61 =	vor.u32 v26, v4;
	v1 =	vadd.f32 v2, v1;
	v2 =	vmul.f32 v7, v62  }
0x189: {  	v7 =	vld.idx.msk [tilespmem:v8+s6+$0x0], $0xffff;
	v8 =	vor.u32 s25, v61  }
0x18a: {  	v62 =	vor.u32 v27, v4;
	v1 =	vadd.f32 v2, v1;
	v12 =	vld.idx.msk [tilespmem:v9+s1+$0x0], $0xffff;
	v2 =	vmul.f32 v3, v63  }
0x18b: {  	v3 =	vld.idx.msk [tilespmem:v9+s6+$0x0], $0xffff;
	v9 =	vor.u32 s25, v62  }
0x18c: {  	v63 =	vor.u32 v28, v4;
	v13 =	vld.idx.msk [tilespmem:v6+s1+$0x0], $0xffff;
	v5 =	vmul.f32 v5, v10;
	v2 =	vadd.f32 v2, v1  }
0x18d: {  	v6 =	vld.idx.msk [tilespmem:v6+s6+$0x0], $0xffff;
	v10 =	vor.u32 s25, v63  }
0x18e: {  	v1 =	vor.u32 v30, v4;
	v14 =	vld.idx.msk [tilespmem:v8+s1+$0x0], $0xffff;
	v7 =	vmul.f32 v7, v11;
	v5 =	vadd.f32 v5, v2  }
0x18f: {  	v8 =	vld.idx.msk [tilespmem:v8+s6+$0x0], $0xffff;
	v11 =	vor.u32 s25, v1  }
0x190: {  	v2 =	vor.u32 v31, v4;
	v15 =	vld.idx.msk [tilespmem:v9+s1+$0x0], $0xffff;
	v5 =	vadd.f32 v7, v5;
	v7 =	vmul.f32 v3, v12  }
0x191: {  	v9 =	vld.idx.msk [tilespmem:v9+s6+$0x0], $0xffff;
	v17 =	vor.u32 s25, v2  }
0x192: {  	v6 =	vmul.f32 v6, v13;
	v3 =	vor.u32 v32, v4;
	v5 =	vadd.f32 v7, v5;
	v7 =	vld.idx.msk [tilespmem:v10+s1+$0x0], $0xffff  }
0x193: {  	v18 =	vor.u32 s25, v3;
	v10 =	vld.idx.msk [tilespmem:v10+s6+$0x0], $0xffff  }
0x194: {  	v5 =	vadd.f32 v6, v5;
	v6 =	vmul.f32 v8, v14;
	v8 =	vld.idx.msk [tilespmem:v11+s1+$0x0], $0xffff  }
0x195: {  	v4 =	vor.u32 v33, v4;
	v11 =	vld.idx.msk [tilespmem:v11+s6+$0x0], $0xffff  }
0x196: {  	v9 =	vmul.f32 v9, v15;
	v19 =	vld.idx.msk [tilespmem:v17+s1+$0x0], $0xffff;
	v5 =	vadd.f32 v6, v5;
	v6 =	vor.u32 s25, v4  }
0x197: {  	v12 =	vld.idx.msk [tilespmem:v17+s6+$0x0], $0xffff  }
0x198: {  	v7 =	vmul.f32 v10, v7;
	v10 =	vld.idx.msk [tilespmem:v18+s6+$0x0], $0xffff;
	v5 =	vadd.f32 v9, v5  }
0x199: {  	v9 =	vld.idx.msk [tilespmem:v18+s1+$0x0], $0xffff  }
0x19a: {  	v5 =	vadd.f32 v7, v5;
	v7 =	vmul.f32 v11, v8  }
0x19b: {  	v11 =	vld.idx.msk [tilespmem:v6+s1+$0x0], $0xffff  }
0x19c: {  	v6 =	vld.idx.msk [tilespmem:v6+s6+$0x0], $0xffff;
	v5 =	vadd.f32 v7, v5;
	v7 =	vmul.f32 v12, v19;
	_ =	sdelay $0x1  }
0x19d: {  	v5 =	vadd.f32 v7, v5;
	v7 =	vmul.f32 v10, v9  }
0x19e: {  	s11 =	simm.s32 $0x0  }
0x19f: {  	s30 =	sor.u32 s22, s8;
	s8 =	simm.s32 $0x20;
	v8 =	vadd.f32 v7, v5;
	v7 =	vor.u32 s11, v0  }
0x1a0: {  	v9 =	vmul.f32 v6, v11;
	v6 =	vor.u32 s8, v36  }
0x1a1: {  	p3 =	por p4, p4;
	s24 =	simm.s32 $0x1;
	v5 =	vld [tilespmem:s30+$0xFA0];
	s11 =	simm.s32 $0x2  }
.LBB2_17:
0x1a2: {  	p4 =	sne.s32 s11, $0x7;
	v10 =	vor.u32 s8, v37;
	v8 =	vadd.f32 v9, v8;
	_ =	sdelay $0x1  }
0x1a3: {  	v9 =	vor.u32 s8, v38;
	[tilespmem:v7+s23+$0x0] =	vst.idx.msk $0xffff, v8  }
0x1a4: {  	v7 =	vld.idx.msk [tilespmem:v6+s6+$0x0], $0xffff  }
0x1a5: {  	v8 =	vor.u32 s8, v39;
	v6 =	vld.idx.msk [tilespmem:v6+s1+$0x0], $0xffff  }
0x1a6: {  	v11 =	vld.idx.msk [tilespmem:v10+s1+$0x0], $0xffff  }
0x1a7: {  	v12 =	vor.u32 s8, v40;
	v10 =	vld.idx.msk [tilespmem:v10+s6+$0x0], $0xffff  }
0x1a8: {  	v13 =	vld.idx.msk [tilespmem:v9+s1+$0x0], $0xffff  }
0x1a9: {  	v14 =	vor.u32 s8, v41;
	v9 =	vld.idx.msk [tilespmem:v9+s6+$0x0], $0xffff  }
0x1aa: {  	v15 =	vld.idx.msk [tilespmem:v8+s1+$0x0], $0xffff  }
0x1ab: {  	v6 =	vmul.f32 v7, v6;
	v7 =	vld.idx.msk [tilespmem:v8+s6+$0x0], $0xffff;
	v8 =	vor.u32 s8, v42  }
0x1ac: {  	v16 =	vld.idx.msk [tilespmem:v12+s1+$0x0], $0xffff  }
0x1ad: {  	v6 =	vadd.f32 $0.0e+00, v6;
	v10 =	vmul.f32 v10, v11;
	v11 =	vld.idx.msk [tilespmem:v12+s6+$0x0], $0xffff;
	v12 =	vor.u32 s8, v43  }
0x1ae: {  	v17 =	vld.idx.msk [tilespmem:v14+s1+$0x0], $0xffff  }
0x1af: {  	v6 =	vadd.f32 v10, v6;
	v9 =	vmul.f32 v9, v13;
	v13 =	vor.u32 s8, v44;
	v10 =	vld.idx.msk [tilespmem:v14+s6+$0x0], $0xffff  }
0x1b0: {  	v14 =	vld.idx.msk [tilespmem:v8+s1+$0x0], $0xffff  }
0x1b1: {  	v6 =	vadd.f32 v9, v6;
	v7 =	vmul.f32 v7, v15;
	v9 =	vor.u32 s8, v45;
	v8 =	vld.idx.msk [tilespmem:v8+s6+$0x0], $0xffff  }
0x1b2: {  	v15 =	vld.idx.msk [tilespmem:v12+s1+$0x0], $0xffff  }
0x1b3: {  	v6 =	vadd.f32 v7, v6;
	v7 =	vmul.f32 v11, v16;
	v11 =	vld.idx.msk [tilespmem:v12+s6+$0x0], $0xffff;
	v12 =	vor.u32 s8, v46  }
0x1b4: {  	v16 =	vld.idx.msk [tilespmem:v13+s1+$0x0], $0xffff  }
0x1b5: {  	v6 =	vadd.f32 v7, v6;
	v7 =	vmul.f32 v10, v17;
	v10 =	vld.idx.msk [tilespmem:v13+s6+$0x0], $0xffff;
	v13 =	vor.u32 s8, v47  }
0x1b6: {  	v17 =	vld.idx.msk [tilespmem:v9+s1+$0x0], $0xffff  }
0x1b7: {  	v6 =	vadd.f32 v7, v6;
	v7 =	vmul.f32 v8, v14;
	v8 =	vld.idx.msk [tilespmem:v9+s6+$0x0], $0xffff;
	v9 =	vor.u32 s8, v48  }
0x1b8: {  	v14 =	vld.idx.msk [tilespmem:v12+s1+$0x0], $0xffff  }
0x1b9: {  	v6 =	vadd.f32 v7, v6;
	v7 =	vmul.f32 v11, v15;
	v11 =	vld.idx.msk [tilespmem:v12+s6+$0x0], $0xffff;
	v12 =	vor.u32 s8, v49  }
0x1ba: {  	v15 =	vld.idx.msk [tilespmem:v13+s1+$0x0], $0xffff  }
0x1bb: {  	v6 =	vadd.f32 v7, v6;
	v7 =	vmul.f32 v10, v16;
	v10 =	vld.idx.msk [tilespmem:v13+s6+$0x0], $0xffff;
	v13 =	vor.u32 s8, v50  }
0x1bc: {  	v16 =	vld.idx.msk [tilespmem:v9+s1+$0x0], $0xffff  }
0x1bd: {  	v6 =	vadd.f32 v7, v6;
	v7 =	vmul.f32 v8, v17;
	v8 =	vld.idx.msk [tilespmem:v9+s6+$0x0], $0xffff;
	v9 =	vor.u32 s8, v51  }
0x1be: {  	v17 =	vld.idx.msk [tilespmem:v12+s1+$0x0], $0xffff  }
0x1bf: {  	v6 =	vadd.f32 v7, v6;
	v7 =	vmul.f32 v11, v14;
	v11 =	vld.idx.msk [tilespmem:v12+s6+$0x0], $0xffff;
	v12 =	vor.u32 s8, v52  }
0x1c0: {  	v14 =	vld.idx.msk [tilespmem:v13+s1+$0x0], $0xffff  }
0x1c1: {  	v6 =	vadd.f32 v7, v6;
	v7 =	vmul.f32 v10, v15;
	v10 =	vld.idx.msk [tilespmem:v13+s6+$0x0], $0xffff;
	v13 =	vor.u32 s8, v53  }
0x1c2: {  	v15 =	vld.idx.msk [tilespmem:v9+s1+$0x0], $0xffff  }
0x1c3: {  	v6 =	vadd.f32 v7, v6;
	v7 =	vmul.f32 v8, v16;
	v8 =	vld.idx.msk [tilespmem:v9+s6+$0x0], $0xffff;
	v9 =	vor.u32 s8, v54  }
0x1c4: {  	v16 =	vld.idx.msk [tilespmem:v12+s1+$0x0], $0xffff  }
0x1c5: {  	v6 =	vadd.f32 v7, v6;
	v7 =	vmul.f32 v11, v17;
	v11 =	vld.idx.msk [tilespmem:v12+s6+$0x0], $0xffff;
	v12 =	vor.u32 s8, v55  }
0x1c6: {  	v17 =	vld.idx.msk [tilespmem:v13+s1+$0x0], $0xffff  }
0x1c7: {  	v6 =	vadd.f32 v7, v6;
	v7 =	vmul.f32 v10, v14;
	v10 =	vld.idx.msk [tilespmem:v13+s6+$0x0], $0xffff;
	v13 =	vor.u32 s8, v56  }
0x1c8: {  	v14 =	vld.idx.msk [tilespmem:v9+s1+$0x0], $0xffff  }
0x1c9: {  	v6 =	vadd.f32 v7, v6;
	v7 =	vmul.f32 v8, v15;
	v8 =	vld.idx.msk [tilespmem:v9+s6+$0x0], $0xffff;
	v9 =	vor.u32 s8, v57  }
0x1ca: {  	v15 =	vld.idx.msk [tilespmem:v12+s1+$0x0], $0xffff  }
0x1cb: {  	v6 =	vadd.f32 v7, v6;
	v7 =	vmul.f32 v11, v16;
	v11 =	vld.idx.msk [tilespmem:v12+s6+$0x0], $0xffff;
	v12 =	vor.u32 s8, v58  }
0x1cc: {  	v16 =	vld.idx.msk [tilespmem:v13+s1+$0x0], $0xffff  }
0x1cd: {  	v6 =	vadd.f32 v7, v6;
	v7 =	vmul.f32 v10, v17;
	v10 =	vld.idx.msk [tilespmem:v13+s6+$0x0], $0xffff;
	v13 =	vor.u32 s8, v59  }
0x1ce: {  	v17 =	vld.idx.msk [tilespmem:v9+s1+$0x0], $0xffff  }
0x1cf: {  	v6 =	vadd.f32 v7, v6;
	v7 =	vmul.f32 v8, v14;
	v8 =	vld.idx.msk [tilespmem:v9+s6+$0x0], $0xffff;
	v9 =	vor.u32 s8, v60  }
0x1d0: {  	v14 =	vld.idx.msk [tilespmem:v12+s1+$0x0], $0xffff  }
0x1d1: {  	v6 =	vadd.f32 v7, v6;
	v7 =	vmul.f32 v11, v15;
	v11 =	vld.idx.msk [tilespmem:v12+s6+$0x0], $0xffff;
	v12 =	vor.u32 s8, v61  }
0x1d2: {  	v15 =	vld.idx.msk [tilespmem:v13+s1+$0x0], $0xffff  }
0x1d3: {  	v6 =	vadd.f32 v7, v6;
	v7 =	vmul.f32 v10, v16;
	v10 =	vld.idx.msk [tilespmem:v13+s6+$0x0], $0xffff;
	v13 =	vor.u32 s8, v62  }
0x1d4: {  	v16 =	vld.idx.msk [tilespmem:v9+s1+$0x0], $0xffff  }
0x1d5: {  	v6 =	vadd.f32 v7, v6;
	v7 =	vmul.f32 v8, v17;
	v8 =	vld.idx.msk [tilespmem:v9+s6+$0x0], $0xffff;
	v9 =	vor.u32 s8, v63  }
0x1d6: {  	v17 =	vld.idx.msk [tilespmem:v12+s1+$0x0], $0xffff  }
0x1d7: {  	v6 =	vadd.f32 v7, v6;
	v7 =	vmul.f32 v11, v14;
	v11 =	vld.idx.msk [tilespmem:v12+s6+$0x0], $0xffff;
	v12 =	vor.u32 s8, v1  }
0x1d8: {  	v14 =	vld.idx.msk [tilespmem:v13+s1+$0x0], $0xffff  }
0x1d9: {  	v6 =	vadd.f32 v7, v6;
	v7 =	vmul.f32 v10, v15;
	v10 =	vld.idx.msk [tilespmem:v13+s6+$0x0], $0xffff;
	v13 =	vor.u32 s8, v2  }
0x1da: {  	v15 =	vld.idx.msk [tilespmem:v9+s1+$0x0], $0xffff  }
0x1db: {  	v6 =	vadd.f32 v7, v6;
	v7 =	vmul.f32 v8, v16;
	v8 =	vld.idx.msk [tilespmem:v9+s6+$0x0], $0xffff;
	v9 =	vor.u32 s8, v3  }
0x1dc: {  	v16 =	vld.idx.msk [tilespmem:v12+s1+$0x0], $0xffff  }
0x1dd: {  	v6 =	vadd.f32 v7, v6;
	v7 =	vmul.f32 v11, v17;
	v11 =	vld.idx.msk [tilespmem:v12+s6+$0x0], $0xffff;
	v12 =	vor.u32 s8, v4  }
0x1de: {  	v17 =	vld.idx.msk [tilespmem:v13+s1+$0x0], $0xffff  }
0x1df: {  	v6 =	vadd.f32 v7, v6;
	v7 =	vmul.f32 v10, v14;
	v10 =	vld.idx.msk [tilespmem:v13+s6+$0x0], $0xffff  }
0x1e0: {  	v13 =	vld.idx.msk [tilespmem:v9+s1+$0x0], $0xffff  }
0x1e1: {  	v6 =	vadd.f32 v7, v6;
	v7 =	vmul.f32 v8, v15;
	v8 =	vld.idx.msk [tilespmem:v9+s6+$0x0], $0xffff  }
0x1e2: {  	v9 =	vld.idx.msk [tilespmem:v12+s1+$0x0], $0xffff  }
0x1e3: {  	v6 =	vadd.f32 v7, v6;
	v7 =	vmul.f32 v11, v16;
	v11 =	vld.idx.msk [tilespmem:v12+s6+$0x0], $0xffff;
	_ =	sdelay $0x1  }
0x1e4: {  	v6 =	vadd.f32 v7, v6;
	v7 =	vmul.f32 v10, v17  }
.Ltmp13:
0x1e5: {  	(pc) =	sbr.rel @p4 .LBB2_17-.Ltmp13, $4  }
0x1e6: {  	s26 =	sshll.u32 s24, $0x4;
	s24 =	smov.u32 s11;
	v10 =	vadd.f32 v7, v6;
	v8 =	vmul.f32 v8, v13  }
0x1e7: {  	s8 =	sadd.s32 $0x20, s8;
	v7 =	vor.u32 s26, v0  }
0x1e8: {  	v6 =	vor.u32 s8, v36;
	v8 =	vadd.f32 v8, v10;
	v9 =	vmul.f32 v11, v9  }
0x1e9: {  	s11 =	sadd.s32 $0x1, s11  }
0x1ea: {  	_ =	sdelay $0x1  }
0x1eb: {  	v10 =	vor.u32 s8, v37;
	v8 =	vadd.f32 v9, v8;
	_ =	sdelay $0x1  }
0x1ec: {  	v18 =	vor.u32 s8, v38;
	[tilespmem:v7+s23+$0x0] =	vst.idx.msk $0xffff, v8  }
0x1ed: {  	v7 =	vld.idx.msk [tilespmem:v6+s6+$0x0], $0xffff  }
0x1ee: {  	v19 =	vor.u32 s8, v39;
	v6 =	vld.idx.msk [tilespmem:v6+s1+$0x0], $0xffff  }
0x1ef: {  	v11 =	vld.idx.msk [tilespmem:v10+s1+$0x0], $0xffff  }
0x1f0: {  	v12 =	vor.u32 s8, v40;
	v10 =	vld.idx.msk [tilespmem:v10+s6+$0x0], $0xffff  }
0x1f1: {  	v13 =	vld.idx.msk [tilespmem:v18+s1+$0x0], $0xffff  }
0x1f2: {  	v14 =	vor.u32 s8, v41;
	v9 =	vld.idx.msk [tilespmem:v18+s6+$0x0], $0xffff  }
0x1f3: {  	v15 =	vld.idx.msk [tilespmem:v19+s1+$0x0], $0xffff;
	v6 =	vmul.f32 v7, v6  }
0x1f4: {  	v8 =	vor.u32 s8, v42;
	v7 =	vld.idx.msk [tilespmem:v19+s6+$0x0], $0xffff  }
0x1f5: {  	v16 =	vld.idx.msk [tilespmem:v12+s1+$0x0], $0xffff;
	v6 =	vadd.f32 $0.0e+00, v6;
	v10 =	vmul.f32 v10, v11  }
0x1f6: {  	v11 =	vld.idx.msk [tilespmem:v12+s6+$0x0], $0xffff;
	v12 =	vor.u32 s8, v43  }
0x1f7: {  	v17 =	vld.idx.msk [tilespmem:v14+s1+$0x0], $0xffff;
	v9 =	vmul.f32 v9, v13;
	v6 =	vadd.f32 v10, v6  }
0x1f8: {  	v13 =	vor.u32 s8, v44;
	v10 =	vld.idx.msk [tilespmem:v14+s6+$0x0], $0xffff  }
0x1f9: {  	v14 =	vld.idx.msk [tilespmem:v8+s1+$0x0], $0xffff;
	v7 =	vmul.f32 v7, v15;
	v6 =	vadd.f32 v9, v6  }
0x1fa: {  	v8 =	vld.idx.msk [tilespmem:v8+s6+$0x0], $0xffff;
	v9 =	vor.u32 s8, v45  }
0x1fb: {  	v15 =	vld.idx.msk [tilespmem:v12+s1+$0x0], $0xffff;
	v6 =	vadd.f32 v7, v6;
	v7 =	vmul.f32 v11, v16  }
0x1fc: {  	v11 =	vld.idx.msk [tilespmem:v12+s6+$0x0], $0xffff;
	v12 =	vor.u32 s8, v46  }
0x1fd: {  	v16 =	vld.idx.msk [tilespmem:v13+s1+$0x0], $0xffff;
	v6 =	vadd.f32 v7, v6;
	v7 =	vmul.f32 v10, v17  }
0x1fe: {  	v10 =	vld.idx.msk [tilespmem:v13+s6+$0x0], $0xffff;
	v13 =	vor.u32 s8, v47  }
0x1ff: {  	v17 =	vld.idx.msk [tilespmem:v9+s1+$0x0], $0xffff;
	v6 =	vadd.f32 v7, v6;
	v7 =	vmul.f32 v8, v14  }
0x200: {  	v8 =	vld.idx.msk [tilespmem:v9+s6+$0x0], $0xffff;
	v9 =	vor.u32 s8, v48  }
0x201: {  	v14 =	vld.idx.msk [tilespmem:v12+s1+$0x0], $0xffff;
	v6 =	vadd.f32 v7, v6;
	v7 =	vmul.f32 v11, v15  }
0x202: {  	v11 =	vld.idx.msk [tilespmem:v12+s6+$0x0], $0xffff;
	v12 =	vor.u32 s8, v49  }
0x203: {  	v15 =	vld.idx.msk [tilespmem:v13+s1+$0x0], $0xffff;
	v6 =	vadd.f32 v7, v6;
	v7 =	vmul.f32 v10, v16  }
0x204: {  	v10 =	vld.idx.msk [tilespmem:v13+s6+$0x0], $0xffff;
	v13 =	vor.u32 s8, v50  }
0x205: {  	v16 =	vld.idx.msk [tilespmem:v9+s1+$0x0], $0xffff;
	v6 =	vadd.f32 v7, v6;
	v7 =	vmul.f32 v8, v17  }
0x206: {  	v8 =	vld.idx.msk [tilespmem:v9+s6+$0x0], $0xffff;
	v9 =	vor.u32 s8, v51  }
0x207: {  	v17 =	vld.idx.msk [tilespmem:v12+s1+$0x0], $0xffff;
	v6 =	vadd.f32 v7, v6;
	v7 =	vmul.f32 v11, v14  }
0x208: {  	v11 =	vld.idx.msk [tilespmem:v12+s6+$0x0], $0xffff;
	v12 =	vor.u32 s8, v52  }
0x209: {  	v14 =	vld.idx.msk [tilespmem:v13+s1+$0x0], $0xffff;
	v6 =	vadd.f32 v7, v6;
	v7 =	vmul.f32 v10, v15  }
0x20a: {  	v10 =	vld.idx.msk [tilespmem:v13+s6+$0x0], $0xffff;
	v13 =	vor.u32 s8, v53  }
0x20b: {  	v15 =	vld.idx.msk [tilespmem:v9+s1+$0x0], $0xffff;
	v6 =	vadd.f32 v7, v6;
	v7 =	vmul.f32 v8, v16  }
0x20c: {  	v8 =	vld.idx.msk [tilespmem:v9+s6+$0x0], $0xffff;
	v9 =	vor.u32 s8, v54  }
0x20d: {  	v16 =	vld.idx.msk [tilespmem:v12+s1+$0x0], $0xffff;
	v6 =	vadd.f32 v7, v6;
	v7 =	vmul.f32 v11, v17  }
0x20e: {  	v11 =	vld.idx.msk [tilespmem:v12+s6+$0x0], $0xffff;
	v12 =	vor.u32 s8, v55  }
0x20f: {  	v17 =	vld.idx.msk [tilespmem:v13+s1+$0x0], $0xffff;
	v6 =	vadd.f32 v7, v6;
	v7 =	vmul.f32 v10, v14  }
0x210: {  	v10 =	vld.idx.msk [tilespmem:v13+s6+$0x0], $0xffff;
	v13 =	vor.u32 s8, v56  }
0x211: {  	v14 =	vld.idx.msk [tilespmem:v9+s1+$0x0], $0xffff;
	v6 =	vadd.f32 v7, v6;
	v7 =	vmul.f32 v8, v15  }
0x212: {  	v8 =	vld.idx.msk [tilespmem:v9+s6+$0x0], $0xffff;
	v9 =	vor.u32 s8, v57  }
0x213: {  	v15 =	vld.idx.msk [tilespmem:v12+s1+$0x0], $0xffff;
	v6 =	vadd.f32 v7, v6;
	v7 =	vmul.f32 v11, v16  }
0x214: {  	v11 =	vld.idx.msk [tilespmem:v12+s6+$0x0], $0xffff;
	v12 =	vor.u32 s8, v58  }
0x215: {  	v16 =	vld.idx.msk [tilespmem:v13+s1+$0x0], $0xffff;
	v6 =	vadd.f32 v7, v6;
	v7 =	vmul.f32 v10, v17  }
0x216: {  	v10 =	vld.idx.msk [tilespmem:v13+s6+$0x0], $0xffff;
	v13 =	vor.u32 s8, v59  }
0x217: {  	v17 =	vld.idx.msk [tilespmem:v9+s1+$0x0], $0xffff;
	v6 =	vadd.f32 v7, v6;
	v7 =	vmul.f32 v8, v14  }
0x218: {  	v8 =	vld.idx.msk [tilespmem:v9+s6+$0x0], $0xffff;
	v9 =	vor.u32 s8, v60  }
0x219: {  	v14 =	vld.idx.msk [tilespmem:v12+s1+$0x0], $0xffff;
	v6 =	vadd.f32 v7, v6;
	v7 =	vmul.f32 v11, v15  }
0x21a: {  	v11 =	vld.idx.msk [tilespmem:v12+s6+$0x0], $0xffff;
	v12 =	vor.u32 s8, v61  }
0x21b: {  	v15 =	vld.idx.msk [tilespmem:v13+s1+$0x0], $0xffff;
	v6 =	vadd.f32 v7, v6;
	v7 =	vmul.f32 v10, v16  }
0x21c: {  	v10 =	vld.idx.msk [tilespmem:v13+s6+$0x0], $0xffff;
	v13 =	vor.u32 s8, v62  }
0x21d: {  	v16 =	vld.idx.msk [tilespmem:v9+s1+$0x0], $0xffff;
	v6 =	vadd.f32 v7, v6;
	v7 =	vmul.f32 v8, v17  }
0x21e: {  	v8 =	vld.idx.msk [tilespmem:v9+s6+$0x0], $0xffff;
	v9 =	vor.u32 s8, v63  }
0x21f: {  	v17 =	vld.idx.msk [tilespmem:v12+s1+$0x0], $0xffff;
	v6 =	vadd.f32 v7, v6;
	v7 =	vmul.f32 v11, v14  }
0x220: {  	v11 =	vld.idx.msk [tilespmem:v12+s6+$0x0], $0xffff;
	v12 =	vor.u32 s8, v1  }
0x221: {  	v14 =	vld.idx.msk [tilespmem:v13+s1+$0x0], $0xffff;
	v6 =	vadd.f32 v7, v6;
	v7 =	vmul.f32 v10, v15  }
0x222: {  	v10 =	vld.idx.msk [tilespmem:v13+s6+$0x0], $0xffff;
	v13 =	vor.u32 s8, v2  }
0x223: {  	v15 =	vld.idx.msk [tilespmem:v9+s1+$0x0], $0xffff;
	v6 =	vadd.f32 v7, v6;
	v7 =	vmul.f32 v8, v16  }
0x224: {  	v8 =	vld.idx.msk [tilespmem:v9+s6+$0x0], $0xffff;
	v9 =	vor.u32 s8, v3  }
0x225: {  	v16 =	vld.idx.msk [tilespmem:v12+s1+$0x0], $0xffff;
	v6 =	vadd.f32 v7, v6;
	v7 =	vmul.f32 v11, v17  }
0x226: {  	v11 =	vld.idx.msk [tilespmem:v12+s6+$0x0], $0xffff;
	v12 =	vor.u32 s8, v4  }
0x227: {  	v17 =	vld.idx.msk [tilespmem:v13+s1+$0x0], $0xffff;
	v6 =	vadd.f32 v7, v6;
	v7 =	vmul.f32 v10, v14  }
0x228: {  	v10 =	vld.idx.msk [tilespmem:v13+s6+$0x0], $0xffff  }
0x229: {  	v13 =	vld.idx.msk [tilespmem:v9+s1+$0x0], $0xffff;
	v6 =	vadd.f32 v7, v6;
	v7 =	vmul.f32 v8, v15  }
0x22a: {  	v15 =	vld.idx.msk [tilespmem:v9+s6+$0x0], $0xffff  }
0x22b: {  	v18 =	vld.idx.msk [tilespmem:v12+s1+$0x0], $0xffff;
	v6 =	vadd.f32 v7, v6;
	v7 =	vmul.f32 v11, v16  }
0x22c: {  	v19 =	vld.idx.msk [tilespmem:v12+s6+$0x0], $0xffff  }
0x22d: {  	v6 =	vadd.f32 v7, v6;
	v7 =	vmul.f32 v10, v17;
	_ =	sdelay $0x1  }
0x22e: {  	s26 =	sshll.u32 s24, $0x4;
	v6 =	vadd.f32 v7, v6;
	v7 =	vmul.f32 v15, v13  }
0x22f: {  	v12 =	vor.u32 s26, v0  }
0x230: {  	v6 =	vadd.f32 v7, v6;
	v7 =	vmul.f32 v19, v18;
	_ =	sdelay $0x1  }
0x231: {  	v6 =	vadd.f32 v7, v6;
	v7 =	vor.u32 $0x20, v0  }
0x232: {  	v9 =	vor.u32 $0x30, v0  }
0x233: {  	[tilespmem:v12+s23+$0x0] =	vst.idx.msk $0xffff, v6;
	v6 =	vor.u32 $0x40, v0  }
0x234: {  	v10 =	vor.u32 $0x50, v0;
	v8 =	vld.idx.msk [tilespmem:v0+s23+$0x0], $0xffff  }
0x235: {  	v12 =	vor.u32 $0x60, v0;
	v11 =	vld.idx.msk [tilespmem:v29+s23+$0x0], $0xffff  }
0x236: {  	v14 =	vor.u32 $0x70, v0;
	v13 =	vld.idx.msk [tilespmem:v7+s23+$0x0], $0xffff  }
0x237: {  	v15 =	vld.idx.msk [tilespmem:v9+s23+$0x0], $0xffff  }
0x238: {  	v16 =	vld.idx.msk [tilespmem:v6+s23+$0x0], $0xffff  }
0x239: {  	v17 =	vld.idx.msk [tilespmem:v10+s23+$0x0], $0xffff  }
0x23a: {  	v18 =	vld.idx.msk [tilespmem:v12+s23+$0x0], $0xffff;
	v8 =	vmul.f32 $1.767766920e-01, v8;
	v11 =	vmul.f32 $1.767766920e-01, v11  }
0x23b: {  	v19 =	vld.idx.msk [tilespmem:v14+s23+$0x0], $0xffff;
	v13 =	vmul.f32 $1.767766920e-01, v13  }
0x23c: {  	v15 =	vmul.f32 $1.767766920e-01, v15;
	v20 =	vmax.f32 v8, v11  }
0x23d: {  	v16 =	vmul.f32 $1.767766920e-01, v16;
	v20 =	vmax.f32 v20, v13  }
0x23e: {  	v17 =	vmul.f32 $1.767766920e-01, v17;
	v20 =	vmax.f32 v20, v15  }
0x23f: {  	v18 =	vmul.f32 $1.767766920e-01, v18;
	v20 =	vmax.f32 v20, v16  }
0x240: {  	v19 =	vmul.f32 $1.767766920e-01, v19;
	v20 =	vmax.f32 v20, v17  }
0x241: {  	v20 =	vmax.f32 v20, v18  }
0x242: {  	v20 =	vmax.f32 v20, v19  }
0x243: {  	v8 =	vsub.f32 v8, v20  }
0x244: {  	v11 =	vsub.f32 v11, v20  }
0x245: {  	v8 =	vmul.f32 $1.442695020e+00, v8  }
0x246: {  	v11 =	vmul.f32 $1.442695020e+00, v11  }
0x247: {  	v13 =	vsub.f32 v13, v20;
	(erf) = vpow2.f32 v8  }
0x248: {  	(erf) = vpow2.f32 v11  }
0x249: {  	v8 =	vmul.f32 $1.442695020e+00, v13;
	v13 =	vsub.f32 v15, v20  }
0x24a: {  	v16 =	vsub.f32 v16, v20  }
0x24b: {  	(erf) = vpow2.f32 v8;
	v15 =	vmul.f32 $1.442695020e+00, v13  }
0x24c: {  	v13 =	vmul.f32 $1.442695020e+00, v16  }
0x24d: {  	(erf) = vpow2.f32 v15;
	v15 =	vsub.f32 v17, v20;
	_ =	sdelay $0x1  }
0x24e: {  	v17 =	vsub.f32 v18, v20;
	(erf) = vpow2.f32 v13;
	v16 =	vmul.f32 $1.442695020e+00, v15  }
0x24f: {  	v13 =	vpop (erf)  }
0x250: {  	v18 =	vsub.f32 v19, v20;
	v8 =	vmul.f32 $1.442695020e+00, v17;
	(erf) = vpow2.f32 v16;
	v15 =	vpop (erf)  }
0x251: {  	v11 =	vadd.f32 v15, v13  }
0x252: {  	(erf) = vpow2.f32 v8;
	v8 =	vmul.f32 $1.442695020e+00, v18  }
0x253: {  	v16 =	vpop (erf)  }
0x254: {  	(erf) = vpow2.f32 v8;
	v19 =	vadd.f32 v11, v16  }
0x255: {  	v11 =	vpop (erf)  }
0x256: {  	v8 =	vadd.f32 v19, v11  }
0x257: {  	v17 =	vpop (erf)  }
0x258: {  	v8 =	vadd.f32 v8, v17  }
0x259: {  	v18 =	vpop (erf)  }
0x25a: {  	v8 =	vadd.f32 v8, v18  }
0x25b: {  	v19 =	vpop (erf)  }
0x25c: {  	v8 =	vadd.f32 v8, v19  }
0x25d: {  	v20 =	vpop (erf)  }
0x25e: {  	v8 =	vadd.f32 v8, v20;
	_ =	sdelay $0x1  }
0x25f: {  	(erf) = vrcp.f32 v8;
	_ =	sdelay $0x8  }
0x260: {  	v8 =	vpop (erf)  }
0x261: {  	v13 =	vmul.f32 v8, v13  }
0x262: {  	v15 =	vmul.f32 v8, v15  }
0x263: {  	v16 =	vmul.f32 v8, v16;
	[tilespmem:v0+s23+$0x0] =	vst.idx.msk $0xffff, v13  }
0x264: {  	v11 =	vmul.f32 v8, v11;
	[tilespmem:v29+s23+$0x0] =	vst.idx.msk $0xffff, v15  }
0x265: {  	[tilespmem:v7+s23+$0x0] =	vst.idx.msk $0xffff, v16;
	v7 =	vmul.f32 v8, v17  }
0x266: {  	v18 =	vmul.f32 v8, v18;
	[tilespmem:v9+s23+$0x0] =	vst.idx.msk $0xffff, v11  }
0x267: {  	[tilespmem:v6+s23+$0x0] =	vst.idx.msk $0xffff, v7;
	v6 =	vmul.f32 v8, v19  }
0x268: {  	v7 =	vmul.f32 v8, v20;
	[tilespmem:v10+s23+$0x0] =	vst.idx.msk $0xffff, v18  }
0x269: {  	[tilespmem:v12+s23+$0x0] =	vst.idx.msk $0xffff, v6  }
0x26a: {  	s11 =	simm.s32 $0x0;
	s8 =	simm.s32 $0x0;
	[tilespmem:v14+s23+$0x0] =	vst.idx.msk $0xffff, v7  }
.LBB2_19:
0x26b: {  	s24 =	sshll.u32 s11, $0x4;
	v7 =	vor.u32 s8, v36  }
0x26c: {  	v6 =	vor.u32 s24, v0;
	_ =	sdelay $0x3  }
0x26d: {  	v8 =	vld.idx.msk [tilespmem:v7+s3+$0x0], $0xffff  }
0x26e: {  	v6 =	vld.idx.msk [tilespmem:v6+s23+$0x0], $0xffff;
	_ =	sdelay $0x2  }
0x26f: {  	v9 =	vor.u32 s8, v37;
	_ =	sdelay $0x1  }
0x270: {  	v8 =	vmul.f32 v8, v6;
	_ =	sdelay $0x1  }
0x271: {  	[tilespmem:v7+s6+$0x0] =	vst.idx.msk $0xffff, v8  }
0x272: {  	v7 =	vld.idx.msk [tilespmem:v9+s3+$0x0], $0xffff;
	_ =	sdelay $0x2  }
0x273: {  	v14 =	vor.u32 s8, v38;
	_ =	sdelay $0x1  }
0x274: {  	v7 =	vmul.f32 v7, v6;
	_ =	sdelay $0x1  }
0x275: {  	[tilespmem:v9+s6+$0x0] =	vst.idx.msk $0xffff, v7  }
0x276: {  	v7 =	vld.idx.msk [tilespmem:v14+s3+$0x0], $0xffff;
	_ =	sdelay $0x2  }
0x277: {  	v15 =	vor.u32 s8, v39;
	_ =	sdelay $0x1  }
0x278: {  	v7 =	vmul.f32 v7, v6;
	_ =	sdelay $0x1  }
0x279: {  	[tilespmem:v14+s6+$0x0] =	vst.idx.msk $0xffff, v7  }
0x27a: {  	v7 =	vld.idx.msk [tilespmem:v15+s3+$0x0], $0xffff;
	_ =	sdelay $0x2  }
0x27b: {  	v16 =	vor.u32 s8, v40;
	_ =	sdelay $0x1  }
0x27c: {  	v7 =	vmul.f32 v7, v6;
	_ =	sdelay $0x1  }
0x27d: {  	[tilespmem:v15+s6+$0x0] =	vst.idx.msk $0xffff, v7  }
0x27e: {  	v7 =	vld.idx.msk [tilespmem:v16+s3+$0x0], $0xffff;
	_ =	sdelay $0x2  }
0x27f: {  	v17 =	vor.u32 s8, v41;
	_ =	sdelay $0x1  }
0x280: {  	v7 =	vmul.f32 v7, v6;
	_ =	sdelay $0x1  }
0x281: {  	[tilespmem:v16+s6+$0x0] =	vst.idx.msk $0xffff, v7  }
0x282: {  	v7 =	vld.idx.msk [tilespmem:v17+s3+$0x0], $0xffff;
	_ =	sdelay $0x2  }
0x283: {  	v18 =	vor.u32 s8, v42;
	_ =	sdelay $0x1  }
0x284: {  	v7 =	vmul.f32 v7, v6;
	_ =	sdelay $0x1  }
0x285: {  	[tilespmem:v17+s6+$0x0] =	vst.idx.msk $0xffff, v7  }
0x286: {  	v7 =	vld.idx.msk [tilespmem:v18+s3+$0x0], $0xffff;
	_ =	sdelay $0x2  }
0x287: {  	v19 =	vor.u32 s8, v43;
	_ =	sdelay $0x1  }
0x288: {  	v7 =	vmul.f32 v7, v6;
	_ =	sdelay $0x1  }
0x289: {  	[tilespmem:v18+s6+$0x0] =	vst.idx.msk $0xffff, v7  }
0x28a: {  	v7 =	vld.idx.msk [tilespmem:v19+s3+$0x0], $0xffff;
	_ =	sdelay $0x2  }
0x28b: {  	v12 =	vor.u32 s8, v44;
	_ =	sdelay $0x1  }
0x28c: {  	v7 =	vmul.f32 v7, v6;
	_ =	sdelay $0x1  }
0x28d: {  	[tilespmem:v19+s6+$0x0] =	vst.idx.msk $0xffff, v7  }
0x28e: {  	v7 =	vld.idx.msk [tilespmem:v12+s3+$0x0], $0xffff;
	_ =	sdelay $0x2  }
0x28f: {  	v13 =	vor.u32 s8, v45;
	_ =	sdelay $0x1  }
0x290: {  	v7 =	vmul.f32 v7, v6;
	_ =	sdelay $0x1  }
0x291: {  	[tilespmem:v12+s6+$0x0] =	vst.idx.msk $0xffff, v7  }
0x292: {  	v7 =	vld.idx.msk [tilespmem:v13+s3+$0x0], $0xffff;
	_ =	sdelay $0x2  }
0x293: {  	v14 =	vor.u32 s8, v46;
	_ =	sdelay $0x1  }
0x294: {  	v7 =	vmul.f32 v7, v6;
	_ =	sdelay $0x1  }
0x295: {  	[tilespmem:v13+s6+$0x0] =	vst.idx.msk $0xffff, v7  }
0x296: {  	v7 =	vld.idx.msk [tilespmem:v14+s3+$0x0], $0xffff;
	_ =	sdelay $0x2  }
0x297: {  	v15 =	vor.u32 s8, v47;
	_ =	sdelay $0x1  }
0x298: {  	v7 =	vmul.f32 v7, v6;
	_ =	sdelay $0x1  }
0x299: {  	[tilespmem:v14+s6+$0x0] =	vst.idx.msk $0xffff, v7  }
0x29a: {  	v7 =	vld.idx.msk [tilespmem:v15+s3+$0x0], $0xffff;
	_ =	sdelay $0x2  }
0x29b: {  	v16 =	vor.u32 s8, v48;
	_ =	sdelay $0x1  }
0x29c: {  	v7 =	vmul.f32 v7, v6;
	_ =	sdelay $0x1  }
0x29d: {  	[tilespmem:v15+s6+$0x0] =	vst.idx.msk $0xffff, v7  }
0x29e: {  	v7 =	vld.idx.msk [tilespmem:v16+s3+$0x0], $0xffff;
	_ =	sdelay $0x2  }
0x29f: {  	v17 =	vor.u32 s8, v49;
	_ =	sdelay $0x1  }
0x2a0: {  	v7 =	vmul.f32 v7, v6;
	_ =	sdelay $0x1  }
0x2a1: {  	[tilespmem:v16+s6+$0x0] =	vst.idx.msk $0xffff, v7  }
0x2a2: {  	v7 =	vld.idx.msk [tilespmem:v17+s3+$0x0], $0xffff;
	_ =	sdelay $0x2  }
0x2a3: {  	v18 =	vor.u32 s8, v50;
	_ =	sdelay $0x1  }
0x2a4: {  	v7 =	vmul.f32 v7, v6;
	_ =	sdelay $0x1  }
0x2a5: {  	[tilespmem:v17+s6+$0x0] =	vst.idx.msk $0xffff, v7  }
0x2a6: {  	v7 =	vld.idx.msk [tilespmem:v18+s3+$0x0], $0xffff;
	_ =	sdelay $0x2  }
0x2a7: {  	v19 =	vor.u32 s8, v51;
	_ =	sdelay $0x1  }
0x2a8: {  	v7 =	vmul.f32 v7, v6;
	_ =	sdelay $0x1  }
0x2a9: {  	[tilespmem:v18+s6+$0x0] =	vst.idx.msk $0xffff, v7  }
0x2aa: {  	v7 =	vld.idx.msk [tilespmem:v19+s3+$0x0], $0xffff;
	_ =	sdelay $0x2  }
0x2ab: {  	v12 =	vor.u32 s8, v52;
	_ =	sdelay $0x1  }
0x2ac: {  	v7 =	vmul.f32 v7, v6;
	_ =	sdelay $0x1  }
0x2ad: {  	[tilespmem:v19+s6+$0x0] =	vst.idx.msk $0xffff, v7  }
0x2ae: {  	v7 =	vld.idx.msk [tilespmem:v12+s3+$0x0], $0xffff;
	_ =	sdelay $0x2  }
0x2af: {  	v13 =	vor.u32 s8, v53;
	_ =	sdelay $0x1  }
0x2b0: {  	v7 =	vmul.f32 v7, v6;
	_ =	sdelay $0x1  }
0x2b1: {  	[tilespmem:v12+s6+$0x0] =	vst.idx.msk $0xffff, v7  }
0x2b2: {  	v7 =	vld.idx.msk [tilespmem:v13+s3+$0x0], $0xffff;
	_ =	sdelay $0x2  }
0x2b3: {  	v14 =	vor.u32 s8, v54;
	_ =	sdelay $0x1  }
0x2b4: {  	v7 =	vmul.f32 v7, v6;
	_ =	sdelay $0x1  }
0x2b5: {  	[tilespmem:v13+s6+$0x0] =	vst.idx.msk $0xffff, v7  }
0x2b6: {  	v7 =	vld.idx.msk [tilespmem:v14+s3+$0x0], $0xffff;
	_ =	sdelay $0x2  }
0x2b7: {  	v15 =	vor.u32 s8, v55;
	_ =	sdelay $0x1  }
0x2b8: {  	v7 =	vmul.f32 v7, v6;
	_ =	sdelay $0x1  }
0x2b9: {  	[tilespmem:v14+s6+$0x0] =	vst.idx.msk $0xffff, v7  }
0x2ba: {  	v7 =	vld.idx.msk [tilespmem:v15+s3+$0x0], $0xffff;
	_ =	sdelay $0x2  }
0x2bb: {  	v16 =	vor.u32 s8, v56;
	_ =	sdelay $0x1  }
0x2bc: {  	v7 =	vmul.f32 v7, v6;
	_ =	sdelay $0x1  }
0x2bd: {  	[tilespmem:v15+s6+$0x0] =	vst.idx.msk $0xffff, v7  }
0x2be: {  	v7 =	vld.idx.msk [tilespmem:v16+s3+$0x0], $0xffff;
	_ =	sdelay $0x2  }
0x2bf: {  	v17 =	vor.u32 s8, v57;
	_ =	sdelay $0x1  }
0x2c0: {  	v7 =	vmul.f32 v7, v6;
	_ =	sdelay $0x1  }
0x2c1: {  	[tilespmem:v16+s6+$0x0] =	vst.idx.msk $0xffff, v7  }
0x2c2: {  	v7 =	vld.idx.msk [tilespmem:v17+s3+$0x0], $0xffff;
	_ =	sdelay $0x2  }
0x2c3: {  	v18 =	vor.u32 s8, v58;
	_ =	sdelay $0x1  }
0x2c4: {  	v7 =	vmul.f32 v7, v6;
	_ =	sdelay $0x1  }
0x2c5: {  	[tilespmem:v17+s6+$0x0] =	vst.idx.msk $0xffff, v7  }
0x2c6: {  	v7 =	vld.idx.msk [tilespmem:v18+s3+$0x0], $0xffff;
	_ =	sdelay $0x2  }
0x2c7: {  	v19 =	vor.u32 s8, v59;
	_ =	sdelay $0x1  }
0x2c8: {  	v7 =	vmul.f32 v7, v6;
	_ =	sdelay $0x1  }
0x2c9: {  	[tilespmem:v18+s6+$0x0] =	vst.idx.msk $0xffff, v7  }
0x2ca: {  	v7 =	vld.idx.msk [tilespmem:v19+s3+$0x0], $0xffff;
	_ =	sdelay $0x2  }
0x2cb: {  	v12 =	vor.u32 s8, v60;
	_ =	sdelay $0x1  }
0x2cc: {  	v7 =	vmul.f32 v7, v6;
	_ =	sdelay $0x1  }
0x2cd: {  	[tilespmem:v19+s6+$0x0] =	vst.idx.msk $0xffff, v7  }
0x2ce: {  	v7 =	vld.idx.msk [tilespmem:v12+s3+$0x0], $0xffff;
	_ =	sdelay $0x2  }
0x2cf: {  	v13 =	vor.u32 s8, v61;
	_ =	sdelay $0x1  }
0x2d0: {  	v7 =	vmul.f32 v7, v6;
	_ =	sdelay $0x1  }
0x2d1: {  	[tilespmem:v12+s6+$0x0] =	vst.idx.msk $0xffff, v7  }
0x2d2: {  	v7 =	vld.idx.msk [tilespmem:v13+s3+$0x0], $0xffff;
	_ =	sdelay $0x2  }
0x2d3: {  	v14 =	vor.u32 s8, v62;
	_ =	sdelay $0x1  }
0x2d4: {  	v7 =	vmul.f32 v7, v6;
	_ =	sdelay $0x1  }
0x2d5: {  	[tilespmem:v13+s6+$0x0] =	vst.idx.msk $0xffff, v7  }
0x2d6: {  	v7 =	vld.idx.msk [tilespmem:v14+s3+$0x0], $0xffff;
	_ =	sdelay $0x2  }
0x2d7: {  	v15 =	vor.u32 s8, v63;
	_ =	sdelay $0x1  }
0x2d8: {  	v7 =	vmul.f32 v7, v6;
	_ =	sdelay $0x1  }
0x2d9: {  	[tilespmem:v14+s6+$0x0] =	vst.idx.msk $0xffff, v7  }
0x2da: {  	v7 =	vld.idx.msk [tilespmem:v15+s3+$0x0], $0xffff;
	_ =	sdelay $0x2  }
0x2db: {  	v16 =	vor.u32 s8, v1;
	_ =	sdelay $0x1  }
0x2dc: {  	v7 =	vmul.f32 v7, v6;
	_ =	sdelay $0x1  }
0x2dd: {  	[tilespmem:v15+s6+$0x0] =	vst.idx.msk $0xffff, v7  }
0x2de: {  	v7 =	vld.idx.msk [tilespmem:v16+s3+$0x0], $0xffff;
	_ =	sdelay $0x2  }
0x2df: {  	v17 =	vor.u32 s8, v2;
	_ =	sdelay $0x1  }
0x2e0: {  	v7 =	vmul.f32 v7, v6;
	_ =	sdelay $0x1  }
0x2e1: {  	[tilespmem:v16+s6+$0x0] =	vst.idx.msk $0xffff, v7  }
0x2e2: {  	v7 =	vld.idx.msk [tilespmem:v17+s3+$0x0], $0xffff;
	_ =	sdelay $0x2  }
0x2e3: {  	v18 =	vor.u32 s8, v3;
	_ =	sdelay $0x1  }
0x2e4: {  	v7 =	vmul.f32 v7, v6;
	_ =	sdelay $0x1  }
0x2e5: {  	[tilespmem:v17+s6+$0x0] =	vst.idx.msk $0xffff, v7  }
0x2e6: {  	v7 =	vld.idx.msk [tilespmem:v18+s3+$0x0], $0xffff;
	_ =	sdelay $0x2  }
0x2e7: {  	v19 =	vor.u32 s8, v4;
	_ =	sdelay $0x1  }
0x2e8: {  	v7 =	vmul.f32 v7, v6;
	_ =	sdelay $0x1  }
0x2e9: {  	[tilespmem:v18+s6+$0x0] =	vst.idx.msk $0xffff, v7  }
0x2ea: {  	v7 =	vld.idx.msk [tilespmem:v19+s3+$0x0], $0xffff;
	_ =	sdelay $0x1  }
0x2eb: {  	p4 =	sne.s32 s11, $0x7  }
.Ltmp14:
0x2ec: {  	_ = 	snop;
	(pc) =	sbr.rel @p4 .LBB2_19-.Ltmp14, $3  }
0x2ed: {  	_ = 	snop  }
0x2ee: {  	v6 =	vmul.f32 v7, v6;
	_ =	sdelay $0x1  }
0x2ef: {  	s11 =	sadd.s32 $0x1, s11;
	s8 =	sadd.s32 $0x20, s8;
	[tilespmem:v19+s6+$0x0] =	vst.idx.msk $0xffff, v6  }
0x2f0: {  	v1 =	vor.u32 s30, v0  }
0x2f1: {  	vm0 =	vlt.s32 v1, v35;
	v1 =	vsub.s32 v5, v34  }
0x2f2: {  	v1 =	vnsel vm0, $0xFFFFFFFF, v1  }
.Ltmp15:
0x2f3: {  	_ = 	snop;
	(pc) =	sbr.rel @p3 .LBB2_16-.Ltmp15, $4  }
0x2f4: {  	s8 =	sshll.u32 s29, $0xC  }
0x2f5: {  	(ifvalue) =	ssetifvalue $0xFFFFFFFF;
	s8 =	sand.u32 $0x3FFFF000, s8  }
0x2f6: {  	vm15 =	vmmov $0xffff;
	s29 =	simm.s32 $0x1;
	p4 =	por $0x0, $0x0;
	s8 =	sadd.s32 $0x7E00, s8  }
0x2f7: {  	[spmem:s2] =	stream.indirect_vreg.scatter.add.f32 [tilespmem:s8], [sflag:$0x3], $0x100, v1, vm15, $0x40b8;
	[tilespmem:$0x1BE80] =	vst v63  }
0x2f8: {  	_ =	swait.ge [sflag:s7], $0x1000  }
0x2f9: {  	[sflag:s7] =	ssyncset.done $0x0  }
0x2fa: {  	[sflag:s7] =	ssyncadd.s32 $0xFFFFF000  }
0x2fb: {  	_ =	swait.ge [sflag:s7], $0x1000  }
0x2fc: {  	[sflag:s7] =	ssyncset.done $0x0  }
0x2fd: {  	[sflag:s7] =	ssyncadd.s32 $0xFFFFF000  }
.LBB2_22:
.Ltmp16:
0x2fe: {  	(pc) =	sbr.rel @p2 .LBB2_30-.Ltmp16, $1  }
0x2ff: {  	_ =	sdelay $0x3  }
0x300: {  	s8 =	sadd.s32 $0x2, s21  }
0x301: {  	p2 =	sge.s32 s8, s17  }
0x302: {  	s8 =	sshll.u32 @!p2 s8, $0x5  }
0x303: {  	s21 =	simm.s32 @!p2 $0x20;
	s22 =	simm.s32 @!p2 $0x5E00;
	s11 =	sadd.s32 @!p2 $0xFA0, s8  }
0x304: {  	[tilespmem:s22], [sflag:$0x1] =	stream.indirect.gather @!p2 [hbm4b:s0+s21], $0x100, s11, s21, $0xb8;
	[tilespmem:$0x1BE80] =	vst v63  }
0x305: {  	s8 =	sadd.s32 @!p2 $0x36D0, s8;
	s11 =	simm.s32 @!p2 $0x7E00  }
0x306: {  	[tilespmem:s11], [sflag:$0x1] =	stream.indirect.gather @!p2 [hbm4b:s4+s21], $0x100, s8, s21, $0xb8;
	[tilespmem:$0x1BE80] =	vst v63  }
0x307: {  	s11 =	simm.s32 @!p2 $0x9E00  }
0x308: {  	[tilespmem:s11], [sflag:$0x1] =	stream.indirect.gather @!p2 [hbm4b:s5+s21], $0x100, s8, s21, $0xb8;
	[tilespmem:$0x1BE80] =	vst v63  }
0x309: {  	_ =	swait.ge [sflag:s9], $0x2000  }
0x30a: {  	[sflag:s9] =	ssyncset.done $0x0  }
0x30b: {  	[sflag:s9] =	ssyncadd.s32 $0xFFFFE000  }
0x30c: {  	_ =	swait.ge [sflag:s9], $0x2000  }
0x30d: {  	[sflag:s9] =	ssyncset.done $0x0  }
0x30e: {  	[sflag:s9] =	ssyncadd.s32 $0xFFFFE000  }
0x30f: {  	_ =	swait.ge [sflag:s9], $0x2000  }
0x310: {  	s20 =	sshll.u32 s20, $0x5;
	p3 =	por $0x1, $0x1;
	[sflag:s9] =	ssyncset.done $0x0  }
0x311: {  	s22 =	simm.s32 $0x0;
	s21 =	simm.s32 $0x0;
	[sflag:s9] =	ssyncadd.s32 $0xFFFFE000  }
.LBB2_24:
0x312: {  	v2 =	vld [tilespmem:$0x1FED0];
	_ =	sdelay $0x1  }
0x313: {  	s8 =	sshll.u32 s22, $0x4  }
0x314: {  	v1 =	vmov s8  }
0x315: {  	v3 =	vld [tilespmem:$0x1FEF0];
	v1 =	vshll.u32 v1, $0x8  }
0x316: {  	v4 =	vor.u32 v2, v1;
	v2 =	vld [tilespmem:$0x1FEE0]  }
0x317: {  	v5 =	vld [tilespmem:$0x1FF00]  }
0x318: {  	v7 =	vld [tilespmem:$0x1FF10]  }
0x319: {  	v9 =	vld [tilespmem:$0x1FF20];
	v36 =	vor.u32 v0, v4  }
0x31a: {  	v11 =	vld [tilespmem:$0x1FF30];
	v1 =	vor.u32 s21, v36  }
0x31b: {  	v12 =	vld [tilespmem:$0x1FF40];
	v37 =	vor.u32 v2, v4  }
0x31c: {  	v13 =	vld [tilespmem:$0x1FF50];
	v2 =	vor.u32 s21, v37  }
0x31d: {  	v54 =	vld [tilespmem:$0x1FF80];
	v38 =	vor.u32 v3, v4  }
0x31e: {  	v56 =	vld [tilespmem:$0x1FF90];
	v3 =	vor.u32 s21, v38  }
0x31f: {  	v39 =	vor.u32 v5, v4;
	v5 =	vld.idx.msk [tilespmem:v1+s13+$0x0], $0xffff  }
0x320: {  	v40 =	vor.u32 v7, v4;
	v6 =	vor.u32 s21, v39;
	v1 =	vld.idx.msk [tilespmem:v1+s10+$0x0], $0xffff  }
0x321: {  	v8 =	vor.u32 s21, v40;
	v7 =	vld.idx.msk [tilespmem:v2+s10+$0x0], $0xffff  }
0x322: {  	v41 =	vor.u32 v9, v4;
	v2 =	vld.idx.msk [tilespmem:v2+s13+$0x0], $0xffff  }
0x323: {  	v10 =	vor.u32 s21, v41;
	v9 =	vld.idx.msk [tilespmem:v3+s10+$0x0], $0xffff  }
0x324: {  	v3 =	vld.idx.msk [tilespmem:v3+s13+$0x0], $0xffff  }
0x325: {  	v42 =	vor.u32 v11, v4;
	v11 =	vld.idx.msk [tilespmem:v6+s10+$0x0], $0xffff;
	v1 =	vmul.f32 v5, v1  }
0x326: {  	v52 =	vld.idx.msk [tilespmem:v8+s10+$0x0], $0xffff  }
0x327: {  	v5 =	vld.idx.msk [tilespmem:v6+s13+$0x0], $0xffff;
	v1 =	vadd.f32 $0.0e+00, v1;
	v2 =	vmul.f32 v2, v7  }
0x328: {  	v53 =	vld.idx.msk [tilespmem:v10+s10+$0x0], $0xffff  }
0x329: {  	v6 =	vor.u32 s21, v42;
	v1 =	vadd.f32 v2, v1;
	v2 =	vmul.f32 v3, v9;
	v3 =	vld.idx.msk [tilespmem:v10+s13+$0x0], $0xffff  }
0x32a: {  	v43 =	vor.u32 v12, v4;
	v10 =	vld [tilespmem:$0x1FF60]  }
0x32b: {  	v7 =	vld.idx.msk [tilespmem:v8+s13+$0x0], $0xffff;
	v8 =	vor.u32 s21, v43  }
0x32c: {  	v44 =	vor.u32 v13, v4;
	v1 =	vadd.f32 v2, v1;
	v2 =	vmul.f32 v5, v11;
	v11 =	vld [tilespmem:$0x1FF70]  }
0x32d: {  	v58 =	vld [tilespmem:$0x1FFC0];
	v9 =	vor.u32 s21, v44  }
0x32e: {  	v5 =	vld.idx.msk [tilespmem:v6+s13+$0x0], $0xffff  }
0x32f: {  	v45 =	vor.u32 v10, v4;
	v10 =	vld.idx.msk [tilespmem:v6+s10+$0x0], $0xffff  }
0x330: {  	v1 =	vadd.f32 v2, v1;
	v2 =	vmul.f32 v7, v52;
	v7 =	vld.idx.msk [tilespmem:v8+s13+$0x0], $0xffff;
	v6 =	vor.u32 s21, v45  }
0x331: {  	v46 =	vor.u32 v11, v4;
	v11 =	vld.idx.msk [tilespmem:v8+s10+$0x0], $0xffff  }
0x332: {  	v55 =	vld.idx.msk [tilespmem:v9+s10+$0x0], $0xffff;
	v1 =	vadd.f32 v2, v1;
	v2 =	vmul.f32 v3, v53  }
0x333: {  	v3 =	vld.idx.msk [tilespmem:v9+s13+$0x0], $0xffff;
	v8 =	vor.u32 s21, v46  }
0x334: {  	v47 =	vor.u32 v54, v4;
	v1 =	vadd.f32 v2, v1;
	v2 =	vmul.f32 v5, v10;
	v10 =	vld [tilespmem:$0x1FFA0]  }
0x335: {  	v9 =	vor.u32 s21, v47;
	v57 =	vld.idx.msk [tilespmem:v6+s10+$0x0], $0xffff  }
0x336: {  	v1 =	vadd.f32 v2, v1;
	v2 =	vmul.f32 v7, v11;
	v11 =	vld [tilespmem:$0x1FFB0]  }
0x337: {  	v48 =	vor.u32 v56, v4;
	v5 =	vld.idx.msk [tilespmem:v6+s13+$0x0], $0xffff  }
0x338: {  	v6 =	vor.u32 s21, v48;
	v7 =	vld.idx.msk [tilespmem:v8+s13+$0x0], $0xffff  }
0x339: {  	v49 =	vor.u32 v10, v4;
	v10 =	vld.idx.msk [tilespmem:v8+s10+$0x0], $0xffff  }
0x33a: {  	v1 =	vadd.f32 v2, v1;
	v2 =	vmul.f32 v3, v55;
	v3 =	vld.idx.msk [tilespmem:v9+s13+$0x0], $0xffff  }
0x33b: {  	v50 =	vor.u32 v11, v4;
	v11 =	vld.idx.msk [tilespmem:v9+s10+$0x0], $0xffff  }
0x33c: {  	v62 =	vld [tilespmem:$0x1FFE0];
	v8 =	vor.u32 s21, v49;
	v1 =	vadd.f32 v2, v1;
	v2 =	vmul.f32 v5, v57  }
0x33d: {  	v59 =	vld.idx.msk [tilespmem:v6+s10+$0x0], $0xffff  }
0x33e: {  	v9 =	vor.u32 s21, v50;
	v1 =	vadd.f32 v2, v1;
	v2 =	vmul.f32 v7, v10;
	v10 =	vld [tilespmem:$0x1FFD0]  }
0x33f: {  	v51 =	vor.u32 v58, v4;
	v5 =	vld.idx.msk [tilespmem:v6+s13+$0x0], $0xffff  }
0x340: {  	v6 =	vor.u32 s21, v51;
	v1 =	vadd.f32 v2, v1;
	v2 =	vmul.f32 v3, v11;
	v11 =	vld [tilespmem:$0x1FFF0]  }
0x341: {  	v52 =	vor.u32 v29, v4;
	v60 =	vld.idx.msk [tilespmem:v8+s10+$0x0], $0xffff  }
0x342: {  	v7 =	vld.idx.msk [tilespmem:v8+s13+$0x0], $0xffff;
	v8 =	vor.u32 s21, v52  }
0x343: {  	v3 =	vld.idx.msk [tilespmem:v9+s13+$0x0], $0xffff;
	v53 =	vor.u32 v10, v4  }
0x344: {  	v10 =	vld.idx.msk [tilespmem:v9+s10+$0x0], $0xffff;
	v9 =	vor.u32 s21, v53  }
0x345: {  	v1 =	vadd.f32 v2, v1;
	v2 =	vmul.f32 v5, v59;
	v5 =	vld.idx.msk [tilespmem:v6+s13+$0x0], $0xffff;
	v54 =	vor.u32 v11, v4  }
0x346: {  	v11 =	vld.idx.msk [tilespmem:v6+s10+$0x0], $0xffff;
	v6 =	vor.u32 s21, v54  }
0x347: {  	v55 =	vor.u32 v21, v4;
	v61 =	vld.idx.msk [tilespmem:v8+s10+$0x0], $0xffff;
	v1 =	vadd.f32 v2, v1;
	v2 =	vmul.f32 v7, v60  }
0x348: {  	v7 =	vld.idx.msk [tilespmem:v8+s13+$0x0], $0xffff;
	v8 =	vor.u32 s21, v55  }
0x349: {  	v56 =	vor.u32 v62, v4;
	v1 =	vadd.f32 v2, v1;
	v2 =	vmul.f32 v3, v10;
	v63 =	vld.idx.msk [tilespmem:v9+s10+$0x0], $0xffff  }
0x34a: {  	v3 =	vld.idx.msk [tilespmem:v9+s13+$0x0], $0xffff;
	v9 =	vor.u32 s21, v56  }
0x34b: {  	v57 =	vor.u32 v22, v4;
	v1 =	vadd.f32 v2, v1;
	v2 =	vmul.f32 v5, v11;
	v10 =	vld.idx.msk [tilespmem:v6+s10+$0x0], $0xffff  }
0x34c: {  	v5 =	vld.idx.msk [tilespmem:v6+s13+$0x0], $0xffff;
	v6 =	vor.u32 s21, v57  }
0x34d: {  	v58 =	vor.u32 v23, v4;
	v11 =	vld.idx.msk [tilespmem:v8+s10+$0x0], $0xffff;
	v1 =	vadd.f32 v2, v1;
	v2 =	vmul.f32 v7, v61  }
0x34e: {  	v7 =	vld.idx.msk [tilespmem:v8+s13+$0x0], $0xffff;
	v8 =	vor.u32 s21, v58  }
0x34f: {  	v59 =	vor.u32 v24, v4;
	v16 =	vld.idx.msk [tilespmem:v9+s10+$0x0], $0xffff;
	v1 =	vadd.f32 v2, v1;
	v2 =	vmul.f32 v3, v63  }
0x350: {  	v3 =	vld.idx.msk [tilespmem:v9+s13+$0x0], $0xffff;
	v9 =	vor.u32 s21, v59  }
0x351: {  	v60 =	vor.u32 v25, v4;
	v17 =	vld.idx.msk [tilespmem:v6+s10+$0x0], $0xffff;
	v1 =	vadd.f32 v2, v1;
	v2 =	vmul.f32 v5, v10  }
0x352: {  	v5 =	vld.idx.msk [tilespmem:v6+s13+$0x0], $0xffff;
	v6 =	vor.u32 s21, v60  }
0x353: {  	v61 =	vor.u32 v26, v4;
	v10 =	vld.idx.msk [tilespmem:v8+s10+$0x0], $0xffff;
	v1 =	vadd.f32 v2, v1;
	v2 =	vmul.f32 v7, v11  }
0x354: {  	v7 =	vld.idx.msk [tilespmem:v8+s13+$0x0], $0xffff;
	v8 =	vor.u32 s21, v61  }
0x355: {  	v62 =	vor.u32 v27, v4;
	v11 =	vld.idx.msk [tilespmem:v9+s10+$0x0], $0xffff;
	v1 =	vadd.f32 v2, v1;
	v2 =	vmul.f32 v3, v16  }
0x356: {  	v3 =	vld.idx.msk [tilespmem:v9+s13+$0x0], $0xffff;
	v9 =	vor.u32 s21, v62  }
0x357: {  	v63 =	vor.u32 v28, v4;
	v18 =	vld.idx.msk [tilespmem:v6+s10+$0x0], $0xffff;
	v5 =	vmul.f32 v5, v17;
	v2 =	vadd.f32 v2, v1  }
0x358: {  	v19 =	vor.u32 s21, v63;
	v6 =	vld.idx.msk [tilespmem:v6+s13+$0x0], $0xffff  }
0x359: {  	v1 =	vor.u32 v30, v4;
	v14 =	vld.idx.msk [tilespmem:v8+s10+$0x0], $0xffff;
	v7 =	vmul.f32 v7, v10;
	v5 =	vadd.f32 v5, v2  }
0x35a: {  	v8 =	vld.idx.msk [tilespmem:v8+s13+$0x0], $0xffff;
	v10 =	vor.u32 s21, v1  }
0x35b: {  	v2 =	vor.u32 v31, v4;
	v15 =	vld.idx.msk [tilespmem:v9+s10+$0x0], $0xffff;
	v5 =	vadd.f32 v7, v5;
	v7 =	vmul.f32 v3, v11  }
0x35c: {  	v9 =	vld.idx.msk [tilespmem:v9+s13+$0x0], $0xffff;
	v11 =	vor.u32 s21, v2  }
0x35d: {  	v16 =	vld.idx.msk [tilespmem:v19+s13+$0x0], $0xffff;
	v3 =	vor.u32 v32, v4;
	v6 =	vmul.f32 v6, v18;
	v5 =	vadd.f32 v7, v5  }
0x35e: {  	v17 =	vor.u32 s21, v3;
	v7 =	vld.idx.msk [tilespmem:v19+s10+$0x0], $0xffff  }
0x35f: {  	v5 =	vadd.f32 v6, v5;
	v6 =	vmul.f32 v8, v14;
	v8 =	vld.idx.msk [tilespmem:v10+s10+$0x0], $0xffff  }
0x360: {  	v4 =	vor.u32 v33, v4;
	v10 =	vld.idx.msk [tilespmem:v10+s13+$0x0], $0xffff  }
0x361: {  	v9 =	vmul.f32 v9, v15;
	v18 =	vld.idx.msk [tilespmem:v11+s10+$0x0], $0xffff;
	v5 =	vadd.f32 v6, v5;
	v6 =	vor.u32 s21, v4  }
0x362: {  	v11 =	vld.idx.msk [tilespmem:v11+s13+$0x0], $0xffff  }
0x363: {  	v19 =	vld.idx.msk [tilespmem:v17+s13+$0x0], $0xffff;
	v7 =	vmul.f32 v16, v7;
	v5 =	vadd.f32 v9, v5  }
0x364: {  	v9 =	vld.idx.msk [tilespmem:v17+s10+$0x0], $0xffff  }
0x365: {  	v5 =	vadd.f32 v7, v5;
	v7 =	vmul.f32 v10, v8  }
0x366: {  	v10 =	vld.idx.msk [tilespmem:v6+s10+$0x0], $0xffff  }
0x367: {  	v6 =	vld.idx.msk [tilespmem:v6+s13+$0x0], $0xffff;
	v5 =	vadd.f32 v7, v5;
	v7 =	vmul.f32 v11, v18;
	_ =	sdelay $0x1  }
0x368: {  	v5 =	vadd.f32 v7, v5;
	v7 =	vmul.f32 v19, v9  }
0x369: {  	s11 =	simm.s32 $0x0  }
0x36a: {  	s25 =	sor.u32 s20, s8;
	s8 =	simm.s32 $0x20;
	v8 =	vadd.f32 v7, v5;
	v7 =	vor.u32 s11, v0  }
0x36b: {  	v9 =	vmul.f32 v6, v10;
	v6 =	vor.u32 s8, v36  }
0x36c: {  	p2 =	por p3, p3;
	s24 =	simm.s32 $0x1;
	v5 =	vld [tilespmem:s25+$0xFA0];
	s11 =	simm.s32 $0x2  }
.LBB2_25:
0x36d: {  	p3 =	sne.s32 s11, $0x7;
	v10 =	vor.u32 s8, v37;
	v8 =	vadd.f32 v9, v8;
	_ =	sdelay $0x1  }
0x36e: {  	v9 =	vor.u32 s8, v38;
	[tilespmem:v7+s23+$0x0] =	vst.idx.msk $0xffff, v8  }
0x36f: {  	v7 =	vld.idx.msk [tilespmem:v6+s13+$0x0], $0xffff  }
0x370: {  	v8 =	vor.u32 s8, v39;
	v6 =	vld.idx.msk [tilespmem:v6+s10+$0x0], $0xffff  }
0x371: {  	v11 =	vld.idx.msk [tilespmem:v10+s10+$0x0], $0xffff  }
0x372: {  	v12 =	vor.u32 s8, v40;
	v10 =	vld.idx.msk [tilespmem:v10+s13+$0x0], $0xffff  }
0x373: {  	v13 =	vld.idx.msk [tilespmem:v9+s10+$0x0], $0xffff  }
0x374: {  	v14 =	vor.u32 s8, v41;
	v9 =	vld.idx.msk [tilespmem:v9+s13+$0x0], $0xffff  }
0x375: {  	v15 =	vld.idx.msk [tilespmem:v8+s10+$0x0], $0xffff  }
0x376: {  	v6 =	vmul.f32 v7, v6;
	v7 =	vld.idx.msk [tilespmem:v8+s13+$0x0], $0xffff;
	v8 =	vor.u32 s8, v42  }
0x377: {  	v16 =	vld.idx.msk [tilespmem:v12+s10+$0x0], $0xffff  }
0x378: {  	v6 =	vadd.f32 $0.0e+00, v6;
	v10 =	vmul.f32 v10, v11;
	v11 =	vld.idx.msk [tilespmem:v12+s13+$0x0], $0xffff;
	v12 =	vor.u32 s8, v43  }
0x379: {  	v17 =	vld.idx.msk [tilespmem:v14+s10+$0x0], $0xffff  }
0x37a: {  	v6 =	vadd.f32 v10, v6;
	v9 =	vmul.f32 v9, v13;
	v13 =	vor.u32 s8, v44;
	v10 =	vld.idx.msk [tilespmem:v14+s13+$0x0], $0xffff  }
0x37b: {  	v14 =	vld.idx.msk [tilespmem:v8+s10+$0x0], $0xffff  }
0x37c: {  	v6 =	vadd.f32 v9, v6;
	v7 =	vmul.f32 v7, v15;
	v9 =	vor.u32 s8, v45;
	v8 =	vld.idx.msk [tilespmem:v8+s13+$0x0], $0xffff  }
0x37d: {  	v15 =	vld.idx.msk [tilespmem:v12+s10+$0x0], $0xffff  }
0x37e: {  	v6 =	vadd.f32 v7, v6;
	v7 =	vmul.f32 v11, v16;
	v11 =	vld.idx.msk [tilespmem:v12+s13+$0x0], $0xffff;
	v12 =	vor.u32 s8, v46  }
0x37f: {  	v16 =	vld.idx.msk [tilespmem:v13+s10+$0x0], $0xffff  }
0x380: {  	v6 =	vadd.f32 v7, v6;
	v7 =	vmul.f32 v10, v17;
	v10 =	vld.idx.msk [tilespmem:v13+s13+$0x0], $0xffff;
	v13 =	vor.u32 s8, v47  }
0x381: {  	v17 =	vld.idx.msk [tilespmem:v9+s10+$0x0], $0xffff  }
0x382: {  	v6 =	vadd.f32 v7, v6;
	v7 =	vmul.f32 v8, v14;
	v8 =	vld.idx.msk [tilespmem:v9+s13+$0x0], $0xffff;
	v9 =	vor.u32 s8, v48  }
0x383: {  	v14 =	vld.idx.msk [tilespmem:v12+s10+$0x0], $0xffff  }
0x384: {  	v6 =	vadd.f32 v7, v6;
	v7 =	vmul.f32 v11, v15;
	v11 =	vld.idx.msk [tilespmem:v12+s13+$0x0], $0xffff;
	v12 =	vor.u32 s8, v49  }
0x385: {  	v15 =	vld.idx.msk [tilespmem:v13+s10+$0x0], $0xffff  }
0x386: {  	v6 =	vadd.f32 v7, v6;
	v7 =	vmul.f32 v10, v16;
	v10 =	vld.idx.msk [tilespmem:v13+s13+$0x0], $0xffff;
	v13 =	vor.u32 s8, v50  }
0x387: {  	v16 =	vld.idx.msk [tilespmem:v9+s10+$0x0], $0xffff  }
0x388: {  	v6 =	vadd.f32 v7, v6;
	v7 =	vmul.f32 v8, v17;
	v8 =	vld.idx.msk [tilespmem:v9+s13+$0x0], $0xffff;
	v9 =	vor.u32 s8, v51  }
0x389: {  	v17 =	vld.idx.msk [tilespmem:v12+s10+$0x0], $0xffff  }
0x38a: {  	v6 =	vadd.f32 v7, v6;
	v7 =	vmul.f32 v11, v14;
	v11 =	vld.idx.msk [tilespmem:v12+s13+$0x0], $0xffff;
	v12 =	vor.u32 s8, v52  }
0x38b: {  	v14 =	vld.idx.msk [tilespmem:v13+s10+$0x0], $0xffff  }
0x38c: {  	v6 =	vadd.f32 v7, v6;
	v7 =	vmul.f32 v10, v15;
	v10 =	vld.idx.msk [tilespmem:v13+s13+$0x0], $0xffff;
	v13 =	vor.u32 s8, v53  }
0x38d: {  	v15 =	vld.idx.msk [tilespmem:v9+s10+$0x0], $0xffff  }
0x38e: {  	v6 =	vadd.f32 v7, v6;
	v7 =	vmul.f32 v8, v16;
	v8 =	vld.idx.msk [tilespmem:v9+s13+$0x0], $0xffff;
	v9 =	vor.u32 s8, v54  }
0x38f: {  	v16 =	vld.idx.msk [tilespmem:v12+s10+$0x0], $0xffff  }
0x390: {  	v6 =	vadd.f32 v7, v6;
	v7 =	vmul.f32 v11, v17;
	v11 =	vld.idx.msk [tilespmem:v12+s13+$0x0], $0xffff;
	v12 =	vor.u32 s8, v55  }
0x391: {  	v17 =	vld.idx.msk [tilespmem:v13+s10+$0x0], $0xffff  }
0x392: {  	v6 =	vadd.f32 v7, v6;
	v7 =	vmul.f32 v10, v14;
	v10 =	vld.idx.msk [tilespmem:v13+s13+$0x0], $0xffff;
	v13 =	vor.u32 s8, v56  }
0x393: {  	v14 =	vld.idx.msk [tilespmem:v9+s10+$0x0], $0xffff  }
0x394: {  	v6 =	vadd.f32 v7, v6;
	v7 =	vmul.f32 v8, v15;
	v8 =	vld.idx.msk [tilespmem:v9+s13+$0x0], $0xffff;
	v9 =	vor.u32 s8, v57  }
0x395: {  	v15 =	vld.idx.msk [tilespmem:v12+s10+$0x0], $0xffff  }
0x396: {  	v6 =	vadd.f32 v7, v6;
	v7 =	vmul.f32 v11, v16;
	v11 =	vld.idx.msk [tilespmem:v12+s13+$0x0], $0xffff;
	v12 =	vor.u32 s8, v58  }
0x397: {  	v16 =	vld.idx.msk [tilespmem:v13+s10+$0x0], $0xffff  }
0x398: {  	v6 =	vadd.f32 v7, v6;
	v7 =	vmul.f32 v10, v17;
	v10 =	vld.idx.msk [tilespmem:v13+s13+$0x0], $0xffff;
	v13 =	vor.u32 s8, v59  }
0x399: {  	v17 =	vld.idx.msk [tilespmem:v9+s10+$0x0], $0xffff  }
0x39a: {  	v6 =	vadd.f32 v7, v6;
	v7 =	vmul.f32 v8, v14;
	v8 =	vld.idx.msk [tilespmem:v9+s13+$0x0], $0xffff;
	v9 =	vor.u32 s8, v60  }
0x39b: {  	v14 =	vld.idx.msk [tilespmem:v12+s10+$0x0], $0xffff  }
0x39c: {  	v6 =	vadd.f32 v7, v6;
	v7 =	vmul.f32 v11, v15;
	v11 =	vld.idx.msk [tilespmem:v12+s13+$0x0], $0xffff;
	v12 =	vor.u32 s8, v61  }
0x39d: {  	v15 =	vld.idx.msk [tilespmem:v13+s10+$0x0], $0xffff  }
0x39e: {  	v6 =	vadd.f32 v7, v6;
	v7 =	vmul.f32 v10, v16;
	v10 =	vld.idx.msk [tilespmem:v13+s13+$0x0], $0xffff;
	v13 =	vor.u32 s8, v62  }
0x39f: {  	v16 =	vld.idx.msk [tilespmem:v9+s10+$0x0], $0xffff  }
0x3a0: {  	v6 =	vadd.f32 v7, v6;
	v7 =	vmul.f32 v8, v17;
	v8 =	vld.idx.msk [tilespmem:v9+s13+$0x0], $0xffff;
	v9 =	vor.u32 s8, v63  }
0x3a1: {  	v17 =	vld.idx.msk [tilespmem:v12+s10+$0x0], $0xffff  }
0x3a2: {  	v6 =	vadd.f32 v7, v6;
	v7 =	vmul.f32 v11, v14;
	v11 =	vld.idx.msk [tilespmem:v12+s13+$0x0], $0xffff;
	v12 =	vor.u32 s8, v1  }
0x3a3: {  	v14 =	vld.idx.msk [tilespmem:v13+s10+$0x0], $0xffff  }
0x3a4: {  	v6 =	vadd.f32 v7, v6;
	v7 =	vmul.f32 v10, v15;
	v10 =	vld.idx.msk [tilespmem:v13+s13+$0x0], $0xffff;
	v13 =	vor.u32 s8, v2  }
0x3a5: {  	v15 =	vld.idx.msk [tilespmem:v9+s10+$0x0], $0xffff  }
0x3a6: {  	v6 =	vadd.f32 v7, v6;
	v7 =	vmul.f32 v8, v16;
	v8 =	vld.idx.msk [tilespmem:v9+s13+$0x0], $0xffff;
	v9 =	vor.u32 s8, v3  }
0x3a7: {  	v16 =	vld.idx.msk [tilespmem:v12+s10+$0x0], $0xffff  }
0x3a8: {  	v6 =	vadd.f32 v7, v6;
	v7 =	vmul.f32 v11, v17;
	v11 =	vld.idx.msk [tilespmem:v12+s13+$0x0], $0xffff;
	v12 =	vor.u32 s8, v4  }
0x3a9: {  	v17 =	vld.idx.msk [tilespmem:v13+s10+$0x0], $0xffff  }
0x3aa: {  	v6 =	vadd.f32 v7, v6;
	v7 =	vmul.f32 v10, v14;
	v10 =	vld.idx.msk [tilespmem:v13+s13+$0x0], $0xffff  }
0x3ab: {  	v13 =	vld.idx.msk [tilespmem:v9+s10+$0x0], $0xffff  }
0x3ac: {  	v6 =	vadd.f32 v7, v6;
	v7 =	vmul.f32 v8, v15;
	v8 =	vld.idx.msk [tilespmem:v9+s13+$0x0], $0xffff  }
0x3ad: {  	v9 =	vld.idx.msk [tilespmem:v12+s10+$0x0], $0xffff  }
0x3ae: {  	v6 =	vadd.f32 v7, v6;
	v7 =	vmul.f32 v11, v16;
	v11 =	vld.idx.msk [tilespmem:v12+s13+$0x0], $0xffff;
	_ =	sdelay $0x1  }
0x3af: {  	v6 =	vadd.f32 v7, v6;
	v7 =	vmul.f32 v10, v17  }
.Ltmp17:
0x3b0: {  	(pc) =	sbr.rel @p3 .LBB2_25-.Ltmp17, $4  }
0x3b1: {  	s26 =	sshll.u32 s24, $0x4;
	s24 =	smov.u32 s11;
	v10 =	vadd.f32 v7, v6;
	v8 =	vmul.f32 v8, v13  }
0x3b2: {  	s8 =	sadd.s32 $0x20, s8;
	v7 =	vor.u32 s26, v0  }
0x3b3: {  	v6 =	vor.u32 s8, v36;
	v8 =	vadd.f32 v8, v10;
	v9 =	vmul.f32 v11, v9  }
0x3b4: {  	s11 =	sadd.s32 $0x1, s11  }
0x3b5: {  	_ =	sdelay $0x1  }
0x3b6: {  	v10 =	vor.u32 s8, v37;
	v8 =	vadd.f32 v9, v8;
	_ =	sdelay $0x1  }
0x3b7: {  	v18 =	vor.u32 s8, v38;
	[tilespmem:v7+s23+$0x0] =	vst.idx.msk $0xffff, v8  }
0x3b8: {  	v7 =	vld.idx.msk [tilespmem:v6+s13+$0x0], $0xffff  }
0x3b9: {  	v19 =	vor.u32 s8, v39;
	v6 =	vld.idx.msk [tilespmem:v6+s10+$0x0], $0xffff  }
0x3ba: {  	v11 =	vld.idx.msk [tilespmem:v10+s10+$0x0], $0xffff  }
0x3bb: {  	v12 =	vor.u32 s8, v40;
	v10 =	vld.idx.msk [tilespmem:v10+s13+$0x0], $0xffff  }
0x3bc: {  	v13 =	vld.idx.msk [tilespmem:v18+s10+$0x0], $0xffff  }
0x3bd: {  	v14 =	vor.u32 s8, v41;
	v9 =	vld.idx.msk [tilespmem:v18+s13+$0x0], $0xffff  }
0x3be: {  	v15 =	vld.idx.msk [tilespmem:v19+s10+$0x0], $0xffff;
	v6 =	vmul.f32 v7, v6  }
0x3bf: {  	v8 =	vor.u32 s8, v42;
	v7 =	vld.idx.msk [tilespmem:v19+s13+$0x0], $0xffff  }
0x3c0: {  	v16 =	vld.idx.msk [tilespmem:v12+s10+$0x0], $0xffff;
	v6 =	vadd.f32 $0.0e+00, v6;
	v10 =	vmul.f32 v10, v11  }
0x3c1: {  	v11 =	vld.idx.msk [tilespmem:v12+s13+$0x0], $0xffff;
	v12 =	vor.u32 s8, v43  }
0x3c2: {  	v17 =	vld.idx.msk [tilespmem:v14+s10+$0x0], $0xffff;
	v9 =	vmul.f32 v9, v13;
	v6 =	vadd.f32 v10, v6  }
0x3c3: {  	v13 =	vor.u32 s8, v44;
	v10 =	vld.idx.msk [tilespmem:v14+s13+$0x0], $0xffff  }
0x3c4: {  	v14 =	vld.idx.msk [tilespmem:v8+s10+$0x0], $0xffff;
	v7 =	vmul.f32 v7, v15;
	v6 =	vadd.f32 v9, v6  }
0x3c5: {  	v8 =	vld.idx.msk [tilespmem:v8+s13+$0x0], $0xffff;
	v9 =	vor.u32 s8, v45  }
0x3c6: {  	v15 =	vld.idx.msk [tilespmem:v12+s10+$0x0], $0xffff;
	v6 =	vadd.f32 v7, v6;
	v7 =	vmul.f32 v11, v16  }
0x3c7: {  	v11 =	vld.idx.msk [tilespmem:v12+s13+$0x0], $0xffff;
	v12 =	vor.u32 s8, v46  }
0x3c8: {  	v16 =	vld.idx.msk [tilespmem:v13+s10+$0x0], $0xffff;
	v6 =	vadd.f32 v7, v6;
	v7 =	vmul.f32 v10, v17  }
0x3c9: {  	v10 =	vld.idx.msk [tilespmem:v13+s13+$0x0], $0xffff;
	v13 =	vor.u32 s8, v47  }
0x3ca: {  	v17 =	vld.idx.msk [tilespmem:v9+s10+$0x0], $0xffff;
	v6 =	vadd.f32 v7, v6;
	v7 =	vmul.f32 v8, v14  }
0x3cb: {  	v8 =	vld.idx.msk [tilespmem:v9+s13+$0x0], $0xffff;
	v9 =	vor.u32 s8, v48  }
0x3cc: {  	v14 =	vld.idx.msk [tilespmem:v12+s10+$0x0], $0xffff;
	v6 =	vadd.f32 v7, v6;
	v7 =	vmul.f32 v11, v15  }
0x3cd: {  	v11 =	vld.idx.msk [tilespmem:v12+s13+$0x0], $0xffff;
	v12 =	vor.u32 s8, v49  }
0x3ce: {  	v15 =	vld.idx.msk [tilespmem:v13+s10+$0x0], $0xffff;
	v6 =	vadd.f32 v7, v6;
	v7 =	vmul.f32 v10, v16  }
0x3cf: {  	v10 =	vld.idx.msk [tilespmem:v13+s13+$0x0], $0xffff;
	v13 =	vor.u32 s8, v50  }
0x3d0: {  	v16 =	vld.idx.msk [tilespmem:v9+s10+$0x0], $0xffff;
	v6 =	vadd.f32 v7, v6;
	v7 =	vmul.f32 v8, v17  }
0x3d1: {  	v8 =	vld.idx.msk [tilespmem:v9+s13+$0x0], $0xffff;
	v9 =	vor.u32 s8, v51  }
0x3d2: {  	v17 =	vld.idx.msk [tilespmem:v12+s10+$0x0], $0xffff;
	v6 =	vadd.f32 v7, v6;
	v7 =	vmul.f32 v11, v14  }
0x3d3: {  	v11 =	vld.idx.msk [tilespmem:v12+s13+$0x0], $0xffff;
	v12 =	vor.u32 s8, v52  }
0x3d4: {  	v14 =	vld.idx.msk [tilespmem:v13+s10+$0x0], $0xffff;
	v6 =	vadd.f32 v7, v6;
	v7 =	vmul.f32 v10, v15  }
0x3d5: {  	v10 =	vld.idx.msk [tilespmem:v13+s13+$0x0], $0xffff;
	v13 =	vor.u32 s8, v53  }
0x3d6: {  	v15 =	vld.idx.msk [tilespmem:v9+s10+$0x0], $0xffff;
	v6 =	vadd.f32 v7, v6;
	v7 =	vmul.f32 v8, v16  }
0x3d7: {  	v8 =	vld.idx.msk [tilespmem:v9+s13+$0x0], $0xffff;
	v9 =	vor.u32 s8, v54  }
0x3d8: {  	v16 =	vld.idx.msk [tilespmem:v12+s10+$0x0], $0xffff;
	v6 =	vadd.f32 v7, v6;
	v7 =	vmul.f32 v11, v17  }
0x3d9: {  	v11 =	vld.idx.msk [tilespmem:v12+s13+$0x0], $0xffff;
	v12 =	vor.u32 s8, v55  }
0x3da: {  	v17 =	vld.idx.msk [tilespmem:v13+s10+$0x0], $0xffff;
	v6 =	vadd.f32 v7, v6;
	v7 =	vmul.f32 v10, v14  }
0x3db: {  	v10 =	vld.idx.msk [tilespmem:v13+s13+$0x0], $0xffff;
	v13 =	vor.u32 s8, v56  }
0x3dc: {  	v14 =	vld.idx.msk [tilespmem:v9+s10+$0x0], $0xffff;
	v6 =	vadd.f32 v7, v6;
	v7 =	vmul.f32 v8, v15  }
0x3dd: {  	v8 =	vld.idx.msk [tilespmem:v9+s13+$0x0], $0xffff;
	v9 =	vor.u32 s8, v57  }
0x3de: {  	v15 =	vld.idx.msk [tilespmem:v12+s10+$0x0], $0xffff;
	v6 =	vadd.f32 v7, v6;
	v7 =	vmul.f32 v11, v16  }
0x3df: {  	v11 =	vld.idx.msk [tilespmem:v12+s13+$0x0], $0xffff;
	v12 =	vor.u32 s8, v58  }
0x3e0: {  	v16 =	vld.idx.msk [tilespmem:v13+s10+$0x0], $0xffff;
	v6 =	vadd.f32 v7, v6;
	v7 =	vmul.f32 v10, v17  }
0x3e1: {  	v10 =	vld.idx.msk [tilespmem:v13+s13+$0x0], $0xffff;
	v13 =	vor.u32 s8, v59  }
0x3e2: {  	v17 =	vld.idx.msk [tilespmem:v9+s10+$0x0], $0xffff;
	v6 =	vadd.f32 v7, v6;
	v7 =	vmul.f32 v8, v14  }
0x3e3: {  	v8 =	vld.idx.msk [tilespmem:v9+s13+$0x0], $0xffff;
	v9 =	vor.u32 s8, v60  }
0x3e4: {  	v14 =	vld.idx.msk [tilespmem:v12+s10+$0x0], $0xffff;
	v6 =	vadd.f32 v7, v6;
	v7 =	vmul.f32 v11, v15  }
0x3e5: {  	v11 =	vld.idx.msk [tilespmem:v12+s13+$0x0], $0xffff;
	v12 =	vor.u32 s8, v61  }
0x3e6: {  	v15 =	vld.idx.msk [tilespmem:v13+s10+$0x0], $0xffff;
	v6 =	vadd.f32 v7, v6;
	v7 =	vmul.f32 v10, v16  }
0x3e7: {  	v10 =	vld.idx.msk [tilespmem:v13+s13+$0x0], $0xffff;
	v13 =	vor.u32 s8, v62  }
0x3e8: {  	v16 =	vld.idx.msk [tilespmem:v9+s10+$0x0], $0xffff;
	v6 =	vadd.f32 v7, v6;
	v7 =	vmul.f32 v8, v17  }
0x3e9: {  	v8 =	vld.idx.msk [tilespmem:v9+s13+$0x0], $0xffff;
	v9 =	vor.u32 s8, v63  }
0x3ea: {  	v17 =	vld.idx.msk [tilespmem:v12+s10+$0x0], $0xffff;
	v6 =	vadd.f32 v7, v6;
	v7 =	vmul.f32 v11, v14  }
0x3eb: {  	v11 =	vld.idx.msk [tilespmem:v12+s13+$0x0], $0xffff;
	v12 =	vor.u32 s8, v1  }
0x3ec: {  	v14 =	vld.idx.msk [tilespmem:v13+s10+$0x0], $0xffff;
	v6 =	vadd.f32 v7, v6;
	v7 =	vmul.f32 v10, v15  }
0x3ed: {  	v10 =	vld.idx.msk [tilespmem:v13+s13+$0x0], $0xffff;
	v13 =	vor.u32 s8, v2  }
0x3ee: {  	v15 =	vld.idx.msk [tilespmem:v9+s10+$0x0], $0xffff;
	v6 =	vadd.f32 v7, v6;
	v7 =	vmul.f32 v8, v16  }
0x3ef: {  	v8 =	vld.idx.msk [tilespmem:v9+s13+$0x0], $0xffff;
	v9 =	vor.u32 s8, v3  }
0x3f0: {  	v16 =	vld.idx.msk [tilespmem:v12+s10+$0x0], $0xffff;
	v6 =	vadd.f32 v7, v6;
	v7 =	vmul.f32 v11, v17  }
0x3f1: {  	v11 =	vld.idx.msk [tilespmem:v12+s13+$0x0], $0xffff;
	v12 =	vor.u32 s8, v4  }
0x3f2: {  	v17 =	vld.idx.msk [tilespmem:v13+s10+$0x0], $0xffff;
	v6 =	vadd.f32 v7, v6;
	v7 =	vmul.f32 v10, v14  }
0x3f3: {  	v10 =	vld.idx.msk [tilespmem:v13+s13+$0x0], $0xffff  }
0x3f4: {  	v13 =	vld.idx.msk [tilespmem:v9+s10+$0x0], $0xffff;
	v6 =	vadd.f32 v7, v6;
	v7 =	vmul.f32 v8, v15  }
0x3f5: {  	v15 =	vld.idx.msk [tilespmem:v9+s13+$0x0], $0xffff  }
0x3f6: {  	v18 =	vld.idx.msk [tilespmem:v12+s10+$0x0], $0xffff;
	v6 =	vadd.f32 v7, v6;
	v7 =	vmul.f32 v11, v16  }
0x3f7: {  	v19 =	vld.idx.msk [tilespmem:v12+s13+$0x0], $0xffff  }
0x3f8: {  	v6 =	vadd.f32 v7, v6;
	v7 =	vmul.f32 v10, v17;
	_ =	sdelay $0x1  }
0x3f9: {  	s30 =	sshll.u32 s24, $0x4;
	v6 =	vadd.f32 v7, v6;
	v7 =	vmul.f32 v15, v13  }
0x3fa: {  	v12 =	vor.u32 s30, v0  }
0x3fb: {  	v6 =	vadd.f32 v7, v6;
	v7 =	vmul.f32 v19, v18;
	_ =	sdelay $0x1  }
0x3fc: {  	v6 =	vadd.f32 v7, v6;
	v7 =	vor.u32 $0x20, v0  }
0x3fd: {  	v9 =	vor.u32 $0x30, v0  }
0x3fe: {  	[tilespmem:v12+s23+$0x0] =	vst.idx.msk $0xffff, v6;
	v6 =	vor.u32 $0x40, v0  }
0x3ff: {  	v10 =	vor.u32 $0x50, v0;
	v8 =	vld.idx.msk [tilespmem:v0+s23+$0x0], $0xffff  }
0x400: {  	v12 =	vor.u32 $0x60, v0;
	v11 =	vld.idx.msk [tilespmem:v29+s23+$0x0], $0xffff  }
0x401: {  	v14 =	vor.u32 $0x70, v0;
	v13 =	vld.idx.msk [tilespmem:v7+s23+$0x0], $0xffff  }
0x402: {  	v15 =	vld.idx.msk [tilespmem:v9+s23+$0x0], $0xffff  }
0x403: {  	v16 =	vld.idx.msk [tilespmem:v6+s23+$0x0], $0xffff  }
0x404: {  	v17 =	vld.idx.msk [tilespmem:v10+s23+$0x0], $0xffff  }
0x405: {  	v18 =	vld.idx.msk [tilespmem:v12+s23+$0x0], $0xffff;
	v8 =	vmul.f32 $1.767766920e-01, v8;
	v11 =	vmul.f32 $1.767766920e-01, v11  }
0x406: {  	v19 =	vld.idx.msk [tilespmem:v14+s23+$0x0], $0xffff;
	v13 =	vmul.f32 $1.767766920e-01, v13  }
0x407: {  	v15 =	vmul.f32 $1.767766920e-01, v15;
	v20 =	vmax.f32 v8, v11  }
0x408: {  	v16 =	vmul.f32 $1.767766920e-01, v16;
	v20 =	vmax.f32 v20, v13  }
0x409: {  	v17 =	vmul.f32 $1.767766920e-01, v17;
	v20 =	vmax.f32 v20, v15  }
0x40a: {  	v18 =	vmul.f32 $1.767766920e-01, v18;
	v20 =	vmax.f32 v20, v16  }
0x40b: {  	v19 =	vmul.f32 $1.767766920e-01, v19;
	v20 =	vmax.f32 v20, v17  }
0x40c: {  	v20 =	vmax.f32 v20, v18  }
0x40d: {  	v20 =	vmax.f32 v20, v19  }
0x40e: {  	v8 =	vsub.f32 v8, v20  }
0x40f: {  	v11 =	vsub.f32 v11, v20  }
0x410: {  	v8 =	vmul.f32 $1.442695020e+00, v8  }
0x411: {  	v11 =	vmul.f32 $1.442695020e+00, v11  }
0x412: {  	v13 =	vsub.f32 v13, v20;
	(erf) = vpow2.f32 v8  }
0x413: {  	(erf) = vpow2.f32 v11  }
0x414: {  	v8 =	vmul.f32 $1.442695020e+00, v13;
	v13 =	vsub.f32 v15, v20  }
0x415: {  	v16 =	vsub.f32 v16, v20  }
0x416: {  	(erf) = vpow2.f32 v8;
	v15 =	vmul.f32 $1.442695020e+00, v13  }
0x417: {  	v13 =	vmul.f32 $1.442695020e+00, v16  }
0x418: {  	(erf) = vpow2.f32 v15;
	v15 =	vsub.f32 v17, v20;
	_ =	sdelay $0x1  }
0x419: {  	v17 =	vsub.f32 v18, v20;
	(erf) = vpow2.f32 v13;
	v16 =	vmul.f32 $1.442695020e+00, v15  }
0x41a: {  	v13 =	vpop (erf)  }
0x41b: {  	v18 =	vsub.f32 v19, v20;
	v8 =	vmul.f32 $1.442695020e+00, v17;
	(erf) = vpow2.f32 v16;
	v15 =	vpop (erf)  }
0x41c: {  	v11 =	vadd.f32 v15, v13  }
0x41d: {  	(erf) = vpow2.f32 v8;
	v8 =	vmul.f32 $1.442695020e+00, v18  }
0x41e: {  	v16 =	vpop (erf)  }
0x41f: {  	(erf) = vpow2.f32 v8;
	v19 =	vadd.f32 v11, v16  }
0x420: {  	v11 =	vpop (erf)  }
0x421: {  	v8 =	vadd.f32 v19, v11  }
0x422: {  	v17 =	vpop (erf)  }
0x423: {  	v8 =	vadd.f32 v8, v17  }
0x424: {  	v18 =	vpop (erf)  }
0x425: {  	v8 =	vadd.f32 v8, v18  }
0x426: {  	v19 =	vpop (erf)  }
0x427: {  	v8 =	vadd.f32 v8, v19  }
0x428: {  	v20 =	vpop (erf)  }
0x429: {  	v8 =	vadd.f32 v8, v20;
	_ =	sdelay $0x1  }
0x42a: {  	(erf) = vrcp.f32 v8;
	_ =	sdelay $0x8  }
0x42b: {  	v8 =	vpop (erf)  }
0x42c: {  	v13 =	vmul.f32 v8, v13  }
0x42d: {  	v15 =	vmul.f32 v8, v15  }
0x42e: {  	v16 =	vmul.f32 v8, v16;
	[tilespmem:v0+s23+$0x0] =	vst.idx.msk $0xffff, v13  }
0x42f: {  	v11 =	vmul.f32 v8, v11;
	[tilespmem:v29+s23+$0x0] =	vst.idx.msk $0xffff, v15  }
0x430: {  	[tilespmem:v7+s23+$0x0] =	vst.idx.msk $0xffff, v16;
	v7 =	vmul.f32 v8, v17  }
0x431: {  	v18 =	vmul.f32 v8, v18;
	[tilespmem:v9+s23+$0x0] =	vst.idx.msk $0xffff, v11  }
0x432: {  	[tilespmem:v6+s23+$0x0] =	vst.idx.msk $0xffff, v7;
	v6 =	vmul.f32 v8, v19  }
0x433: {  	v7 =	vmul.f32 v8, v20;
	[tilespmem:v10+s23+$0x0] =	vst.idx.msk $0xffff, v18  }
0x434: {  	[tilespmem:v12+s23+$0x0] =	vst.idx.msk $0xffff, v6  }
0x435: {  	s11 =	simm.s32 $0x0;
	s8 =	simm.s32 $0x0;
	[tilespmem:v14+s23+$0x0] =	vst.idx.msk $0xffff, v7  }
.LBB2_27:
0x436: {  	s24 =	sshll.u32 s11, $0x4;
	v7 =	vor.u32 s8, v36  }
0x437: {  	v6 =	vor.u32 s24, v0;
	_ =	sdelay $0x3  }
0x438: {  	v8 =	vld.idx.msk [tilespmem:v7+s14+$0x0], $0xffff  }
0x439: {  	v6 =	vld.idx.msk [tilespmem:v6+s23+$0x0], $0xffff;
	_ =	sdelay $0x2  }
0x43a: {  	v9 =	vor.u32 s8, v37;
	_ =	sdelay $0x1  }
0x43b: {  	v8 =	vmul.f32 v8, v6;
	_ =	sdelay $0x1  }
0x43c: {  	[tilespmem:v7+s13+$0x0] =	vst.idx.msk $0xffff, v8  }
0x43d: {  	v7 =	vld.idx.msk [tilespmem:v9+s14+$0x0], $0xffff;
	_ =	sdelay $0x2  }
0x43e: {  	v14 =	vor.u32 s8, v38;
	_ =	sdelay $0x1  }
0x43f: {  	v7 =	vmul.f32 v7, v6;
	_ =	sdelay $0x1  }
0x440: {  	[tilespmem:v9+s13+$0x0] =	vst.idx.msk $0xffff, v7  }
0x441: {  	v7 =	vld.idx.msk [tilespmem:v14+s14+$0x0], $0xffff;
	_ =	sdelay $0x2  }
0x442: {  	v15 =	vor.u32 s8, v39;
	_ =	sdelay $0x1  }
0x443: {  	v7 =	vmul.f32 v7, v6;
	_ =	sdelay $0x1  }
0x444: {  	[tilespmem:v14+s13+$0x0] =	vst.idx.msk $0xffff, v7  }
0x445: {  	v7 =	vld.idx.msk [tilespmem:v15+s14+$0x0], $0xffff;
	_ =	sdelay $0x2  }
0x446: {  	v16 =	vor.u32 s8, v40;
	_ =	sdelay $0x1  }
0x447: {  	v7 =	vmul.f32 v7, v6;
	_ =	sdelay $0x1  }
0x448: {  	[tilespmem:v15+s13+$0x0] =	vst.idx.msk $0xffff, v7  }
0x449: {  	v7 =	vld.idx.msk [tilespmem:v16+s14+$0x0], $0xffff;
	_ =	sdelay $0x2  }
0x44a: {  	v17 =	vor.u32 s8, v41;
	_ =	sdelay $0x1  }
0x44b: {  	v7 =	vmul.f32 v7, v6;
	_ =	sdelay $0x1  }
0x44c: {  	[tilespmem:v16+s13+$0x0] =	vst.idx.msk $0xffff, v7  }
0x44d: {  	v7 =	vld.idx.msk [tilespmem:v17+s14+$0x0], $0xffff;
	_ =	sdelay $0x2  }
0x44e: {  	v18 =	vor.u32 s8, v42;
	_ =	sdelay $0x1  }
0x44f: {  	v7 =	vmul.f32 v7, v6;
	_ =	sdelay $0x1  }
0x450: {  	[tilespmem:v17+s13+$0x0] =	vst.idx.msk $0xffff, v7  }
0x451: {  	v7 =	vld.idx.msk [tilespmem:v18+s14+$0x0], $0xffff;
	_ =	sdelay $0x2  }
0x452: {  	v19 =	vor.u32 s8, v43;
	_ =	sdelay $0x1  }
0x453: {  	v7 =	vmul.f32 v7, v6;
	_ =	sdelay $0x1  }
0x454: {  	[tilespmem:v18+s13+$0x0] =	vst.idx.msk $0xffff, v7  }
0x455: {  	v7 =	vld.idx.msk [tilespmem:v19+s14+$0x0], $0xffff;
	_ =	sdelay $0x2  }
0x456: {  	v12 =	vor.u32 s8, v44;
	_ =	sdelay $0x1  }
0x457: {  	v7 =	vmul.f32 v7, v6;
	_ =	sdelay $0x1  }
0x458: {  	[tilespmem:v19+s13+$0x0] =	vst.idx.msk $0xffff, v7  }
0x459: {  	v7 =	vld.idx.msk [tilespmem:v12+s14+$0x0], $0xffff;
	_ =	sdelay $0x2  }
0x45a: {  	v13 =	vor.u32 s8, v45;
	_ =	sdelay $0x1  }
0x45b: {  	v7 =	vmul.f32 v7, v6;
	_ =	sdelay $0x1  }
0x45c: {  	[tilespmem:v12+s13+$0x0] =	vst.idx.msk $0xffff, v7  }
0x45d: {  	v7 =	vld.idx.msk [tilespmem:v13+s14+$0x0], $0xffff;
	_ =	sdelay $0x2  }
0x45e: {  	v14 =	vor.u32 s8, v46;
	_ =	sdelay $0x1  }
0x45f: {  	v7 =	vmul.f32 v7, v6;
	_ =	sdelay $0x1  }
0x460: {  	[tilespmem:v13+s13+$0x0] =	vst.idx.msk $0xffff, v7  }
0x461: {  	v7 =	vld.idx.msk [tilespmem:v14+s14+$0x0], $0xffff;
	_ =	sdelay $0x2  }
0x462: {  	v15 =	vor.u32 s8, v47;
	_ =	sdelay $0x1  }
0x463: {  	v7 =	vmul.f32 v7, v6;
	_ =	sdelay $0x1  }
0x464: {  	[tilespmem:v14+s13+$0x0] =	vst.idx.msk $0xffff, v7  }
0x465: {  	v7 =	vld.idx.msk [tilespmem:v15+s14+$0x0], $0xffff;
	_ =	sdelay $0x2  }
0x466: {  	v16 =	vor.u32 s8, v48;
	_ =	sdelay $0x1  }
0x467: {  	v7 =	vmul.f32 v7, v6;
	_ =	sdelay $0x1  }
0x468: {  	[tilespmem:v15+s13+$0x0] =	vst.idx.msk $0xffff, v7  }
0x469: {  	v7 =	vld.idx.msk [tilespmem:v16+s14+$0x0], $0xffff;
	_ =	sdelay $0x2  }
0x46a: {  	v17 =	vor.u32 s8, v49;
	_ =	sdelay $0x1  }
0x46b: {  	v7 =	vmul.f32 v7, v6;
	_ =	sdelay $0x1  }
0x46c: {  	[tilespmem:v16+s13+$0x0] =	vst.idx.msk $0xffff, v7  }
0x46d: {  	v7 =	vld.idx.msk [tilespmem:v17+s14+$0x0], $0xffff;
	_ =	sdelay $0x2  }
0x46e: {  	v18 =	vor.u32 s8, v50;
	_ =	sdelay $0x1  }
0x46f: {  	v7 =	vmul.f32 v7, v6;
	_ =	sdelay $0x1  }
0x470: {  	[tilespmem:v17+s13+$0x0] =	vst.idx.msk $0xffff, v7  }
0x471: {  	v7 =	vld.idx.msk [tilespmem:v18+s14+$0x0], $0xffff;
	_ =	sdelay $0x2  }
0x472: {  	v19 =	vor.u32 s8, v51;
	_ =	sdelay $0x1  }
0x473: {  	v7 =	vmul.f32 v7, v6;
	_ =	sdelay $0x1  }
0x474: {  	[tilespmem:v18+s13+$0x0] =	vst.idx.msk $0xffff, v7  }
0x475: {  	v7 =	vld.idx.msk [tilespmem:v19+s14+$0x0], $0xffff;
	_ =	sdelay $0x2  }
0x476: {  	v12 =	vor.u32 s8, v52;
	_ =	sdelay $0x1  }
0x477: {  	v7 =	vmul.f32 v7, v6;
	_ =	sdelay $0x1  }
0x478: {  	[tilespmem:v19+s13+$0x0] =	vst.idx.msk $0xffff, v7  }
0x479: {  	v7 =	vld.idx.msk [tilespmem:v12+s14+$0x0], $0xffff;
	_ =	sdelay $0x2  }
0x47a: {  	v13 =	vor.u32 s8, v53;
	_ =	sdelay $0x1  }
0x47b: {  	v7 =	vmul.f32 v7, v6;
	_ =	sdelay $0x1  }
0x47c: {  	[tilespmem:v12+s13+$0x0] =	vst.idx.msk $0xffff, v7  }
0x47d: {  	v7 =	vld.idx.msk [tilespmem:v13+s14+$0x0], $0xffff;
	_ =	sdelay $0x2  }
0x47e: {  	v14 =	vor.u32 s8, v54;
	_ =	sdelay $0x1  }
0x47f: {  	v7 =	vmul.f32 v7, v6;
	_ =	sdelay $0x1  }
0x480: {  	[tilespmem:v13+s13+$0x0] =	vst.idx.msk $0xffff, v7  }
0x481: {  	v7 =	vld.idx.msk [tilespmem:v14+s14+$0x0], $0xffff;
	_ =	sdelay $0x2  }
0x482: {  	v15 =	vor.u32 s8, v55;
	_ =	sdelay $0x1  }
0x483: {  	v7 =	vmul.f32 v7, v6;
	_ =	sdelay $0x1  }
0x484: {  	[tilespmem:v14+s13+$0x0] =	vst.idx.msk $0xffff, v7  }
0x485: {  	v7 =	vld.idx.msk [tilespmem:v15+s14+$0x0], $0xffff;
	_ =	sdelay $0x2  }
0x486: {  	v16 =	vor.u32 s8, v56;
	_ =	sdelay $0x1  }
0x487: {  	v7 =	vmul.f32 v7, v6;
	_ =	sdelay $0x1  }
0x488: {  	[tilespmem:v15+s13+$0x0] =	vst.idx.msk $0xffff, v7  }
0x489: {  	v7 =	vld.idx.msk [tilespmem:v16+s14+$0x0], $0xffff;
	_ =	sdelay $0x2  }
0x48a: {  	v17 =	vor.u32 s8, v57;
	_ =	sdelay $0x1  }
0x48b: {  	v7 =	vmul.f32 v7, v6;
	_ =	sdelay $0x1  }
0x48c: {  	[tilespmem:v16+s13+$0x0] =	vst.idx.msk $0xffff, v7  }
0x48d: {  	v7 =	vld.idx.msk [tilespmem:v17+s14+$0x0], $0xffff;
	_ =	sdelay $0x2  }
0x48e: {  	v18 =	vor.u32 s8, v58;
	_ =	sdelay $0x1  }
0x48f: {  	v7 =	vmul.f32 v7, v6;
	_ =	sdelay $0x1  }
0x490: {  	[tilespmem:v17+s13+$0x0] =	vst.idx.msk $0xffff, v7  }
0x491: {  	v7 =	vld.idx.msk [tilespmem:v18+s14+$0x0], $0xffff;
	_ =	sdelay $0x2  }
0x492: {  	v19 =	vor.u32 s8, v59;
	_ =	sdelay $0x1  }
0x493: {  	v7 =	vmul.f32 v7, v6;
	_ =	sdelay $0x1  }
0x494: {  	[tilespmem:v18+s13+$0x0] =	vst.idx.msk $0xffff, v7  }
0x495: {  	v7 =	vld.idx.msk [tilespmem:v19+s14+$0x0], $0xffff;
	_ =	sdelay $0x2  }
0x496: {  	v12 =	vor.u32 s8, v60;
	_ =	sdelay $0x1  }
0x497: {  	v7 =	vmul.f32 v7, v6;
	_ =	sdelay $0x1  }
0x498: {  	[tilespmem:v19+s13+$0x0] =	vst.idx.msk $0xffff, v7  }
0x499: {  	v7 =	vld.idx.msk [tilespmem:v12+s14+$0x0], $0xffff;
	_ =	sdelay $0x2  }
0x49a: {  	v13 =	vor.u32 s8, v61;
	_ =	sdelay $0x1  }
0x49b: {  	v7 =	vmul.f32 v7, v6;
	_ =	sdelay $0x1  }
0x49c: {  	[tilespmem:v12+s13+$0x0] =	vst.idx.msk $0xffff, v7  }
0x49d: {  	v7 =	vld.idx.msk [tilespmem:v13+s14+$0x0], $0xffff;
	_ =	sdelay $0x2  }
0x49e: {  	v14 =	vor.u32 s8, v62;
	_ =	sdelay $0x1  }
0x49f: {  	v7 =	vmul.f32 v7, v6;
	_ =	sdelay $0x1  }
0x4a0: {  	[tilespmem:v13+s13+$0x0] =	vst.idx.msk $0xffff, v7  }
0x4a1: {  	v7 =	vld.idx.msk [tilespmem:v14+s14+$0x0], $0xffff;
	_ =	sdelay $0x2  }
0x4a2: {  	v15 =	vor.u32 s8, v63;
	_ =	sdelay $0x1  }
0x4a3: {  	v7 =	vmul.f32 v7, v6;
	_ =	sdelay $0x1  }
0x4a4: {  	[tilespmem:v14+s13+$0x0] =	vst.idx.msk $0xffff, v7  }
0x4a5: {  	v7 =	vld.idx.msk [tilespmem:v15+s14+$0x0], $0xffff;
	_ =	sdelay $0x2  }
0x4a6: {  	v16 =	vor.u32 s8, v1;
	_ =	sdelay $0x1  }
0x4a7: {  	v7 =	vmul.f32 v7, v6;
	_ =	sdelay $0x1  }
0x4a8: {  	[tilespmem:v15+s13+$0x0] =	vst.idx.msk $0xffff, v7  }
0x4a9: {  	v7 =	vld.idx.msk [tilespmem:v16+s14+$0x0], $0xffff;
	_ =	sdelay $0x2  }
0x4aa: {  	v17 =	vor.u32 s8, v2;
	_ =	sdelay $0x1  }
0x4ab: {  	v7 =	vmul.f32 v7, v6;
	_ =	sdelay $0x1  }
0x4ac: {  	[tilespmem:v16+s13+$0x0] =	vst.idx.msk $0xffff, v7  }
0x4ad: {  	v7 =	vld.idx.msk [tilespmem:v17+s14+$0x0], $0xffff;
	_ =	sdelay $0x2  }
0x4ae: {  	v18 =	vor.u32 s8, v3;
	_ =	sdelay $0x1  }
0x4af: {  	v7 =	vmul.f32 v7, v6;
	_ =	sdelay $0x1  }
0x4b0: {  	[tilespmem:v17+s13+$0x0] =	vst.idx.msk $0xffff, v7  }
0x4b1: {  	v7 =	vld.idx.msk [tilespmem:v18+s14+$0x0], $0xffff;
	_ =	sdelay $0x2  }
0x4b2: {  	v19 =	vor.u32 s8, v4;
	_ =	sdelay $0x1  }
0x4b3: {  	v7 =	vmul.f32 v7, v6;
	_ =	sdelay $0x1  }
0x4b4: {  	[tilespmem:v18+s13+$0x0] =	vst.idx.msk $0xffff, v7  }
0x4b5: {  	v7 =	vld.idx.msk [tilespmem:v19+s14+$0x0], $0xffff;
	_ =	sdelay $0x1  }
0x4b6: {  	p3 =	sne.s32 s11, $0x7  }
.Ltmp18:
0x4b7: {  	_ = 	snop;
	(pc) =	sbr.rel @p3 .LBB2_27-.Ltmp18, $3  }
0x4b8: {  	_ = 	snop  }
0x4b9: {  	v6 =	vmul.f32 v7, v6;
	_ =	sdelay $0x1  }
0x4ba: {  	s11 =	sadd.s32 $0x1, s11;
	s8 =	sadd.s32 $0x20, s8;
	[tilespmem:v19+s13+$0x0] =	vst.idx.msk $0xffff, v6  }
0x4bb: {  	v1 =	vor.u32 s25, v0  }
0x4bc: {  	vm0 =	vlt.s32 v1, v35;
	v1 =	vsub.s32 v5, v34  }
0x4bd: {  	v1 =	vnsel vm0, $0xFFFFFFFF, v1  }
.Ltmp19:
0x4be: {  	_ = 	snop;
	(pc) =	sbr.rel @p2 .LBB2_24-.Ltmp19, $4  }
0x4bf: {  	s8 =	sshll.u32 s22, $0xC  }
0x4c0: {  	(ifvalue) =	ssetifvalue $0xFFFFFFFF;
	s8 =	sand.u32 $0x3FFFF000, s8  }
0x4c1: {  	vm15 =	vmmov $0xffff;
	s22 =	simm.s32 $0x1;
	p3 =	por $0x0, $0x0;
	s8 =	sadd.s32 $0xDE00, s8  }
0x4c2: {  	[spmem:s2] =	stream.indirect_vreg.scatter.add.f32 [tilespmem:s8], [sflag:$0x3], $0x100, v1, vm15, $0x40b8;
	[tilespmem:$0x1BE80] =	vst v63  }
0x4c3: {  	_ =	swait.ge [sflag:s7], $0x1000  }
.Ltmp20:
0x4c4: {  	[sflag:s7] =	ssyncset.done $0x0;
	(pc) =	sbr.rel .LBB2_30-.Ltmp20, $4  }
0x4c5: {  	[sflag:s7] =	ssyncadd.s32 $0xFFFFF000  }
0x4c6: {  	_ =	swait.ge [sflag:s7], $0x1000  }
0x4c7: {  	[sflag:s7] =	ssyncset.done $0x0  }
0x4c8: {  	[sflag:s7] =	ssyncadd.s32 $0xFFFFF000  }
.LBB2_33:
0x4c9: {  	_ =	sfence.sel $0x180000  }
0x4ca: {  	[bflag:$0x0] =	sbarrier.arrive $0xFFFF  }
0x4cb: {  	_ =	strace $0x90000047  }
0x4cc: {  	s0 =	stileid.u32;
	[bflag:$0x2] =	sbarrier.arrive $0xFFFF  }
0x4cd: {  	p0 =	sne.s32 s0, $0x0;
	s0 =	rddreg [dreg:$0x3]  }
0x4ce: {  	s0 =	sadd.s32 @!p0 $0x100000, s0  }
0x4cf: {  	[sflag:s0] =	ssyncadd.tile.s32 @!p0 $0x1;
	_ =	shalt  }
.Lfunc_end2:
_tile_overlayer_lowered:
.L_overlay_start_2:
0x4d0: {  	(tag) =	ssettag $0x2  }
0x4d1: {  	s0 =	rddreg [dreg:$0x0];
	s2 =	stileid.u32  }
0x4d2: {  	s1 =	rddreg [dreg:$0x1];
	p0 =	sne.s32 s2, $0x0  }
0x4d3: {  	s3 =	rddreg [dreg:$0x2];
	[bflag:$0x3] =	sbarrier.arrive $0xFFFF;
	s2 =	simm.s32 @!p0 $0x1C05  }
0x4d4: {  	[timem:s3], [sflag:s2] =	dma.local @!p0 [hbm:s0], s1  }
0x4d5: {  	s0 =	simm.s32 @!p0 $0x5  }
0x4d6: {  	_ =	swait.ge @!p0 [sflag:s0], s1  }
0x4d7: {  	s1 =	ssub.s32 @!p0 $0x0, s1;
	[sflag:s0] =	ssyncset.done @!p0 $0x0  }
0x4d8: {  	[sflag:s0] =	ssyncadd.s32 @!p0 s1  }
0x4d9: {  	[bflag:$0x3] =	sbarrier.arrive $0xFFFF  }
0x4da: {  	_ =	shalt  }

</sc_bundles>
